<compile_context>
chip_gen: v7x
topology: tpu7x:2x2x1
jax: 0.10.2.dev20260603
libtpu: 0.0.44.dev20260713+nightly
codegen_flags: <defaults>
</compile_context>

<pallas_src>
import math

import jax
import jax.numpy as jnp
from jax import lax
from jax.experimental import pallas as pl
from jax.experimental.pallas import tpu as pltpu
from jax.experimental.pallas import tpu_sc as plsc

B, V, E, D, PE, H = 1, 10000, 320000, 128, 32, 4
HD = D // H
MI = 2 * D + PE
EBLK = 512
NBLK = 1000

_NC, _NS = 2, 16
_NW = _NC * _NS
_EPW = E // _NW
_C = 400
_NCH = _EPW // _C
_NG = _C // 16


def _gather_kernel(x_hbm, p_hbm, src_hbm, dst_hbm,
                   xs_out, xd_out, relx_out, rely_out,
                   idx_s, idx_d, i2xs, i2ys, i2xd, i2yd,
                   pxs_v, pys_v, pxd_v, pyd_v, relx_v, rely_v,
                   xs_v, xd_v, sem0, sem1, sem2):
    wid = lax.axis_index("s") * _NC + lax.axis_index("c")

    def body(i, carry):
        base = wid * _EPW + i * _C
        i0 = pltpu.async_copy(src_hbm.at[pl.ds(base, _C)], idx_s, sem0)
        i1 = pltpu.async_copy(dst_hbm.at[pl.ds(base, _C)], idx_d, sem1)
        i0.wait()
        i1.wait()
        g0 = pltpu.async_copy(x_hbm.at[idx_s], xs_v, sem0)
        g1 = pltpu.async_copy(x_hbm.at[idx_d], xd_v, sem1)
        for g in range(_NG):
            sl = pl.ds(g * 16, 16)
            iv_s = idx_s[sl] * 2
            iv_d = idx_d[sl] * 2
            i2xs[sl] = iv_s
            i2ys[sl] = iv_s + 1
            i2xd[sl] = iv_d
            i2yd[sl] = iv_d + 1
        p0 = pltpu.async_copy(p_hbm.at[i2xs], pxs_v, sem2)
        p1 = pltpu.async_copy(p_hbm.at[i2ys], pys_v, sem2)
        p2 = pltpu.async_copy(p_hbm.at[i2xd], pxd_v, sem2)
        p3 = pltpu.async_copy(p_hbm.at[i2yd], pyd_v, sem2)
        p0.wait()
        p1.wait()
        p2.wait()
        p3.wait()
        for g in range(_NG):
            sl = pl.ds(g * 16, 16)
            relx_v[sl] = pxs_v[sl] - pxd_v[sl]
            rely_v[sl] = pys_v[sl] - pyd_v[sl]
        r0 = pltpu.async_copy(relx_v, relx_out.at[pl.ds(base, _C)], sem2)
        r1 = pltpu.async_copy(rely_v, rely_out.at[pl.ds(base, _C)], sem2)
        g0.wait()
        g1.wait()
        o0 = pltpu.async_copy(xs_v, xs_out.at[pl.ds(base, _C)], sem0)
        o1 = pltpu.async_copy(xd_v, xd_out.at[pl.ds(base, _C)], sem1)
        r0.wait()
        r1.wait()
        o0.wait()
        o1.wait()
        return carry

    lax.fori_loop(0, _NCH, body, 0)



def _bdot(a, b):
    return lax.dot_general(a, b, (((1,), (0,)), ((), ())),
                           preferred_element_type=jnp.float32)


def _split(a):
    ah = a.astype(jnp.bfloat16)
    al = (a - ah.astype(jnp.float32)).astype(jnp.bfloat16)
    return ah, al


def _dot3(a, bh, bl):
    ah, al = _split(a)
    return _bdot(ah, bh) + _bdot(ah, bl) + _bdot(al, bh)

def _edge_kernel(xs_ref, xd_ref, rel_ref, fx_ref, fy_ref, off_ref,
                 w1sh_ref, w1sl_ref, w1dh_ref, w1dl_ref, w1eh_ref, w1el_ref,
                 b1_ref, g1_ref, be1_ref,
                 w2h_ref, w2l_ref, b2_ref, was_ref, wad_ref, wae_ref, ba_ref,
                 out_ref):
    xs = xs_ref[...]
    xd = xd_ref[...]
    rel = rel_ref[...]
    phase = (rel[:, 0:1] * fx_ref[...] + rel[:, 1:2] * fy_ref[...]
             + off_ref[...])
    enc = jnp.sin(phase)
    h1 = (_dot3(xs, w1sh_ref[...], w1sl_ref[...])
          + _dot3(xd, w1dh_ref[...], w1dl_ref[...])
          + _dot3(enc, w1eh_ref[...], w1el_ref[...])
          + b1_ref[...])
    m = jnp.mean(h1, axis=-1, keepdims=True)
    v = jnp.mean((h1 - m) * (h1 - m), axis=-1, keepdims=True)
    hn = (h1 - m) * lax.rsqrt(v + 1e-5) * g1_ref[...] + be1_ref[...]
    h = hn * jax.nn.sigmoid(hn)
    msg = _dot3(h, w2h_ref[...], w2l_ref[...]) + b2_ref[...]
    logits_rep = (_bdot(xs.astype(jnp.bfloat16), was_ref[...])
                  + _bdot(xd.astype(jnp.bfloat16), wad_ref[...])
                  + _bdot(enc.astype(jnp.bfloat16), wae_ref[...])
                  + ba_ref[...])
    exb = jnp.exp(logits_rep)
    out_ref[:, :D] = exb * msg
    out_ref[:, D:] = jnp.concatenate(
        [exb[:, 0:4], jnp.zeros((EBLK, 12), jnp.float32)], axis=-1)


def _node_kernel(x_ref, num_ref, den_ref,
                 w1x_ref, w1a_ref, b1_ref, g1_ref, be1_ref,
                 w2_ref, b2_ref, go_ref, bo_ref, out_ref):
    x = x_ref[...]
    agg = num_ref[...] / (den_ref[...] + 1e-8)
    h1 = (jnp.dot(x, w1x_ref[...], preferred_element_type=jnp.float32)
          + jnp.dot(agg, w1a_ref[...], preferred_element_type=jnp.float32)
          + b1_ref[...])
    m = jnp.mean(h1, axis=-1, keepdims=True)
    v = jnp.mean((h1 - m) * (h1 - m), axis=-1, keepdims=True)
    hn = (h1 - m) * lax.rsqrt(v + 1e-5) * g1_ref[...] + be1_ref[...]
    h2 = hn * jax.nn.sigmoid(hn)
    upd = jnp.dot(h2, w2_ref[...], preferred_element_type=jnp.float32) + b2_ref[...]
    y = x + upd
    m2 = jnp.mean(y, axis=-1, keepdims=True)
    v2 = jnp.mean((y - m2) * (y - m2), axis=-1, keepdims=True)
    out_ref[...] = (y - m2) * lax.rsqrt(v2 + 1e-5) * go_ref[...] + bo_ref[...]


def _rep(shape):
    nd = len(shape)
    return pl.BlockSpec(shape, lambda i: (0,) * nd)



def _wsplit(w):
    wh = w.astype(jnp.bfloat16)
    wl = (w - wh.astype(jnp.float32)).astype(jnp.bfloat16)
    return wh, wl

def kernel(x, pos, edge_index, W1m, b1m, g1m, be1m, W2m, b2m, Wa, ba,
           W1u, b1u, g1u, be1u, W2u, b2u, g_out, b_out):
    src = edge_index[0]
    dst = edge_index[1]
    x2 = x[0]
    pflat = pos[0].reshape(2 * V)

    mesh = plsc.VectorSubcoreMesh(core_axis_name="c", subcore_axis_name="s")
    gather = pl.kernel(
        _gather_kernel,
        mesh=mesh,
        out_type=[jax.ShapeDtypeStruct((E, D), jnp.float32),
                  jax.ShapeDtypeStruct((E, D), jnp.float32),
                  jax.ShapeDtypeStruct((E,), jnp.float32),
                  jax.ShapeDtypeStruct((E,), jnp.float32)],
        scratch_types=([pltpu.VMEM((_C,), jnp.int32)] * 6
                       + [pltpu.VMEM((_C,), jnp.float32)] * 6
                       + [pltpu.VMEM((_C, D), jnp.float32)] * 2
                       + [pltpu.SemaphoreType.DMA] * 3),
    )
    xs_g, xd_g, relx_g, rely_g = gather(x2, pflat, src, dst)
    rel_g = jnp.stack([relx_g, rely_g], axis=-1)

    grid_e = E // EBLK
    eb = lambda w: pl.BlockSpec((EBLK, w), lambda i: (i, 0))
    packed_call = pl.pallas_call(
        _edge_kernel,
        grid=(grid_e,),
        in_specs=[eb(D), eb(D), eb(2),
                  _rep((D,)), _rep((D,)), _rep((D,)),
                  _rep((D, 2 * D)), _rep((D, 2 * D)),
                  _rep((D, 2 * D)), _rep((D, 2 * D)),
                  _rep((D, 2 * D)), _rep((D, 2 * D)),
                  _rep((2 * D,)), _rep((2 * D,)), _rep((2 * D,)),
                  _rep((2 * D, D)), _rep((2 * D, D)), _rep((D,)),
                  _rep((D, D)), _rep((D, D)), _rep((D, D)), _rep((D,))],
        out_specs=eb(D + 16),
        out_shape=jax.ShapeDtypeStruct((E, D + 16), jnp.float32),
    )
    half = PE // 4
    fscale = math.log(10.0) / (half - 1)
    freqs = jnp.exp(jnp.arange(half, dtype=jnp.float32) * -fscale)
    f32v = jnp.tile(freqs, 4)
    grp = jnp.arange(PE) // half
    fx = jnp.pad(jnp.where(grp < 2, f32v, 0.0), (0, D - PE))
    fy = jnp.pad(jnp.where(grp >= 2, f32v, 0.0), (0, D - PE))
    off = jnp.pad(jnp.where(grp % 2 == 1, 0.5 * jnp.pi, 0.0), (0, D - PE))
    wpad = lambda w: jnp.pad(w, ((0, D - PE), (0, 0)))
    w1sh, w1sl = _wsplit(W1m[:D])
    w1dh, w1dl = _wsplit(W1m[D:2 * D])
    w1eh, w1el = _wsplit(wpad(W1m[2 * D:]))
    perm = (jnp.arange(D) % H) * HD + jnp.arange(D) // H
    w2h, w2l = _wsplit(W2m[:, perm])
    packed = packed_call(
        xs_g, xd_g, rel_g, fx, fy, off,
        w1sh, w1sl, w1dh, w1dl, w1eh, w1el, b1m, g1m, be1m,
        w2h, w2l, b2m,
        jnp.tile(Wa[:D], (1, HD)).astype(jnp.bfloat16),
        jnp.tile(Wa[D:2 * D], (1, HD)).astype(jnp.bfloat16),
        wpad(jnp.tile(Wa[2 * D:], (1, HD))).astype(jnp.bfloat16),
        jnp.tile(ba, HD))

    tab = jax.ops.segment_sum(packed, dst, num_segments=V)

    grid_n = V // NBLK
    nb = lambda w: pl.BlockSpec((NBLK, w), lambda i: (i, 0))
    out_call = pl.pallas_call(
        _node_kernel,
        grid=(grid_n,),
        in_specs=[nb(D), nb(D), nb(D),
                  _rep((D, 2 * D)), _rep((D, 2 * D)),
                  _rep((2 * D,)), _rep((2 * D,)), _rep((2 * D,)),
                  _rep((2 * D, D)), _rep((D,)), _rep((D,)), _rep((D,))],
        out_specs=nb(D),
        out_shape=jax.ShapeDtypeStruct((V, D), jnp.float32),
    )
    den128 = jnp.tile(tab[:, D:D + H], (1, HD))
    out = out_call(x2, tab[:, :D], den128,
      W1u[:D], W1u[D:][perm], b1u, g1u, be1u, W2u, b2u, g_out, b_out)
    return out[None]

# --- scband reference (transcript-rebuilt; emitter-appended) ---
"""Pipeline reference for scband-vector-message-passing-layer-77335181132461 (READ-ONLY COPY).

The authoritative reference and input builder live on the scoring server;
editing this copy changes nothing except your own understanding.
"""

import jax, jax.numpy as jnp
import numpy as np
import math

B, V, E, D, PE, H = 1, 10000, 320000, 128, 32, 4
HD = D // H
MI = 2 * D + PE


def _ln(x, g, b, eps=1e-5):
    m = jnp.mean(x, axis=-1, keepdims=True)
    v = jnp.var(x, axis=-1, keepdims=True)
    return (x - m) / jnp.sqrt(v + eps) * g + b


def _silu(x):
    return x * jax.nn.sigmoid(x)


def _pos_enc(rel):
    half = PE // 4
    scale = math.log(10.0) / (half - 1)
    freqs = jnp.exp(jnp.arange(half, dtype=jnp.float32) * -scale)
    xe = rel[..., 0:1] * freqs
    ye = rel[..., 1:2] * freqs
    return jnp.concatenate([jnp.sin(xe), jnp.cos(xe), jnp.sin(ye), jnp.cos(ye)], axis=-1)


def setup_inputs(seed: int = 0):
    key = jax.random.key(seed)
    ks = jax.random.split(key, 24)

    def w(k, shape, fan_in):
        return jax.random.normal(k, shape, dtype=jnp.float32) / np.sqrt(fan_in).astype(np.float32)

    return {
        "x": jax.random.normal(ks[0], (B, V, D), dtype=jnp.float32),
        "pos": jax.random.uniform(ks[1], (B, V, 2), dtype=jnp.float32),
        "edge_index": jax.random.randint(ks[2], (2, E), 0, V, dtype=jnp.int32),
        "W1m": w(ks[3], (MI, 2 * D), MI), "b1m": jnp.zeros((2 * D,), jnp.float32),
        "g1m": jnp.ones((2 * D,), jnp.float32), "be1m": jnp.zeros((2 * D,), jnp.float32),
        "W2m": w(ks[4], (2 * D, D), 2 * D), "b2m": jnp.zeros((D,), jnp.float32),
        "Wa": w(ks[5], (MI, H), MI), "ba": jnp.zeros((H,), jnp.float32),
        "W1u": w(ks[6], (2 * D, 2 * D), 2 * D), "b1u": jnp.zeros((2 * D,), jnp.float32),
        "g1u": jnp.ones((2 * D,), jnp.float32), "be1u": jnp.zeros((2 * D,), jnp.float32),
        "W2u": w(ks[7], (2 * D, D), 2 * D), "b2u": jnp.zeros((D,), jnp.float32),
        "g_out": jnp.ones((D,), jnp.float32), "b_out": jnp.zeros((D,), jnp.float32),
    }


def reference(x, pos, edge_index, W1m, b1m, g1m, be1m, W2m, b2m, Wa, ba,
              W1u, b1u, g1u, be1u, W2u, b2u, g_out, b_out):
    src = edge_index[0]
    dst = edge_index[1]
    rel = pos[:, src, :] - pos[:, dst, :]
    enc = _pos_enc(rel)
    msg_in = jnp.concatenate([x[:, src, :], x[:, dst, :], enc], axis=-1)
    h = _silu(_ln(msg_in @ W1m + b1m, g1m, be1m))
    messages = h @ W2m + b2m
    logits = msg_in @ Wa + ba
    seg_max = jax.vmap(lambda s: jax.ops.segment_max(s, dst, num_segments=V))(logits)
    ex = jnp.exp(logits - seg_max[:, dst, :])
    seg_sum = jax.vmap(lambda s: jax.ops.segment_sum(s, dst, num_segments=V))(ex)
    attn = ex / (seg_sum[:, dst, :] + 1e-8)
    mh = messages.reshape(B, E, H, HD)
    wm = (attn[..., None] * mh).reshape(B, E, D)
    agg = jax.vmap(lambda s: jax.ops.segment_sum(s, dst, num_segments=V))(wm)
    xc = jnp.concatenate([x, agg], axis=-1)
    h2 = _silu(_ln(xc @ W1u + b1u, g1u, be1u))
    upd = h2 @ W2u + b2u
    return _ln(x + upd, g_out, b_out)

if __name__ == "__main__":
    import jax
    _d = setup_inputs()
    print(jax.jit(kernel)(*tuple(_d.values())))

</pallas_src>

<mosaic_0001>
#map = affine_map<(d0, d1) -> (0, 0)>
#map1 = affine_map<(d0, d1) -> (0)>
module attributes {stable_mosaic.version = 14 : i64} {
  func.func @_gather_kernel(%arg0: i32, %arg1: i32, %arg2: memref<10000x128xf32, #tpu.memory_space<hbm>>, %arg3: memref<20000xf32, #tpu.memory_space<hbm>>, %arg4: memref<320000xi32, #tpu.memory_space<hbm>>, %arg5: memref<320000xi32, #tpu.memory_space<hbm>>, %arg6: memref<320000x128xf32, #tpu.memory_space<hbm>>, %arg7: memref<320000x128xf32, #tpu.memory_space<hbm>>, %arg8: memref<320000xf32, #tpu.memory_space<hbm>>, %arg9: memref<320000xf32, #tpu.memory_space<hbm>>, %arg10: memref<400xi32, #tpu.memory_space<vmem>>, %arg11: memref<400xi32, #tpu.memory_space<vmem>>, %arg12: memref<400xi32, #tpu.memory_space<vmem>>, %arg13: memref<400xi32, #tpu.memory_space<vmem>>, %arg14: memref<400xi32, #tpu.memory_space<vmem>>, %arg15: memref<400xi32, #tpu.memory_space<vmem>>, %arg16: memref<400xf32, #tpu.memory_space<vmem>>, %arg17: memref<400xf32, #tpu.memory_space<vmem>>, %arg18: memref<400xf32, #tpu.memory_space<vmem>>, %arg19: memref<400xf32, #tpu.memory_space<vmem>>, %arg20: memref<400xf32, #tpu.memory_space<vmem>>, %arg21: memref<400xf32, #tpu.memory_space<vmem>>, %arg22: memref<400x128xf32, #tpu.memory_space<vmem>>, %arg23: memref<400x128xf32, #tpu.memory_space<vmem>>, %arg24: memref<!tpu.dma_semaphore, #tpu.memory_space<semaphore_mem>>, %arg25: memref<!tpu.dma_semaphore, #tpu.memory_space<semaphore_mem>>, %arg26: memref<!tpu.dma_semaphore, #tpu.memory_space<semaphore_mem>>) attributes {dimension_semantics = [#tpu.dimension_semantics<core_parallel>, #tpu.dimension_semantics<subcore_parallel>], iteration_bounds = array<i64: 2, 16>, scalar_prefetch = 0 : i64, scratch_operands = 17 : i64, tpu.core_type = #tpu.core_type<sc_vector_subcore>, window_params = [{transform_indices = #map}, {transform_indices = #map1}, {transform_indices = #map1}, {transform_indices = #map1}, {transform_indices = #map}, {transform_indices = #map}, {transform_indices = #map1}, {transform_indices = #map1}]} {
    %mul3A = arith.constant 2 : i32
    %mul3A_0 = arith.muli %arg1, %mul3A : i32
    %add3A = arith.addi %mul3A_0, %arg0 : i32
    %scan3A = arith.constant 0 : i32
    %scan3A_1 = arith.constant 0 : i32
    %scan3A_2 = arith.constant 25 : i32
    %scan3A_3 = arith.addi %scan3A_1, %scan3A_2 : i32
    %scan3A_4 = arith.constant 1 : i32
    scf.for %scan3A_6 = %scan3A_1 to %scan3A_3 step %scan3A_4  : i32 {
      %mul3A_7 = arith.constant 10000 : i32
      %mul3A_8 = arith.muli %add3A, %mul3A_7 : i32
      %mul3A_9 = arith.constant 400 : i32
      %mul3A_10 = arith.muli %scan3A_6, %mul3A_9 : i32
      %add3A_11 = arith.addi %mul3A_8, %mul3A_10 : i32
      %dma_start3A = tpu.memref_slice %arg4[%add3A_11] : memref<320000xi32, #tpu.memory_space<hbm>> -> memref<400xi32, #tpu.memory_space<hbm>>
      %dma_start3A_12 = tpu.memref_slice %arg4[%add3A_11] : memref<320000xi32, #tpu.memory_space<hbm>> -> memref<400xi32, #tpu.memory_space<hbm>>
      tpu.enqueue_dma source(%dma_start3A_12 : memref<400xi32, #tpu.memory_space<hbm>>) target(%arg10 : memref<400xi32, #tpu.memory_space<vmem>>) target_semaphore(%arg24 : memref<!tpu.dma_semaphore, #tpu.memory_space<semaphore_mem>>)
      %dma_start3A_13 = tpu.memref_slice %arg5[%add3A_11] : memref<320000xi32, #tpu.memory_space<hbm>> -> memref<400xi32, #tpu.memory_space<hbm>>
      %dma_start3A_14 = tpu.memref_slice %arg5[%add3A_11] : memref<320000xi32, #tpu.memory_space<hbm>> -> memref<400xi32, #tpu.memory_space<hbm>>
      tpu.enqueue_dma source(%dma_start3A_14 : memref<400xi32, #tpu.memory_space<hbm>>) target(%arg11 : memref<400xi32, #tpu.memory_space<vmem>>) target_semaphore(%arg25 : memref<!tpu.dma_semaphore, #tpu.memory_space<semaphore_mem>>)
      %dma_wait3A = tpu.memref_slice %arg4[%add3A_11] : memref<320000xi32, #tpu.memory_space<hbm>> -> memref<400xi32, #tpu.memory_space<hbm>>
      %dma_wait3A_15 = tpu.memref_slice %arg4[%add3A_11] : memref<320000xi32, #tpu.memory_space<hbm>> -> memref<400xi32, #tpu.memory_space<hbm>>
      tpu.wait_dma2 semaphore(%arg24 : memref<!tpu.dma_semaphore, #tpu.memory_space<semaphore_mem>>) src(%dma_wait3A_15 : memref<400xi32, #tpu.memory_space<hbm>>) dst(%arg10 : memref<400xi32, #tpu.memory_space<vmem>>)
      %dma_wait3A_16 = tpu.memref_slice %arg5[%add3A_11] : memref<320000xi32, #tpu.memory_space<hbm>> -> memref<400xi32, #tpu.memory_space<hbm>>
      %dma_wait3A_17 = tpu.memref_slice %arg5[%add3A_11] : memref<320000xi32, #tpu.memory_space<hbm>> -> memref<400xi32, #tpu.memory_space<hbm>>
      tpu.wait_dma2 semaphore(%arg25 : memref<!tpu.dma_semaphore, #tpu.memory_space<semaphore_mem>>) src(%dma_wait3A_17 : memref<400xi32, #tpu.memory_space<hbm>>) dst(%arg11 : memref<400xi32, #tpu.memory_space<vmem>>)
      %dma_start3A_18 = arith.constant 0 : i32
      %dma_start3A_19 = arith.constant 0 : i32
      %dma_start3A_20 = tpu.memref_slice %arg2[%dma_start3A_18, %dma_start3A_19] : memref<10000x128xf32, #tpu.memory_space<hbm>> -> memref<10000x128xf32, #tpu.memory_space<hbm>>
      tpu.enqueue_indirect_dma source(%dma_start3A_20 : memref<10000x128xf32, #tpu.memory_space<hbm>>) target(%arg22 : memref<400x128xf32, #tpu.memory_space<vmem>>) offsets(%arg10 : memref<400xi32, #tpu.memory_space<vmem>>) semaphore(%arg24 : memref<!tpu.dma_semaphore, #tpu.memory_space<semaphore_mem>>)
      %dma_start3A_21 = arith.constant 0 : i32
      %dma_start3A_22 = arith.constant 0 : i32
      %dma_start3A_23 = tpu.memref_slice %arg2[%dma_start3A_21, %dma_start3A_22] : memref<10000x128xf32, #tpu.memory_space<hbm>> -> memref<10000x128xf32, #tpu.memory_space<hbm>>
      tpu.enqueue_indirect_dma source(%dma_start3A_23 : memref<10000x128xf32, #tpu.memory_space<hbm>>) target(%arg23 : memref<400x128xf32, #tpu.memory_space<vmem>>) offsets(%arg11 : memref<400xi32, #tpu.memory_space<vmem>>) semaphore(%arg25 : memref<!tpu.dma_semaphore, #tpu.memory_space<semaphore_mem>>)
      %get3A = arith.constant 0 : index
      %get3A_24 = tpu.vector_load %arg10[%get3A] {strides = array<i32>} : memref<400xi32, #tpu.memory_space<vmem>>, vector<16xi32>,
      %get3A_25 = vector.shape_cast %get3A_24 : vector<16xi32> to vector<16xi32>
      %mul3A_26 = arith.constant 2 : i32
      %mul3A_27 = vector.broadcast %mul3A_26 : i32 to vector<16xi32>
      %mul3A_28 = arith.muli %get3A_25, %mul3A_27 : vector<16xi32>
      %get3A_29 = arith.constant 0 : index
      %get3A_30 = tpu.vector_load %arg11[%get3A_29] {strides = array<i32>} : memref<400xi32, #tpu.memory_space<vmem>>, vector<16xi32>,
      %get3A_31 = vector.shape_cast %get3A_30 : vector<16xi32> to vector<16xi32>
      %mul3A_32 = arith.constant 2 : i32
      %mul3A_33 = vector.broadcast %mul3A_32 : i32 to vector<16xi32>
      %mul3A_34 = arith.muli %get3A_31, %mul3A_33 : vector<16xi32>
      %swap3A = arith.constant 0 : index
      %swap3A_35 = tpu.vector_load %arg12[%swap3A] {strides = array<i32>} : memref<400xi32, #tpu.memory_space<vmem>>, vector<16xi32>,
      %swap3A_36 = vector.shape_cast %swap3A_35 : vector<16xi32> to vector<16xi32>
      %swap3A_37 = vector.shape_cast %mul3A_28 : vector<16xi32> to vector<16xi32>
      tpu.vector_store %arg12[%swap3A], %swap3A_37 {strides = array<i32>} : memref<400xi32, #tpu.memory_space<vmem>>, vector<16xi32>,
      %add3A_38 = arith.constant 1 : i32
      %add3A_39 = vector.broadcast %add3A_38 : i32 to vector<16xi32>
      %add3A_40 = arith.addi %mul3A_28, %add3A_39 : vector<16xi32>
      %swap3A_41 = arith.constant 0 : index
      %swap3A_42 = tpu.vector_load %arg13[%swap3A_41] {strides = array<i32>} : memref<400xi32, #tpu.memory_space<vmem>>, vector<16xi32>,
      %swap3A_43 = vector.shape_cast %swap3A_42 : vector<16xi32> to vector<16xi32>
      %swap3A_44 = vector.shape_cast %add3A_40 : vector<16xi32> to vector<16xi32>
      tpu.vector_store %arg13[%swap3A_41], %swap3A_44 {strides = array<i32>} : memref<400xi32, #tpu.memory_space<vmem>>, vector<16xi32>,
      %swap3A_45 = arith.constant 0 : index
      %swap3A_46 = tpu.vector_load %arg14[%swap3A_45] {strides = array<i32>} : memref<400xi32, #tpu.memory_space<vmem>>, vector<16xi32>,
      %swap3A_47 = vector.shape_cast %swap3A_46 : vector<16xi32> to vector<16xi32>
      %swap3A_48 = vector.shape_cast %mul3A_34 : vector<16xi32> to vector<16xi32>
      tpu.vector_store %arg14[%swap3A_45], %swap3A_48 {strides = array<i32>} : memref<400xi32, #tpu.memory_space<vmem>>, vector<16xi32>,
      %add3A_49 = arith.constant 1 : i32
      %add3A_50 = vector.broadcast %add3A_49 : i32 to vector<16xi32>
      %add3A_51 = arith.addi %mul3A_34, %add3A_50 : vector<16xi32>
      %swap3A_52 = arith.constant 0 : index
      %swap3A_53 = tpu.vector_load %arg15[%swap3A_52] {strides = array<i32>} : memref<400xi32, #tpu.memory_space<vmem>>, vector<16xi32>,
      %swap3A_54 = vector.shape_cast %swap3A_53 : vector<16xi32> to vector<16xi32>
      %swap3A_55 = vector.shape_cast %add3A_51 : vector<16xi32> to vector<16xi32>
      tpu.vector_store %arg15[%swap3A_52], %swap3A_55 {strides = array<i32>} : memref<400xi32, #tpu.memory_space<vmem>>, vector<16xi32>,
      %get3A_56 = arith.constant 16 : index
      %get3A_57 = tpu.vector_load %arg10[%get3A_56] {strides = array<i32>} : memref<400xi32, #tpu.memory_space<vmem>>, vector<16xi32>,
      %get3A_58 = vector.shape_cast %get3A_57 : vector<16xi32> to vector<16xi32>
      %mul3A_59 = arith.constant 2 : i32
      %mul3A_60 = vector.broadcast %mul3A_59 : i32 to vector<16xi32>
      %mul3A_61 = arith.muli %get3A_58, %mul3A_60 : vector<16xi32>
      %get3A_62 = arith.constant 16 : index
      %get3A_63 = tpu.vector_load %arg11[%get3A_62] {strides = array<i32>} : memref<400xi32, #tpu.memory_space<vmem>>, vector<16xi32>,
      %get3A_64 = vector.shape_cast %get3A_63 : vector<16xi32> to vector<16xi32>
      %mul3A_65 = arith.constant 2 : i32
      %mul3A_66 = vector.broadcast %mul3A_65 : i32 to vector<16xi32>
      %mul3A_67 = arith.muli %get3A_64, %mul3A_66 : vector<16xi32>
      %swap3A_68 = arith.constant 16 : index
      %swap3A_69 = tpu.vector_load %arg12[%swap3A_68] {strides = array<i32>} : memref<400xi32, #tpu.memory_space<vmem>>, vector<16xi32>,
      %swap3A_70 = vector.shape_cast %swap3A_69 : vector<16xi32> to vector<16xi32>
      %swap3A_71 = vector.shape_cast %mul3A_61 : vector<16xi32> to vector<16xi32>
      tpu.vector_store %arg12[%swap3A_68], %swap3A_71 {strides = array<i32>} : memref<400xi32, #tpu.memory_space<vmem>>, vector<16xi32>,
      %add3A_72 = arith.constant 1 : i32
      %add3A_73 = vector.broadcast %add3A_72 : i32 to vector<16xi32>
      %add3A_74 = arith.addi %mul3A_61, %add3A_73 : vector<16xi32>
      %swap3A_75 = arith.constant 16 : index
      %swap3A_76 = tpu.vector_load %arg13[%swap3A_75] {strides = array<i32>} : memref<400xi32, #tpu.memory_space<vmem>>, vector<16xi32>,
      %swap3A_77 = vector.shape_cast %swap3A_76 : vector<16xi32> to vector<16xi32>
      %swap3A_78 = vector.shape_cast %add3A_74 : vector<16xi32> to vector<16xi32>
      tpu.vector_store %arg13[%swap3A_75], %swap3A_78 {strides = array<i32>} : memref<400xi32, #tpu.memory_space<vmem>>, vector<16xi32>,
      %swap3A_79 = arith.constant 16 : index
      %swap3A_80 = tpu.vector_load %arg14[%swap3A_79] {strides = array<i32>} : memref<400xi32, #tpu.memory_space<vmem>>, vector<16xi32>,
      %swap3A_81 = vector.shape_cast %swap3A_80 : vector<16xi32> to vector<16xi32>
      %swap3A_82 = vector.shape_cast %mul3A_67 : vector<16xi32> to vector<16xi32>
      tpu.vector_store %arg14[%swap3A_79], %swap3A_82 {strides = array<i32>} : memref<400xi32, #tpu.memory_space<vmem>>, vector<16xi32>,
      %add3A_83 = arith.constant 1 : i32
      %add3A_84 = vector.broadcast %add3A_83 : i32 to vector<16xi32>
      %add3A_85 = arith.addi %mul3A_67, %add3A_84 : vector<16xi32>
      %swap3A_86 = arith.constant 16 : index
      %swap3A_87 = tpu.vector_load %arg15[%swap3A_86] {strides = array<i32>} : memref<400xi32, #tpu.memory_space<vmem>>, vector<16xi32>,
      %swap3A_88 = vector.shape_cast %swap3A_87 : vector<16xi32> to vector<16xi32>
      %swap3A_89 = vector.shape_cast %add3A_85 : vector<16xi32> to vector<16xi32>
      tpu.vector_store %arg15[%swap3A_86], %swap3A_89 {strides = array<i32>} : memref<400xi32, #tpu.memory_space<vmem>>, vector<16xi32>,
      %get3A_90 = arith.constant 32 : index
      %get3A_91 = tpu.vector_load %arg10[%get3A_90] {strides = array<i32>} : memref<400xi32, #tpu.memory_space<vmem>>, vector<16xi32>,
      %get3A_92 = vector.shape_cast %get3A_91 : vector<16xi32> to vector<16xi32>
      %mul3A_93 = arith.constant 2 : i32
      %mul3A_94 = vector.broadcast %mul3A_93 : i32 to vector<16xi32>
      %mul3A_95 = arith.muli %get3A_92, %mul3A_94 : vector<16xi32>
      %get3A_96 = arith.constant 32 : index
      %get3A_97 = tpu.vector_load %arg11[%get3A_96] {strides = array<i32>} : memref<400xi32, #tpu.memory_space<vmem>>, vector<16xi32>,
      %get3A_98 = vector.shape_cast %get3A_97 : vector<16xi32> to vector<16xi32>
      %mul3A_99 = arith.constant 2 : i32
      %mul3A_100 = vector.broadcast %mul3A_99 : i32 to vector<16xi32>
      %mul3A_101 = arith.muli %get3A_98, %mul3A_100 : vector<16xi32>
      %swap3A_102 = arith.constant 32 : index
      %swap3A_103 = tpu.vector_load %arg12[%swap3A_102] {strides = array<i32>} : memref<400xi32, #tpu.memory_space<vmem>>, vector<16xi32>,
      %swap3A_104 = vector.shape_cast %swap3A_103 : vector<16xi32> to vector<16xi32>
      %swap3A_105 = vector.shape_cast %mul3A_95 : vector<16xi32> to vector<16xi32>
      tpu.vector_store %arg12[%swap3A_102], %swap3A_105 {strides = array<i32>} : memref<400xi32, #tpu.memory_space<vmem>>, vector<16xi32>,
      %add3A_106 = arith.constant 1 : i32
      %add3A_107 = vector.broadcast %add3A_106 : i32 to vector<16xi32>
      %add3A_108 = arith.addi %mul3A_95, %add3A_107 : vector<16xi32>
      %swap3A_109 = arith.constant 32 : index
      %swap3A_110 = tpu.vector_load %arg13[%swap3A_109] {strides = array<i32>} : memref<400xi32, #tpu.memory_space<vmem>>, vector<16xi32>,
      %swap3A_111 = vector.shape_cast %swap3A_110 : vector<16xi32> to vector<16xi32>
      %swap3A_112 = vector.shape_cast %add3A_108 : vector<16xi32> to vector<16xi32>
      tpu.vector_store %arg13[%swap3A_109], %swap3A_112 {strides = array<i32>} : memref<400xi32, #tpu.memory_space<vmem>>, vector<16xi32>,
      %swap3A_113 = arith.constant 32 : index
      %swap3A_114 = tpu.vector_load %arg14[%swap3A_113] {strides = array<i32>} : memref<400xi32, #tpu.memory_space<vmem>>, vector<16xi32>,
      %swap3A_115 = vector.shape_cast %swap3A_114 : vector<16xi32> to vector<16xi32>
      %swap3A_116 = vector.shape_cast %mul3A_101 : vector<16xi32> to vector<16xi32>
      tpu.vector_store %arg14[%swap3A_113], %swap3A_116 {strides = array<i32>} : memref<400xi32, #tpu.memory_space<vmem>>, vector<16xi32>,
      %add3A_117 = arith.constant 1 : i32
      %add3A_118 = vector.broadcast %add3A_117 : i32 to vector<16xi32>
      %add3A_119 = arith.addi %mul3A_101, %add3A_118 : vector<16xi32>
      %swap3A_120 = arith.constant 32 : index
      %swap3A_121 = tpu.vector_load %arg15[%swap3A_120] {strides = array<i32>} : memref<400xi32, #tpu.memory_space<vmem>>, vector<16xi32>,
      %swap3A_122 = vector.shape_cast %swap3A_121 : vector<16xi32> to vector<16xi32>
      %swap3A_123 = vector.shape_cast %add3A_119 : vector<16xi32> to vector<16xi32>
      tpu.vector_store %arg15[%swap3A_120], %swap3A_123 {strides = array<i32>} : memref<400xi32, #tpu.memory_space<vmem>>, vector<16xi32>,
      %get3A_124 = arith.constant 48 : index
      %get3A_125 = tpu.vector_load %arg10[%get3A_124] {strides = array<i32>} : memref<400xi32, #tpu.memory_space<vmem>>, vector<16xi32>,
      %get3A_126 = vector.shape_cast %get3A_125 : vector<16xi32> to vector<16xi32>
      %mul3A_127 = arith.constant 2 : i32
      %mul3A_128 = vector.broadcast %mul3A_127 : i32 to vector<16xi32>
      %mul3A_129 = arith.muli %get3A_126, %mul3A_128 : vector<16xi32>
      %get3A_130 = arith.constant 48 : index
      %get3A_131 = tpu.vector_load %arg11[%get3A_130] {strides = array<i32>} : memref<400xi32, #tpu.memory_space<vmem>>, vector<16xi32>,
      %get3A_132 = vector.shape_cast %get3A_131 : vector<16xi32> to vector<16xi32>
      %mul3A_133 = arith.constant 2 : i32
      %mul3A_134 = vector.broadcast %mul3A_133 : i32 to vector<16xi32>
      %mul3A_135 = arith.muli %get3A_132, %mul3A_134 : vector<16xi32>
      %swap3A_136 = arith.constant 48 : index
      %swap3A_137 = tpu.vector_load %arg12[%swap3A_136] {strides = array<i32>} : memref<400xi32, #tpu.memory_space<vmem>>, vector<16xi32>,
      %swap3A_138 = vector.shape_cast %swap3A_137 : vector<16xi32> to vector<16xi32>
      %swap3A_139 = vector.shape_cast %mul3A_129 : vector<16xi32> to vector<16xi32>
      tpu.vector_store %arg12[%swap3A_136], %swap3A_139 {strides = array<i32>} : memref<400xi32, #tpu.memory_space<vmem>>, vector<16xi32>,
      %add3A_140 = arith.constant 1 : i32
      %add3A_141 = vector.broadcast %add3A_140 : i32 to vector<16xi32>
      %add3A_142 = arith.addi %mul3A_129, %add3A_141 : vector<16xi32>
      %swap3A_143 = arith.constant 48 : index
      %swap3A_144 = tpu.vector_load %arg13[%swap3A_143] {strides = array<i32>} : memref<400xi32, #tpu.memory_space<vmem>>, vector<16xi32>,
      %swap3A_145 = vector.shape_cast %swap3A_144 : vector<16xi32> to vector<16xi32>
      %swap3A_146 = vector.shape_cast %add3A_142 : vector<16xi32> to vector<16xi32>
      tpu.vector_store %arg13[%swap3A_143], %swap3A_146 {strides = array<i32>} : memref<400xi32, #tpu.memory_space<vmem>>, vector<16xi32>,
      %swap3A_147 = arith.constant 48 : index
      %swap3A_148 = tpu.vector_load %arg14[%swap3A_147] {strides = array<i32>} : memref<400xi32, #tpu.memory_space<vmem>>, vector<16xi32>,
      %swap3A_149 = vector.shape_cast %swap3A_148 : vector<16xi32> to vector<16xi32>
      %swap3A_150 = vector.shape_cast %mul3A_135 : vector<16xi32> to vector<16xi32>
      tpu.vector_store %arg14[%swap3A_147], %swap3A_150 {strides = array<i32>} : memref<400xi32, #tpu.memory_space<vmem>>, vector<16xi32>,
      %add3A_151 = arith.constant 1 : i32
      %add3A_152 = vector.broadcast %add3A_151 : i32 to vector<16xi32>
      %add3A_153 = arith.addi %mul3A_135, %add3A_152 : vector<16xi32>
      %swap3A_154 = arith.constant 48 : index
      %swap3A_155 = tpu.vector_load %arg15[%swap3A_154] {strides = array<i32>} : memref<400xi32, #tpu.memory_space<vmem>>, vector<16xi32>,
      %swap3A_156 = vector.shape_cast %swap3A_155 : vector<16xi32> to vector<16xi32>
      %swap3A_157 = vector.shape_cast %add3A_153 : vector<16xi32> to vector<16xi32>
      tpu.vector_store %arg15[%swap3A_154], %swap3A_157 {strides = array<i32>} : memref<400xi32, #tpu.memory_space<vmem>>, vector<16xi32>,
      %get3A_158 = arith.constant 64 : index
      %get3A_159 = tpu.vector_load %arg10[%get3A_158] {strides = array<i32>} : memref<400xi32, #tpu.memory_space<vmem>>, vector<16xi32>,
      %get3A_160 = vector.shape_cast %get3A_159 : vector<16xi32> to vector<16xi32>
      %mul3A_161 = arith.constant 2 : i32
      %mul3A_162 = vector.broadcast %mul3A_161 : i32 to vector<16xi32>
      %mul3A_163 = arith.muli %get3A_160, %mul3A_162 : vector<16xi32>
      %get3A_164 = arith.constant 64 : index
      %get3A_165 = tpu.vector_load %arg11[%get3A_164] {strides = array<i32>} : memref<400xi32, #tpu.memory_space<vmem>>, vector<16xi32>,
      %get3A_166 = vector.shape_cast %get3A_165 : vector<16xi32> to vector<16xi32>
      %mul3A_167 = arith.constant 2 : i32
      %mul3A_168 = vector.broadcast %mul3A_167 : i32 to vector<16xi32>
      %mul3A_169 = arith.muli %get3A_166, %mul3A_168 : vector<16xi32>
      %swap3A_170 = arith.constant 64 : index
      %swap3A_171 = tpu.vector_load %arg12[%swap3A_170] {strides = array<i32>} : memref<400xi32, #tpu.memory_space<vmem>>, vector<16xi32>,
      %swap3A_172 = vector.shape_cast %swap3A_171 : vector<16xi32> to vector<16xi32>
      %swap3A_173 = vector.shape_cast %mul3A_163 : vector<16xi32> to vector<16xi32>
      tpu.vector_store %arg12[%swap3A_170], %swap3A_173 {strides = array<i32>} : memref<400xi32, #tpu.memory_space<vmem>>, vector<16xi32>,
      %add3A_174 = arith.constant 1 : i32
      %add3A_175 = vector.broadcast %add3A_174 : i32 to vector<16xi32>
      %add3A_176 = arith.addi %mul3A_163, %add3A_175 : vector<16xi32>
      %swap3A_177 = arith.constant 64 : index
      %swap3A_178 = tpu.vector_load %arg13[%swap3A_177] {strides = array<i32>} : memref<400xi32, #tpu.memory_space<vmem>>, vector<16xi32>,
      %swap3A_179 = vector.shape_cast %swap3A_178 : vector<16xi32> to vector<16xi32>
      %swap3A_180 = vector.shape_cast %add3A_176 : vector<16xi32> to vector<16xi32>
      tpu.vector_store %arg13[%swap3A_177], %swap3A_180 {strides = array<i32>} : memref<400xi32, #tpu.memory_space<vmem>>, vector<16xi32>,
      %swap3A_181 = arith.constant 64 : index
      %swap3A_182 = tpu.vector_load %arg14[%swap3A_181] {strides = array<i32>} : memref<400xi32, #tpu.memory_space<vmem>>, vector<16xi32>,
      %swap3A_183 = vector.shape_cast %swap3A_182 : vector<16xi32> to vector<16xi32>
      %swap3A_184 = vector.shape_cast %mul3A_169 : vector<16xi32> to vector<16xi32>
      tpu.vector_store %arg14[%swap3A_181], %swap3A_184 {strides = array<i32>} : memref<400xi32, #tpu.memory_space<vmem>>, vector<16xi32>,
      %add3A_185 = arith.constant 1 : i32
      %add3A_186 = vector.broadcast %add3A_185 : i32 to vector<16xi32>
      %add3A_187 = arith.addi %mul3A_169, %add3A_186 : vector<16xi32>
      %swap3A_188 = arith.constant 64 : index
      %swap3A_189 = tpu.vector_load %arg15[%swap3A_188] {strides = array<i32>} : memref<400xi32, #tpu.memory_space<vmem>>, vector<16xi32>,
      %swap3A_190 = vector.shape_cast %swap3A_189 : vector<16xi32> to vector<16xi32>
      %swap3A_191 = vector.shape_cast %add3A_187 : vector<16xi32> to vector<16xi32>
      tpu.vector_store %arg15[%swap3A_188], %swap3A_191 {strides = array<i32>} : memref<400xi32, #tpu.memory_space<vmem>>, vector<16xi32>,
      %get3A_192 = arith.constant 80 : index
      %get3A_193 = tpu.vector_load %arg10[%get3A_192] {strides = array<i32>} : memref<400xi32, #tpu.memory_space<vmem>>, vector<16xi32>,
      %get3A_194 = vector.shape_cast %get3A_193 : vector<16xi32> to vector<16xi32>
      %mul3A_195 = arith.constant 2 : i32
      %mul3A_196 = vector.broadcast %mul3A_195 : i32 to vector<16xi32>
      %mul3A_197 = arith.muli %get3A_194, %mul3A_196 : vector<16xi32>
      %get3A_198 = arith.constant 80 : index
      %get3A_199 = tpu.vector_load %arg11[%get3A_198] {strides = array<i32>} : memref<400xi32, #tpu.memory_space<vmem>>, vector<16xi32>,
      %get3A_200 = vector.shape_cast %get3A_199 : vector<16xi32> to vector<16xi32>
      %mul3A_201 = arith.constant 2 : i32
      %mul3A_202 = vector.broadcast %mul3A_201 : i32 to vector<16xi32>
      %mul3A_203 = arith.muli %get3A_200, %mul3A_202 : vector<16xi32>
      %swap3A_204 = arith.constant 80 : index
      %swap3A_205 = tpu.vector_load %arg12[%swap3A_204] {strides = array<i32>} : memref<400xi32, #tpu.memory_space<vmem>>, vector<16xi32>,
      %swap3A_206 = vector.shape_cast %swap3A_205 : vector<16xi32> to vector<16xi32>
      %swap3A_207 = vector.shape_cast %mul3A_197 : vector<16xi32> to vector<16xi32>
      tpu.vector_store %arg12[%swap3A_204], %swap3A_207 {strides = array<i32>} : memref<400xi32, #tpu.memory_space<vmem>>, vector<16xi32>,
      %add3A_208 = arith.constant 1 : i32
      %add3A_209 = vector.broadcast %add3A_208 : i32 to vector<16xi32>
      %add3A_210 = arith.addi %mul3A_197, %add3A_209 : vector<16xi32>
      %swap3A_211 = arith.constant 80 : index
      %swap3A_212 = tpu.vector_load %arg13[%swap3A_211] {strides = array<i32>} : memref<400xi32, #tpu.memory_space<vmem>>, vector<16xi32>,
      %swap3A_213 = vector.shape_cast %swap3A_212 : vector<16xi32> to vector<16xi32>
      %swap3A_214 = vector.shape_cast %add3A_210 : vector<16xi32> to vector<16xi32>
      tpu.vector_store %arg13[%swap3A_211], %swap3A_214 {strides = array<i32>} : memref<400xi32, #tpu.memory_space<vmem>>, vector<16xi32>,
      %swap3A_215 = arith.constant 80 : index
      %swap3A_216 = tpu.vector_load %arg14[%swap3A_215] {strides = array<i32>} : memref<400xi32, #tpu.memory_space<vmem>>, vector<16xi32>,
      %swap3A_217 = vector.shape_cast %swap3A_216 : vector<16xi32> to vector<16xi32>
      %swap3A_218 = vector.shape_cast %mul3A_203 : vector<16xi32> to vector<16xi32>
      tpu.vector_store %arg14[%swap3A_215], %swap3A_218 {strides = array<i32>} : memref<400xi32, #tpu.memory_space<vmem>>, vector<16xi32>,
      %add3A_219 = arith.constant 1 : i32
      %add3A_220 = vector.broadcast %add3A_219 : i32 to vector<16xi32>
      %add3A_221 = arith.addi %mul3A_203, %add3A_220 : vector<16xi32>
      %swap3A_222 = arith.constant 80 : index
      %swap3A_223 = tpu.vector_load %arg15[%swap3A_222] {strides = array<i32>} : memref<400xi32, #tpu.memory_space<vmem>>, vector<16xi32>,
      %swap3A_224 = vector.shape_cast %swap3A_223 : vector<16xi32> to vector<16xi32>
      %swap3A_225 = vector.shape_cast %add3A_221 : vector<16xi32> to vector<16xi32>
      tpu.vector_store %arg15[%swap3A_222], %swap3A_225 {strides = array<i32>} : memref<400xi32, #tpu.memory_space<vmem>>, vector<16xi32>,
      %get3A_226 = arith.constant 96 : index
      %get3A_227 = tpu.vector_load %arg10[%get3A_226] {strides = array<i32>} : memref<400xi32, #tpu.memory_space<vmem>>, vector<16xi32>,
      %get3A_228 = vector.shape_cast %get3A_227 : vector<16xi32> to vector<16xi32>
      %mul3A_229 = arith.constant 2 : i32
      %mul3A_230 = vector.broadcast %mul3A_229 : i32 to vector<16xi32>
      %mul3A_231 = arith.muli %get3A_228, %mul3A_230 : vector<16xi32>
      %get3A_232 = arith.constant 96 : index
      %get3A_233 = tpu.vector_load %arg11[%get3A_232] {strides = array<i32>} : memref<400xi32, #tpu.memory_space<vmem>>, vector<16xi32>,
      %get3A_234 = vector.shape_cast %get3A_233 : vector<16xi32> to vector<16xi32>
      %mul3A_235 = arith.constant 2 : i32
      %mul3A_236 = vector.broadcast %mul3A_235 : i32 to vector<16xi32>
      %mul3A_237 = arith.muli %get3A_234, %mul3A_236 : vector<16xi32>
      %swap3A_238 = arith.constant 96 : index
      %swap3A_239 = tpu.vector_load %arg12[%swap3A_238] {strides = array<i32>} : memref<400xi32, #tpu.memory_space<vmem>>, vector<16xi32>,
      %swap3A_240 = vector.shape_cast %swap3A_239 : vector<16xi32> to vector<16xi32>
      %swap3A_241 = vector.shape_cast %mul3A_231 : vector<16xi32> to vector<16xi32>
      tpu.vector_store %arg12[%swap3A_238], %swap3A_241 {strides = array<i32>} : memref<400xi32, #tpu.memory_space<vmem>>, vector<16xi32>,
      %add3A_242 = arith.constant 1 : i32
      %add3A_243 = vector.broadcast %add3A_242 : i32 to vector<16xi32>
      %add3A_244 = arith.addi %mul3A_231, %add3A_243 : vector<16xi32>
      %swap3A_245 = arith.constant 96 : index
      %swap3A_246 = tpu.vector_load %arg13[%swap3A_245] {strides = array<i32>} : memref<400xi32, #tpu.memory_space<vmem>>, vector<16xi32>,
      %swap3A_247 = vector.shape_cast %swap3A_246 : vector<16xi32> to vector<16xi32>
      %swap3A_248 = vector.shape_cast %add3A_244 : vector<16xi32> to vector<16xi32>
      tpu.vector_store %arg13[%swap3A_245], %swap3A_248 {strides = array<i32>} : memref<400xi32, #tpu.memory_space<vmem>>, vector<16xi32>,
      %swap3A_249 = arith.constant 96 : index
      %swap3A_250 = tpu.vector_load %arg14[%swap3A_249] {strides = array<i32>} : memref<400xi32, #tpu.memory_space<vmem>>, vector<16xi32>,
      %swap3A_251 = vector.shape_cast %swap3A_250 : vector<16xi32> to vector<16xi32>
      %swap3A_252 = vector.shape_cast %mul3A_237 : vector<16xi32> to vector<16xi32>
      tpu.vector_store %arg14[%swap3A_249], %swap3A_252 {strides = array<i32>} : memref<400xi32, #tpu.memory_space<vmem>>, vector<16xi32>,
      %add3A_253 = arith.constant 1 : i32
      %add3A_254 = vector.broadcast %add3A_253 : i32 to vector<16xi32>
      %add3A_255 = arith.addi %mul3A_237, %add3A_254 : vector<16xi32>
      %swap3A_256 = arith.constant 96 : index
      %swap3A_257 = tpu.vector_load %arg15[%swap3A_256] {strides = array<i32>} : memref<400xi32, #tpu.memory_space<vmem>>, vector<16xi32>,
      %swap3A_258 = vector.shape_cast %swap3A_257 : vector<16xi32> to vector<16xi32>
      %swap3A_259 = vector.shape_cast %add3A_255 : vector<16xi32> to vector<16xi32>
      tpu.vector_store %arg15[%swap3A_256], %swap3A_259 {strides = array<i32>} : memref<400xi32, #tpu.memory_space<vmem>>, vector<16xi32>,
      %get3A_260 = arith.constant 112 : index
      %get3A_261 = tpu.vector_load %arg10[%get3A_260] {strides = array<i32>} : memref<400xi32, #tpu.memory_space<vmem>>, vector<16xi32>,
      %get3A_262 = vector.shape_cast %get3A_261 : vector<16xi32> to vector<16xi32>
      %mul3A_263 = arith.constant 2 : i32
      %mul3A_264 = vector.broadcast %mul3A_263 : i32 to vector<16xi32>
      %mul3A_265 = arith.muli %get3A_262, %mul3A_264 : vector<16xi32>
      %get3A_266 = arith.constant 112 : index
      %get3A_267 = tpu.vector_load %arg11[%get3A_266] {strides = array<i32>} : memref<400xi32, #tpu.memory_space<vmem>>, vector<16xi32>,
      %get3A_268 = vector.shape_cast %get3A_267 : vector<16xi32> to vector<16xi32>
      %mul3A_269 = arith.constant 2 : i32
      %mul3A_270 = vector.broadcast %mul3A_269 : i32 to vector<16xi32>
      %mul3A_271 = arith.muli %get3A_268, %mul3A_270 : vector<16xi32>
      %swap3A_272 = arith.constant 112 : index
      %swap3A_273 = tpu.vector_load %arg12[%swap3A_272] {strides = array<i32>} : memref<400xi32, #tpu.memory_space<vmem>>, vector<16xi32>,
      %swap3A_274 = vector.shape_cast %swap3A_273 : vector<16xi32> to vector<16xi32>
      %swap3A_275 = vector.shape_cast %mul3A_265 : vector<16xi32> to vector<16xi32>
      tpu.vector_store %arg12[%swap3A_272], %swap3A_275 {strides = array<i32>} : memref<400xi32, #tpu.memory_space<vmem>>, vector<16xi32>,
      %add3A_276 = arith.constant 1 : i32
      %add3A_277 = vector.broadcast %add3A_276 : i32 to vector<16xi32>
      %add3A_278 = arith.addi %mul3A_265, %add3A_277 : vector<16xi32>
      %swap3A_279 = arith.constant 112 : index
      %swap3A_280 = tpu.vector_load %arg13[%swap3A_279] {strides = array<i32>} : memref<400xi32, #tpu.memory_space<vmem>>, vector<16xi32>,
      %swap3A_281 = vector.shape_cast %swap3A_280 : vector<16xi32> to vector<16xi32>
      %swap3A_282 = vector.shape_cast %add3A_278 : vector<16xi32> to vector<16xi32>
      tpu.vector_store %arg13[%swap3A_279], %swap3A_282 {strides = array<i32>} : memref<400xi32, #tpu.memory_space<vmem>>, vector<16xi32>,
      %swap3A_283 = arith.constant 112 : index
      %swap3A_284 = tpu.vector_load %arg14[%swap3A_283] {strides = array<i32>} : memref<400xi32, #tpu.memory_space<vmem>>, vector<16xi32>,
      %swap3A_285 = vector.shape_cast %swap3A_284 : vector<16xi32> to vector<16xi32>
      %swap3A_286 = vector.shape_cast %mul3A_271 : vector<16xi32> to vector<16xi32>
      tpu.vector_store %arg14[%swap3A_283], %swap3A_286 {strides = array<i32>} : memref<400xi32, #tpu.memory_space<vmem>>, vector<16xi32>,
      %add3A_287 = arith.constant 1 : i32
      %add3A_288 = vector.broadcast %add3A_287 : i32 to vector<16xi32>
      %add3A_289 = arith.addi %mul3A_271, %add3A_288 : vector<16xi32>
      %swap3A_290 = arith.constant 112 : index
      %swap3A_291 = tpu.vector_load %arg15[%swap3A_290] {strides = array<i32>} : memref<400xi32, #tpu.memory_space<vmem>>, vector<16xi32>,
      %swap3A_292 = vector.shape_cast %swap3A_291 : vector<16xi32> to vector<16xi32>
      %swap3A_293 = vector.shape_cast %add3A_289 : vector<16xi32> to vector<16xi32>
      tpu.vector_store %arg15[%swap3A_290], %swap3A_293 {strides = array<i32>} : memref<400xi32, #tpu.memory_space<vmem>>, vector<16xi32>,
      %get3A_294 = arith.constant 128 : index
      %get3A_295 = tpu.vector_load %arg10[%get3A_294] {strides = array<i32>} : memref<400xi32, #tpu.memory_space<vmem>>, vector<16xi32>,
      %get3A_296 = vector.shape_cast %get3A_295 : vector<16xi32> to vector<16xi32>
      %mul3A_297 = arith.constant 2 : i32
      %mul3A_298 = vector.broadcast %mul3A_297 : i32 to vector<16xi32>
      %mul3A_299 = arith.muli %get3A_296, %mul3A_298 : vector<16xi32>
      %get3A_300 = arith.constant 128 : index
      %get3A_301 = tpu.vector_load %arg11[%get3A_300] {strides = array<i32>} : memref<400xi32, #tpu.memory_space<vmem>>, vector<16xi32>,
      %get3A_302 = vector.shape_cast %get3A_301 : vector<16xi32> to vector<16xi32>
      %mul3A_303 = arith.constant 2 : i32
      %mul3A_304 = vector.broadcast %mul3A_303 : i32 to vector<16xi32>
      %mul3A_305 = arith.muli %get3A_302, %mul3A_304 : vector<16xi32>
      %swap3A_306 = arith.constant 128 : index
      %swap3A_307 = tpu.vector_load %arg12[%swap3A_306] {strides = array<i32>} : memref<400xi32, #tpu.memory_space<vmem>>, vector<16xi32>,
      %swap3A_308 = vector.shape_cast %swap3A_307 : vector<16xi32> to vector<16xi32>
      %swap3A_309 = vector.shape_cast %mul3A_299 : vector<16xi32> to vector<16xi32>
      tpu.vector_store %arg12[%swap3A_306], %swap3A_309 {strides = array<i32>} : memref<400xi32, #tpu.memory_space<vmem>>, vector<16xi32>,
      %add3A_310 = arith.constant 1 : i32
      %add3A_311 = vector.broadcast %add3A_310 : i32 to vector<16xi32>
      %add3A_312 = arith.addi %mul3A_299, %add3A_311 : vector<16xi32>
      %swap3A_313 = arith.constant 128 : index
      %swap3A_314 = tpu.vector_load %arg13[%swap3A_313] {strides = array<i32>} : memref<400xi32, #tpu.memory_space<vmem>>, vector<16xi32>,
      %swap3A_315 = vector.shape_cast %swap3A_314 : vector<16xi32> to vector<16xi32>
      %swap3A_316 = vector.shape_cast %add3A_312 : vector<16xi32> to vector<16xi32>
      tpu.vector_store %arg13[%swap3A_313], %swap3A_316 {strides = array<i32>} : memref<400xi32, #tpu.memory_space<vmem>>, vector<16xi32>,
      %swap3A_317 = arith.constant 128 : index
      %swap3A_318 = tpu.vector_load %arg14[%swap3A_317] {strides = array<i32>} : memref<400xi32, #tpu.memory_space<vmem>>, vector<16xi32>,
      %swap3A_319 = vector.shape_cast %swap3A_318 : vector<16xi32> to vector<16xi32>
      %swap3A_320 = vector.shape_cast %mul3A_305 : vector<16xi32> to vector<16xi32>
      tpu.vector_store %arg14[%swap3A_317], %swap3A_320 {strides = array<i32>} : memref<400xi32, #tpu.memory_space<vmem>>, vector<16xi32>,
      %add3A_321 = arith.constant 1 : i32
      %add3A_322 = vector.broadcast %add3A_321 : i32 to vector<16xi32>
      %add3A_323 = arith.addi %mul3A_305, %add3A_322 : vector<16xi32>
      %swap3A_324 = arith.constant 128 : index
      %swap3A_325 = tpu.vector_load %arg15[%swap3A_324] {strides = array<i32>} : memref<400xi32, #tpu.memory_space<vmem>>, vector<16xi32>,
      %swap3A_326 = vector.shape_cast %swap3A_325 : vector<16xi32> to vector<16xi32>
      %swap3A_327 = vector.shape_cast %add3A_323 : vector<16xi32> to vector<16xi32>
      tpu.vector_store %arg15[%swap3A_324], %swap3A_327 {strides = array<i32>} : memref<400xi32, #tpu.memory_space<vmem>>, vector<16xi32>,
      %get3A_328 = arith.constant 144 : index
      %get3A_329 = tpu.vector_load %arg10[%get3A_328] {strides = array<i32>} : memref<400xi32, #tpu.memory_space<vmem>>, vector<16xi32>,
      %get3A_330 = vector.shape_cast %get3A_329 : vector<16xi32> to vector<16xi32>
      %mul3A_331 = arith.constant 2 : i32
      %mul3A_332 = vector.broadcast %mul3A_331 : i32 to vector<16xi32>
      %mul3A_333 = arith.muli %get3A_330, %mul3A_332 : vector<16xi32>
      %get3A_334 = arith.constant 144 : index
      %get3A_335 = tpu.vector_load %arg11[%get3A_334] {strides = array<i32>} : memref<400xi32, #tpu.memory_space<vmem>>, vector<16xi32>,
      %get3A_336 = vector.shape_cast %get3A_335 : vector<16xi32> to vector<16xi32>
      %mul3A_337 = arith.constant 2 : i32
      %mul3A_338 = vector.broadcast %mul3A_337 : i32 to vector<16xi32>
      %mul3A_339 = arith.muli %get3A_336, %mul3A_338 : vector<16xi32>
      %swap3A_340 = arith.constant 144 : index
      %swap3A_341 = tpu.vector_load %arg12[%swap3A_340] {strides = array<i32>} : memref<400xi32, #tpu.memory_space<vmem>>, vector<16xi32>,
      %swap3A_342 = vector.shape_cast %swap3A_341 : vector<16xi32> to vector<16xi32>
      %swap3A_343 = vector.shape_cast %mul3A_333 : vector<16xi32> to vector<16xi32>
      tpu.vector_store %arg12[%swap3A_340], %swap3A_343 {strides = array<i32>} : memref<400xi32, #tpu.memory_space<vmem>>, vector<16xi32>,
      %add3A_344 = arith.constant 1 : i32
      %add3A_345 = vector.broadcast %add3A_344 : i32 to vector<16xi32>
      %add3A_346 = arith.addi %mul3A_333, %add3A_345 : vector<16xi32>
      %swap3A_347 = arith.constant 144 : index
      %swap3A_348 = tpu.vector_load %arg13[%swap3A_347] {strides = array<i32>} : memref<400xi32, #tpu.memory_space<vmem>>, vector<16xi32>,
      %swap3A_349 = vector.shape_cast %swap3A_348 : vector<16xi32> to vector<16xi32>
      %swap3A_350 = vector.shape_cast %add3A_346 : vector<16xi32> to vector<16xi32>
      tpu.vector_store %arg13[%swap3A_347], %swap3A_350 {strides = array<i32>} : memref<400xi32, #tpu.memory_space<vmem>>, vector<16xi32>,
      %swap3A_351 = arith.constant 144 : index
      %swap3A_352 = tpu.vector_load %arg14[%swap3A_351] {strides = array<i32>} : memref<400xi32, #tpu.memory_space<vmem>>, vector<16xi32>,
      %swap3A_353 = vector.shape_cast %swap3A_352 : vector<16xi32> to vector<16xi32>
      %swap3A_354 = vector.shape_cast %mul3A_339 : vector<16xi32> to vector<16xi32>
      tpu.vector_store %arg14[%swap3A_351], %swap3A_354 {strides = array<i32>} : memref<400xi32, #tpu.memory_space<vmem>>, vector<16xi32>,
      %add3A_355 = arith.constant 1 : i32
      %add3A_356 = vector.broadcast %add3A_355 : i32 to vector<16xi32>
      %add3A_357 = arith.addi %mul3A_339, %add3A_356 : vector<16xi32>
      %swap3A_358 = arith.constant 144 : index
      %swap3A_359 = tpu.vector_load %arg15[%swap3A_358] {strides = array<i32>} : memref<400xi32, #tpu.memory_space<vmem>>, vector<16xi32>,
      %swap3A_360 = vector.shape_cast %swap3A_359 : vector<16xi32> to vector<16xi32>
      %swap3A_361 = vector.shape_cast %add3A_357 : vector<16xi32> to vector<16xi32>
      tpu.vector_store %arg15[%swap3A_358], %swap3A_361 {strides = array<i32>} : memref<400xi32, #tpu.memory_space<vmem>>, vector<16xi32>,
      %get3A_362 = arith.constant 160 : index
      %get3A_363 = tpu.vector_load %arg10[%get3A_362] {strides = array<i32>} : memref<400xi32, #tpu.memory_space<vmem>>, vector<16xi32>,
      %get3A_364 = vector.shape_cast %get3A_363 : vector<16xi32> to vector<16xi32>
      %mul3A_365 = arith.constant 2 : i32
      %mul3A_366 = vector.broadcast %mul3A_365 : i32 to vector<16xi32>
      %mul3A_367 = arith.muli %get3A_364, %mul3A_366 : vector<16xi32>
      %get3A_368 = arith.constant 160 : index
      %get3A_369 = tpu.vector_load %arg11[%get3A_368] {strides = array<i32>} : memref<400xi32, #tpu.memory_space<vmem>>, vector<16xi32>,
      %get3A_370 = vector.shape_cast %get3A_369 : vector<16xi32> to vector<16xi32>
      %mul3A_371 = arith.constant 2 : i32
      %mul3A_372 = vector.broadcast %mul3A_371 : i32 to vector<16xi32>
      %mul3A_373 = arith.muli %get3A_370, %mul3A_372 : vector<16xi32>
      %swap3A_374 = arith.constant 160 : index
      %swap3A_375 = tpu.vector_load %arg12[%swap3A_374] {strides = array<i32>} : memref<400xi32, #tpu.memory_space<vmem>>, vector<16xi32>,
      %swap3A_376 = vector.shape_cast %swap3A_375 : vector<16xi32> to vector<16xi32>
      %swap3A_377 = vector.shape_cast %mul3A_367 : vector<16xi32> to vector<16xi32>
      tpu.vector_store %arg12[%swap3A_374], %swap3A_377 {strides = array<i32>} : memref<400xi32, #tpu.memory_space<vmem>>, vector<16xi32>,
      %add3A_378 = arith.constant 1 : i32
      %add3A_379 = vector.broadcast %add3A_378 : i32 to vector<16xi32>
      %add3A_380 = arith.addi %mul3A_367, %add3A_379 : vector<16xi32>
      %swap3A_381 = arith.constant 160 : index
      %swap3A_382 = tpu.vector_load %arg13[%swap3A_381] {strides = array<i32>} : memref<400xi32, #tpu.memory_space<vmem>>, vector<16xi32>,
      %swap3A_383 = vector.shape_cast %swap3A_382 : vector<16xi32> to vector<16xi32>
      %swap3A_384 = vector.shape_cast %add3A_380 : vector<16xi32> to vector<16xi32>
      tpu.vector_store %arg13[%swap3A_381], %swap3A_384 {strides = array<i32>} : memref<400xi32, #tpu.memory_space<vmem>>, vector<16xi32>,
      %swap3A_385 = arith.constant 160 : index
      %swap3A_386 = tpu.vector_load %arg14[%swap3A_385] {strides = array<i32>} : memref<400xi32, #tpu.memory_space<vmem>>, vector<16xi32>,
      %swap3A_387 = vector.shape_cast %swap3A_386 : vector<16xi32> to vector<16xi32>
      %swap3A_388 = vector.shape_cast %mul3A_373 : vector<16xi32> to vector<16xi32>
      tpu.vector_store %arg14[%swap3A_385], %swap3A_388 {strides = array<i32>} : memref<400xi32, #tpu.memory_space<vmem>>, vector<16xi32>,
      %add3A_389 = arith.constant 1 : i32
      %add3A_390 = vector.broadcast %add3A_389 : i32 to vector<16xi32>
      %add3A_391 = arith.addi %mul3A_373, %add3A_390 : vector<16xi32>
      %swap3A_392 = arith.constant 160 : index
      %swap3A_393 = tpu.vector_load %arg15[%swap3A_392] {strides = array<i32>} : memref<400xi32, #tpu.memory_space<vmem>>, vector<16xi32>,
      %swap3A_394 = vector.shape_cast %swap3A_393 : vector<16xi32> to vector<16xi32>
      %swap3A_395 = vector.shape_cast %add3A_391 : vector<16xi32> to vector<16xi32>
      tpu.vector_store %arg15[%swap3A_392], %swap3A_395 {strides = array<i32>} : memref<400xi32, #tpu.memory_space<vmem>>, vector<16xi32>,
      %get3A_396 = arith.constant 176 : index
      %get3A_397 = tpu.vector_load %arg10[%get3A_396] {strides = array<i32>} : memref<400xi32, #tpu.memory_space<vmem>>, vector<16xi32>,
      %get3A_398 = vector.shape_cast %get3A_397 : vector<16xi32> to vector<16xi32>
      %mul3A_399 = arith.constant 2 : i32
      %mul3A_400 = vector.broadcast %mul3A_399 : i32 to vector<16xi32>
      %mul3A_401 = arith.muli %get3A_398, %mul3A_400 : vector<16xi32>
      %get3A_402 = arith.constant 176 : index
      %get3A_403 = tpu.vector_load %arg11[%get3A_402] {strides = array<i32>} : memref<400xi32, #tpu.memory_space<vmem>>, vector<16xi32>,
      %get3A_404 = vector.shape_cast %get3A_403 : vector<16xi32> to vector<16xi32>
      %mul3A_405 = arith.constant 2 : i32
      %mul3A_406 = vector.broadcast %mul3A_405 : i32 to vector<16xi32>
      %mul3A_407 = arith.muli %get3A_404, %mul3A_406 : vector<16xi32>
      %swap3A_408 = arith.constant 176 : index
      %swap3A_409 = tpu.vector_load %arg12[%swap3A_408] {strides = array<i32>} : memref<400xi32, #tpu.memory_space<vmem>>, vector<16xi32>,
      %swap3A_410 = vector.shape_cast %swap3A_409 : vector<16xi32> to vector<16xi32>
      %swap3A_411 = vector.shape_cast %mul3A_401 : vector<16xi32> to vector<16xi32>
      tpu.vector_store %arg12[%swap3A_408], %swap3A_411 {strides = array<i32>} : memref<400xi32, #tpu.memory_space<vmem>>, vector<16xi32>,
      %add3A_412 = arith.constant 1 : i32
      %add3A_413 = vector.broadcast %add3A_412 : i32 to vector<16xi32>
      %add3A_414 = arith.addi %mul3A_401, %add3A_413 : vector<16xi32>
      %swap3A_415 = arith.constant 176 : index
      %swap3A_416 = tpu.vector_load %arg13[%swap3A_415] {strides = array<i32>} : memref<400xi32, #tpu.memory_space<vmem>>, vector<16xi32>,
      %swap3A_417 = vector.shape_cast %swap3A_416 : vector<16xi32> to vector<16xi32>
      %swap3A_418 = vector.shape_cast %add3A_414 : vector<16xi32> to vector<16xi32>
      tpu.vector_store %arg13[%swap3A_415], %swap3A_418 {strides = array<i32>} : memref<400xi32, #tpu.memory_space<vmem>>, vector<16xi32>,
      %swap3A_419 = arith.constant 176 : index
      %swap3A_420 = tpu.vector_load %arg14[%swap3A_419] {strides = array<i32>} : memref<400xi32, #tpu.memory_space<vmem>>, vector<16xi32>,
      %swap3A_421 = vector.shape_cast %swap3A_420 : vector<16xi32> to vector<16xi32>
      %swap3A_422 = vector.shape_cast %mul3A_407 : vector<16xi32> to vector<16xi32>
      tpu.vector_store %arg14[%swap3A_419], %swap3A_422 {strides = array<i32>} : memref<400xi32, #tpu.memory_space<vmem>>, vector<16xi32>,
      %add3A_423 = arith.constant 1 : i32
      %add3A_424 = vector.broadcast %add3A_423 : i32 to vector<16xi32>
      %add3A_425 = arith.addi %mul3A_407, %add3A_424 : vector<16xi32>
      %swap3A_426 = arith.constant 176 : index
      %swap3A_427 = tpu.vector_load %arg15[%swap3A_426] {strides = array<i32>} : memref<400xi32, #tpu.memory_space<vmem>>, vector<16xi32>,
      %swap3A_428 = vector.shape_cast %swap3A_427 : vector<16xi32> to vector<16xi32>
      %swap3A_429 = vector.shape_cast %add3A_425 : vector<16xi32> to vector<16xi32>
      tpu.vector_store %arg15[%swap3A_426], %swap3A_429 {strides = array<i32>} : memref<400xi32, #tpu.memory_space<vmem>>, vector<16xi32>,
      %get3A_430 = arith.constant 192 : index
      %get3A_431 = tpu.vector_load %arg10[%get3A_430] {strides = array<i32>} : memref<400xi32, #tpu.memory_space<vmem>>, vector<16xi32>,
      %get3A_432 = vector.shape_cast %get3A_431 : vector<16xi32> to vector<16xi32>
      %mul3A_433 = arith.constant 2 : i32
      %mul3A_434 = vector.broadcast %mul3A_433 : i32 to vector<16xi32>
      %mul3A_435 = arith.muli %get3A_432, %mul3A_434 : vector<16xi32>
      %get3A_436 = arith.constant 192 : index
      %get3A_437 = tpu.vector_load %arg11[%get3A_436] {strides = array<i32>} : memref<400xi32, #tpu.memory_space<vmem>>, vector<16xi32>,
      %get3A_438 = vector.shape_cast %get3A_437 : vector<16xi32> to vector<16xi32>
      %mul3A_439 = arith.constant 2 : i32
      %mul3A_440 = vector.broadcast %mul3A_439 : i32 to vector<16xi32>
      %mul3A_441 = arith.muli %get3A_438, %mul3A_440 : vector<16xi32>
      %swap3A_442 = arith.constant 192 : index
      %swap3A_443 = tpu.vector_load %arg12[%swap3A_442] {strides = array<i32>} : memref<400xi32, #tpu.memory_space<vmem>>, vector<16xi32>,
      %swap3A_444 = vector.shape_cast %swap3A_443 : vector<16xi32> to vector<16xi32>
      %swap3A_445 = vector.shape_cast %mul3A_435 : vector<16xi32> to vector<16xi32>
      tpu.vector_store %arg12[%swap3A_442], %swap3A_445 {strides = array<i32>} : memref<400xi32, #tpu.memory_space<vmem>>, vector<16xi32>,
      %add3A_446 = arith.constant 1 : i32
      %add3A_447 = vector.broadcast %add3A_446 : i32 to vector<16xi32>
      %add3A_448 = arith.addi %mul3A_435, %add3A_447 : vector<16xi32>
      %swap3A_449 = arith.constant 192 : index
      %swap3A_450 = tpu.vector_load %arg13[%swap3A_449] {strides = array<i32>} : memref<400xi32, #tpu.memory_space<vmem>>, vector<16xi32>,
      %swap3A_451 = vector.shape_cast %swap3A_450 : vector<16xi32> to vector<16xi32>
      %swap3A_452 = vector.shape_cast %add3A_448 : vector<16xi32> to vector<16xi32>
      tpu.vector_store %arg13[%swap3A_449], %swap3A_452 {strides = array<i32>} : memref<400xi32, #tpu.memory_space<vmem>>, vector<16xi32>,
      %swap3A_453 = arith.constant 192 : index
      %swap3A_454 = tpu.vector_load %arg14[%swap3A_453] {strides = array<i32>} : memref<400xi32, #tpu.memory_space<vmem>>, vector<16xi32>,
      %swap3A_455 = vector.shape_cast %swap3A_454 : vector<16xi32> to vector<16xi32>
      %swap3A_456 = vector.shape_cast %mul3A_441 : vector<16xi32> to vector<16xi32>
      tpu.vector_store %arg14[%swap3A_453], %swap3A_456 {strides = array<i32>} : memref<400xi32, #tpu.memory_space<vmem>>, vector<16xi32>,
      %add3A_457 = arith.constant 1 : i32
      %add3A_458 = vector.broadcast %add3A_457 : i32 to vector<16xi32>
      %add3A_459 = arith.addi %mul3A_441, %add3A_458 : vector<16xi32>
      %swap3A_460 = arith.constant 192 : index
      %swap3A_461 = tpu.vector_load %arg15[%swap3A_460] {strides = array<i32>} : memref<400xi32, #tpu.memory_space<vmem>>, vector<16xi32>,
      %swap3A_462 = vector.shape_cast %swap3A_461 : vector<16xi32> to vector<16xi32>
      %swap3A_463 = vector.shape_cast %add3A_459 : vector<16xi32> to vector<16xi32>
      tpu.vector_store %arg15[%swap3A_460], %swap3A_463 {strides = array<i32>} : memref<400xi32, #tpu.memory_space<vmem>>, vector<16xi32>,
      %get3A_464 = arith.constant 208 : index
      %get3A_465 = tpu.vector_load %arg10[%get3A_464] {strides = array<i32>} : memref<400xi32, #tpu.memory_space<vmem>>, vector<16xi32>,
      %get3A_466 = vector.shape_cast %get3A_465 : vector<16xi32> to vector<16xi32>
      %mul3A_467 = arith.constant 2 : i32
      %mul3A_468 = vector.broadcast %mul3A_467 : i32 to vector<16xi32>
      %mul3A_469 = arith.muli %get3A_466, %mul3A_468 : vector<16xi32>
      %get3A_470 = arith.constant 208 : index
      %get3A_471 = tpu.vector_load %arg11[%get3A_470] {strides = array<i32>} : memref<400xi32, #tpu.memory_space<vmem>>, vector<16xi32>,
      %get3A_472 = vector.shape_cast %get3A_471 : vector<16xi32> to vector<16xi32>
      %mul3A_473 = arith.constant 2 : i32
      %mul3A_474 = vector.broadcast %mul3A_473 : i32 to vector<16xi32>
      %mul3A_475 = arith.muli %get3A_472, %mul3A_474 : vector<16xi32>
      %swap3A_476 = arith.constant 208 : index
      %swap3A_477 = tpu.vector_load %arg12[%swap3A_476] {strides = array<i32>} : memref<400xi32, #tpu.memory_space<vmem>>, vector<16xi32>,
      %swap3A_478 = vector.shape_cast %swap3A_477 : vector<16xi32> to vector<16xi32>
      %swap3A_479 = vector.shape_cast %mul3A_469 : vector<16xi32> to vector<16xi32>
      tpu.vector_store %arg12[%swap3A_476], %swap3A_479 {strides = array<i32>} : memref<400xi32, #tpu.memory_space<vmem>>, vector<16xi32>,
      %add3A_480 = arith.constant 1 : i32
      %add3A_481 = vector.broadcast %add3A_480 : i32 to vector<16xi32>
      %add3A_482 = arith.addi %mul3A_469, %add3A_481 : vector<16xi32>
      %swap3A_483 = arith.constant 208 : index
      %swap3A_484 = tpu.vector_load %arg13[%swap3A_483] {strides = array<i32>} : memref<400xi32, #tpu.memory_space<vmem>>, vector<16xi32>,
      %swap3A_485 = vector.shape_cast %swap3A_484 : vector<16xi32> to vector<16xi32>
      %swap3A_486 = vector.shape_cast %add3A_482 : vector<16xi32> to vector<16xi32>
      tpu.vector_store %arg13[%swap3A_483], %swap3A_486 {strides = array<i32>} : memref<400xi32, #tpu.memory_space<vmem>>, vector<16xi32>,
      %swap3A_487 = arith.constant 208 : index
      %swap3A_488 = tpu.vector_load %arg14[%swap3A_487] {strides = array<i32>} : memref<400xi32, #tpu.memory_space<vmem>>, vector<16xi32>,
      %swap3A_489 = vector.shape_cast %swap3A_488 : vector<16xi32> to vector<16xi32>
      %swap3A_490 = vector.shape_cast %mul3A_475 : vector<16xi32> to vector<16xi32>
      tpu.vector_store %arg14[%swap3A_487], %swap3A_490 {strides = array<i32>} : memref<400xi32, #tpu.memory_space<vmem>>, vector<16xi32>,
      %add3A_491 = arith.constant 1 : i32
      %add3A_492 = vector.broadcast %add3A_491 : i32 to vector<16xi32>
      %add3A_493 = arith.addi %mul3A_475, %add3A_492 : vector<16xi32>
      %swap3A_494 = arith.constant 208 : index
      %swap3A_495 = tpu.vector_load %arg15[%swap3A_494] {strides = array<i32>} : memref<400xi32, #tpu.memory_space<vmem>>, vector<16xi32>,
      %swap3A_496 = vector.shape_cast %swap3A_495 : vector<16xi32> to vector<16xi32>
      %swap3A_497 = vector.shape_cast %add3A_493 : vector<16xi32> to vector<16xi32>
      tpu.vector_store %arg15[%swap3A_494], %swap3A_497 {strides = array<i32>} : memref<400xi32, #tpu.memory_space<vmem>>, vector<16xi32>,
      %get3A_498 = arith.constant 224 : index
      %get3A_499 = tpu.vector_load %arg10[%get3A_498] {strides = array<i32>} : memref<400xi32, #tpu.memory_space<vmem>>, vector<16xi32>,
      %get3A_500 = vector.shape_cast %get3A_499 : vector<16xi32> to vector<16xi32>
      %mul3A_501 = arith.constant 2 : i32
      %mul3A_502 = vector.broadcast %mul3A_501 : i32 to vector<16xi32>
      %mul3A_503 = arith.muli %get3A_500, %mul3A_502 : vector<16xi32>
      %get3A_504 = arith.constant 224 : index
      %get3A_505 = tpu.vector_load %arg11[%get3A_504] {strides = array<i32>} : memref<400xi32, #tpu.memory_space<vmem>>, vector<16xi32>,
      %get3A_506 = vector.shape_cast %get3A_505 : vector<16xi32> to vector<16xi32>
      %mul3A_507 = arith.constant 2 : i32
      %mul3A_508 = vector.broadcast %mul3A_507 : i32 to vector<16xi32>
      %mul3A_509 = arith.muli %get3A_506, %mul3A_508 : vector<16xi32>
      %swap3A_510 = arith.constant 224 : index
      %swap3A_511 = tpu.vector_load %arg12[%swap3A_510] {strides = array<i32>} : memref<400xi32, #tpu.memory_space<vmem>>, vector<16xi32>,
      %swap3A_512 = vector.shape_cast %swap3A_511 : vector<16xi32> to vector<16xi32>
      %swap3A_513 = vector.shape_cast %mul3A_503 : vector<16xi32> to vector<16xi32>
      tpu.vector_store %arg12[%swap3A_510], %swap3A_513 {strides = array<i32>} : memref<400xi32, #tpu.memory_space<vmem>>, vector<16xi32>,
      %add3A_514 = arith.constant 1 : i32
      %add3A_515 = vector.broadcast %add3A_514 : i32 to vector<16xi32>
      %add3A_516 = arith.addi %mul3A_503, %add3A_515 : vector<16xi32>
      %swap3A_517 = arith.constant 224 : index
      %swap3A_518 = tpu.vector_load %arg13[%swap3A_517] {strides = array<i32>} : memref<400xi32, #tpu.memory_space<vmem>>, vector<16xi32>,
      %swap3A_519 = vector.shape_cast %swap3A_518 : vector<16xi32> to vector<16xi32>
      %swap3A_520 = vector.shape_cast %add3A_516 : vector<16xi32> to vector<16xi32>
      tpu.vector_store %arg13[%swap3A_517], %swap3A_520 {strides = array<i32>} : memref<400xi32, #tpu.memory_space<vmem>>, vector<16xi32>,
      %swap3A_521 = arith.constant 224 : index
      %swap3A_522 = tpu.vector_load %arg14[%swap3A_521] {strides = array<i32>} : memref<400xi32, #tpu.memory_space<vmem>>, vector<16xi32>,
      %swap3A_523 = vector.shape_cast %swap3A_522 : vector<16xi32> to vector<16xi32>
      %swap3A_524 = vector.shape_cast %mul3A_509 : vector<16xi32> to vector<16xi32>
      tpu.vector_store %arg14[%swap3A_521], %swap3A_524 {strides = array<i32>} : memref<400xi32, #tpu.memory_space<vmem>>, vector<16xi32>,
      %add3A_525 = arith.constant 1 : i32
      %add3A_526 = vector.broadcast %add3A_525 : i32 to vector<16xi32>
      %add3A_527 = arith.addi %mul3A_509, %add3A_526 : vector<16xi32>
      %swap3A_528 = arith.constant 224 : index
      %swap3A_529 = tpu.vector_load %arg15[%swap3A_528] {strides = array<i32>} : memref<400xi32, #tpu.memory_space<vmem>>, vector<16xi32>,
      %swap3A_530 = vector.shape_cast %swap3A_529 : vector<16xi32> to vector<16xi32>
      %swap3A_531 = vector.shape_cast %add3A_527 : vector<16xi32> to vector<16xi32>
      tpu.vector_store %arg15[%swap3A_528], %swap3A_531 {strides = array<i32>} : memref<400xi32, #tpu.memory_space<vmem>>, vector<16xi32>,
      %get3A_532 = arith.constant 240 : index
      %get3A_533 = tpu.vector_load %arg10[%get3A_532] {strides = array<i32>} : memref<400xi32, #tpu.memory_space<vmem>>, vector<16xi32>,
      %get3A_534 = vector.shape_cast %get3A_533 : vector<16xi32> to vector<16xi32>
      %mul3A_535 = arith.constant 2 : i32
      %mul3A_536 = vector.broadcast %mul3A_535 : i32 to vector<16xi32>
      %mul3A_537 = arith.muli %get3A_534, %mul3A_536 : vector<16xi32>
      %get3A_538 = arith.constant 240 : index
      %get3A_539 = tpu.vector_load %arg11[%get3A_538] {strides = array<i32>} : memref<400xi32, #tpu.memory_space<vmem>>, vector<16xi32>,
      %get3A_540 = vector.shape_cast %get3A_539 : vector<16xi32> to vector<16xi32>
      %mul3A_541 = arith.constant 2 : i32
      %mul3A_542 = vector.broadcast %mul3A_541 : i32 to vector<16xi32>
      %mul3A_543 = arith.muli %get3A_540, %mul3A_542 : vector<16xi32>
      %swap3A_544 = arith.constant 240 : index
      %swap3A_545 = tpu.vector_load %arg12[%swap3A_544] {strides = array<i32>} : memref<400xi32, #tpu.memory_space<vmem>>, vector<16xi32>,
      %swap3A_546 = vector.shape_cast %swap3A_545 : vector<16xi32> to vector<16xi32>
      %swap3A_547 = vector.shape_cast %mul3A_537 : vector<16xi32> to vector<16xi32>
      tpu.vector_store %arg12[%swap3A_544], %swap3A_547 {strides = array<i32>} : memref<400xi32, #tpu.memory_space<vmem>>, vector<16xi32>,
      %add3A_548 = arith.constant 1 : i32
      %add3A_549 = vector.broadcast %add3A_548 : i32 to vector<16xi32>
      %add3A_550 = arith.addi %mul3A_537, %add3A_549 : vector<16xi32>
      %swap3A_551 = arith.constant 240 : index
      %swap3A_552 = tpu.vector_load %arg13[%swap3A_551] {strides = array<i32>} : memref<400xi32, #tpu.memory_space<vmem>>, vector<16xi32>,
      %swap3A_553 = vector.shape_cast %swap3A_552 : vector<16xi32> to vector<16xi32>
      %swap3A_554 = vector.shape_cast %add3A_550 : vector<16xi32> to vector<16xi32>
      tpu.vector_store %arg13[%swap3A_551], %swap3A_554 {strides = array<i32>} : memref<400xi32, #tpu.memory_space<vmem>>, vector<16xi32>,
      %swap3A_555 = arith.constant 240 : index
      %swap3A_556 = tpu.vector_load %arg14[%swap3A_555] {strides = array<i32>} : memref<400xi32, #tpu.memory_space<vmem>>, vector<16xi32>,
      %swap3A_557 = vector.shape_cast %swap3A_556 : vector<16xi32> to vector<16xi32>
      %swap3A_558 = vector.shape_cast %mul3A_543 : vector<16xi32> to vector<16xi32>
      tpu.vector_store %arg14[%swap3A_555], %swap3A_558 {strides = array<i32>} : memref<400xi32, #tpu.memory_space<vmem>>, vector<16xi32>,
      %add3A_559 = arith.constant 1 : i32
      %add3A_560 = vector.broadcast %add3A_559 : i32 to vector<16xi32>
      %add3A_561 = arith.addi %mul3A_543, %add3A_560 : vector<16xi32>
      %swap3A_562 = arith.constant 240 : index
      %swap3A_563 = tpu.vector_load %arg15[%swap3A_562] {strides = array<i32>} : memref<400xi32, #tpu.memory_space<vmem>>, vector<16xi32>,
      %swap3A_564 = vector.shape_cast %swap3A_563 : vector<16xi32> to vector<16xi32>
      %swap3A_565 = vector.shape_cast %add3A_561 : vector<16xi32> to vector<16xi32>
      tpu.vector_store %arg15[%swap3A_562], %swap3A_565 {strides = array<i32>} : memref<400xi32, #tpu.memory_space<vmem>>, vector<16xi32>,
      %get3A_566 = arith.constant 256 : index
      %get3A_567 = tpu.vector_load %arg10[%get3A_566] {strides = array<i32>} : memref<400xi32, #tpu.memory_space<vmem>>, vector<16xi32>,
      %get3A_568 = vector.shape_cast %get3A_567 : vector<16xi32> to vector<16xi32>
      %mul3A_569 = arith.constant 2 : i32
      %mul3A_570 = vector.broadcast %mul3A_569 : i32 to vector<16xi32>
      %mul3A_571 = arith.muli %get3A_568, %mul3A_570 : vector<16xi32>
      %get3A_572 = arith.constant 256 : index
      %get3A_573 = tpu.vector_load %arg11[%get3A_572] {strides = array<i32>} : memref<400xi32, #tpu.memory_space<vmem>>, vector<16xi32>,
      %get3A_574 = vector.shape_cast %get3A_573 : vector<16xi32> to vector<16xi32>
      %mul3A_575 = arith.constant 2 : i32
      %mul3A_576 = vector.broadcast %mul3A_575 : i32 to vector<16xi32>
      %mul3A_577 = arith.muli %get3A_574, %mul3A_576 : vector<16xi32>
      %swap3A_578 = arith.constant 256 : index
      %swap3A_579 = tpu.vector_load %arg12[%swap3A_578] {strides = array<i32>} : memref<400xi32, #tpu.memory_space<vmem>>, vector<16xi32>,
      %swap3A_580 = vector.shape_cast %swap3A_579 : vector<16xi32> to vector<16xi32>
      %swap3A_581 = vector.shape_cast %mul3A_571 : vector<16xi32> to vector<16xi32>
      tpu.vector_store %arg12[%swap3A_578], %swap3A_581 {strides = array<i32>} : memref<400xi32, #tpu.memory_space<vmem>>, vector<16xi32>,
      %add3A_582 = arith.constant 1 : i32
      %add3A_583 = vector.broadcast %add3A_582 : i32 to vector<16xi32>
      %add3A_584 = arith.addi %mul3A_571, %add3A_583 : vector<16xi32>
      %swap3A_585 = arith.constant 256 : index
      %swap3A_586 = tpu.vector_load %arg13[%swap3A_585] {strides = array<i32>} : memref<400xi32, #tpu.memory_space<vmem>>, vector<16xi32>,
      %swap3A_587 = vector.shape_cast %swap3A_586 : vector<16xi32> to vector<16xi32>
      %swap3A_588 = vector.shape_cast %add3A_584 : vector<16xi32> to vector<16xi32>
      tpu.vector_store %arg13[%swap3A_585], %swap3A_588 {strides = array<i32>} : memref<400xi32, #tpu.memory_space<vmem>>, vector<16xi32>,
      %swap3A_589 = arith.constant 256 : index
      %swap3A_590 = tpu.vector_load %arg14[%swap3A_589] {strides = array<i32>} : memref<400xi32, #tpu.memory_space<vmem>>, vector<16xi32>,
      %swap3A_591 = vector.shape_cast %swap3A_590 : vector<16xi32> to vector<16xi32>
      %swap3A_592 = vector.shape_cast %mul3A_577 : vector<16xi32> to vector<16xi32>
      tpu.vector_store %arg14[%swap3A_589], %swap3A_592 {strides = array<i32>} : memref<400xi32, #tpu.memory_space<vmem>>, vector<16xi32>,
      %add3A_593 = arith.constant 1 : i32
      %add3A_594 = vector.broadcast %add3A_593 : i32 to vector<16xi32>
      %add3A_595 = arith.addi %mul3A_577, %add3A_594 : vector<16xi32>
      %swap3A_596 = arith.constant 256 : index
      %swap3A_597 = tpu.vector_load %arg15[%swap3A_596] {strides = array<i32>} : memref<400xi32, #tpu.memory_space<vmem>>, vector<16xi32>,
      %swap3A_598 = vector.shape_cast %swap3A_597 : vector<16xi32> to vector<16xi32>
      %swap3A_599 = vector.shape_cast %add3A_595 : vector<16xi32> to vector<16xi32>
      tpu.vector_store %arg15[%swap3A_596], %swap3A_599 {strides = array<i32>} : memref<400xi32, #tpu.memory_space<vmem>>, vector<16xi32>,
      %get3A_600 = arith.constant 272 : index
      %get3A_601 = tpu.vector_load %arg10[%get3A_600] {strides = array<i32>} : memref<400xi32, #tpu.memory_space<vmem>>, vector<16xi32>,
      %get3A_602 = vector.shape_cast %get3A_601 : vector<16xi32> to vector<16xi32>
      %mul3A_603 = arith.constant 2 : i32
      %mul3A_604 = vector.broadcast %mul3A_603 : i32 to vector<16xi32>
      %mul3A_605 = arith.muli %get3A_602, %mul3A_604 : vector<16xi32>
      %get3A_606 = arith.constant 272 : index
      %get3A_607 = tpu.vector_load %arg11[%get3A_606] {strides = array<i32>} : memref<400xi32, #tpu.memory_space<vmem>>, vector<16xi32>,
      %get3A_608 = vector.shape_cast %get3A_607 : vector<16xi32> to vector<16xi32>
      %mul3A_609 = arith.constant 2 : i32
      %mul3A_610 = vector.broadcast %mul3A_609 : i32 to vector<16xi32>
      %mul3A_611 = arith.muli %get3A_608, %mul3A_610 : vector<16xi32>
      %swap3A_612 = arith.constant 272 : index
      %swap3A_613 = tpu.vector_load %arg12[%swap3A_612] {strides = array<i32>} : memref<400xi32, #tpu.memory_space<vmem>>, vector<16xi32>,
      %swap3A_614 = vector.shape_cast %swap3A_613 : vector<16xi32> to vector<16xi32>
      %swap3A_615 = vector.shape_cast %mul3A_605 : vector<16xi32> to vector<16xi32>
      tpu.vector_store %arg12[%swap3A_612], %swap3A_615 {strides = array<i32>} : memref<400xi32, #tpu.memory_space<vmem>>, vector<16xi32>,
      %add3A_616 = arith.constant 1 : i32
      %add3A_617 = vector.broadcast %add3A_616 : i32 to vector<16xi32>
      %add3A_618 = arith.addi %mul3A_605, %add3A_617 : vector<16xi32>
      %swap3A_619 = arith.constant 272 : index
      %swap3A_620 = tpu.vector_load %arg13[%swap3A_619] {strides = array<i32>} : memref<400xi32, #tpu.memory_space<vmem>>, vector<16xi32>,
      %swap3A_621 = vector.shape_cast %swap3A_620 : vector<16xi32> to vector<16xi32>
      %swap3A_622 = vector.shape_cast %add3A_618 : vector<16xi32> to vector<16xi32>
      tpu.vector_store %arg13[%swap3A_619], %swap3A_622 {strides = array<i32>} : memref<400xi32, #tpu.memory_space<vmem>>, vector<16xi32>,
      %swap3A_623 = arith.constant 272 : index
      %swap3A_624 = tpu.vector_load %arg14[%swap3A_623] {strides = array<i32>} : memref<400xi32, #tpu.memory_space<vmem>>, vector<16xi32>,
      %swap3A_625 = vector.shape_cast %swap3A_624 : vector<16xi32> to vector<16xi32>
      %swap3A_626 = vector.shape_cast %mul3A_611 : vector<16xi32> to vector<16xi32>
      tpu.vector_store %arg14[%swap3A_623], %swap3A_626 {strides = array<i32>} : memref<400xi32, #tpu.memory_space<vmem>>, vector<16xi32>,
      %add3A_627 = arith.constant 1 : i32
      %add3A_628 = vector.broadcast %add3A_627 : i32 to vector<16xi32>
      %add3A_629 = arith.addi %mul3A_611, %add3A_628 : vector<16xi32>
      %swap3A_630 = arith.constant 272 : index
      %swap3A_631 = tpu.vector_load %arg15[%swap3A_630] {strides = array<i32>} : memref<400xi32, #tpu.memory_space<vmem>>, vector<16xi32>,
      %swap3A_632 = vector.shape_cast %swap3A_631 : vector<16xi32> to vector<16xi32>
      %swap3A_633 = vector.shape_cast %add3A_629 : vector<16xi32> to vector<16xi32>
      tpu.vector_store %arg15[%swap3A_630], %swap3A_633 {strides = array<i32>} : memref<400xi32, #tpu.memory_space<vmem>>, vector<16xi32>,
      %get3A_634 = arith.constant 288 : index
      %get3A_635 = tpu.vector_load %arg10[%get3A_634] {strides = array<i32>} : memref<400xi32, #tpu.memory_space<vmem>>, vector<16xi32>,
      %get3A_636 = vector.shape_cast %get3A_635 : vector<16xi32> to vector<16xi32>
      %mul3A_637 = arith.constant 2 : i32
      %mul3A_638 = vector.broadcast %mul3A_637 : i32 to vector<16xi32>
      %mul3A_639 = arith.muli %get3A_636, %mul3A_638 : vector<16xi32>
      %get3A_640 = arith.constant 288 : index
      %get3A_641 = tpu.vector_load %arg11[%get3A_640] {strides = array<i32>} : memref<400xi32, #tpu.memory_space<vmem>>, vector<16xi32>,
      %get3A_642 = vector.shape_cast %get3A_641 : vector<16xi32> to vector<16xi32>
      %mul3A_643 = arith.constant 2 : i32
      %mul3A_644 = vector.broadcast %mul3A_643 : i32 to vector<16xi32>
      %mul3A_645 = arith.muli %get3A_642, %mul3A_644 : vector<16xi32>
      %swap3A_646 = arith.constant 288 : index
      %swap3A_647 = tpu.vector_load %arg12[%swap3A_646] {strides = array<i32>} : memref<400xi32, #tpu.memory_space<vmem>>, vector<16xi32>,
      %swap3A_648 = vector.shape_cast %swap3A_647 : vector<16xi32> to vector<16xi32>
      %swap3A_649 = vector.shape_cast %mul3A_639 : vector<16xi32> to vector<16xi32>
      tpu.vector_store %arg12[%swap3A_646], %swap3A_649 {strides = array<i32>} : memref<400xi32, #tpu.memory_space<vmem>>, vector<16xi32>,
      %add3A_650 = arith.constant 1 : i32
      %add3A_651 = vector.broadcast %add3A_650 : i32 to vector<16xi32>
      %add3A_652 = arith.addi %mul3A_639, %add3A_651 : vector<16xi32>
      %swap3A_653 = arith.constant 288 : index
      %swap3A_654 = tpu.vector_load %arg13[%swap3A_653] {strides = array<i32>} : memref<400xi32, #tpu.memory_space<vmem>>, vector<16xi32>,
      %swap3A_655 = vector.shape_cast %swap3A_654 : vector<16xi32> to vector<16xi32>
      %swap3A_656 = vector.shape_cast %add3A_652 : vector<16xi32> to vector<16xi32>
      tpu.vector_store %arg13[%swap3A_653], %swap3A_656 {strides = array<i32>} : memref<400xi32, #tpu.memory_space<vmem>>, vector<16xi32>,
      %swap3A_657 = arith.constant 288 : index
      %swap3A_658 = tpu.vector_load %arg14[%swap3A_657] {strides = array<i32>} : memref<400xi32, #tpu.memory_space<vmem>>, vector<16xi32>,
      %swap3A_659 = vector.shape_cast %swap3A_658 : vector<16xi32> to vector<16xi32>
      %swap3A_660 = vector.shape_cast %mul3A_645 : vector<16xi32> to vector<16xi32>
      tpu.vector_store %arg14[%swap3A_657], %swap3A_660 {strides = array<i32>} : memref<400xi32, #tpu.memory_space<vmem>>, vector<16xi32>,
      %add3A_661 = arith.constant 1 : i32
      %add3A_662 = vector.broadcast %add3A_661 : i32 to vector<16xi32>
      %add3A_663 = arith.addi %mul3A_645, %add3A_662 : vector<16xi32>
      %swap3A_664 = arith.constant 288 : index
      %swap3A_665 = tpu.vector_load %arg15[%swap3A_664] {strides = array<i32>} : memref<400xi32, #tpu.memory_space<vmem>>, vector<16xi32>,
      %swap3A_666 = vector.shape_cast %swap3A_665 : vector<16xi32> to vector<16xi32>
      %swap3A_667 = vector.shape_cast %add3A_663 : vector<16xi32> to vector<16xi32>
      tpu.vector_store %arg15[%swap3A_664], %swap3A_667 {strides = array<i32>} : memref<400xi32, #tpu.memory_space<vmem>>, vector<16xi32>,
      %get3A_668 = arith.constant 304 : index
      %get3A_669 = tpu.vector_load %arg10[%get3A_668] {strides = array<i32>} : memref<400xi32, #tpu.memory_space<vmem>>, vector<16xi32>,
      %get3A_670 = vector.shape_cast %get3A_669 : vector<16xi32> to vector<16xi32>
      %mul3A_671 = arith.constant 2 : i32
      %mul3A_672 = vector.broadcast %mul3A_671 : i32 to vector<16xi32>
      %mul3A_673 = arith.muli %get3A_670, %mul3A_672 : vector<16xi32>
      %get3A_674 = arith.constant 304 : index
      %get3A_675 = tpu.vector_load %arg11[%get3A_674] {strides = array<i32>} : memref<400xi32, #tpu.memory_space<vmem>>, vector<16xi32>,
      %get3A_676 = vector.shape_cast %get3A_675 : vector<16xi32> to vector<16xi32>
      %mul3A_677 = arith.constant 2 : i32
      %mul3A_678 = vector.broadcast %mul3A_677 : i32 to vector<16xi32>
      %mul3A_679 = arith.muli %get3A_676, %mul3A_678 : vector<16xi32>
      %swap3A_680 = arith.constant 304 : index
      %swap3A_681 = tpu.vector_load %arg12[%swap3A_680] {strides = array<i32>} : memref<400xi32, #tpu.memory_space<vmem>>, vector<16xi32>,
      %swap3A_682 = vector.shape_cast %swap3A_681 : vector<16xi32> to vector<16xi32>
      %swap3A_683 = vector.shape_cast %mul3A_673 : vector<16xi32> to vector<16xi32>
      tpu.vector_store %arg12[%swap3A_680], %swap3A_683 {strides = array<i32>} : memref<400xi32, #tpu.memory_space<vmem>>, vector<16xi32>,
      %add3A_684 = arith.constant 1 : i32
      %add3A_685 = vector.broadcast %add3A_684 : i32 to vector<16xi32>
      %add3A_686 = arith.addi %mul3A_673, %add3A_685 : vector<16xi32>
      %swap3A_687 = arith.constant 304 : index
      %swap3A_688 = tpu.vector_load %arg13[%swap3A_687] {strides = array<i32>} : memref<400xi32, #tpu.memory_space<vmem>>, vector<16xi32>,
      %swap3A_689 = vector.shape_cast %swap3A_688 : vector<16xi32> to vector<16xi32>
      %swap3A_690 = vector.shape_cast %add3A_686 : vector<16xi32> to vector<16xi32>
      tpu.vector_store %arg13[%swap3A_687], %swap3A_690 {strides = array<i32>} : memref<400xi32, #tpu.memory_space<vmem>>, vector<16xi32>,
      %swap3A_691 = arith.constant 304 : index
      %swap3A_692 = tpu.vector_load %arg14[%swap3A_691] {strides = array<i32>} : memref<400xi32, #tpu.memory_space<vmem>>, vector<16xi32>,
      %swap3A_693 = vector.shape_cast %swap3A_692 : vector<16xi32> to vector<16xi32>
      %swap3A_694 = vector.shape_cast %mul3A_679 : vector<16xi32> to vector<16xi32>
      tpu.vector_store %arg14[%swap3A_691], %swap3A_694 {strides = array<i32>} : memref<400xi32, #tpu.memory_space<vmem>>, vector<16xi32>,
      %add3A_695 = arith.constant 1 : i32
      %add3A_696 = vector.broadcast %add3A_695 : i32 to vector<16xi32>
      %add3A_697 = arith.addi %mul3A_679, %add3A_696 : vector<16xi32>
      %swap3A_698 = arith.constant 304 : index
      %swap3A_699 = tpu.vector_load %arg15[%swap3A_698] {strides = array<i32>} : memref<400xi32, #tpu.memory_space<vmem>>, vector<16xi32>,
      %swap3A_700 = vector.shape_cast %swap3A_699 : vector<16xi32> to vector<16xi32>
      %swap3A_701 = vector.shape_cast %add3A_697 : vector<16xi32> to vector<16xi32>
      tpu.vector_store %arg15[%swap3A_698], %swap3A_701 {strides = array<i32>} : memref<400xi32, #tpu.memory_space<vmem>>, vector<16xi32>,
      %get3A_702 = arith.constant 320 : index
      %get3A_703 = tpu.vector_load %arg10[%get3A_702] {strides = array<i32>} : memref<400xi32, #tpu.memory_space<vmem>>, vector<16xi32>,
      %get3A_704 = vector.shape_cast %get3A_703 : vector<16xi32> to vector<16xi32>
      %mul3A_705 = arith.constant 2 : i32
      %mul3A_706 = vector.broadcast %mul3A_705 : i32 to vector<16xi32>
      %mul3A_707 = arith.muli %get3A_704, %mul3A_706 : vector<16xi32>
      %get3A_708 = arith.constant 320 : index
      %get3A_709 = tpu.vector_load %arg11[%get3A_708] {strides = array<i32>} : memref<400xi32, #tpu.memory_space<vmem>>, vector<16xi32>,
      %get3A_710 = vector.shape_cast %get3A_709 : vector<16xi32> to vector<16xi32>
      %mul3A_711 = arith.constant 2 : i32
      %mul3A_712 = vector.broadcast %mul3A_711 : i32 to vector<16xi32>
      %mul3A_713 = arith.muli %get3A_710, %mul3A_712 : vector<16xi32>
      %swap3A_714 = arith.constant 320 : index
      %swap3A_715 = tpu.vector_load %arg12[%swap3A_714] {strides = array<i32>} : memref<400xi32, #tpu.memory_space<vmem>>, vector<16xi32>,
      %swap3A_716 = vector.shape_cast %swap3A_715 : vector<16xi32> to vector<16xi32>
      %swap3A_717 = vector.shape_cast %mul3A_707 : vector<16xi32> to vector<16xi32>
      tpu.vector_store %arg12[%swap3A_714], %swap3A_717 {strides = array<i32>} : memref<400xi32, #tpu.memory_space<vmem>>, vector<16xi32>,
      %add3A_718 = arith.constant 1 : i32
      %add3A_719 = vector.broadcast %add3A_718 : i32 to vector<16xi32>
      %add3A_720 = arith.addi %mul3A_707, %add3A_719 : vector<16xi32>
      %swap3A_721 = arith.constant 320 : index
      %swap3A_722 = tpu.vector_load %arg13[%swap3A_721] {strides = array<i32>} : memref<400xi32, #tpu.memory_space<vmem>>, vector<16xi32>,
      %swap3A_723 = vector.shape_cast %swap3A_722 : vector<16xi32> to vector<16xi32>
      %swap3A_724 = vector.shape_cast %add3A_720 : vector<16xi32> to vector<16xi32>
      tpu.vector_store %arg13[%swap3A_721], %swap3A_724 {strides = array<i32>} : memref<400xi32, #tpu.memory_space<vmem>>, vector<16xi32>,
      %swap3A_725 = arith.constant 320 : index
      %swap3A_726 = tpu.vector_load %arg14[%swap3A_725] {strides = array<i32>} : memref<400xi32, #tpu.memory_space<vmem>>, vector<16xi32>,
      %swap3A_727 = vector.shape_cast %swap3A_726 : vector<16xi32> to vector<16xi32>
      %swap3A_728 = vector.shape_cast %mul3A_713 : vector<16xi32> to vector<16xi32>
      tpu.vector_store %arg14[%swap3A_725], %swap3A_728 {strides = array<i32>} : memref<400xi32, #tpu.memory_space<vmem>>, vector<16xi32>,
      %add3A_729 = arith.constant 1 : i32
      %add3A_730 = vector.broadcast %add3A_729 : i32 to vector<16xi32>
      %add3A_731 = arith.addi %mul3A_713, %add3A_730 : vector<16xi32>
      %swap3A_732 = arith.constant 320 : index
      %swap3A_733 = tpu.vector_load %arg15[%swap3A_732] {strides = array<i32>} : memref<400xi32, #tpu.memory_space<vmem>>, vector<16xi32>,
      %swap3A_734 = vector.shape_cast %swap3A_733 : vector<16xi32> to vector<16xi32>
      %swap3A_735 = vector.shape_cast %add3A_731 : vector<16xi32> to vector<16xi32>
      tpu.vector_store %arg15[%swap3A_732], %swap3A_735 {strides = array<i32>} : memref<400xi32, #tpu.memory_space<vmem>>, vector<16xi32>,
      %get3A_736 = arith.constant 336 : index
      %get3A_737 = tpu.vector_load %arg10[%get3A_736] {strides = array<i32>} : memref<400xi32, #tpu.memory_space<vmem>>, vector<16xi32>,
      %get3A_738 = vector.shape_cast %get3A_737 : vector<16xi32> to vector<16xi32>
      %mul3A_739 = arith.constant 2 : i32
      %mul3A_740 = vector.broadcast %mul3A_739 : i32 to vector<16xi32>
      %mul3A_741 = arith.muli %get3A_738, %mul3A_740 : vector<16xi32>
      %get3A_742 = arith.constant 336 : index
      %get3A_743 = tpu.vector_load %arg11[%get3A_742] {strides = array<i32>} : memref<400xi32, #tpu.memory_space<vmem>>, vector<16xi32>,
      %get3A_744 = vector.shape_cast %get3A_743 : vector<16xi32> to vector<16xi32>
      %mul3A_745 = arith.constant 2 : i32
      %mul3A_746 = vector.broadcast %mul3A_745 : i32 to vector<16xi32>
      %mul3A_747 = arith.muli %get3A_744, %mul3A_746 : vector<16xi32>
      %swap3A_748 = arith.constant 336 : index
      %swap3A_749 = tpu.vector_load %arg12[%swap3A_748] {strides = array<i32>} : memref<400xi32, #tpu.memory_space<vmem>>, vector<16xi32>,
      %swap3A_750 = vector.shape_cast %swap3A_749 : vector<16xi32> to vector<16xi32>
      %swap3A_751 = vector.shape_cast %mul3A_741 : vector<16xi32> to vector<16xi32>
      tpu.vector_store %arg12[%swap3A_748], %swap3A_751 {strides = array<i32>} : memref<400xi32, #tpu.memory_space<vmem>>, vector<16xi32>,
      %add3A_752 = arith.constant 1 : i32
      %add3A_753 = vector.broadcast %add3A_752 : i32 to vector<16xi32>
      %add3A_754 = arith.addi %mul3A_741, %add3A_753 : vector<16xi32>
      %swap3A_755 = arith.constant 336 : index
      %swap3A_756 = tpu.vector_load %arg13[%swap3A_755] {strides = array<i32>} : memref<400xi32, #tpu.memory_space<vmem>>, vector<16xi32>,
      %swap3A_757 = vector.shape_cast %swap3A_756 : vector<16xi32> to vector<16xi32>
      %swap3A_758 = vector.shape_cast %add3A_754 : vector<16xi32> to vector<16xi32>
      tpu.vector_store %arg13[%swap3A_755], %swap3A_758 {strides = array<i32>} : memref<400xi32, #tpu.memory_space<vmem>>, vector<16xi32>,
      %swap3A_759 = arith.constant 336 : index
      %swap3A_760 = tpu.vector_load %arg14[%swap3A_759] {strides = array<i32>} : memref<400xi32, #tpu.memory_space<vmem>>, vector<16xi32>,
      %swap3A_761 = vector.shape_cast %swap3A_760 : vector<16xi32> to vector<16xi32>
      %swap3A_762 = vector.shape_cast %mul3A_747 : vector<16xi32> to vector<16xi32>
      tpu.vector_store %arg14[%swap3A_759], %swap3A_762 {strides = array<i32>} : memref<400xi32, #tpu.memory_space<vmem>>, vector<16xi32>,
      %add3A_763 = arith.constant 1 : i32
      %add3A_764 = vector.broadcast %add3A_763 : i32 to vector<16xi32>
      %add3A_765 = arith.addi %mul3A_747, %add3A_764 : vector<16xi32>
      %swap3A_766 = arith.constant 336 : index
      %swap3A_767 = tpu.vector_load %arg15[%swap3A_766] {strides = array<i32>} : memref<400xi32, #tpu.memory_space<vmem>>, vector<16xi32>,
      %swap3A_768 = vector.shape_cast %swap3A_767 : vector<16xi32> to vector<16xi32>
      %swap3A_769 = vector.shape_cast %add3A_765 : vector<16xi32> to vector<16xi32>
      tpu.vector_store %arg15[%swap3A_766], %swap3A_769 {strides = array<i32>} : memref<400xi32, #tpu.memory_space<vmem>>, vector<16xi32>,
      %get3A_770 = arith.constant 352 : index
      %get3A_771 = tpu.vector_load %arg10[%get3A_770] {strides = array<i32>} : memref<400xi32, #tpu.memory_space<vmem>>, vector<16xi32>,
      %get3A_772 = vector.shape_cast %get3A_771 : vector<16xi32> to vector<16xi32>
      %mul3A_773 = arith.constant 2 : i32
      %mul3A_774 = vector.broadcast %mul3A_773 : i32 to vector<16xi32>
      %mul3A_775 = arith.muli %get3A_772, %mul3A_774 : vector<16xi32>
      %get3A_776 = arith.constant 352 : index
      %get3A_777 = tpu.vector_load %arg11[%get3A_776] {strides = array<i32>} : memref<400xi32, #tpu.memory_space<vmem>>, vector<16xi32>,
      %get3A_778 = vector.shape_cast %get3A_777 : vector<16xi32> to vector<16xi32>
      %mul3A_779 = arith.constant 2 : i32
      %mul3A_780 = vector.broadcast %mul3A_779 : i32 to vector<16xi32>
      %mul3A_781 = arith.muli %get3A_778, %mul3A_780 : vector<16xi32>
      %swap3A_782 = arith.constant 352 : index
      %swap3A_783 = tpu.vector_load %arg12[%swap3A_782] {strides = array<i32>} : memref<400xi32, #tpu.memory_space<vmem>>, vector<16xi32>,
      %swap3A_784 = vector.shape_cast %swap3A_783 : vector<16xi32> to vector<16xi32>
      %swap3A_785 = vector.shape_cast %mul3A_775 : vector<16xi32> to vector<16xi32>
      tpu.vector_store %arg12[%swap3A_782], %swap3A_785 {strides = array<i32>} : memref<400xi32, #tpu.memory_space<vmem>>, vector<16xi32>,
      %add3A_786 = arith.constant 1 : i32
      %add3A_787 = vector.broadcast %add3A_786 : i32 to vector<16xi32>
      %add3A_788 = arith.addi %mul3A_775, %add3A_787 : vector<16xi32>
      %swap3A_789 = arith.constant 352 : index
      %swap3A_790 = tpu.vector_load %arg13[%swap3A_789] {strides = array<i32>} : memref<400xi32, #tpu.memory_space<vmem>>, vector<16xi32>,
      %swap3A_791 = vector.shape_cast %swap3A_790 : vector<16xi32> to vector<16xi32>
      %swap3A_792 = vector.shape_cast %add3A_788 : vector<16xi32> to vector<16xi32>
      tpu.vector_store %arg13[%swap3A_789], %swap3A_792 {strides = array<i32>} : memref<400xi32, #tpu.memory_space<vmem>>, vector<16xi32>,
      %swap3A_793 = arith.constant 352 : index
      %swap3A_794 = tpu.vector_load %arg14[%swap3A_793] {strides = array<i32>} : memref<400xi32, #tpu.memory_space<vmem>>, vector<16xi32>,
      %swap3A_795 = vector.shape_cast %swap3A_794 : vector<16xi32> to vector<16xi32>
      %swap3A_796 = vector.shape_cast %mul3A_781 : vector<16xi32> to vector<16xi32>
      tpu.vector_store %arg14[%swap3A_793], %swap3A_796 {strides = array<i32>} : memref<400xi32, #tpu.memory_space<vmem>>, vector<16xi32>,
      %add3A_797 = arith.constant 1 : i32
      %add3A_798 = vector.broadcast %add3A_797 : i32 to vector<16xi32>
      %add3A_799 = arith.addi %mul3A_781, %add3A_798 : vector<16xi32>
      %swap3A_800 = arith.constant 352 : index
      %swap3A_801 = tpu.vector_load %arg15[%swap3A_800] {strides = array<i32>} : memref<400xi32, #tpu.memory_space<vmem>>, vector<16xi32>,
      %swap3A_802 = vector.shape_cast %swap3A_801 : vector<16xi32> to vector<16xi32>
      %swap3A_803 = vector.shape_cast %add3A_799 : vector<16xi32> to vector<16xi32>
      tpu.vector_store %arg15[%swap3A_800], %swap3A_803 {strides = array<i32>} : memref<400xi32, #tpu.memory_space<vmem>>, vector<16xi32>,
      %get3A_804 = arith.constant 368 : index
      %get3A_805 = tpu.vector_load %arg10[%get3A_804] {strides = array<i32>} : memref<400xi32, #tpu.memory_space<vmem>>, vector<16xi32>,
      %get3A_806 = vector.shape_cast %get3A_805 : vector<16xi32> to vector<16xi32>
      %mul3A_807 = arith.constant 2 : i32
      %mul3A_808 = vector.broadcast %mul3A_807 : i32 to vector<16xi32>
      %mul3A_809 = arith.muli %get3A_806, %mul3A_808 : vector<16xi32>
      %get3A_810 = arith.constant 368 : index
      %get3A_811 = tpu.vector_load %arg11[%get3A_810] {strides = array<i32>} : memref<400xi32, #tpu.memory_space<vmem>>, vector<16xi32>,
      %get3A_812 = vector.shape_cast %get3A_811 : vector<16xi32> to vector<16xi32>
      %mul3A_813 = arith.constant 2 : i32
      %mul3A_814 = vector.broadcast %mul3A_813 : i32 to vector<16xi32>
      %mul3A_815 = arith.muli %get3A_812, %mul3A_814 : vector<16xi32>
      %swap3A_816 = arith.constant 368 : index
      %swap3A_817 = tpu.vector_load %arg12[%swap3A_816] {strides = array<i32>} : memref<400xi32, #tpu.memory_space<vmem>>, vector<16xi32>,
      %swap3A_818 = vector.shape_cast %swap3A_817 : vector<16xi32> to vector<16xi32>
      %swap3A_819 = vector.shape_cast %mul3A_809 : vector<16xi32> to vector<16xi32>
      tpu.vector_store %arg12[%swap3A_816], %swap3A_819 {strides = array<i32>} : memref<400xi32, #tpu.memory_space<vmem>>, vector<16xi32>,
      %add3A_820 = arith.constant 1 : i32
      %add3A_821 = vector.broadcast %add3A_820 : i32 to vector<16xi32>
      %add3A_822 = arith.addi %mul3A_809, %add3A_821 : vector<16xi32>
      %swap3A_823 = arith.constant 368 : index
      %swap3A_824 = tpu.vector_load %arg13[%swap3A_823] {strides = array<i32>} : memref<400xi32, #tpu.memory_space<vmem>>, vector<16xi32>,
      %swap3A_825 = vector.shape_cast %swap3A_824 : vector<16xi32> to vector<16xi32>
      %swap3A_826 = vector.shape_cast %add3A_822 : vector<16xi32> to vector<16xi32>
      tpu.vector_store %arg13[%swap3A_823], %swap3A_826 {strides = array<i32>} : memref<400xi32, #tpu.memory_space<vmem>>, vector<16xi32>,
      %swap3A_827 = arith.constant 368 : index
      %swap3A_828 = tpu.vector_load %arg14[%swap3A_827] {strides = array<i32>} : memref<400xi32, #tpu.memory_space<vmem>>, vector<16xi32>,
      %swap3A_829 = vector.shape_cast %swap3A_828 : vector<16xi32> to vector<16xi32>
      %swap3A_830 = vector.shape_cast %mul3A_815 : vector<16xi32> to vector<16xi32>
      tpu.vector_store %arg14[%swap3A_827], %swap3A_830 {strides = array<i32>} : memref<400xi32, #tpu.memory_space<vmem>>, vector<16xi32>,
      %add3A_831 = arith.constant 1 : i32
      %add3A_832 = vector.broadcast %add3A_831 : i32 to vector<16xi32>
      %add3A_833 = arith.addi %mul3A_815, %add3A_832 : vector<16xi32>
      %swap3A_834 = arith.constant 368 : index
      %swap3A_835 = tpu.vector_load %arg15[%swap3A_834] {strides = array<i32>} : memref<400xi32, #tpu.memory_space<vmem>>, vector<16xi32>,
      %swap3A_836 = vector.shape_cast %swap3A_835 : vector<16xi32> to vector<16xi32>
      %swap3A_837 = vector.shape_cast %add3A_833 : vector<16xi32> to vector<16xi32>
      tpu.vector_store %arg15[%swap3A_834], %swap3A_837 {strides = array<i32>} : memref<400xi32, #tpu.memory_space<vmem>>, vector<16xi32>,
      %get3A_838 = arith.constant 384 : index
      %get3A_839 = tpu.vector_load %arg10[%get3A_838] {strides = array<i32>} : memref<400xi32, #tpu.memory_space<vmem>>, vector<16xi32>,
      %get3A_840 = vector.shape_cast %get3A_839 : vector<16xi32> to vector<16xi32>
      %mul3A_841 = arith.constant 2 : i32
      %mul3A_842 = vector.broadcast %mul3A_841 : i32 to vector<16xi32>
      %mul3A_843 = arith.muli %get3A_840, %mul3A_842 : vector<16xi32>
      %get3A_844 = arith.constant 384 : index
      %get3A_845 = tpu.vector_load %arg11[%get3A_844] {strides = array<i32>} : memref<400xi32, #tpu.memory_space<vmem>>, vector<16xi32>,
      %get3A_846 = vector.shape_cast %get3A_845 : vector<16xi32> to vector<16xi32>
      %mul3A_847 = arith.constant 2 : i32
      %mul3A_848 = vector.broadcast %mul3A_847 : i32 to vector<16xi32>
      %mul3A_849 = arith.muli %get3A_846, %mul3A_848 : vector<16xi32>
      %swap3A_850 = arith.constant 384 : index
      %swap3A_851 = tpu.vector_load %arg12[%swap3A_850] {strides = array<i32>} : memref<400xi32, #tpu.memory_space<vmem>>, vector<16xi32>,
      %swap3A_852 = vector.shape_cast %swap3A_851 : vector<16xi32> to vector<16xi32>
      %swap3A_853 = vector.shape_cast %mul3A_843 : vector<16xi32> to vector<16xi32>
      tpu.vector_store %arg12[%swap3A_850], %swap3A_853 {strides = array<i32>} : memref<400xi32, #tpu.memory_space<vmem>>, vector<16xi32>,
      %add3A_854 = arith.constant 1 : i32
      %add3A_855 = vector.broadcast %add3A_854 : i32 to vector<16xi32>
      %add3A_856 = arith.addi %mul3A_843, %add3A_855 : vector<16xi32>
      %swap3A_857 = arith.constant 384 : index
      %swap3A_858 = tpu.vector_load %arg13[%swap3A_857] {strides = array<i32>} : memref<400xi32, #tpu.memory_space<vmem>>, vector<16xi32>,
      %swap3A_859 = vector.shape_cast %swap3A_858 : vector<16xi32> to vector<16xi32>
      %swap3A_860 = vector.shape_cast %add3A_856 : vector<16xi32> to vector<16xi32>
      tpu.vector_store %arg13[%swap3A_857], %swap3A_860 {strides = array<i32>} : memref<400xi32, #tpu.memory_space<vmem>>, vector<16xi32>,
      %swap3A_861 = arith.constant 384 : index
      %swap3A_862 = tpu.vector_load %arg14[%swap3A_861] {strides = array<i32>} : memref<400xi32, #tpu.memory_space<vmem>>, vector<16xi32>,
      %swap3A_863 = vector.shape_cast %swap3A_862 : vector<16xi32> to vector<16xi32>
      %swap3A_864 = vector.shape_cast %mul3A_849 : vector<16xi32> to vector<16xi32>
      tpu.vector_store %arg14[%swap3A_861], %swap3A_864 {strides = array<i32>} : memref<400xi32, #tpu.memory_space<vmem>>, vector<16xi32>,
      %add3A_865 = arith.constant 1 : i32
      %add3A_866 = vector.broadcast %add3A_865 : i32 to vector<16xi32>
      %add3A_867 = arith.addi %mul3A_849, %add3A_866 : vector<16xi32>
      %swap3A_868 = arith.constant 384 : index
      %swap3A_869 = tpu.vector_load %arg15[%swap3A_868] {strides = array<i32>} : memref<400xi32, #tpu.memory_space<vmem>>, vector<16xi32>,
      %swap3A_870 = vector.shape_cast %swap3A_869 : vector<16xi32> to vector<16xi32>
      %swap3A_871 = vector.shape_cast %add3A_867 : vector<16xi32> to vector<16xi32>
      tpu.vector_store %arg15[%swap3A_868], %swap3A_871 {strides = array<i32>} : memref<400xi32, #tpu.memory_space<vmem>>, vector<16xi32>,
      %dma_start3A_872 = arith.constant 0 : i32
      %dma_start3A_873 = tpu.memref_slice %arg3[%dma_start3A_872] : memref<20000xf32, #tpu.memory_space<hbm>> -> memref<20000xf32, #tpu.memory_space<hbm>>
      tpu.enqueue_indirect_dma source(%dma_start3A_873 : memref<20000xf32, #tpu.memory_space<hbm>>) target(%arg16 : memref<400xf32, #tpu.memory_space<vmem>>) offsets(%arg12 : memref<400xi32, #tpu.memory_space<vmem>>) semaphore(%arg26 : memref<!tpu.dma_semaphore, #tpu.memory_space<semaphore_mem>>)
      %dma_start3A_874 = arith.constant 0 : i32
      %dma_start3A_875 = tpu.memref_slice %arg3[%dma_start3A_874] : memref<20000xf32, #tpu.memory_space<hbm>> -> memref<20000xf32, #tpu.memory_space<hbm>>
      tpu.enqueue_indirect_dma source(%dma_start3A_875 : memref<20000xf32, #tpu.memory_space<hbm>>) target(%arg17 : memref<400xf32, #tpu.memory_space<vmem>>) offsets(%arg13 : memref<400xi32, #tpu.memory_space<vmem>>) semaphore(%arg26 : memref<!tpu.dma_semaphore, #tpu.memory_space<semaphore_mem>>)
      %dma_start3A_876 = arith.constant 0 : i32
      %dma_start3A_877 = tpu.memref_slice %arg3[%dma_start3A_876] : memref<20000xf32, #tpu.memory_space<hbm>> -> memref<20000xf32, #tpu.memory_space<hbm>>
      tpu.enqueue_indirect_dma source(%dma_start3A_877 : memref<20000xf32, #tpu.memory_space<hbm>>) target(%arg18 : memref<400xf32, #tpu.memory_space<vmem>>) offsets(%arg14 : memref<400xi32, #tpu.memory_space<vmem>>) semaphore(%arg26 : memref<!tpu.dma_semaphore, #tpu.memory_space<semaphore_mem>>)
      %dma_start3A_878 = arith.constant 0 : i32
      %dma_start3A_879 = tpu.memref_slice %arg3[%dma_start3A_878] : memref<20000xf32, #tpu.memory_space<hbm>> -> memref<20000xf32, #tpu.memory_space<hbm>>
      tpu.enqueue_indirect_dma source(%dma_start3A_879 : memref<20000xf32, #tpu.memory_space<hbm>>) target(%arg19 : memref<400xf32, #tpu.memory_space<vmem>>) offsets(%arg15 : memref<400xi32, #tpu.memory_space<vmem>>) semaphore(%arg26 : memref<!tpu.dma_semaphore, #tpu.memory_space<semaphore_mem>>)
      %dma_wait3A_880 = arith.constant 0 : i32
      %dma_wait3A_881 = tpu.memref_slice %arg3[%dma_wait3A_880] : memref<20000xf32, #tpu.memory_space<hbm>> -> memref<20000xf32, #tpu.memory_space<hbm>>
      tpu.wait_indirect_dma semaphore(%arg26 : memref<!tpu.dma_semaphore, #tpu.memory_space<semaphore_mem>>) src(%dma_wait3A_881 : memref<20000xf32, #tpu.memory_space<hbm>>) dst(%arg16 : memref<400xf32, #tpu.memory_space<vmem>>)
      %dma_wait3A_882 = arith.constant 0 : i32
      %dma_wait3A_883 = tpu.memref_slice %arg3[%dma_wait3A_882] : memref<20000xf32, #tpu.memory_space<hbm>> -> memref<20000xf32, #tpu.memory_space<hbm>>
      tpu.wait_indirect_dma semaphore(%arg26 : memref<!tpu.dma_semaphore, #tpu.memory_space<semaphore_mem>>) src(%dma_wait3A_883 : memref<20000xf32, #tpu.memory_space<hbm>>) dst(%arg17 : memref<400xf32, #tpu.memory_space<vmem>>)
      %dma_wait3A_884 = arith.constant 0 : i32
      %dma_wait3A_885 = tpu.memref_slice %arg3[%dma_wait3A_884] : memref<20000xf32, #tpu.memory_space<hbm>> -> memref<20000xf32, #tpu.memory_space<hbm>>
      tpu.wait_indirect_dma semaphore(%arg26 : memref<!tpu.dma_semaphore, #tpu.memory_space<semaphore_mem>>) src(%dma_wait3A_885 : memref<20000xf32, #tpu.memory_space<hbm>>) dst(%arg18 : memref<400xf32, #tpu.memory_space<vmem>>)
      %dma_wait3A_886 = arith.constant 0 : i32
      %dma_wait3A_887 = tpu.memref_slice %arg3[%dma_wait3A_886] : memref<20000xf32, #tpu.memory_space<hbm>> -> memref<20000xf32, #tpu.memory_space<hbm>>
      tpu.wait_indirect_dma semaphore(%arg26 : memref<!tpu.dma_semaphore, #tpu.memory_space<semaphore_mem>>) src(%dma_wait3A_887 : memref<20000xf32, #tpu.memory_space<hbm>>) dst(%arg19 : memref<400xf32, #tpu.memory_space<vmem>>)
      %get3A_888 = arith.constant 0 : index
      %get3A_889 = tpu.vector_load %arg16[%get3A_888] {strides = array<i32>} : memref<400xf32, #tpu.memory_space<vmem>>, vector<16xf32>,
      %get3A_890 = vector.shape_cast %get3A_889 : vector<16xf32> to vector<16xf32>
      %get3A_891 = arith.constant 0 : index
      %get3A_892 = tpu.vector_load %arg18[%get3A_891] {strides = array<i32>} : memref<400xf32, #tpu.memory_space<vmem>>, vector<16xf32>,
      %get3A_893 = vector.shape_cast %get3A_892 : vector<16xf32> to vector<16xf32>
      %sub3A = arith.subf %get3A_890, %get3A_893 : vector<16xf32>
      %swap3A_894 = arith.constant 0 : index
      %swap3A_895 = tpu.vector_load %arg20[%swap3A_894] {strides = array<i32>} : memref<400xf32, #tpu.memory_space<vmem>>, vector<16xf32>,
      %swap3A_896 = vector.shape_cast %swap3A_895 : vector<16xf32> to vector<16xf32>
      %swap3A_897 = vector.shape_cast %sub3A : vector<16xf32> to vector<16xf32>
      tpu.vector_store %arg20[%swap3A_894], %swap3A_897 {strides = array<i32>} : memref<400xf32, #tpu.memory_space<vmem>>, vector<16xf32>,
      %get3A_898 = arith.constant 0 : index
      %get3A_899 = tpu.vector_load %arg17[%get3A_898] {strides = array<i32>} : memref<400xf32, #tpu.memory_space<vmem>>, vector<16xf32>,
      %get3A_900 = vector.shape_cast %get3A_899 : vector<16xf32> to vector<16xf32>
      %get3A_901 = arith.constant 0 : index
      %get3A_902 = tpu.vector_load %arg19[%get3A_901] {strides = array<i32>} : memref<400xf32, #tpu.memory_space<vmem>>, vector<16xf32>,
      %get3A_903 = vector.shape_cast %get3A_902 : vector<16xf32> to vector<16xf32>
      %sub3A_904 = arith.subf %get3A_900, %get3A_903 : vector<16xf32>
      %swap3A_905 = arith.constant 0 : index
      %swap3A_906 = tpu.vector_load %arg21[%swap3A_905] {strides = array<i32>} : memref<400xf32, #tpu.memory_space<vmem>>, vector<16xf32>,
      %swap3A_907 = vector.shape_cast %swap3A_906 : vector<16xf32> to vector<16xf32>
      %swap3A_908 = vector.shape_cast %sub3A_904 : vector<16xf32> to vector<16xf32>
      tpu.vector_store %arg21[%swap3A_905], %swap3A_908 {strides = array<i32>} : memref<400xf32, #tpu.memory_space<vmem>>, vector<16xf32>,
      %get3A_909 = arith.constant 16 : index
      %get3A_910 = tpu.vector_load %arg16[%get3A_909] {strides = array<i32>} : memref<400xf32, #tpu.memory_space<vmem>>, vector<16xf32>,
      %get3A_911 = vector.shape_cast %get3A_910 : vector<16xf32> to vector<16xf32>
      %get3A_912 = arith.constant 16 : index
      %get3A_913 = tpu.vector_load %arg18[%get3A_912] {strides = array<i32>} : memref<400xf32, #tpu.memory_space<vmem>>, vector<16xf32>,
      %get3A_914 = vector.shape_cast %get3A_913 : vector<16xf32> to vector<16xf32>
      %sub3A_915 = arith.subf %get3A_911, %get3A_914 : vector<16xf32>
      %swap3A_916 = arith.constant 16 : index
      %swap3A_917 = tpu.vector_load %arg20[%swap3A_916] {strides = array<i32>} : memref<400xf32, #tpu.memory_space<vmem>>, vector<16xf32>,
      %swap3A_918 = vector.shape_cast %swap3A_917 : vector<16xf32> to vector<16xf32>
      %swap3A_919 = vector.shape_cast %sub3A_915 : vector<16xf32> to vector<16xf32>
      tpu.vector_store %arg20[%swap3A_916], %swap3A_919 {strides = array<i32>} : memref<400xf32, #tpu.memory_space<vmem>>, vector<16xf32>,
      %get3A_920 = arith.constant 16 : index
      %get3A_921 = tpu.vector_load %arg17[%get3A_920] {strides = array<i32>} : memref<400xf32, #tpu.memory_space<vmem>>, vector<16xf32>,
      %get3A_922 = vector.shape_cast %get3A_921 : vector<16xf32> to vector<16xf32>
      %get3A_923 = arith.constant 16 : index
      %get3A_924 = tpu.vector_load %arg19[%get3A_923] {strides = array<i32>} : memref<400xf32, #tpu.memory_space<vmem>>, vector<16xf32>,
      %get3A_925 = vector.shape_cast %get3A_924 : vector<16xf32> to vector<16xf32>
      %sub3A_926 = arith.subf %get3A_922, %get3A_925 : vector<16xf32>
      %swap3A_927 = arith.constant 16 : index
      %swap3A_928 = tpu.vector_load %arg21[%swap3A_927] {strides = array<i32>} : memref<400xf32, #tpu.memory_space<vmem>>, vector<16xf32>,
      %swap3A_929 = vector.shape_cast %swap3A_928 : vector<16xf32> to vector<16xf32>
      %swap3A_930 = vector.shape_cast %sub3A_926 : vector<16xf32> to vector<16xf32>
      tpu.vector_store %arg21[%swap3A_927], %swap3A_930 {strides = array<i32>} : memref<400xf32, #tpu.memory_space<vmem>>, vector<16xf32>,
      %get3A_931 = arith.constant 32 : index
      %get3A_932 = tpu.vector_load %arg16[%get3A_931] {strides = array<i32>} : memref<400xf32, #tpu.memory_space<vmem>>, vector<16xf32>,
      %get3A_933 = vector.shape_cast %get3A_932 : vector<16xf32> to vector<16xf32>
      %get3A_934 = arith.constant 32 : index
      %get3A_935 = tpu.vector_load %arg18[%get3A_934] {strides = array<i32>} : memref<400xf32, #tpu.memory_space<vmem>>, vector<16xf32>,
      %get3A_936 = vector.shape_cast %get3A_935 : vector<16xf32> to vector<16xf32>
      %sub3A_937 = arith.subf %get3A_933, %get3A_936 : vector<16xf32>
      %swap3A_938 = arith.constant 32 : index
      %swap3A_939 = tpu.vector_load %arg20[%swap3A_938] {strides = array<i32>} : memref<400xf32, #tpu.memory_space<vmem>>, vector<16xf32>,
      %swap3A_940 = vector.shape_cast %swap3A_939 : vector<16xf32> to vector<16xf32>
      %swap3A_941 = vector.shape_cast %sub3A_937 : vector<16xf32> to vector<16xf32>
      tpu.vector_store %arg20[%swap3A_938], %swap3A_941 {strides = array<i32>} : memref<400xf32, #tpu.memory_space<vmem>>, vector<16xf32>,
      %get3A_942 = arith.constant 32 : index
      %get3A_943 = tpu.vector_load %arg17[%get3A_942] {strides = array<i32>} : memref<400xf32, #tpu.memory_space<vmem>>, vector<16xf32>,
      %get3A_944 = vector.shape_cast %get3A_943 : vector<16xf32> to vector<16xf32>
      %get3A_945 = arith.constant 32 : index
      %get3A_946 = tpu.vector_load %arg19[%get3A_945] {strides = array<i32>} : memref<400xf32, #tpu.memory_space<vmem>>, vector<16xf32>,
      %get3A_947 = vector.shape_cast %get3A_946 : vector<16xf32> to vector<16xf32>
      %sub3A_948 = arith.subf %get3A_944, %get3A_947 : vector<16xf32>
      %swap3A_949 = arith.constant 32 : index
      %swap3A_950 = tpu.vector_load %arg21[%swap3A_949] {strides = array<i32>} : memref<400xf32, #tpu.memory_space<vmem>>, vector<16xf32>,
      %swap3A_951 = vector.shape_cast %swap3A_950 : vector<16xf32> to vector<16xf32>
      %swap3A_952 = vector.shape_cast %sub3A_948 : vector<16xf32> to vector<16xf32>
      tpu.vector_store %arg21[%swap3A_949], %swap3A_952 {strides = array<i32>} : memref<400xf32, #tpu.memory_space<vmem>>, vector<16xf32>,
      %get3A_953 = arith.constant 48 : index
      %get3A_954 = tpu.vector_load %arg16[%get3A_953] {strides = array<i32>} : memref<400xf32, #tpu.memory_space<vmem>>, vector<16xf32>,
      %get3A_955 = vector.shape_cast %get3A_954 : vector<16xf32> to vector<16xf32>
      %get3A_956 = arith.constant 48 : index
      %get3A_957 = tpu.vector_load %arg18[%get3A_956] {strides = array<i32>} : memref<400xf32, #tpu.memory_space<vmem>>, vector<16xf32>,
      %get3A_958 = vector.shape_cast %get3A_957 : vector<16xf32> to vector<16xf32>
      %sub3A_959 = arith.subf %get3A_955, %get3A_958 : vector<16xf32>
      %swap3A_960 = arith.constant 48 : index
      %swap3A_961 = tpu.vector_load %arg20[%swap3A_960] {strides = array<i32>} : memref<400xf32, #tpu.memory_space<vmem>>, vector<16xf32>,
      %swap3A_962 = vector.shape_cast %swap3A_961 : vector<16xf32> to vector<16xf32>
      %swap3A_963 = vector.shape_cast %sub3A_959 : vector<16xf32> to vector<16xf32>
      tpu.vector_store %arg20[%swap3A_960], %swap3A_963 {strides = array<i32>} : memref<400xf32, #tpu.memory_space<vmem>>, vector<16xf32>,
      %get3A_964 = arith.constant 48 : index
      %get3A_965 = tpu.vector_load %arg17[%get3A_964] {strides = array<i32>} : memref<400xf32, #tpu.memory_space<vmem>>, vector<16xf32>,
      %get3A_966 = vector.shape_cast %get3A_965 : vector<16xf32> to vector<16xf32>
      %get3A_967 = arith.constant 48 : index
      %get3A_968 = tpu.vector_load %arg19[%get3A_967] {strides = array<i32>} : memref<400xf32, #tpu.memory_space<vmem>>, vector<16xf32>,
      %get3A_969 = vector.shape_cast %get3A_968 : vector<16xf32> to vector<16xf32>
      %sub3A_970 = arith.subf %get3A_966, %get3A_969 : vector<16xf32>
      %swap3A_971 = arith.constant 48 : index
      %swap3A_972 = tpu.vector_load %arg21[%swap3A_971] {strides = array<i32>} : memref<400xf32, #tpu.memory_space<vmem>>, vector<16xf32>,
      %swap3A_973 = vector.shape_cast %swap3A_972 : vector<16xf32> to vector<16xf32>
      %swap3A_974 = vector.shape_cast %sub3A_970 : vector<16xf32> to vector<16xf32>
      tpu.vector_store %arg21[%swap3A_971], %swap3A_974 {strides = array<i32>} : memref<400xf32, #tpu.memory_space<vmem>>, vector<16xf32>,
      %get3A_975 = arith.constant 64 : index
      %get3A_976 = tpu.vector_load %arg16[%get3A_975] {strides = array<i32>} : memref<400xf32, #tpu.memory_space<vmem>>, vector<16xf32>,
      %get3A_977 = vector.shape_cast %get3A_976 : vector<16xf32> to vector<16xf32>
      %get3A_978 = arith.constant 64 : index
      %get3A_979 = tpu.vector_load %arg18[%get3A_978] {strides = array<i32>} : memref<400xf32, #tpu.memory_space<vmem>>, vector<16xf32>,
      %get3A_980 = vector.shape_cast %get3A_979 : vector<16xf32> to vector<16xf32>
      %sub3A_981 = arith.subf %get3A_977, %get3A_980 : vector<16xf32>
      %swap3A_982 = arith.constant 64 : index
      %swap3A_983 = tpu.vector_load %arg20[%swap3A_982] {strides = array<i32>} : memref<400xf32, #tpu.memory_space<vmem>>, vector<16xf32>,
      %swap3A_984 = vector.shape_cast %swap3A_983 : vector<16xf32> to vector<16xf32>
      %swap3A_985 = vector.shape_cast %sub3A_981 : vector<16xf32> to vector<16xf32>
      tpu.vector_store %arg20[%swap3A_982], %swap3A_985 {strides = array<i32>} : memref<400xf32, #tpu.memory_space<vmem>>, vector<16xf32>,
      %get3A_986 = arith.constant 64 : index
      %get3A_987 = tpu.vector_load %arg17[%get3A_986] {strides = array<i32>} : memref<400xf32, #tpu.memory_space<vmem>>, vector<16xf32>,
      %get3A_988 = vector.shape_cast %get3A_987 : vector<16xf32> to vector<16xf32>
      %get3A_989 = arith.constant 64 : index
      %get3A_990 = tpu.vector_load %arg19[%get3A_989] {strides = array<i32>} : memref<400xf32, #tpu.memory_space<vmem>>, vector<16xf32>,
      %get3A_991 = vector.shape_cast %get3A_990 : vector<16xf32> to vector<16xf32>
      %sub3A_992 = arith.subf %get3A_988, %get3A_991 : vector<16xf32>
      %swap3A_993 = arith.constant 64 : index
      %swap3A_994 = tpu.vector_load %arg21[%swap3A_993] {strides = array<i32>} : memref<400xf32, #tpu.memory_space<vmem>>, vector<16xf32>,
      %swap3A_995 = vector.shape_cast %swap3A_994 : vector<16xf32> to vector<16xf32>
      %swap3A_996 = vector.shape_cast %sub3A_992 : vector<16xf32> to vector<16xf32>
      tpu.vector_store %arg21[%swap3A_993], %swap3A_996 {strides = array<i32>} : memref<400xf32, #tpu.memory_space<vmem>>, vector<16xf32>,
      %get3A_997 = arith.constant 80 : index
      %get3A_998 = tpu.vector_load %arg16[%get3A_997] {strides = array<i32>} : memref<400xf32, #tpu.memory_space<vmem>>, vector<16xf32>,
      %get3A_999 = vector.shape_cast %get3A_998 : vector<16xf32> to vector<16xf32>
      %get3A_1000 = arith.constant 80 : index
      %get3A_1001 = tpu.vector_load %arg18[%get3A_1000] {strides = array<i32>} : memref<400xf32, #tpu.memory_space<vmem>>, vector<16xf32>,
      %get3A_1002 = vector.shape_cast %get3A_1001 : vector<16xf32> to vector<16xf32>
      %sub3A_1003 = arith.subf %get3A_999, %get3A_1002 : vector<16xf32>
      %swap3A_1004 = arith.constant 80 : index
      %swap3A_1005 = tpu.vector_load %arg20[%swap3A_1004] {strides = array<i32>} : memref<400xf32, #tpu.memory_space<vmem>>, vector<16xf32>,
      %swap3A_1006 = vector.shape_cast %swap3A_1005 : vector<16xf32> to vector<16xf32>
      %swap3A_1007 = vector.shape_cast %sub3A_1003 : vector<16xf32> to vector<16xf32>
      tpu.vector_store %arg20[%swap3A_1004], %swap3A_1007 {strides = array<i32>} : memref<400xf32, #tpu.memory_space<vmem>>, vector<16xf32>,
      %get3A_1008 = arith.constant 80 : index
      %get3A_1009 = tpu.vector_load %arg17[%get3A_1008] {strides = array<i32>} : memref<400xf32, #tpu.memory_space<vmem>>, vector<16xf32>,
      %get3A_1010 = vector.shape_cast %get3A_1009 : vector<16xf32> to vector<16xf32>
      %get3A_1011 = arith.constant 80 : index
      %get3A_1012 = tpu.vector_load %arg19[%get3A_1011] {strides = array<i32>} : memref<400xf32, #tpu.memory_space<vmem>>, vector<16xf32>,
      %get3A_1013 = vector.shape_cast %get3A_1012 : vector<16xf32> to vector<16xf32>
      %sub3A_1014 = arith.subf %get3A_1010, %get3A_1013 : vector<16xf32>
      %swap3A_1015 = arith.constant 80 : index
      %swap3A_1016 = tpu.vector_load %arg21[%swap3A_1015] {strides = array<i32>} : memref<400xf32, #tpu.memory_space<vmem>>, vector<16xf32>,
      %swap3A_1017 = vector.shape_cast %swap3A_1016 : vector<16xf32> to vector<16xf32>
      %swap3A_1018 = vector.shape_cast %sub3A_1014 : vector<16xf32> to vector<16xf32>
      tpu.vector_store %arg21[%swap3A_1015], %swap3A_1018 {strides = array<i32>} : memref<400xf32, #tpu.memory_space<vmem>>, vector<16xf32>,
      %get3A_1019 = arith.constant 96 : index
      %get3A_1020 = tpu.vector_load %arg16[%get3A_1019] {strides = array<i32>} : memref<400xf32, #tpu.memory_space<vmem>>, vector<16xf32>,
      %get3A_1021 = vector.shape_cast %get3A_1020 : vector<16xf32> to vector<16xf32>
      %get3A_1022 = arith.constant 96 : index
      %get3A_1023 = tpu.vector_load %arg18[%get3A_1022] {strides = array<i32>} : memref<400xf32, #tpu.memory_space<vmem>>, vector<16xf32>,
      %get3A_1024 = vector.shape_cast %get3A_1023 : vector<16xf32> to vector<16xf32>
      %sub3A_1025 = arith.subf %get3A_1021, %get3A_1024 : vector<16xf32>
      %swap3A_1026 = arith.constant 96 : index
      %swap3A_1027 = tpu.vector_load %arg20[%swap3A_1026] {strides = array<i32>} : memref<400xf32, #tpu.memory_space<vmem>>, vector<16xf32>,
      %swap3A_1028 = vector.shape_cast %swap3A_1027 : vector<16xf32> to vector<16xf32>
      %swap3A_1029 = vector.shape_cast %sub3A_1025 : vector<16xf32> to vector<16xf32>
      tpu.vector_store %arg20[%swap3A_1026], %swap3A_1029 {strides = array<i32>} : memref<400xf32, #tpu.memory_space<vmem>>, vector<16xf32>,
      %get3A_1030 = arith.constant 96 : index
      %get3A_1031 = tpu.vector_load %arg17[%get3A_1030] {strides = array<i32>} : memref<400xf32, #tpu.memory_space<vmem>>, vector<16xf32>,
      %get3A_1032 = vector.shape_cast %get3A_1031 : vector<16xf32> to vector<16xf32>
      %get3A_1033 = arith.constant 96 : index
      %get3A_1034 = tpu.vector_load %arg19[%get3A_1033] {strides = array<i32>} : memref<400xf32, #tpu.memory_space<vmem>>, vector<16xf32>,
      %get3A_1035 = vector.shape_cast %get3A_1034 : vector<16xf32> to vector<16xf32>
      %sub3A_1036 = arith.subf %get3A_1032, %get3A_1035 : vector<16xf32>
      %swap3A_1037 = arith.constant 96 : index
      %swap3A_1038 = tpu.vector_load %arg21[%swap3A_1037] {strides = array<i32>} : memref<400xf32, #tpu.memory_space<vmem>>, vector<16xf32>,
      %swap3A_1039 = vector.shape_cast %swap3A_1038 : vector<16xf32> to vector<16xf32>
      %swap3A_1040 = vector.shape_cast %sub3A_1036 : vector<16xf32> to vector<16xf32>
      tpu.vector_store %arg21[%swap3A_1037], %swap3A_1040 {strides = array<i32>} : memref<400xf32, #tpu.memory_space<vmem>>, vector<16xf32>,
      %get3A_1041 = arith.constant 112 : index
      %get3A_1042 = tpu.vector_load %arg16[%get3A_1041] {strides = array<i32>} : memref<400xf32, #tpu.memory_space<vmem>>, vector<16xf32>,
      %get3A_1043 = vector.shape_cast %get3A_1042 : vector<16xf32> to vector<16xf32>
      %get3A_1044 = arith.constant 112 : index
      %get3A_1045 = tpu.vector_load %arg18[%get3A_1044] {strides = array<i32>} : memref<400xf32, #tpu.memory_space<vmem>>, vector<16xf32>,
      %get3A_1046 = vector.shape_cast %get3A_1045 : vector<16xf32> to vector<16xf32>
      %sub3A_1047 = arith.subf %get3A_1043, %get3A_1046 : vector<16xf32>
      %swap3A_1048 = arith.constant 112 : index
      %swap3A_1049 = tpu.vector_load %arg20[%swap3A_1048] {strides = array<i32>} : memref<400xf32, #tpu.memory_space<vmem>>, vector<16xf32>,
      %swap3A_1050 = vector.shape_cast %swap3A_1049 : vector<16xf32> to vector<16xf32>
      %swap3A_1051 = vector.shape_cast %sub3A_1047 : vector<16xf32> to vector<16xf32>
      tpu.vector_store %arg20[%swap3A_1048], %swap3A_1051 {strides = array<i32>} : memref<400xf32, #tpu.memory_space<vmem>>, vector<16xf32>,
      %get3A_1052 = arith.constant 112 : index
      %get3A_1053 = tpu.vector_load %arg17[%get3A_1052] {strides = array<i32>} : memref<400xf32, #tpu.memory_space<vmem>>, vector<16xf32>,
      %get3A_1054 = vector.shape_cast %get3A_1053 : vector<16xf32> to vector<16xf32>
      %get3A_1055 = arith.constant 112 : index
      %get3A_1056 = tpu.vector_load %arg19[%get3A_1055] {strides = array<i32>} : memref<400xf32, #tpu.memory_space<vmem>>, vector<16xf32>,
      %get3A_1057 = vector.shape_cast %get3A_1056 : vector<16xf32> to vector<16xf32>
      %sub3A_1058 = arith.subf %get3A_1054, %get3A_1057 : vector<16xf32>
      %swap3A_1059 = arith.constant 112 : index
      %swap3A_1060 = tpu.vector_load %arg21[%swap3A_1059] {strides = array<i32>} : memref<400xf32, #tpu.memory_space<vmem>>, vector<16xf32>,
      %swap3A_1061 = vector.shape_cast %swap3A_1060 : vector<16xf32> to vector<16xf32>
      %swap3A_1062 = vector.shape_cast %sub3A_1058 : vector<16xf32> to vector<16xf32>
      tpu.vector_store %arg21[%swap3A_1059], %swap3A_1062 {strides = array<i32>} : memref<400xf32, #tpu.memory_space<vmem>>, vector<16xf32>,
      %get3A_1063 = arith.constant 128 : index
      %get3A_1064 = tpu.vector_load %arg16[%get3A_1063] {strides = array<i32>} : memref<400xf32, #tpu.memory_space<vmem>>, vector<16xf32>,
      %get3A_1065 = vector.shape_cast %get3A_1064 : vector<16xf32> to vector<16xf32>
      %get3A_1066 = arith.constant 128 : index
      %get3A_1067 = tpu.vector_load %arg18[%get3A_1066] {strides = array<i32>} : memref<400xf32, #tpu.memory_space<vmem>>, vector<16xf32>,
      %get3A_1068 = vector.shape_cast %get3A_1067 : vector<16xf32> to vector<16xf32>
      %sub3A_1069 = arith.subf %get3A_1065, %get3A_1068 : vector<16xf32>
      %swap3A_1070 = arith.constant 128 : index
      %swap3A_1071 = tpu.vector_load %arg20[%swap3A_1070] {strides = array<i32>} : memref<400xf32, #tpu.memory_space<vmem>>, vector<16xf32>,
      %swap3A_1072 = vector.shape_cast %swap3A_1071 : vector<16xf32> to vector<16xf32>
      %swap3A_1073 = vector.shape_cast %sub3A_1069 : vector<16xf32> to vector<16xf32>
      tpu.vector_store %arg20[%swap3A_1070], %swap3A_1073 {strides = array<i32>} : memref<400xf32, #tpu.memory_space<vmem>>, vector<16xf32>,
      %get3A_1074 = arith.constant 128 : index
      %get3A_1075 = tpu.vector_load %arg17[%get3A_1074] {strides = array<i32>} : memref<400xf32, #tpu.memory_space<vmem>>, vector<16xf32>,
      %get3A_1076 = vector.shape_cast %get3A_1075 : vector<16xf32> to vector<16xf32>
      %get3A_1077 = arith.constant 128 : index
      %get3A_1078 = tpu.vector_load %arg19[%get3A_1077] {strides = array<i32>} : memref<400xf32, #tpu.memory_space<vmem>>, vector<16xf32>,
      %get3A_1079 = vector.shape_cast %get3A_1078 : vector<16xf32> to vector<16xf32>
      %sub3A_1080 = arith.subf %get3A_1076, %get3A_1079 : vector<16xf32>
      %swap3A_1081 = arith.constant 128 : index
      %swap3A_1082 = tpu.vector_load %arg21[%swap3A_1081] {strides = array<i32>} : memref<400xf32, #tpu.memory_space<vmem>>, vector<16xf32>,
      %swap3A_1083 = vector.shape_cast %swap3A_1082 : vector<16xf32> to vector<16xf32>
      %swap3A_1084 = vector.shape_cast %sub3A_1080 : vector<16xf32> to vector<16xf32>
      tpu.vector_store %arg21[%swap3A_1081], %swap3A_1084 {strides = array<i32>} : memref<400xf32, #tpu.memory_space<vmem>>, vector<16xf32>,
      %get3A_1085 = arith.constant 144 : index
      %get3A_1086 = tpu.vector_load %arg16[%get3A_1085] {strides = array<i32>} : memref<400xf32, #tpu.memory_space<vmem>>, vector<16xf32>,
      %get3A_1087 = vector.shape_cast %get3A_1086 : vector<16xf32> to vector<16xf32>
      %get3A_1088 = arith.constant 144 : index
      %get3A_1089 = tpu.vector_load %arg18[%get3A_1088] {strides = array<i32>} : memref<400xf32, #tpu.memory_space<vmem>>, vector<16xf32>,
      %get3A_1090 = vector.shape_cast %get3A_1089 : vector<16xf32> to vector<16xf32>
      %sub3A_1091 = arith.subf %get3A_1087, %get3A_1090 : vector<16xf32>
      %swap3A_1092 = arith.constant 144 : index
      %swap3A_1093 = tpu.vector_load %arg20[%swap3A_1092] {strides = array<i32>} : memref<400xf32, #tpu.memory_space<vmem>>, vector<16xf32>,
      %swap3A_1094 = vector.shape_cast %swap3A_1093 : vector<16xf32> to vector<16xf32>
      %swap3A_1095 = vector.shape_cast %sub3A_1091 : vector<16xf32> to vector<16xf32>
      tpu.vector_store %arg20[%swap3A_1092], %swap3A_1095 {strides = array<i32>} : memref<400xf32, #tpu.memory_space<vmem>>, vector<16xf32>,
      %get3A_1096 = arith.constant 144 : index
      %get3A_1097 = tpu.vector_load %arg17[%get3A_1096] {strides = array<i32>} : memref<400xf32, #tpu.memory_space<vmem>>, vector<16xf32>,
      %get3A_1098 = vector.shape_cast %get3A_1097 : vector<16xf32> to vector<16xf32>
      %get3A_1099 = arith.constant 144 : index
      %get3A_1100 = tpu.vector_load %arg19[%get3A_1099] {strides = array<i32>} : memref<400xf32, #tpu.memory_space<vmem>>, vector<16xf32>,
      %get3A_1101 = vector.shape_cast %get3A_1100 : vector<16xf32> to vector<16xf32>
      %sub3A_1102 = arith.subf %get3A_1098, %get3A_1101 : vector<16xf32>
      %swap3A_1103 = arith.constant 144 : index
      %swap3A_1104 = tpu.vector_load %arg21[%swap3A_1103] {strides = array<i32>} : memref<400xf32, #tpu.memory_space<vmem>>, vector<16xf32>,
      %swap3A_1105 = vector.shape_cast %swap3A_1104 : vector<16xf32> to vector<16xf32>
      %swap3A_1106 = vector.shape_cast %sub3A_1102 : vector<16xf32> to vector<16xf32>
      tpu.vector_store %arg21[%swap3A_1103], %swap3A_1106 {strides = array<i32>} : memref<400xf32, #tpu.memory_space<vmem>>, vector<16xf32>,
      %get3A_1107 = arith.constant 160 : index
      %get3A_1108 = tpu.vector_load %arg16[%get3A_1107] {strides = array<i32>} : memref<400xf32, #tpu.memory_space<vmem>>, vector<16xf32>,
      %get3A_1109 = vector.shape_cast %get3A_1108 : vector<16xf32> to vector<16xf32>
      %get3A_1110 = arith.constant 160 : index
      %get3A_1111 = tpu.vector_load %arg18[%get3A_1110] {strides = array<i32>} : memref<400xf32, #tpu.memory_space<vmem>>, vector<16xf32>,
      %get3A_1112 = vector.shape_cast %get3A_1111 : vector<16xf32> to vector<16xf32>
      %sub3A_1113 = arith.subf %get3A_1109, %get3A_1112 : vector<16xf32>
      %swap3A_1114 = arith.constant 160 : index
      %swap3A_1115 = tpu.vector_load %arg20[%swap3A_1114] {strides = array<i32>} : memref<400xf32, #tpu.memory_space<vmem>>, vector<16xf32>,
      %swap3A_1116 = vector.shape_cast %swap3A_1115 : vector<16xf32> to vector<16xf32>
      %swap3A_1117 = vector.shape_cast %sub3A_1113 : vector<16xf32> to vector<16xf32>
      tpu.vector_store %arg20[%swap3A_1114], %swap3A_1117 {strides = array<i32>} : memref<400xf32, #tpu.memory_space<vmem>>, vector<16xf32>,
      %get3A_1118 = arith.constant 160 : index
      %get3A_1119 = tpu.vector_load %arg17[%get3A_1118] {strides = array<i32>} : memref<400xf32, #tpu.memory_space<vmem>>, vector<16xf32>,
      %get3A_1120 = vector.shape_cast %get3A_1119 : vector<16xf32> to vector<16xf32>
      %get3A_1121 = arith.constant 160 : index
      %get3A_1122 = tpu.vector_load %arg19[%get3A_1121] {strides = array<i32>} : memref<400xf32, #tpu.memory_space<vmem>>, vector<16xf32>,
      %get3A_1123 = vector.shape_cast %get3A_1122 : vector<16xf32> to vector<16xf32>
      %sub3A_1124 = arith.subf %get3A_1120, %get3A_1123 : vector<16xf32>
      %swap3A_1125 = arith.constant 160 : index
      %swap3A_1126 = tpu.vector_load %arg21[%swap3A_1125] {strides = array<i32>} : memref<400xf32, #tpu.memory_space<vmem>>, vector<16xf32>,
      %swap3A_1127 = vector.shape_cast %swap3A_1126 : vector<16xf32> to vector<16xf32>
      %swap3A_1128 = vector.shape_cast %sub3A_1124 : vector<16xf32> to vector<16xf32>
      tpu.vector_store %arg21[%swap3A_1125], %swap3A_1128 {strides = array<i32>} : memref<400xf32, #tpu.memory_space<vmem>>, vector<16xf32>,
      %get3A_1129 = arith.constant 176 : index
      %get3A_1130 = tpu.vector_load %arg16[%get3A_1129] {strides = array<i32>} : memref<400xf32, #tpu.memory_space<vmem>>, vector<16xf32>,
      %get3A_1131 = vector.shape_cast %get3A_1130 : vector<16xf32> to vector<16xf32>
      %get3A_1132 = arith.constant 176 : index
      %get3A_1133 = tpu.vector_load %arg18[%get3A_1132] {strides = array<i32>} : memref<400xf32, #tpu.memory_space<vmem>>, vector<16xf32>,
      %get3A_1134 = vector.shape_cast %get3A_1133 : vector<16xf32> to vector<16xf32>
      %sub3A_1135 = arith.subf %get3A_1131, %get3A_1134 : vector<16xf32>
      %swap3A_1136 = arith.constant 176 : index
      %swap3A_1137 = tpu.vector_load %arg20[%swap3A_1136] {strides = array<i32>} : memref<400xf32, #tpu.memory_space<vmem>>, vector<16xf32>,
      %swap3A_1138 = vector.shape_cast %swap3A_1137 : vector<16xf32> to vector<16xf32>
      %swap3A_1139 = vector.shape_cast %sub3A_1135 : vector<16xf32> to vector<16xf32>
      tpu.vector_store %arg20[%swap3A_1136], %swap3A_1139 {strides = array<i32>} : memref<400xf32, #tpu.memory_space<vmem>>, vector<16xf32>,
      %get3A_1140 = arith.constant 176 : index
      %get3A_1141 = tpu.vector_load %arg17[%get3A_1140] {strides = array<i32>} : memref<400xf32, #tpu.memory_space<vmem>>, vector<16xf32>,
      %get3A_1142 = vector.shape_cast %get3A_1141 : vector<16xf32> to vector<16xf32>
      %get3A_1143 = arith.constant 176 : index
      %get3A_1144 = tpu.vector_load %arg19[%get3A_1143] {strides = array<i32>} : memref<400xf32, #tpu.memory_space<vmem>>, vector<16xf32>,
      %get3A_1145 = vector.shape_cast %get3A_1144 : vector<16xf32> to vector<16xf32>
      %sub3A_1146 = arith.subf %get3A_1142, %get3A_1145 : vector<16xf32>
      %swap3A_1147 = arith.constant 176 : index
      %swap3A_1148 = tpu.vector_load %arg21[%swap3A_1147] {strides = array<i32>} : memref<400xf32, #tpu.memory_space<vmem>>, vector<16xf32>,
      %swap3A_1149 = vector.shape_cast %swap3A_1148 : vector<16xf32> to vector<16xf32>
      %swap3A_1150 = vector.shape_cast %sub3A_1146 : vector<16xf32> to vector<16xf32>
      tpu.vector_store %arg21[%swap3A_1147], %swap3A_1150 {strides = array<i32>} : memref<400xf32, #tpu.memory_space<vmem>>, vector<16xf32>,
      %get3A_1151 = arith.constant 192 : index
      %get3A_1152 = tpu.vector_load %arg16[%get3A_1151] {strides = array<i32>} : memref<400xf32, #tpu.memory_space<vmem>>, vector<16xf32>,
      %get3A_1153 = vector.shape_cast %get3A_1152 : vector<16xf32> to vector<16xf32>
      %get3A_1154 = arith.constant 192 : index
      %get3A_1155 = tpu.vector_load %arg18[%get3A_1154] {strides = array<i32>} : memref<400xf32, #tpu.memory_space<vmem>>, vector<16xf32>,
      %get3A_1156 = vector.shape_cast %get3A_1155 : vector<16xf32> to vector<16xf32>
      %sub3A_1157 = arith.subf %get3A_1153, %get3A_1156 : vector<16xf32>
      %swap3A_1158 = arith.constant 192 : index
      %swap3A_1159 = tpu.vector_load %arg20[%swap3A_1158] {strides = array<i32>} : memref<400xf32, #tpu.memory_space<vmem>>, vector<16xf32>,
      %swap3A_1160 = vector.shape_cast %swap3A_1159 : vector<16xf32> to vector<16xf32>
      %swap3A_1161 = vector.shape_cast %sub3A_1157 : vector<16xf32> to vector<16xf32>
      tpu.vector_store %arg20[%swap3A_1158], %swap3A_1161 {strides = array<i32>} : memref<400xf32, #tpu.memory_space<vmem>>, vector<16xf32>,
      %get3A_1162 = arith.constant 192 : index
      %get3A_1163 = tpu.vector_load %arg17[%get3A_1162] {strides = array<i32>} : memref<400xf32, #tpu.memory_space<vmem>>, vector<16xf32>,
      %get3A_1164 = vector.shape_cast %get3A_1163 : vector<16xf32> to vector<16xf32>
      %get3A_1165 = arith.constant 192 : index
      %get3A_1166 = tpu.vector_load %arg19[%get3A_1165] {strides = array<i32>} : memref<400xf32, #tpu.memory_space<vmem>>, vector<16xf32>,
      %get3A_1167 = vector.shape_cast %get3A_1166 : vector<16xf32> to vector<16xf32>
      %sub3A_1168 = arith.subf %get3A_1164, %get3A_1167 : vector<16xf32>
      %swap3A_1169 = arith.constant 192 : index
      %swap3A_1170 = tpu.vector_load %arg21[%swap3A_1169] {strides = array<i32>} : memref<400xf32, #tpu.memory_space<vmem>>, vector<16xf32>,
      %swap3A_1171 = vector.shape_cast %swap3A_1170 : vector<16xf32> to vector<16xf32>
      %swap3A_1172 = vector.shape_cast %sub3A_1168 : vector<16xf32> to vector<16xf32>
      tpu.vector_store %arg21[%swap3A_1169], %swap3A_1172 {strides = array<i32>} : memref<400xf32, #tpu.memory_space<vmem>>, vector<16xf32>,
      %get3A_1173 = arith.constant 208 : index
      %get3A_1174 = tpu.vector_load %arg16[%get3A_1173] {strides = array<i32>} : memref<400xf32, #tpu.memory_space<vmem>>, vector<16xf32>,
      %get3A_1175 = vector.shape_cast %get3A_1174 : vector<16xf32> to vector<16xf32>
      %get3A_1176 = arith.constant 208 : index
      %get3A_1177 = tpu.vector_load %arg18[%get3A_1176] {strides = array<i32>} : memref<400xf32, #tpu.memory_space<vmem>>, vector<16xf32>,
      %get3A_1178 = vector.shape_cast %get3A_1177 : vector<16xf32> to vector<16xf32>
      %sub3A_1179 = arith.subf %get3A_1175, %get3A_1178 : vector<16xf32>
      %swap3A_1180 = arith.constant 208 : index
      %swap3A_1181 = tpu.vector_load %arg20[%swap3A_1180] {strides = array<i32>} : memref<400xf32, #tpu.memory_space<vmem>>, vector<16xf32>,
      %swap3A_1182 = vector.shape_cast %swap3A_1181 : vector<16xf32> to vector<16xf32>
      %swap3A_1183 = vector.shape_cast %sub3A_1179 : vector<16xf32> to vector<16xf32>
      tpu.vector_store %arg20[%swap3A_1180], %swap3A_1183 {strides = array<i32>} : memref<400xf32, #tpu.memory_space<vmem>>, vector<16xf32>,
      %get3A_1184 = arith.constant 208 : index
      %get3A_1185 = tpu.vector_load %arg17[%get3A_1184] {strides = array<i32>} : memref<400xf32, #tpu.memory_space<vmem>>, vector<16xf32>,
      %get3A_1186 = vector.shape_cast %get3A_1185 : vector<16xf32> to vector<16xf32>
      %get3A_1187 = arith.constant 208 : index
      %get3A_1188 = tpu.vector_load %arg19[%get3A_1187] {strides = array<i32>} : memref<400xf32, #tpu.memory_space<vmem>>, vector<16xf32>,
      %get3A_1189 = vector.shape_cast %get3A_1188 : vector<16xf32> to vector<16xf32>
      %sub3A_1190 = arith.subf %get3A_1186, %get3A_1189 : vector<16xf32>
      %swap3A_1191 = arith.constant 208 : index
      %swap3A_1192 = tpu.vector_load %arg21[%swap3A_1191] {strides = array<i32>} : memref<400xf32, #tpu.memory_space<vmem>>, vector<16xf32>,
      %swap3A_1193 = vector.shape_cast %swap3A_1192 : vector<16xf32> to vector<16xf32>
      %swap3A_1194 = vector.shape_cast %sub3A_1190 : vector<16xf32> to vector<16xf32>
      tpu.vector_store %arg21[%swap3A_1191], %swap3A_1194 {strides = array<i32>} : memref<400xf32, #tpu.memory_space<vmem>>, vector<16xf32>,
      %get3A_1195 = arith.constant 224 : index
      %get3A_1196 = tpu.vector_load %arg16[%get3A_1195] {strides = array<i32>} : memref<400xf32, #tpu.memory_space<vmem>>, vector<16xf32>,
      %get3A_1197 = vector.shape_cast %get3A_1196 : vector<16xf32> to vector<16xf32>
      %get3A_1198 = arith.constant 224 : index
      %get3A_1199 = tpu.vector_load %arg18[%get3A_1198] {strides = array<i32>} : memref<400xf32, #tpu.memory_space<vmem>>, vector<16xf32>,
      %get3A_1200 = vector.shape_cast %get3A_1199 : vector<16xf32> to vector<16xf32>
      %sub3A_1201 = arith.subf %get3A_1197, %get3A_1200 : vector<16xf32>
      %swap3A_1202 = arith.constant 224 : index
      %swap3A_1203 = tpu.vector_load %arg20[%swap3A_1202] {strides = array<i32>} : memref<400xf32, #tpu.memory_space<vmem>>, vector<16xf32>,
      %swap3A_1204 = vector.shape_cast %swap3A_1203 : vector<16xf32> to vector<16xf32>
      %swap3A_1205 = vector.shape_cast %sub3A_1201 : vector<16xf32> to vector<16xf32>
      tpu.vector_store %arg20[%swap3A_1202], %swap3A_1205 {strides = array<i32>} : memref<400xf32, #tpu.memory_space<vmem>>, vector<16xf32>,
      %get3A_1206 = arith.constant 224 : index
      %get3A_1207 = tpu.vector_load %arg17[%get3A_1206] {strides = array<i32>} : memref<400xf32, #tpu.memory_space<vmem>>, vector<16xf32>,
      %get3A_1208 = vector.shape_cast %get3A_1207 : vector<16xf32> to vector<16xf32>
      %get3A_1209 = arith.constant 224 : index
      %get3A_1210 = tpu.vector_load %arg19[%get3A_1209] {strides = array<i32>} : memref<400xf32, #tpu.memory_space<vmem>>, vector<16xf32>,
      %get3A_1211 = vector.shape_cast %get3A_1210 : vector<16xf32> to vector<16xf32>
      %sub3A_1212 = arith.subf %get3A_1208, %get3A_1211 : vector<16xf32>
      %swap3A_1213 = arith.constant 224 : index
      %swap3A_1214 = tpu.vector_load %arg21[%swap3A_1213] {strides = array<i32>} : memref<400xf32, #tpu.memory_space<vmem>>, vector<16xf32>,
      %swap3A_1215 = vector.shape_cast %swap3A_1214 : vector<16xf32> to vector<16xf32>
      %swap3A_1216 = vector.shape_cast %sub3A_1212 : vector<16xf32> to vector<16xf32>
      tpu.vector_store %arg21[%swap3A_1213], %swap3A_1216 {strides = array<i32>} : memref<400xf32, #tpu.memory_space<vmem>>, vector<16xf32>,
      %get3A_1217 = arith.constant 240 : index
      %get3A_1218 = tpu.vector_load %arg16[%get3A_1217] {strides = array<i32>} : memref<400xf32, #tpu.memory_space<vmem>>, vector<16xf32>,
      %get3A_1219 = vector.shape_cast %get3A_1218 : vector<16xf32> to vector<16xf32>
      %get3A_1220 = arith.constant 240 : index
      %get3A_1221 = tpu.vector_load %arg18[%get3A_1220] {strides = array<i32>} : memref<400xf32, #tpu.memory_space<vmem>>, vector<16xf32>,
      %get3A_1222 = vector.shape_cast %get3A_1221 : vector<16xf32> to vector<16xf32>
      %sub3A_1223 = arith.subf %get3A_1219, %get3A_1222 : vector<16xf32>
      %swap3A_1224 = arith.constant 240 : index
      %swap3A_1225 = tpu.vector_load %arg20[%swap3A_1224] {strides = array<i32>} : memref<400xf32, #tpu.memory_space<vmem>>, vector<16xf32>,
      %swap3A_1226 = vector.shape_cast %swap3A_1225 : vector<16xf32> to vector<16xf32>
      %swap3A_1227 = vector.shape_cast %sub3A_1223 : vector<16xf32> to vector<16xf32>
      tpu.vector_store %arg20[%swap3A_1224], %swap3A_1227 {strides = array<i32>} : memref<400xf32, #tpu.memory_space<vmem>>, vector<16xf32>,
      %get3A_1228 = arith.constant 240 : index
      %get3A_1229 = tpu.vector_load %arg17[%get3A_1228] {strides = array<i32>} : memref<400xf32, #tpu.memory_space<vmem>>, vector<16xf32>,
      %get3A_1230 = vector.shape_cast %get3A_1229 : vector<16xf32> to vector<16xf32>
      %get3A_1231 = arith.constant 240 : index
      %get3A_1232 = tpu.vector_load %arg19[%get3A_1231] {strides = array<i32>} : memref<400xf32, #tpu.memory_space<vmem>>, vector<16xf32>,
      %get3A_1233 = vector.shape_cast %get3A_1232 : vector<16xf32> to vector<16xf32>
      %sub3A_1234 = arith.subf %get3A_1230, %get3A_1233 : vector<16xf32>
      %swap3A_1235 = arith.constant 240 : index
      %swap3A_1236 = tpu.vector_load %arg21[%swap3A_1235] {strides = array<i32>} : memref<400xf32, #tpu.memory_space<vmem>>, vector<16xf32>,
      %swap3A_1237 = vector.shape_cast %swap3A_1236 : vector<16xf32> to vector<16xf32>
      %swap3A_1238 = vector.shape_cast %sub3A_1234 : vector<16xf32> to vector<16xf32>
      tpu.vector_store %arg21[%swap3A_1235], %swap3A_1238 {strides = array<i32>} : memref<400xf32, #tpu.memory_space<vmem>>, vector<16xf32>,
      %get3A_1239 = arith.constant 256 : index
      %get3A_1240 = tpu.vector_load %arg16[%get3A_1239] {strides = array<i32>} : memref<400xf32, #tpu.memory_space<vmem>>, vector<16xf32>,
      %get3A_1241 = vector.shape_cast %get3A_1240 : vector<16xf32> to vector<16xf32>
      %get3A_1242 = arith.constant 256 : index
      %get3A_1243 = tpu.vector_load %arg18[%get3A_1242] {strides = array<i32>} : memref<400xf32, #tpu.memory_space<vmem>>, vector<16xf32>,
      %get3A_1244 = vector.shape_cast %get3A_1243 : vector<16xf32> to vector<16xf32>
      %sub3A_1245 = arith.subf %get3A_1241, %get3A_1244 : vector<16xf32>
      %swap3A_1246 = arith.constant 256 : index
      %swap3A_1247 = tpu.vector_load %arg20[%swap3A_1246] {strides = array<i32>} : memref<400xf32, #tpu.memory_space<vmem>>, vector<16xf32>,
      %swap3A_1248 = vector.shape_cast %swap3A_1247 : vector<16xf32> to vector<16xf32>
      %swap3A_1249 = vector.shape_cast %sub3A_1245 : vector<16xf32> to vector<16xf32>
      tpu.vector_store %arg20[%swap3A_1246], %swap3A_1249 {strides = array<i32>} : memref<400xf32, #tpu.memory_space<vmem>>, vector<16xf32>,
      %get3A_1250 = arith.constant 256 : index
      %get3A_1251 = tpu.vector_load %arg17[%get3A_1250] {strides = array<i32>} : memref<400xf32, #tpu.memory_space<vmem>>, vector<16xf32>,
      %get3A_1252 = vector.shape_cast %get3A_1251 : vector<16xf32> to vector<16xf32>
      %get3A_1253 = arith.constant 256 : index
      %get3A_1254 = tpu.vector_load %arg19[%get3A_1253] {strides = array<i32>} : memref<400xf32, #tpu.memory_space<vmem>>, vector<16xf32>,
      %get3A_1255 = vector.shape_cast %get3A_1254 : vector<16xf32> to vector<16xf32>
      %sub3A_1256 = arith.subf %get3A_1252, %get3A_1255 : vector<16xf32>
      %swap3A_1257 = arith.constant 256 : index
      %swap3A_1258 = tpu.vector_load %arg21[%swap3A_1257] {strides = array<i32>} : memref<400xf32, #tpu.memory_space<vmem>>, vector<16xf32>,
      %swap3A_1259 = vector.shape_cast %swap3A_1258 : vector<16xf32> to vector<16xf32>
      %swap3A_1260 = vector.shape_cast %sub3A_1256 : vector<16xf32> to vector<16xf32>
      tpu.vector_store %arg21[%swap3A_1257], %swap3A_1260 {strides = array<i32>} : memref<400xf32, #tpu.memory_space<vmem>>, vector<16xf32>,
      %get3A_1261 = arith.constant 272 : index
      %get3A_1262 = tpu.vector_load %arg16[%get3A_1261] {strides = array<i32>} : memref<400xf32, #tpu.memory_space<vmem>>, vector<16xf32>,
      %get3A_1263 = vector.shape_cast %get3A_1262 : vector<16xf32> to vector<16xf32>
      %get3A_1264 = arith.constant 272 : index
      %get3A_1265 = tpu.vector_load %arg18[%get3A_1264] {strides = array<i32>} : memref<400xf32, #tpu.memory_space<vmem>>, vector<16xf32>,
      %get3A_1266 = vector.shape_cast %get3A_1265 : vector<16xf32> to vector<16xf32>
      %sub3A_1267 = arith.subf %get3A_1263, %get3A_1266 : vector<16xf32>
      %swap3A_1268 = arith.constant 272 : index
      %swap3A_1269 = tpu.vector_load %arg20[%swap3A_1268] {strides = array<i32>} : memref<400xf32, #tpu.memory_space<vmem>>, vector<16xf32>,
      %swap3A_1270 = vector.shape_cast %swap3A_1269 : vector<16xf32> to vector<16xf32>
      %swap3A_1271 = vector.shape_cast %sub3A_1267 : vector<16xf32> to vector<16xf32>
      tpu.vector_store %arg20[%swap3A_1268], %swap3A_1271 {strides = array<i32>} : memref<400xf32, #tpu.memory_space<vmem>>, vector<16xf32>,
      %get3A_1272 = arith.constant 272 : index
      %get3A_1273 = tpu.vector_load %arg17[%get3A_1272] {strides = array<i32>} : memref<400xf32, #tpu.memory_space<vmem>>, vector<16xf32>,
      %get3A_1274 = vector.shape_cast %get3A_1273 : vector<16xf32> to vector<16xf32>
      %get3A_1275 = arith.constant 272 : index
      %get3A_1276 = tpu.vector_load %arg19[%get3A_1275] {strides = array<i32>} : memref<400xf32, #tpu.memory_space<vmem>>, vector<16xf32>,
      %get3A_1277 = vector.shape_cast %get3A_1276 : vector<16xf32> to vector<16xf32>
      %sub3A_1278 = arith.subf %get3A_1274, %get3A_1277 : vector<16xf32>
      %swap3A_1279 = arith.constant 272 : index
      %swap3A_1280 = tpu.vector_load %arg21[%swap3A_1279] {strides = array<i32>} : memref<400xf32, #tpu.memory_space<vmem>>, vector<16xf32>,
      %swap3A_1281 = vector.shape_cast %swap3A_1280 : vector<16xf32> to vector<16xf32>
      %swap3A_1282 = vector.shape_cast %sub3A_1278 : vector<16xf32> to vector<16xf32>
      tpu.vector_store %arg21[%swap3A_1279], %swap3A_1282 {strides = array<i32>} : memref<400xf32, #tpu.memory_space<vmem>>, vector<16xf32>,
      %get3A_1283 = arith.constant 288 : index
      %get3A_1284 = tpu.vector_load %arg16[%get3A_1283] {strides = array<i32>} : memref<400xf32, #tpu.memory_space<vmem>>, vector<16xf32>,
      %get3A_1285 = vector.shape_cast %get3A_1284 : vector<16xf32> to vector<16xf32>
      %get3A_1286 = arith.constant 288 : index
      %get3A_1287 = tpu.vector_load %arg18[%get3A_1286] {strides = array<i32>} : memref<400xf32, #tpu.memory_space<vmem>>, vector<16xf32>,
      %get3A_1288 = vector.shape_cast %get3A_1287 : vector<16xf32> to vector<16xf32>
      %sub3A_1289 = arith.subf %get3A_1285, %get3A_1288 : vector<16xf32>
      %swap3A_1290 = arith.constant 288 : index
      %swap3A_1291 = tpu.vector_load %arg20[%swap3A_1290] {strides = array<i32>} : memref<400xf32, #tpu.memory_space<vmem>>, vector<16xf32>,
      %swap3A_1292 = vector.shape_cast %swap3A_1291 : vector<16xf32> to vector<16xf32>
      %swap3A_1293 = vector.shape_cast %sub3A_1289 : vector<16xf32> to vector<16xf32>
      tpu.vector_store %arg20[%swap3A_1290], %swap3A_1293 {strides = array<i32>} : memref<400xf32, #tpu.memory_space<vmem>>, vector<16xf32>,
      %get3A_1294 = arith.constant 288 : index
      %get3A_1295 = tpu.vector_load %arg17[%get3A_1294] {strides = array<i32>} : memref<400xf32, #tpu.memory_space<vmem>>, vector<16xf32>,
      %get3A_1296 = vector.shape_cast %get3A_1295 : vector<16xf32> to vector<16xf32>
      %get3A_1297 = arith.constant 288 : index
      %get3A_1298 = tpu.vector_load %arg19[%get3A_1297] {strides = array<i32>} : memref<400xf32, #tpu.memory_space<vmem>>, vector<16xf32>,
      %get3A_1299 = vector.shape_cast %get3A_1298 : vector<16xf32> to vector<16xf32>
      %sub3A_1300 = arith.subf %get3A_1296, %get3A_1299 : vector<16xf32>
      %swap3A_1301 = arith.constant 288 : index
      %swap3A_1302 = tpu.vector_load %arg21[%swap3A_1301] {strides = array<i32>} : memref<400xf32, #tpu.memory_space<vmem>>, vector<16xf32>,
      %swap3A_1303 = vector.shape_cast %swap3A_1302 : vector<16xf32> to vector<16xf32>
      %swap3A_1304 = vector.shape_cast %sub3A_1300 : vector<16xf32> to vector<16xf32>
      tpu.vector_store %arg21[%swap3A_1301], %swap3A_1304 {strides = array<i32>} : memref<400xf32, #tpu.memory_space<vmem>>, vector<16xf32>,
      %get3A_1305 = arith.constant 304 : index
      %get3A_1306 = tpu.vector_load %arg16[%get3A_1305] {strides = array<i32>} : memref<400xf32, #tpu.memory_space<vmem>>, vector<16xf32>,
      %get3A_1307 = vector.shape_cast %get3A_1306 : vector<16xf32> to vector<16xf32>
      %get3A_1308 = arith.constant 304 : index
      %get3A_1309 = tpu.vector_load %arg18[%get3A_1308] {strides = array<i32>} : memref<400xf32, #tpu.memory_space<vmem>>, vector<16xf32>,
      %get3A_1310 = vector.shape_cast %get3A_1309 : vector<16xf32> to vector<16xf32>
      %sub3A_1311 = arith.subf %get3A_1307, %get3A_1310 : vector<16xf32>
      %swap3A_1312 = arith.constant 304 : index
      %swap3A_1313 = tpu.vector_load %arg20[%swap3A_1312] {strides = array<i32>} : memref<400xf32, #tpu.memory_space<vmem>>, vector<16xf32>,
      %swap3A_1314 = vector.shape_cast %swap3A_1313 : vector<16xf32> to vector<16xf32>
      %swap3A_1315 = vector.shape_cast %sub3A_1311 : vector<16xf32> to vector<16xf32>
      tpu.vector_store %arg20[%swap3A_1312], %swap3A_1315 {strides = array<i32>} : memref<400xf32, #tpu.memory_space<vmem>>, vector<16xf32>,
      %get3A_1316 = arith.constant 304 : index
      %get3A_1317 = tpu.vector_load %arg17[%get3A_1316] {strides = array<i32>} : memref<400xf32, #tpu.memory_space<vmem>>, vector<16xf32>,
      %get3A_1318 = vector.shape_cast %get3A_1317 : vector<16xf32> to vector<16xf32>
      %get3A_1319 = arith.constant 304 : index
      %get3A_1320 = tpu.vector_load %arg19[%get3A_1319] {strides = array<i32>} : memref<400xf32, #tpu.memory_space<vmem>>, vector<16xf32>,
      %get3A_1321 = vector.shape_cast %get3A_1320 : vector<16xf32> to vector<16xf32>
      %sub3A_1322 = arith.subf %get3A_1318, %get3A_1321 : vector<16xf32>
      %swap3A_1323 = arith.constant 304 : index
      %swap3A_1324 = tpu.vector_load %arg21[%swap3A_1323] {strides = array<i32>} : memref<400xf32, #tpu.memory_space<vmem>>, vector<16xf32>,
      %swap3A_1325 = vector.shape_cast %swap3A_1324 : vector<16xf32> to vector<16xf32>
      %swap3A_1326 = vector.shape_cast %sub3A_1322 : vector<16xf32> to vector<16xf32>
      tpu.vector_store %arg21[%swap3A_1323], %swap3A_1326 {strides = array<i32>} : memref<400xf32, #tpu.memory_space<vmem>>, vector<16xf32>,
      %get3A_1327 = arith.constant 320 : index
      %get3A_1328 = tpu.vector_load %arg16[%get3A_1327] {strides = array<i32>} : memref<400xf32, #tpu.memory_space<vmem>>, vector<16xf32>,
      %get3A_1329 = vector.shape_cast %get3A_1328 : vector<16xf32> to vector<16xf32>
      %get3A_1330 = arith.constant 320 : index
      %get3A_1331 = tpu.vector_load %arg18[%get3A_1330] {strides = array<i32>} : memref<400xf32, #tpu.memory_space<vmem>>, vector<16xf32>,
      %get3A_1332 = vector.shape_cast %get3A_1331 : vector<16xf32> to vector<16xf32>
      %sub3A_1333 = arith.subf %get3A_1329, %get3A_1332 : vector<16xf32>
      %swap3A_1334 = arith.constant 320 : index
      %swap3A_1335 = tpu.vector_load %arg20[%swap3A_1334] {strides = array<i32>} : memref<400xf32, #tpu.memory_space<vmem>>, vector<16xf32>,
      %swap3A_1336 = vector.shape_cast %swap3A_1335 : vector<16xf32> to vector<16xf32>
      %swap3A_1337 = vector.shape_cast %sub3A_1333 : vector<16xf32> to vector<16xf32>
      tpu.vector_store %arg20[%swap3A_1334], %swap3A_1337 {strides = array<i32>} : memref<400xf32, #tpu.memory_space<vmem>>, vector<16xf32>,
      %get3A_1338 = arith.constant 320 : index
      %get3A_1339 = tpu.vector_load %arg17[%get3A_1338] {strides = array<i32>} : memref<400xf32, #tpu.memory_space<vmem>>, vector<16xf32>,
      %get3A_1340 = vector.shape_cast %get3A_1339 : vector<16xf32> to vector<16xf32>
      %get3A_1341 = arith.constant 320 : index
      %get3A_1342 = tpu.vector_load %arg19[%get3A_1341] {strides = array<i32>} : memref<400xf32, #tpu.memory_space<vmem>>, vector<16xf32>,
      %get3A_1343 = vector.shape_cast %get3A_1342 : vector<16xf32> to vector<16xf32>
      %sub3A_1344 = arith.subf %get3A_1340, %get3A_1343 : vector<16xf32>
      %swap3A_1345 = arith.constant 320 : index
      %swap3A_1346 = tpu.vector_load %arg21[%swap3A_1345] {strides = array<i32>} : memref<400xf32, #tpu.memory_space<vmem>>, vector<16xf32>,
      %swap3A_1347 = vector.shape_cast %swap3A_1346 : vector<16xf32> to vector<16xf32>
      %swap3A_1348 = vector.shape_cast %sub3A_1344 : vector<16xf32> to vector<16xf32>
      tpu.vector_store %arg21[%swap3A_1345], %swap3A_1348 {strides = array<i32>} : memref<400xf32, #tpu.memory_space<vmem>>, vector<16xf32>,
      %get3A_1349 = arith.constant 336 : index
      %get3A_1350 = tpu.vector_load %arg16[%get3A_1349] {strides = array<i32>} : memref<400xf32, #tpu.memory_space<vmem>>, vector<16xf32>,
      %get3A_1351 = vector.shape_cast %get3A_1350 : vector<16xf32> to vector<16xf32>
      %get3A_1352 = arith.constant 336 : index
      %get3A_1353 = tpu.vector_load %arg18[%get3A_1352] {strides = array<i32>} : memref<400xf32, #tpu.memory_space<vmem>>, vector<16xf32>,
      %get3A_1354 = vector.shape_cast %get3A_1353 : vector<16xf32> to vector<16xf32>
      %sub3A_1355 = arith.subf %get3A_1351, %get3A_1354 : vector<16xf32>
      %swap3A_1356 = arith.constant 336 : index
      %swap3A_1357 = tpu.vector_load %arg20[%swap3A_1356] {strides = array<i32>} : memref<400xf32, #tpu.memory_space<vmem>>, vector<16xf32>,
      %swap3A_1358 = vector.shape_cast %swap3A_1357 : vector<16xf32> to vector<16xf32>
      %swap3A_1359 = vector.shape_cast %sub3A_1355 : vector<16xf32> to vector<16xf32>
      tpu.vector_store %arg20[%swap3A_1356], %swap3A_1359 {strides = array<i32>} : memref<400xf32, #tpu.memory_space<vmem>>, vector<16xf32>,
      %get3A_1360 = arith.constant 336 : index
      %get3A_1361 = tpu.vector_load %arg17[%get3A_1360] {strides = array<i32>} : memref<400xf32, #tpu.memory_space<vmem>>, vector<16xf32>,
      %get3A_1362 = vector.shape_cast %get3A_1361 : vector<16xf32> to vector<16xf32>
      %get3A_1363 = arith.constant 336 : index
      %get3A_1364 = tpu.vector_load %arg19[%get3A_1363] {strides = array<i32>} : memref<400xf32, #tpu.memory_space<vmem>>, vector<16xf32>,
      %get3A_1365 = vector.shape_cast %get3A_1364 : vector<16xf32> to vector<16xf32>
      %sub3A_1366 = arith.subf %get3A_1362, %get3A_1365 : vector<16xf32>
      %swap3A_1367 = arith.constant 336 : index
      %swap3A_1368 = tpu.vector_load %arg21[%swap3A_1367] {strides = array<i32>} : memref<400xf32, #tpu.memory_space<vmem>>, vector<16xf32>,
      %swap3A_1369 = vector.shape_cast %swap3A_1368 : vector<16xf32> to vector<16xf32>
      %swap3A_1370 = vector.shape_cast %sub3A_1366 : vector<16xf32> to vector<16xf32>
      tpu.vector_store %arg21[%swap3A_1367], %swap3A_1370 {strides = array<i32>} : memref<400xf32, #tpu.memory_space<vmem>>, vector<16xf32>,
      %get3A_1371 = arith.constant 352 : index
      %get3A_1372 = tpu.vector_load %arg16[%get3A_1371] {strides = array<i32>} : memref<400xf32, #tpu.memory_space<vmem>>, vector<16xf32>,
      %get3A_1373 = vector.shape_cast %get3A_1372 : vector<16xf32> to vector<16xf32>
      %get3A_1374 = arith.constant 352 : index
      %get3A_1375 = tpu.vector_load %arg18[%get3A_1374] {strides = array<i32>} : memref<400xf32, #tpu.memory_space<vmem>>, vector<16xf32>,
      %get3A_1376 = vector.shape_cast %get3A_1375 : vector<16xf32> to vector<16xf32>
      %sub3A_1377 = arith.subf %get3A_1373, %get3A_1376 : vector<16xf32>
      %swap3A_1378 = arith.constant 352 : index
      %swap3A_1379 = tpu.vector_load %arg20[%swap3A_1378] {strides = array<i32>} : memref<400xf32, #tpu.memory_space<vmem>>, vector<16xf32>,
      %swap3A_1380 = vector.shape_cast %swap3A_1379 : vector<16xf32> to vector<16xf32>
      %swap3A_1381 = vector.shape_cast %sub3A_1377 : vector<16xf32> to vector<16xf32>
      tpu.vector_store %arg20[%swap3A_1378], %swap3A_1381 {strides = array<i32>} : memref<400xf32, #tpu.memory_space<vmem>>, vector<16xf32>,
      %get3A_1382 = arith.constant 352 : index
      %get3A_1383 = tpu.vector_load %arg17[%get3A_1382] {strides = array<i32>} : memref<400xf32, #tpu.memory_space<vmem>>, vector<16xf32>,
      %get3A_1384 = vector.shape_cast %get3A_1383 : vector<16xf32> to vector<16xf32>
      %get3A_1385 = arith.constant 352 : index
      %get3A_1386 = tpu.vector_load %arg19[%get3A_1385] {strides = array<i32>} : memref<400xf32, #tpu.memory_space<vmem>>, vector<16xf32>,
      %get3A_1387 = vector.shape_cast %get3A_1386 : vector<16xf32> to vector<16xf32>
      %sub3A_1388 = arith.subf %get3A_1384, %get3A_1387 : vector<16xf32>
      %swap3A_1389 = arith.constant 352 : index
      %swap3A_1390 = tpu.vector_load %arg21[%swap3A_1389] {strides = array<i32>} : memref<400xf32, #tpu.memory_space<vmem>>, vector<16xf32>,
      %swap3A_1391 = vector.shape_cast %swap3A_1390 : vector<16xf32> to vector<16xf32>
      %swap3A_1392 = vector.shape_cast %sub3A_1388 : vector<16xf32> to vector<16xf32>
      tpu.vector_store %arg21[%swap3A_1389], %swap3A_1392 {strides = array<i32>} : memref<400xf32, #tpu.memory_space<vmem>>, vector<16xf32>,
      %get3A_1393 = arith.constant 368 : index
      %get3A_1394 = tpu.vector_load %arg16[%get3A_1393] {strides = array<i32>} : memref<400xf32, #tpu.memory_space<vmem>>, vector<16xf32>,
      %get3A_1395 = vector.shape_cast %get3A_1394 : vector<16xf32> to vector<16xf32>
      %get3A_1396 = arith.constant 368 : index
      %get3A_1397 = tpu.vector_load %arg18[%get3A_1396] {strides = array<i32>} : memref<400xf32, #tpu.memory_space<vmem>>, vector<16xf32>,
      %get3A_1398 = vector.shape_cast %get3A_1397 : vector<16xf32> to vector<16xf32>
      %sub3A_1399 = arith.subf %get3A_1395, %get3A_1398 : vector<16xf32>
      %swap3A_1400 = arith.constant 368 : index
      %swap3A_1401 = tpu.vector_load %arg20[%swap3A_1400] {strides = array<i32>} : memref<400xf32, #tpu.memory_space<vmem>>, vector<16xf32>,
      %swap3A_1402 = vector.shape_cast %swap3A_1401 : vector<16xf32> to vector<16xf32>
      %swap3A_1403 = vector.shape_cast %sub3A_1399 : vector<16xf32> to vector<16xf32>
      tpu.vector_store %arg20[%swap3A_1400], %swap3A_1403 {strides = array<i32>} : memref<400xf32, #tpu.memory_space<vmem>>, vector<16xf32>,
      %get3A_1404 = arith.constant 368 : index
      %get3A_1405 = tpu.vector_load %arg17[%get3A_1404] {strides = array<i32>} : memref<400xf32, #tpu.memory_space<vmem>>, vector<16xf32>,
      %get3A_1406 = vector.shape_cast %get3A_1405 : vector<16xf32> to vector<16xf32>
      %get3A_1407 = arith.constant 368 : index
      %get3A_1408 = tpu.vector_load %arg19[%get3A_1407] {strides = array<i32>} : memref<400xf32, #tpu.memory_space<vmem>>, vector<16xf32>,
      %get3A_1409 = vector.shape_cast %get3A_1408 : vector<16xf32> to vector<16xf32>
      %sub3A_1410 = arith.subf %get3A_1406, %get3A_1409 : vector<16xf32>
      %swap3A_1411 = arith.constant 368 : index
      %swap3A_1412 = tpu.vector_load %arg21[%swap3A_1411] {strides = array<i32>} : memref<400xf32, #tpu.memory_space<vmem>>, vector<16xf32>,
      %swap3A_1413 = vector.shape_cast %swap3A_1412 : vector<16xf32> to vector<16xf32>
      %swap3A_1414 = vector.shape_cast %sub3A_1410 : vector<16xf32> to vector<16xf32>
      tpu.vector_store %arg21[%swap3A_1411], %swap3A_1414 {strides = array<i32>} : memref<400xf32, #tpu.memory_space<vmem>>, vector<16xf32>,
      %get3A_1415 = arith.constant 384 : index
      %get3A_1416 = tpu.vector_load %arg16[%get3A_1415] {strides = array<i32>} : memref<400xf32, #tpu.memory_space<vmem>>, vector<16xf32>,
      %get3A_1417 = vector.shape_cast %get3A_1416 : vector<16xf32> to vector<16xf32>
      %get3A_1418 = arith.constant 384 : index
      %get3A_1419 = tpu.vector_load %arg18[%get3A_1418] {strides = array<i32>} : memref<400xf32, #tpu.memory_space<vmem>>, vector<16xf32>,
      %get3A_1420 = vector.shape_cast %get3A_1419 : vector<16xf32> to vector<16xf32>
      %sub3A_1421 = arith.subf %get3A_1417, %get3A_1420 : vector<16xf32>
      %swap3A_1422 = arith.constant 384 : index
      %swap3A_1423 = tpu.vector_load %arg20[%swap3A_1422] {strides = array<i32>} : memref<400xf32, #tpu.memory_space<vmem>>, vector<16xf32>,
      %swap3A_1424 = vector.shape_cast %swap3A_1423 : vector<16xf32> to vector<16xf32>
      %swap3A_1425 = vector.shape_cast %sub3A_1421 : vector<16xf32> to vector<16xf32>
      tpu.vector_store %arg20[%swap3A_1422], %swap3A_1425 {strides = array<i32>} : memref<400xf32, #tpu.memory_space<vmem>>, vector<16xf32>,
      %get3A_1426 = arith.constant 384 : index
      %get3A_1427 = tpu.vector_load %arg17[%get3A_1426] {strides = array<i32>} : memref<400xf32, #tpu.memory_space<vmem>>, vector<16xf32>,
      %get3A_1428 = vector.shape_cast %get3A_1427 : vector<16xf32> to vector<16xf32>
      %get3A_1429 = arith.constant 384 : index
      %get3A_1430 = tpu.vector_load %arg19[%get3A_1429] {strides = array<i32>} : memref<400xf32, #tpu.memory_space<vmem>>, vector<16xf32>,
      %get3A_1431 = vector.shape_cast %get3A_1430 : vector<16xf32> to vector<16xf32>
      %sub3A_1432 = arith.subf %get3A_1428, %get3A_1431 : vector<16xf32>
      %swap3A_1433 = arith.constant 384 : index
      %swap3A_1434 = tpu.vector_load %arg21[%swap3A_1433] {strides = array<i32>} : memref<400xf32, #tpu.memory_space<vmem>>, vector<16xf32>,
      %swap3A_1435 = vector.shape_cast %swap3A_1434 : vector<16xf32> to vector<16xf32>
      %swap3A_1436 = vector.shape_cast %sub3A_1432 : vector<16xf32> to vector<16xf32>
      tpu.vector_store %arg21[%swap3A_1433], %swap3A_1436 {strides = array<i32>} : memref<400xf32, #tpu.memory_space<vmem>>, vector<16xf32>,
      %dma_start3A_1437 = tpu.memref_slice %arg8[%add3A_11] : memref<320000xf32, #tpu.memory_space<hbm>> -> memref<400xf32, #tpu.memory_space<hbm>>
      %dma_start3A_1438 = tpu.memref_slice %arg8[%add3A_11] : memref<320000xf32, #tpu.memory_space<hbm>> -> memref<400xf32, #tpu.memory_space<hbm>>
      tpu.enqueue_dma source(%arg20 : memref<400xf32, #tpu.memory_space<vmem>>) target(%dma_start3A_1438 : memref<400xf32, #tpu.memory_space<hbm>>) target_semaphore(%arg26 : memref<!tpu.dma_semaphore, #tpu.memory_space<semaphore_mem>>)
      %dma_start3A_1439 = tpu.memref_slice %arg9[%add3A_11] : memref<320000xf32, #tpu.memory_space<hbm>> -> memref<400xf32, #tpu.memory_space<hbm>>
      %dma_start3A_1440 = tpu.memref_slice %arg9[%add3A_11] : memref<320000xf32, #tpu.memory_space<hbm>> -> memref<400xf32, #tpu.memory_space<hbm>>
      tpu.enqueue_dma source(%arg21 : memref<400xf32, #tpu.memory_space<vmem>>) target(%dma_start3A_1440 : memref<400xf32, #tpu.memory_space<hbm>>) target_semaphore(%arg26 : memref<!tpu.dma_semaphore, #tpu.memory_space<semaphore_mem>>)
      %dma_wait3A_1441 = arith.constant 0 : i32
      %dma_wait3A_1442 = arith.constant 0 : i32
      %dma_wait3A_1443 = tpu.memref_slice %arg2[%dma_wait3A_1441, %dma_wait3A_1442] : memref<10000x128xf32, #tpu.memory_space<hbm>> -> memref<10000x128xf32, #tpu.memory_space<hbm>>
      tpu.wait_indirect_dma semaphore(%arg24 : memref<!tpu.dma_semaphore, #tpu.memory_space<semaphore_mem>>) src(%dma_wait3A_1443 : memref<10000x128xf32, #tpu.memory_space<hbm>>) dst(%arg22 : memref<400x128xf32, #tpu.memory_space<vmem>>)
      %dma_wait3A_1444 = arith.constant 0 : i32
      %dma_wait3A_1445 = arith.constant 0 : i32
      %dma_wait3A_1446 = tpu.memref_slice %arg2[%dma_wait3A_1444, %dma_wait3A_1445] : memref<10000x128xf32, #tpu.memory_space<hbm>> -> memref<10000x128xf32, #tpu.memory_space<hbm>>
      tpu.wait_indirect_dma semaphore(%arg25 : memref<!tpu.dma_semaphore, #tpu.memory_space<semaphore_mem>>) src(%dma_wait3A_1446 : memref<10000x128xf32, #tpu.memory_space<hbm>>) dst(%arg23 : memref<400x128xf32, #tpu.memory_space<vmem>>)
      %dma_start3A_1447 = arith.constant 0 : i32
      %dma_start3A_1448 = tpu.memref_slice %arg6[%add3A_11, %dma_start3A_1447] : memref<320000x128xf32, #tpu.memory_space<hbm>> -> memref<400x128xf32, #tpu.memory_space<hbm>>
      %dma_start3A_1449 = arith.constant 0 : i32
      %dma_start3A_1450 = tpu.memref_slice %arg6[%add3A_11, %dma_start3A_1449] : memref<320000x128xf32, #tpu.memory_space<hbm>> -> memref<400x128xf32, #tpu.memory_space<hbm>>
      tpu.enqueue_dma source(%arg22 : memref<400x128xf32, #tpu.memory_space<vmem>>) target(%dma_start3A_1450 : memref<400x128xf32, #tpu.memory_space<hbm>>) target_semaphore(%arg24 : memref<!tpu.dma_semaphore, #tpu.memory_space<semaphore_mem>>)
      %dma_start3A_1451 = arith.constant 0 : i32
      %dma_start3A_1452 = tpu.memref_slice %arg7[%add3A_11, %dma_start3A_1451] : memref<320000x128xf32, #tpu.memory_space<hbm>> -> memref<400x128xf32, #tpu.memory_space<hbm>>
      %dma_start3A_1453 = arith.constant 0 : i32
      %dma_start3A_1454 = tpu.memref_slice %arg7[%add3A_11, %dma_start3A_1453] : memref<320000x128xf32, #tpu.memory_space<hbm>> -> memref<400x128xf32, #tpu.memory_space<hbm>>
      tpu.enqueue_dma source(%arg23 : memref<400x128xf32, #tpu.memory_space<vmem>>) target(%dma_start3A_1454 : memref<400x128xf32, #tpu.memory_space<hbm>>) target_semaphore(%arg25 : memref<!tpu.dma_semaphore, #tpu.memory_space<semaphore_mem>>)
      %dma_wait3A_1455 = tpu.memref_slice %arg8[%add3A_11] : memref<320000xf32, #tpu.memory_space<hbm>> -> memref<400xf32, #tpu.memory_space<hbm>>
      %dma_wait3A_1456 = tpu.memref_slice %arg8[%add3A_11] : memref<320000xf32, #tpu.memory_space<hbm>> -> memref<400xf32, #tpu.memory_space<hbm>>
      tpu.wait_dma2 semaphore(%arg26 : memref<!tpu.dma_semaphore, #tpu.memory_space<semaphore_mem>>) src(%arg20 : memref<400xf32, #tpu.memory_space<vmem>>) dst(%dma_wait3A_1456 : memref<400xf32, #tpu.memory_space<hbm>>)
      %dma_wait3A_1457 = tpu.memref_slice %arg9[%add3A_11] : memref<320000xf32, #tpu.memory_space<hbm>> -> memref<400xf32, #tpu.memory_space<hbm>>
      %dma_wait3A_1458 = tpu.memref_slice %arg9[%add3A_11] : memref<320000xf32, #tpu.memory_space<hbm>> -> memref<400xf32, #tpu.memory_space<hbm>>
      tpu.wait_dma2 semaphore(%arg26 : memref<!tpu.dma_semaphore, #tpu.memory_space<semaphore_mem>>) src(%arg21 : memref<400xf32, #tpu.memory_space<vmem>>) dst(%dma_wait3A_1458 : memref<400xf32, #tpu.memory_space<hbm>>)
      %dma_wait3A_1459 = arith.constant 0 : i32
      %dma_wait3A_1460 = tpu.memref_slice %arg6[%add3A_11, %dma_wait3A_1459] : memref<320000x128xf32, #tpu.memory_space<hbm>> -> memref<400x128xf32, #tpu.memory_space<hbm>>
      %dma_wait3A_1461 = arith.constant 0 : i32
      %dma_wait3A_1462 = tpu.memref_slice %arg6[%add3A_11, %dma_wait3A_1461] : memref<320000x128xf32, #tpu.memory_space<hbm>> -> memref<400x128xf32, #tpu.memory_space<hbm>>
      tpu.wait_dma2 semaphore(%arg24 : memref<!tpu.dma_semaphore, #tpu.memory_space<semaphore_mem>>) src(%arg22 : memref<400x128xf32, #tpu.memory_space<vmem>>) dst(%dma_wait3A_1462 : memref<400x128xf32, #tpu.memory_space<hbm>>)
      %dma_wait3A_1463 = arith.constant 0 : i32
      %dma_wait3A_1464 = tpu.memref_slice %arg7[%add3A_11, %dma_wait3A_1463] : memref<320000x128xf32, #tpu.memory_space<hbm>> -> memref<400x128xf32, #tpu.memory_space<hbm>>
      %dma_wait3A_1465 = arith.constant 0 : i32
      %dma_wait3A_1466 = tpu.memref_slice %arg7[%add3A_11, %dma_wait3A_1465] : memref<320000x128xf32, #tpu.memory_space<hbm>> -> memref<400x128xf32, #tpu.memory_space<hbm>>
      tpu.wait_dma2 semaphore(%arg25 : memref<!tpu.dma_semaphore, #tpu.memory_space<semaphore_mem>>) src(%arg23 : memref<400x128xf32, #tpu.memory_space<vmem>>) dst(%dma_wait3A_1466 : memref<400x128xf32, #tpu.memory_space<hbm>>)
    }
    %scan3A_5 = arith.constant 25 : i32
    return
  }
}

module attributes {stable_mosaic.version = 14 : i64} {
  func.func @_edge_kernel(%arg0: i32, %arg1: memref<512x128xf32, #tpu.memory_space<vmem>>, %arg2: memref<512x128xf32, #tpu.memory_space<vmem>>, %arg3: memref<512x2xf32, #tpu.memory_space<vmem>>, %arg4: memref<128xf32, #tpu.memory_space<vmem>>, %arg5: memref<128xf32, #tpu.memory_space<vmem>>, %arg6: memref<128xf32, #tpu.memory_space<vmem>>, %arg7: memref<128x256xbf16, #tpu.memory_space<vmem>>, %arg8: memref<128x256xbf16, #tpu.memory_space<vmem>>, %arg9: memref<128x256xbf16, #tpu.memory_space<vmem>>, %arg10: memref<128x256xbf16, #tpu.memory_space<vmem>>, %arg11: memref<128x256xbf16, #tpu.memory_space<vmem>>, %arg12: memref<128x256xbf16, #tpu.memory_space<vmem>>, %arg13: memref<256xf32, #tpu.memory_space<vmem>>, %arg14: memref<256xf32, #tpu.memory_space<vmem>>, %arg15: memref<256xf32, #tpu.memory_space<vmem>>, %arg16: memref<256x128xbf16, #tpu.memory_space<vmem>>, %arg17: memref<256x128xbf16, #tpu.memory_space<vmem>>, %arg18: memref<128xf32, #tpu.memory_space<vmem>>, %arg19: memref<128x128xbf16, #tpu.memory_space<vmem>>, %arg20: memref<128x128xbf16, #tpu.memory_space<vmem>>, %arg21: memref<128x128xbf16, #tpu.memory_space<vmem>>, %arg22: memref<128xf32, #tpu.memory_space<vmem>>, %arg23: memref<512x144xf32, #tpu.memory_space<vmem>>) attributes {dimension_semantics = [#tpu.dimension_semantics<arbitrary>], iteration_bounds = array<i64: 625>, scalar_prefetch = 0 : i64, scratch_operands = 0 : i64, tpu.core_type = #tpu.core_type<tc>, window_params = [{transform_indices = @transform_0, window_bounds = array<i64: 512, 128>}, {transform_indices = @transform_1, window_bounds = array<i64: 512, 128>}, {transform_indices = @transform_2, window_bounds = array<i64: 512, 2>}, {pipeline_mode = #tpu.pipeline_mode<synchronous>, transform_indices = @transform_3, window_bounds = array<i64: 128>}, {pipeline_mode = #tpu.pipeline_mode<synchronous>, transform_indices = @transform_4, window_bounds = array<i64: 128>}, {pipeline_mode = #tpu.pipeline_mode<synchronous>, transform_indices = @transform_5, window_bounds = array<i64: 128>}, {pipeline_mode = #tpu.pipeline_mode<synchronous>, transform_indices = @transform_6, window_bounds = array<i64: 128, 256>}, {pipeline_mode = #tpu.pipeline_mode<synchronous>, transform_indices = @transform_7, window_bounds = array<i64: 128, 256>}, {pipeline_mode = #tpu.pipeline_mode<synchronous>, transform_indices = @transform_8, window_bounds = array<i64: 128, 256>}, {pipeline_mode = #tpu.pipeline_mode<synchronous>, transform_indices = @transform_9, window_bounds = array<i64: 128, 256>}, {pipeline_mode = #tpu.pipeline_mode<synchronous>, transform_indices = @transform_10, window_bounds = array<i64: 128, 256>}, {pipeline_mode = #tpu.pipeline_mode<synchronous>, transform_indices = @transform_11, window_bounds = array<i64: 128, 256>}, {pipeline_mode = #tpu.pipeline_mode<synchronous>, transform_indices = @transform_12, window_bounds = array<i64: 256>}, {pipeline_mode = #tpu.pipeline_mode<synchronous>, transform_indices = @transform_13, window_bounds = array<i64: 256>}, {pipeline_mode = #tpu.pipeline_mode<synchronous>, transform_indices = @transform_14, window_bounds = array<i64: 256>}, {pipeline_mode = #tpu.pipeline_mode<synchronous>, transform_indices = @transform_15, window_bounds = array<i64: 256, 128>}, {pipeline_mode = #tpu.pipeline_mode<synchronous>, transform_indices = @transform_16, window_bounds = array<i64: 256, 128>}, {pipeline_mode = #tpu.pipeline_mode<synchronous>, transform_indices = @transform_17, window_bounds = array<i64: 128>}, {pipeline_mode = #tpu.pipeline_mode<synchronous>, transform_indices = @transform_18, window_bounds = array<i64: 128, 128>}, {pipeline_mode = #tpu.pipeline_mode<synchronous>, transform_indices = @transform_19, window_bounds = array<i64: 128, 128>}, {pipeline_mode = #tpu.pipeline_mode<synchronous>, transform_indices = @transform_20, window_bounds = array<i64: 128, 128>}, {pipeline_mode = #tpu.pipeline_mode<synchronous>, transform_indices = @transform_21, window_bounds = array<i64: 128>}, {transform_indices = @transform_22, window_bounds = array<i64: 512, 144>}]} {
    %get3A = arith.constant 0 : index
    %get3A_0 = arith.constant 0 : index
    %get3A_1 = vector.load %arg1[%get3A, %get3A_0] : memref<512x128xf32, #tpu.memory_space<vmem>>, vector<512x128xf32>
    %get3A_2 = arith.constant 0 : index
    %get3A_3 = arith.constant 0 : index
    %get3A_4 = vector.load %arg2[%get3A_2, %get3A_3] : memref<512x128xf32, #tpu.memory_space<vmem>>, vector<512x128xf32>
    %get3A_5 = arith.constant 0 : index
    %get3A_6 = arith.constant 0 : index
    %get3A_7 = vector.load %arg3[%get3A_5, %get3A_6] : memref<512x2xf32, #tpu.memory_space<vmem>>, vector<512x2xf32>
    %slice3A = vector.extract_strided_slice %get3A_7 {offsets = [0, 0], sizes = [512, 1], strides = [1, 1]} : vector<512x2xf32> to vector<512x1xf32>
    %get3A_8 = arith.constant 0 : index
    %get3A_9 = vector.load %arg4[%get3A_8] : memref<128xf32, #tpu.memory_space<vmem>>, vector<128xf32>
    %broadcast_in_dim3A = vector.shape_cast %get3A_9 : vector<128xf32> to vector<1x128xf32>
    %mul3A = vector.broadcast %slice3A : vector<512x1xf32> to vector<512x128xf32>
    %mul3A_10 = vector.broadcast %broadcast_in_dim3A : vector<1x128xf32> to vector<512x128xf32>
    %mul3A_11 = arith.mulf %mul3A, %mul3A_10 : vector<512x128xf32>
    %slice3A_12 = vector.extract_strided_slice %get3A_7 {offsets = [0, 1], sizes = [512, 1], strides = [1, 1]} : vector<512x2xf32> to vector<512x1xf32>
    %get3A_13 = arith.constant 0 : index
    %get3A_14 = vector.load %arg5[%get3A_13] : memref<128xf32, #tpu.memory_space<vmem>>, vector<128xf32>
    %broadcast_in_dim3A_15 = vector.shape_cast %get3A_14 : vector<128xf32> to vector<1x128xf32>
    %mul3A_16 = vector.broadcast %slice3A_12 : vector<512x1xf32> to vector<512x128xf32>
    %mul3A_17 = vector.broadcast %broadcast_in_dim3A_15 : vector<1x128xf32> to vector<512x128xf32>
    %mul3A_18 = arith.mulf %mul3A_16, %mul3A_17 : vector<512x128xf32>
    %add3A = arith.addf %mul3A_11, %mul3A_18 : vector<512x128xf32>
    %get3A_19 = arith.constant 0 : index
    %get3A_20 = vector.load %arg6[%get3A_19] : memref<128xf32, #tpu.memory_space<vmem>>, vector<128xf32>
    %get3A_21 = vector.shape_cast %get3A_20 : vector<128xf32> to vector<128xf32>
    %broadcast_in_dim3A_22 = vector.shape_cast %get3A_21 : vector<128xf32> to vector<1x128xf32>
    %add3A_23 = vector.broadcast %broadcast_in_dim3A_22 : vector<1x128xf32> to vector<512x128xf32>
    %add3A_24 = arith.addf %add3A, %add3A_23 : vector<512x128xf32>
    %sin3A = math.sin %add3A_24 : vector<512x128xf32>
    %get3A_25 = arith.constant 0 : index
    %get3A_26 = arith.constant 0 : index
    %get3A_27 = vector.load %arg7[%get3A_25, %get3A_26] : memref<128x256xbf16, #tpu.memory_space<vmem>>, vector<128x256xbf16>
    %get3A_28 = arith.constant 0 : index
    %get3A_29 = arith.constant 0 : index
    %get3A_30 = vector.load %arg8[%get3A_28, %get3A_29] : memref<128x256xbf16, #tpu.memory_space<vmem>>, vector<128x256xbf16>
    %convert_element_type3A = arith.truncf %get3A_1 : vector<512x128xf32> to vector<512x128xbf16>
    %convert_element_type3A_31 = arith.extf %convert_element_type3A : vector<512x128xbf16> to vector<512x128xf32>
    %sub3A = arith.subf %get3A_1, %convert_element_type3A_31 : vector<512x128xf32>
    %convert_element_type3A_32 = arith.truncf %sub3A : vector<512x128xf32> to vector<512x128xbf16>
    %dot_general3A = arith.constant dense<0.000000e+00> : vector<512x256xf32>
    %dot_general3A_33 = tpu.matmul %convert_element_type3A, %get3A_27, %dot_general3A {dimension_numbers = #tpu.dot_dimension_numbers<[1], [0], [0], [1], [0, 0, 1, 1], [], []>, transpose_lhs_hint = false} : vector<512x128xbf16>, vector<128x256xbf16>, vector<512x256xf32> -> vector<512x256xf32>
    %dot_general3A_34 = arith.constant dense<0.000000e+00> : vector<512x256xf32>
    %dot_general3A_35 = tpu.matmul %convert_element_type3A, %get3A_30, %dot_general3A_34 {dimension_numbers = #tpu.dot_dimension_numbers<[1], [0], [0], [1], [0, 0, 1, 1], [], []>, transpose_lhs_hint = false} : vector<512x128xbf16>, vector<128x256xbf16>, vector<512x256xf32> -> vector<512x256xf32>
    %add3A_36 = arith.addf %dot_general3A_33, %dot_general3A_35 : vector<512x256xf32>
    %dot_general3A_37 = arith.constant dense<0.000000e+00> : vector<512x256xf32>
    %dot_general3A_38 = tpu.matmul %convert_element_type3A_32, %get3A_27, %dot_general3A_37 {dimension_numbers = #tpu.dot_dimension_numbers<[1], [0], [0], [1], [0, 0, 1, 1], [], []>, transpose_lhs_hint = false} : vector<512x128xbf16>, vector<128x256xbf16>, vector<512x256xf32> -> vector<512x256xf32>
    %add3A_39 = arith.addf %add3A_36, %dot_general3A_38 : vector<512x256xf32>
    %get3A_40 = arith.constant 0 : index
    %get3A_41 = arith.constant 0 : index
    %get3A_42 = vector.load %arg9[%get3A_40, %get3A_41] : memref<128x256xbf16, #tpu.memory_space<vmem>>, vector<128x256xbf16>
    %get3A_43 = arith.constant 0 : index
    %get3A_44 = arith.constant 0 : index
    %get3A_45 = vector.load %arg10[%get3A_43, %get3A_44] : memref<128x256xbf16, #tpu.memory_space<vmem>>, vector<128x256xbf16>
    %convert_element_type3A_46 = arith.truncf %get3A_4 : vector<512x128xf32> to vector<512x128xbf16>
    %convert_element_type3A_47 = arith.extf %convert_element_type3A_46 : vector<512x128xbf16> to vector<512x128xf32>
    %sub3A_48 = arith.subf %get3A_4, %convert_element_type3A_47 : vector<512x128xf32>
    %convert_element_type3A_49 = arith.truncf %sub3A_48 : vector<512x128xf32> to vector<512x128xbf16>
    %dot_general3A_50 = arith.constant dense<0.000000e+00> : vector<512x256xf32>
    %dot_general3A_51 = tpu.matmul %convert_element_type3A_46, %get3A_42, %dot_general3A_50 {dimension_numbers = #tpu.dot_dimension_numbers<[1], [0], [0], [1], [0, 0, 1, 1], [], []>, transpose_lhs_hint = false} : vector<512x128xbf16>, vector<128x256xbf16>, vector<512x256xf32> -> vector<512x256xf32>
    %dot_general3A_52 = arith.constant dense<0.000000e+00> : vector<512x256xf32>
    %dot_general3A_53 = tpu.matmul %convert_element_type3A_46, %get3A_45, %dot_general3A_52 {dimension_numbers = #tpu.dot_dimension_numbers<[1], [0], [0], [1], [0, 0, 1, 1], [], []>, transpose_lhs_hint = false} : vector<512x128xbf16>, vector<128x256xbf16>, vector<512x256xf32> -> vector<512x256xf32>
    %add3A_54 = arith.addf %dot_general3A_51, %dot_general3A_53 : vector<512x256xf32>
    %dot_general3A_55 = arith.constant dense<0.000000e+00> : vector<512x256xf32>
    %dot_general3A_56 = tpu.matmul %convert_element_type3A_49, %get3A_42, %dot_general3A_55 {dimension_numbers = #tpu.dot_dimension_numbers<[1], [0], [0], [1], [0, 0, 1, 1], [], []>, transpose_lhs_hint = false} : vector<512x128xbf16>, vector<128x256xbf16>, vector<512x256xf32> -> vector<512x256xf32>
    %add3A_57 = arith.addf %add3A_54, %dot_general3A_56 : vector<512x256xf32>
    %add3A_58 = arith.addf %add3A_39, %add3A_57 : vector<512x256xf32>
    %get3A_59 = arith.constant 0 : index
    %get3A_60 = arith.constant 0 : index
    %get3A_61 = vector.load %arg11[%get3A_59, %get3A_60] : memref<128x256xbf16, #tpu.memory_space<vmem>>, vector<128x256xbf16>
    %get3A_62 = arith.constant 0 : index
    %get3A_63 = arith.constant 0 : index
    %get3A_64 = vector.load %arg12[%get3A_62, %get3A_63] : memref<128x256xbf16, #tpu.memory_space<vmem>>, vector<128x256xbf16>
    %convert_element_type3A_65 = arith.truncf %sin3A : vector<512x128xf32> to vector<512x128xbf16>
    %convert_element_type3A_66 = arith.extf %convert_element_type3A_65 : vector<512x128xbf16> to vector<512x128xf32>
    %sub3A_67 = arith.subf %sin3A, %convert_element_type3A_66 : vector<512x128xf32>
    %convert_element_type3A_68 = arith.truncf %sub3A_67 : vector<512x128xf32> to vector<512x128xbf16>
    %dot_general3A_69 = arith.constant dense<0.000000e+00> : vector<512x256xf32>
    %dot_general3A_70 = tpu.matmul %convert_element_type3A_65, %get3A_61, %dot_general3A_69 {dimension_numbers = #tpu.dot_dimension_numbers<[1], [0], [0], [1], [0, 0, 1, 1], [], []>, transpose_lhs_hint = false} : vector<512x128xbf16>, vector<128x256xbf16>, vector<512x256xf32> -> vector<512x256xf32>
    %dot_general3A_71 = arith.constant dense<0.000000e+00> : vector<512x256xf32>
    %dot_general3A_72 = tpu.matmul %convert_element_type3A_65, %get3A_64, %dot_general3A_71 {dimension_numbers = #tpu.dot_dimension_numbers<[1], [0], [0], [1], [0, 0, 1, 1], [], []>, transpose_lhs_hint = false} : vector<512x128xbf16>, vector<128x256xbf16>, vector<512x256xf32> -> vector<512x256xf32>
    %add3A_73 = arith.addf %dot_general3A_70, %dot_general3A_72 : vector<512x256xf32>
    %dot_general3A_74 = arith.constant dense<0.000000e+00> : vector<512x256xf32>
    %dot_general3A_75 = tpu.matmul %convert_element_type3A_68, %get3A_61, %dot_general3A_74 {dimension_numbers = #tpu.dot_dimension_numbers<[1], [0], [0], [1], [0, 0, 1, 1], [], []>, transpose_lhs_hint = false} : vector<512x128xbf16>, vector<128x256xbf16>, vector<512x256xf32> -> vector<512x256xf32>
    %add3A_76 = arith.addf %add3A_73, %dot_general3A_75 : vector<512x256xf32>
    %add3A_77 = arith.addf %add3A_58, %add3A_76 : vector<512x256xf32>
    %get3A_78 = arith.constant 0 : index
    %get3A_79 = vector.load %arg13[%get3A_78] : memref<256xf32, #tpu.memory_space<vmem>>, vector<256xf32>
    %broadcast_in_dim3A_80 = vector.shape_cast %get3A_79 : vector<256xf32> to vector<1x256xf32>
    %add3A_81 = vector.broadcast %broadcast_in_dim3A_80 : vector<1x256xf32> to vector<512x256xf32>
    %add3A_82 = arith.addf %add3A_77, %add3A_81 : vector<512x256xf32>
    %reduce_sum3A = arith.constant dense<0.000000e+00> : vector<512xf32>
    %reduce_sum3A_83 = vector.multi_reduction <add>, %add3A_82, %reduce_sum3A [1] : vector<512x256xf32> to vector<512xf32>
    %broadcast_in_dim3A_84 = vector.shape_cast %reduce_sum3A_83 : vector<512xf32> to vector<512x1xf32>
    %div3A = arith.constant 2.560000e+02 : f32
    %div3A_85 = vector.broadcast %div3A : f32 to vector<512x1xf32>
    %div3A_86 = arith.divf %broadcast_in_dim3A_84, %div3A_85 : vector<512x1xf32>
    %sub3A_87 = vector.broadcast %div3A_86 : vector<512x1xf32> to vector<512x256xf32>
    %sub3A_88 = arith.subf %add3A_82, %sub3A_87 : vector<512x256xf32>
    %sub3A_89 = vector.broadcast %div3A_86 : vector<512x1xf32> to vector<512x256xf32>
    %sub3A_90 = arith.subf %add3A_82, %sub3A_89 : vector<512x256xf32>
    %mul3A_91 = arith.mulf %sub3A_88, %sub3A_90 : vector<512x256xf32>
    %reduce_sum3A_92 = arith.constant dense<0.000000e+00> : vector<512xf32>
    %reduce_sum3A_93 = vector.multi_reduction <add>, %mul3A_91, %reduce_sum3A_92 [1] : vector<512x256xf32> to vector<512xf32>
    %broadcast_in_dim3A_94 = vector.shape_cast %reduce_sum3A_93 : vector<512xf32> to vector<512x1xf32>
    %div3A_95 = arith.constant 2.560000e+02 : f32
    %div3A_96 = vector.broadcast %div3A_95 : f32 to vector<512x1xf32>
    %div3A_97 = arith.divf %broadcast_in_dim3A_94, %div3A_96 : vector<512x1xf32>
    %sub3A_98 = vector.broadcast %div3A_86 : vector<512x1xf32> to vector<512x256xf32>
    %sub3A_99 = arith.subf %add3A_82, %sub3A_98 : vector<512x256xf32>
    %add3A_100 = arith.constant 9.99999974E-6 : f32
    %add3A_101 = vector.broadcast %add3A_100 : f32 to vector<512x1xf32>
    %add3A_102 = arith.addf %div3A_97, %add3A_101 : vector<512x1xf32>
    %rsqrt3A = math.rsqrt %add3A_102 : vector<512x1xf32>
    %mul3A_103 = vector.broadcast %rsqrt3A : vector<512x1xf32> to vector<512x256xf32>
    %mul3A_104 = arith.mulf %sub3A_99, %mul3A_103 : vector<512x256xf32>
    %get3A_105 = arith.constant 0 : index
    %get3A_106 = vector.load %arg14[%get3A_105] : memref<256xf32, #tpu.memory_space<vmem>>, vector<256xf32>
    %broadcast_in_dim3A_107 = vector.shape_cast %get3A_106 : vector<256xf32> to vector<1x256xf32>
    %mul3A_108 = vector.broadcast %broadcast_in_dim3A_107 : vector<1x256xf32> to vector<512x256xf32>
    %mul3A_109 = arith.mulf %mul3A_104, %mul3A_108 : vector<512x256xf32>
    %get3A_110 = arith.constant 0 : index
    %get3A_111 = vector.load %arg15[%get3A_110] : memref<256xf32, #tpu.memory_space<vmem>>, vector<256xf32>
    %broadcast_in_dim3A_112 = vector.shape_cast %get3A_111 : vector<256xf32> to vector<1x256xf32>
    %add3A_113 = vector.broadcast %broadcast_in_dim3A_112 : vector<1x256xf32> to vector<512x256xf32>
    %add3A_114 = arith.addf %mul3A_109, %add3A_113 : vector<512x256xf32>
    %logistic3A = arith.negf %add3A_114 : vector<512x256xf32>
    %logistic3A_115 = math.exp %logistic3A : vector<512x256xf32>
    %logistic3A_116 = arith.constant 1.000000e+00 : f32
    %logistic3A_117 = vector.broadcast %logistic3A_116 : f32 to vector<512x256xf32>
    %logistic3A_118 = arith.addf %logistic3A_117, %logistic3A_115 : vector<512x256xf32>
    %logistic3A_119 = arith.divf %logistic3A_117, %logistic3A_118 : vector<512x256xf32>
    %mul3A_120 = arith.mulf %add3A_114, %logistic3A_119 : vector<512x256xf32>
    %get3A_121 = arith.constant 0 : index
    %get3A_122 = arith.constant 0 : index
    %get3A_123 = vector.load %arg16[%get3A_121, %get3A_122] : memref<256x128xbf16, #tpu.memory_space<vmem>>, vector<256x128xbf16>
    %get3A_124 = arith.constant 0 : index
    %get3A_125 = arith.constant 0 : index
    %get3A_126 = vector.load %arg17[%get3A_124, %get3A_125] : memref<256x128xbf16, #tpu.memory_space<vmem>>, vector<256x128xbf16>
    %convert_element_type3A_127 = arith.truncf %mul3A_120 : vector<512x256xf32> to vector<512x256xbf16>
    %convert_element_type3A_128 = arith.extf %convert_element_type3A_127 : vector<512x256xbf16> to vector<512x256xf32>
    %sub3A_129 = arith.subf %mul3A_120, %convert_element_type3A_128 : vector<512x256xf32>
    %convert_element_type3A_130 = arith.truncf %sub3A_129 : vector<512x256xf32> to vector<512x256xbf16>
    %dot_general3A_131 = arith.constant dense<0.000000e+00> : vector<512x128xf32>
    %dot_general3A_132 = tpu.matmul %convert_element_type3A_127, %get3A_123, %dot_general3A_131 {dimension_numbers = #tpu.dot_dimension_numbers<[1], [0], [0], [1], [0, 0, 1, 1], [], []>, transpose_lhs_hint = false} : vector<512x256xbf16>, vector<256x128xbf16>, vector<512x128xf32> -> vector<512x128xf32>
    %dot_general3A_133 = arith.constant dense<0.000000e+00> : vector<512x128xf32>
    %dot_general3A_134 = tpu.matmul %convert_element_type3A_127, %get3A_126, %dot_general3A_133 {dimension_numbers = #tpu.dot_dimension_numbers<[1], [0], [0], [1], [0, 0, 1, 1], [], []>, transpose_lhs_hint = false} : vector<512x256xbf16>, vector<256x128xbf16>, vector<512x128xf32> -> vector<512x128xf32>
    %add3A_135 = arith.addf %dot_general3A_132, %dot_general3A_134 : vector<512x128xf32>
    %dot_general3A_136 = arith.constant dense<0.000000e+00> : vector<512x128xf32>
    %dot_general3A_137 = tpu.matmul %convert_element_type3A_130, %get3A_123, %dot_general3A_136 {dimension_numbers = #tpu.dot_dimension_numbers<[1], [0], [0], [1], [0, 0, 1, 1], [], []>, transpose_lhs_hint = false} : vector<512x256xbf16>, vector<256x128xbf16>, vector<512x128xf32> -> vector<512x128xf32>
    %add3A_138 = arith.addf %add3A_135, %dot_general3A_137 : vector<512x128xf32>
    %get3A_139 = arith.constant 0 : index
    %get3A_140 = vector.load %arg18[%get3A_139] : memref<128xf32, #tpu.memory_space<vmem>>, vector<128xf32>
    %broadcast_in_dim3A_141 = vector.shape_cast %get3A_140 : vector<128xf32> to vector<1x128xf32>
    %add3A_142 = vector.broadcast %broadcast_in_dim3A_141 : vector<1x128xf32> to vector<512x128xf32>
    %add3A_143 = arith.addf %add3A_138, %add3A_142 : vector<512x128xf32>
    %convert_element_type3A_144 = arith.truncf %get3A_1 : vector<512x128xf32> to vector<512x128xbf16>
    %get3A_145 = arith.constant 0 : index
    %get3A_146 = arith.constant 0 : index
    %get3A_147 = vector.load %arg19[%get3A_145, %get3A_146] : memref<128x128xbf16, #tpu.memory_space<vmem>>, vector<128x128xbf16>
    %dot_general3A_148 = arith.constant dense<0.000000e+00> : vector<512x128xf32>
    %dot_general3A_149 = tpu.matmul %convert_element_type3A_144, %get3A_147, %dot_general3A_148 {dimension_numbers = #tpu.dot_dimension_numbers<[1], [0], [0], [1], [0, 0, 1, 1], [], []>, transpose_lhs_hint = false} : vector<512x128xbf16>, vector<128x128xbf16>, vector<512x128xf32> -> vector<512x128xf32>
    %convert_element_type3A_150 = arith.truncf %get3A_4 : vector<512x128xf32> to vector<512x128xbf16>
    %get3A_151 = arith.constant 0 : index
    %get3A_152 = arith.constant 0 : index
    %get3A_153 = vector.load %arg20[%get3A_151, %get3A_152] : memref<128x128xbf16, #tpu.memory_space<vmem>>, vector<128x128xbf16>
    %dot_general3A_154 = arith.constant dense<0.000000e+00> : vector<512x128xf32>
    %dot_general3A_155 = tpu.matmul %convert_element_type3A_150, %get3A_153, %dot_general3A_154 {dimension_numbers = #tpu.dot_dimension_numbers<[1], [0], [0], [1], [0, 0, 1, 1], [], []>, transpose_lhs_hint = false} : vector<512x128xbf16>, vector<128x128xbf16>, vector<512x128xf32> -> vector<512x128xf32>
    %add3A_156 = arith.addf %dot_general3A_149, %dot_general3A_155 : vector<512x128xf32>
    %convert_element_type3A_157 = arith.truncf %sin3A : vector<512x128xf32> to vector<512x128xbf16>
    %get3A_158 = arith.constant 0 : index
    %get3A_159 = arith.constant 0 : index
    %get3A_160 = vector.load %arg21[%get3A_158, %get3A_159] : memref<128x128xbf16, #tpu.memory_space<vmem>>, vector<128x128xbf16>
    %dot_general3A_161 = arith.constant dense<0.000000e+00> : vector<512x128xf32>
    %dot_general3A_162 = tpu.matmul %convert_element_type3A_157, %get3A_160, %dot_general3A_161 {dimension_numbers = #tpu.dot_dimension_numbers<[1], [0], [0], [1], [0, 0, 1, 1], [], []>, transpose_lhs_hint = false} : vector<512x128xbf16>, vector<128x128xbf16>, vector<512x128xf32> -> vector<512x128xf32>
    %add3A_163 = arith.addf %add3A_156, %dot_general3A_162 : vector<512x128xf32>
    %get3A_164 = arith.constant 0 : index
    %get3A_165 = vector.load %arg22[%get3A_164] : memref<128xf32, #tpu.memory_space<vmem>>, vector<128xf32>
    %broadcast_in_dim3A_166 = vector.shape_cast %get3A_165 : vector<128xf32> to vector<1x128xf32>
    %add3A_167 = vector.broadcast %broadcast_in_dim3A_166 : vector<1x128xf32> to vector<512x128xf32>
    %add3A_168 = arith.addf %add3A_163, %add3A_167 : vector<512x128xf32>
    %exp3A = math.exp %add3A_168 : vector<512x128xf32>
    %mul3A_169 = arith.mulf %exp3A, %add3A_143 : vector<512x128xf32>
    %swap3A = arith.constant 0 : index
    %swap3A_170 = arith.constant 0 : index
    %swap3A_171 = vector.load %arg23[%swap3A, %swap3A_170] : memref<512x144xf32, #tpu.memory_space<vmem>>, vector<512x128xf32>
    tpu.vector_store %arg23[%swap3A, %swap3A_170], %mul3A_169 {strides = array<i32>} : memref<512x144xf32, #tpu.memory_space<vmem>>, vector<512x128xf32>,
    %slice3A_172 = vector.extract_strided_slice %exp3A {offsets = [0, 0], sizes = [512, 4], strides = [1, 1]} : vector<512x128xf32> to vector<512x4xf32>
    %broadcast_in_dim3A_173 = arith.constant 0.000000e+00 : f32
    %broadcast_in_dim3A_174 = vector.broadcast %broadcast_in_dim3A_173 : f32 to vector<512x12xf32>
    %concatenate3A = tpu.concatenate %slice3A_172, %broadcast_in_dim3A_174 in 1 : vector<512x4xf32>, vector<512x12xf32> -> vector<512x16xf32>
    %swap3A_175 = arith.constant 0 : index
    %swap3A_176 = arith.constant 128 : index
    %swap3A_177 = vector.load %arg23[%swap3A_175, %swap3A_176] : memref<512x144xf32, #tpu.memory_space<vmem>>, vector<512x16xf32>
    tpu.vector_store %arg23[%swap3A_175, %swap3A_176], %concatenate3A {strides = array<i32>} : memref<512x144xf32, #tpu.memory_space<vmem>>, vector<512x16xf32>,
    return
  }
  func.func @transform_0(%arg0: i32) -> (i32, i32) {
    %c0_i32 = arith.constant 0 : i32
    %c0_i32_0 = arith.constant 0 : i32
    return %arg0, %c0_i32 : i32, i32
  }
  func.func @transform_1(%arg0: i32) -> (i32, i32) {
    %c0_i32 = arith.constant 0 : i32
    %c0_i32_0 = arith.constant 0 : i32
    return %arg0, %c0_i32 : i32, i32
  }
  func.func @transform_2(%arg0: i32) -> (i32, i32) {
    %c0_i32 = arith.constant 0 : i32
    %c0_i32_0 = arith.constant 0 : i32
    return %arg0, %c0_i32 : i32, i32
  }
  func.func @transform_3(%arg0: i32) -> i32 {
    %c0_i32 = arith.constant 0 : i32
    %c0_i32_0 = arith.constant 0 : i32
    return %c0_i32 : i32
  }
  func.func @transform_4(%arg0: i32) -> i32 {
    %c0_i32 = arith.constant 0 : i32
    %c0_i32_0 = arith.constant 0 : i32
    return %c0_i32 : i32
  }
  func.func @transform_5(%arg0: i32) -> i32 {
    %c0_i32 = arith.constant 0 : i32
    %c0_i32_0 = arith.constant 0 : i32
    return %c0_i32 : i32
  }
  func.func @transform_6(%arg0: i32) -> (i32, i32) {
    %c0_i32 = arith.constant 0 : i32
    %c0_i32_0 = arith.constant 0 : i32
    %c0_i32_1 = arith.constant 0 : i32
    return %c0_i32, %c0_i32_0 : i32, i32
  }
  func.func @transform_7(%arg0: i32) -> (i32, i32) {
    %c0_i32 = arith.constant 0 : i32
    %c0_i32_0 = arith.constant 0 : i32
    %c0_i32_1 = arith.constant 0 : i32
    return %c0_i32, %c0_i32_0 : i32, i32
  }
  func.func @transform_8(%arg0: i32) -> (i32, i32) {
    %c0_i32 = arith.constant 0 : i32
    %c0_i32_0 = arith.constant 0 : i32
    %c0_i32_1 = arith.constant 0 : i32
    return %c0_i32, %c0_i32_0 : i32, i32
  }
  func.func @transform_9(%arg0: i32) -> (i32, i32) {
    %c0_i32 = arith.constant 0 : i32
    %c0_i32_0 = arith.constant 0 : i32
    %c0_i32_1 = arith.constant 0 : i32
    return %c0_i32, %c0_i32_0 : i32, i32
  }
  func.func @transform_10(%arg0: i32) -> (i32, i32) {
    %c0_i32 = arith.constant 0 : i32
    %c0_i32_0 = arith.constant 0 : i32
    %c0_i32_1 = arith.constant 0 : i32
    return %c0_i32, %c0_i32_0 : i32, i32
  }
  func.func @transform_11(%arg0: i32) -> (i32, i32) {
    %c0_i32 = arith.constant 0 : i32
    %c0_i32_0 = arith.constant 0 : i32
    %c0_i32_1 = arith.constant 0 : i32
    return %c0_i32, %c0_i32_0 : i32, i32
  }
  func.func @transform_12(%arg0: i32) -> i32 {
    %c0_i32 = arith.constant 0 : i32
    %c0_i32_0 = arith.constant 0 : i32
    return %c0_i32 : i32
  }
  func.func @transform_13(%arg0: i32) -> i32 {
    %c0_i32 = arith.constant 0 : i32
    %c0_i32_0 = arith.constant 0 : i32
    return %c0_i32 : i32
  }
  func.func @transform_14(%arg0: i32) -> i32 {
    %c0_i32 = arith.constant 0 : i32
    %c0_i32_0 = arith.constant 0 : i32
    return %c0_i32 : i32
  }
  func.func @transform_15(%arg0: i32) -> (i32, i32) {
    %c0_i32 = arith.constant 0 : i32
    %c0_i32_0 = arith.constant 0 : i32
    %c0_i32_1 = arith.constant 0 : i32
    return %c0_i32, %c0_i32_0 : i32, i32
  }
  func.func @transform_16(%arg0: i32) -> (i32, i32) {
    %c0_i32 = arith.constant 0 : i32
    %c0_i32_0 = arith.constant 0 : i32
    %c0_i32_1 = arith.constant 0 : i32
    return %c0_i32, %c0_i32_0 : i32, i32
  }
  func.func @transform_17(%arg0: i32) -> i32 {
    %c0_i32 = arith.constant 0 : i32
    %c0_i32_0 = arith.constant 0 : i32
    return %c0_i32 : i32
  }
  func.func @transform_18(%arg0: i32) -> (i32, i32) {
    %c0_i32 = arith.constant 0 : i32
    %c0_i32_0 = arith.constant 0 : i32
    %c0_i32_1 = arith.constant 0 : i32
    return %c0_i32, %c0_i32_0 : i32, i32
  }
  func.func @transform_19(%arg0: i32) -> (i32, i32) {
    %c0_i32 = arith.constant 0 : i32
    %c0_i32_0 = arith.constant 0 : i32
    %c0_i32_1 = arith.constant 0 : i32
    return %c0_i32, %c0_i32_0 : i32, i32
  }
  func.func @transform_20(%arg0: i32) -> (i32, i32) {
    %c0_i32 = arith.constant 0 : i32
    %c0_i32_0 = arith.constant 0 : i32
    %c0_i32_1 = arith.constant 0 : i32
    return %c0_i32, %c0_i32_0 : i32, i32
  }
  func.func @transform_21(%arg0: i32) -> i32 {
    %c0_i32 = arith.constant 0 : i32
    %c0_i32_0 = arith.constant 0 : i32
    return %c0_i32 : i32
  }
  func.func @transform_22(%arg0: i32) -> (i32, i32) {
    %c0_i32 = arith.constant 0 : i32
    %c0_i32_0 = arith.constant 0 : i32
    return %arg0, %c0_i32 : i32, i32
  }
}

module attributes {stable_mosaic.version = 14 : i64} {
  func.func @_node_kernel(%arg0: i32, %arg1: memref<1000x128xf32, #tpu.memory_space<vmem>>, %arg2: memref<1000x128xf32, #tpu.memory_space<vmem>>, %arg3: memref<1000x128xf32, #tpu.memory_space<vmem>>, %arg4: memref<128x256xf32, #tpu.memory_space<vmem>>, %arg5: memref<128x256xf32, #tpu.memory_space<vmem>>, %arg6: memref<256xf32, #tpu.memory_space<vmem>>, %arg7: memref<256xf32, #tpu.memory_space<vmem>>, %arg8: memref<256xf32, #tpu.memory_space<vmem>>, %arg9: memref<256x128xf32, #tpu.memory_space<vmem>>, %arg10: memref<128xf32, #tpu.memory_space<vmem>>, %arg11: memref<128xf32, #tpu.memory_space<vmem>>, %arg12: memref<128xf32, #tpu.memory_space<vmem>>, %arg13: memref<1000x128xf32, #tpu.memory_space<vmem>>) attributes {dimension_semantics = [#tpu.dimension_semantics<arbitrary>], iteration_bounds = array<i64: 10>, scalar_prefetch = 0 : i64, scratch_operands = 0 : i64, tpu.core_type = #tpu.core_type<tc>, window_params = [{transform_indices = @transform_0, window_bounds = array<i64: 1000, 128>}, {transform_indices = @transform_1, window_bounds = array<i64: 1000, 128>}, {transform_indices = @transform_2, window_bounds = array<i64: 1000, 128>}, {pipeline_mode = #tpu.pipeline_mode<synchronous>, transform_indices = @transform_3, window_bounds = array<i64: 128, 256>}, {pipeline_mode = #tpu.pipeline_mode<synchronous>, transform_indices = @transform_4, window_bounds = array<i64: 128, 256>}, {pipeline_mode = #tpu.pipeline_mode<synchronous>, transform_indices = @transform_5, window_bounds = array<i64: 256>}, {pipeline_mode = #tpu.pipeline_mode<synchronous>, transform_indices = @transform_6, window_bounds = array<i64: 256>}, {pipeline_mode = #tpu.pipeline_mode<synchronous>, transform_indices = @transform_7, window_bounds = array<i64: 256>}, {pipeline_mode = #tpu.pipeline_mode<synchronous>, transform_indices = @transform_8, window_bounds = array<i64: 256, 128>}, {pipeline_mode = #tpu.pipeline_mode<synchronous>, transform_indices = @transform_9, window_bounds = array<i64: 128>}, {pipeline_mode = #tpu.pipeline_mode<synchronous>, transform_indices = @transform_10, window_bounds = array<i64: 128>}, {pipeline_mode = #tpu.pipeline_mode<synchronous>, transform_indices = @transform_11, window_bounds = array<i64: 128>}, {transform_indices = @transform_12, window_bounds = array<i64: 1000, 128>}]} {
    %get3A = arith.constant 0 : index
    %get3A_0 = arith.constant 0 : index
    %get3A_1 = vector.load %arg1[%get3A, %get3A_0] : memref<1000x128xf32, #tpu.memory_space<vmem>>, vector<1000x128xf32>
    %get3A_2 = arith.constant 0 : index
    %get3A_3 = arith.constant 0 : index
    %get3A_4 = vector.load %arg2[%get3A_2, %get3A_3] : memref<1000x128xf32, #tpu.memory_space<vmem>>, vector<1000x128xf32>
    %get3A_5 = arith.constant 0 : index
    %get3A_6 = arith.constant 0 : index
    %get3A_7 = vector.load %arg3[%get3A_5, %get3A_6] : memref<1000x128xf32, #tpu.memory_space<vmem>>, vector<1000x128xf32>
    %add3A = arith.constant 9.99999993E-9 : f32
    %add3A_8 = vector.broadcast %add3A : f32 to vector<1000x128xf32>
    %add3A_9 = arith.addf %get3A_7, %add3A_8 : vector<1000x128xf32>
    %div3A = arith.divf %get3A_4, %add3A_9 : vector<1000x128xf32>
    %get3A_10 = arith.constant 0 : index
    %get3A_11 = arith.constant 0 : index
    %get3A_12 = vector.load %arg4[%get3A_10, %get3A_11] : memref<128x256xf32, #tpu.memory_space<vmem>>, vector<128x256xf32>
    %dot_general3A = arith.constant dense<0.000000e+00> : vector<1000x256xf32>
    %dot_general3A_13 = tpu.matmul %get3A_1, %get3A_12, %dot_general3A {dimension_numbers = #tpu.dot_dimension_numbers<[1], [0], [0], [1], [0, 0, 1, 1], [], []>, transpose_lhs_hint = false} : vector<1000x128xf32>, vector<128x256xf32>, vector<1000x256xf32> -> vector<1000x256xf32>
    %get3A_14 = arith.constant 0 : index
    %get3A_15 = arith.constant 0 : index
    %get3A_16 = vector.load %arg5[%get3A_14, %get3A_15] : memref<128x256xf32, #tpu.memory_space<vmem>>, vector<128x256xf32>
    %dot_general3A_17 = arith.constant dense<0.000000e+00> : vector<1000x256xf32>
    %dot_general3A_18 = tpu.matmul %div3A, %get3A_16, %dot_general3A_17 {dimension_numbers = #tpu.dot_dimension_numbers<[1], [0], [0], [1], [0, 0, 1, 1], [], []>, transpose_lhs_hint = false} : vector<1000x128xf32>, vector<128x256xf32>, vector<1000x256xf32> -> vector<1000x256xf32>
    %add3A_19 = arith.addf %dot_general3A_13, %dot_general3A_18 : vector<1000x256xf32>
    %get3A_20 = arith.constant 0 : index
    %get3A_21 = vector.load %arg6[%get3A_20] : memref<256xf32, #tpu.memory_space<vmem>>, vector<256xf32>
    %broadcast_in_dim3A = vector.shape_cast %get3A_21 : vector<256xf32> to vector<1x256xf32>
    %add3A_22 = vector.broadcast %broadcast_in_dim3A : vector<1x256xf32> to vector<1000x256xf32>
    %add3A_23 = arith.addf %add3A_19, %add3A_22 : vector<1000x256xf32>
    %reduce_sum3A = arith.constant dense<0.000000e+00> : vector<1000xf32>
    %reduce_sum3A_24 = vector.multi_reduction <add>, %add3A_23, %reduce_sum3A [1] : vector<1000x256xf32> to vector<1000xf32>
    %broadcast_in_dim3A_25 = vector.shape_cast %reduce_sum3A_24 : vector<1000xf32> to vector<1000x1xf32>
    %div3A_26 = arith.constant 2.560000e+02 : f32
    %div3A_27 = vector.broadcast %div3A_26 : f32 to vector<1000x1xf32>
    %div3A_28 = arith.divf %broadcast_in_dim3A_25, %div3A_27 : vector<1000x1xf32>
    %sub3A = vector.broadcast %div3A_28 : vector<1000x1xf32> to vector<1000x256xf32>
    %sub3A_29 = arith.subf %add3A_23, %sub3A : vector<1000x256xf32>
    %sub3A_30 = vector.broadcast %div3A_28 : vector<1000x1xf32> to vector<1000x256xf32>
    %sub3A_31 = arith.subf %add3A_23, %sub3A_30 : vector<1000x256xf32>
    %mul3A = arith.mulf %sub3A_29, %sub3A_31 : vector<1000x256xf32>
    %reduce_sum3A_32 = arith.constant dense<0.000000e+00> : vector<1000xf32>
    %reduce_sum3A_33 = vector.multi_reduction <add>, %mul3A, %reduce_sum3A_32 [1] : vector<1000x256xf32> to vector<1000xf32>
    %broadcast_in_dim3A_34 = vector.shape_cast %reduce_sum3A_33 : vector<1000xf32> to vector<1000x1xf32>
    %div3A_35 = arith.constant 2.560000e+02 : f32
    %div3A_36 = vector.broadcast %div3A_35 : f32 to vector<1000x1xf32>
    %div3A_37 = arith.divf %broadcast_in_dim3A_34, %div3A_36 : vector<1000x1xf32>
    %sub3A_38 = vector.broadcast %div3A_28 : vector<1000x1xf32> to vector<1000x256xf32>
    %sub3A_39 = arith.subf %add3A_23, %sub3A_38 : vector<1000x256xf32>
    %add3A_40 = arith.constant 9.99999974E-6 : f32
    %add3A_41 = vector.broadcast %add3A_40 : f32 to vector<1000x1xf32>
    %add3A_42 = arith.addf %div3A_37, %add3A_41 : vector<1000x1xf32>
    %rsqrt3A = math.rsqrt %add3A_42 : vector<1000x1xf32>
    %mul3A_43 = vector.broadcast %rsqrt3A : vector<1000x1xf32> to vector<1000x256xf32>
    %mul3A_44 = arith.mulf %sub3A_39, %mul3A_43 : vector<1000x256xf32>
    %get3A_45 = arith.constant 0 : index
    %get3A_46 = vector.load %arg7[%get3A_45] : memref<256xf32, #tpu.memory_space<vmem>>, vector<256xf32>
    %broadcast_in_dim3A_47 = vector.shape_cast %get3A_46 : vector<256xf32> to vector<1x256xf32>
    %mul3A_48 = vector.broadcast %broadcast_in_dim3A_47 : vector<1x256xf32> to vector<1000x256xf32>
    %mul3A_49 = arith.mulf %mul3A_44, %mul3A_48 : vector<1000x256xf32>
    %get3A_50 = arith.constant 0 : index
    %get3A_51 = vector.load %arg8[%get3A_50] : memref<256xf32, #tpu.memory_space<vmem>>, vector<256xf32>
    %broadcast_in_dim3A_52 = vector.shape_cast %get3A_51 : vector<256xf32> to vector<1x256xf32>
    %add3A_53 = vector.broadcast %broadcast_in_dim3A_52 : vector<1x256xf32> to vector<1000x256xf32>
    %add3A_54 = arith.addf %mul3A_49, %add3A_53 : vector<1000x256xf32>
    %logistic3A = arith.negf %add3A_54 : vector<1000x256xf32>
    %logistic3A_55 = math.exp %logistic3A : vector<1000x256xf32>
    %logistic3A_56 = arith.constant 1.000000e+00 : f32
    %logistic3A_57 = vector.broadcast %logistic3A_56 : f32 to vector<1000x256xf32>
    %logistic3A_58 = arith.addf %logistic3A_57, %logistic3A_55 : vector<1000x256xf32>
    %logistic3A_59 = arith.divf %logistic3A_57, %logistic3A_58 : vector<1000x256xf32>
    %mul3A_60 = arith.mulf %add3A_54, %logistic3A_59 : vector<1000x256xf32>
    %get3A_61 = arith.constant 0 : index
    %get3A_62 = arith.constant 0 : index
    %get3A_63 = vector.load %arg9[%get3A_61, %get3A_62] : memref<256x128xf32, #tpu.memory_space<vmem>>, vector<256x128xf32>
    %dot_general3A_64 = arith.constant dense<0.000000e+00> : vector<1000x128xf32>
    %dot_general3A_65 = tpu.matmul %mul3A_60, %get3A_63, %dot_general3A_64 {dimension_numbers = #tpu.dot_dimension_numbers<[1], [0], [0], [1], [0, 0, 1, 1], [], []>, transpose_lhs_hint = false} : vector<1000x256xf32>, vector<256x128xf32>, vector<1000x128xf32> -> vector<1000x128xf32>
    %get3A_66 = arith.constant 0 : index
    %get3A_67 = vector.load %arg10[%get3A_66] : memref<128xf32, #tpu.memory_space<vmem>>, vector<128xf32>
    %broadcast_in_dim3A_68 = vector.shape_cast %get3A_67 : vector<128xf32> to vector<1x128xf32>
    %add3A_69 = vector.broadcast %broadcast_in_dim3A_68 : vector<1x128xf32> to vector<1000x128xf32>
    %add3A_70 = arith.addf %dot_general3A_65, %add3A_69 : vector<1000x128xf32>
    %add3A_71 = arith.addf %get3A_1, %add3A_70 : vector<1000x128xf32>
    %reduce_sum3A_72 = arith.constant dense<0.000000e+00> : vector<1000xf32>
    %reduce_sum3A_73 = vector.multi_reduction <add>, %add3A_71, %reduce_sum3A_72 [1] : vector<1000x128xf32> to vector<1000xf32>
    %broadcast_in_dim3A_74 = vector.shape_cast %reduce_sum3A_73 : vector<1000xf32> to vector<1000x1xf32>
    %div3A_75 = arith.constant 1.280000e+02 : f32
    %div3A_76 = vector.broadcast %div3A_75 : f32 to vector<1000x1xf32>
    %div3A_77 = arith.divf %broadcast_in_dim3A_74, %div3A_76 : vector<1000x1xf32>
    %sub3A_78 = vector.broadcast %div3A_77 : vector<1000x1xf32> to vector<1000x128xf32>
    %sub3A_79 = arith.subf %add3A_71, %sub3A_78 : vector<1000x128xf32>
    %sub3A_80 = vector.broadcast %div3A_77 : vector<1000x1xf32> to vector<1000x128xf32>
    %sub3A_81 = arith.subf %add3A_71, %sub3A_80 : vector<1000x128xf32>
    %mul3A_82 = arith.mulf %sub3A_79, %sub3A_81 : vector<1000x128xf32>
    %reduce_sum3A_83 = arith.constant dense<0.000000e+00> : vector<1000xf32>
    %reduce_sum3A_84 = vector.multi_reduction <add>, %mul3A_82, %reduce_sum3A_83 [1] : vector<1000x128xf32> to vector<1000xf32>
    %broadcast_in_dim3A_85 = vector.shape_cast %reduce_sum3A_84 : vector<1000xf32> to vector<1000x1xf32>
    %div3A_86 = arith.constant 1.280000e+02 : f32
    %div3A_87 = vector.broadcast %div3A_86 : f32 to vector<1000x1xf32>
    %div3A_88 = arith.divf %broadcast_in_dim3A_85, %div3A_87 : vector<1000x1xf32>
    %sub3A_89 = vector.broadcast %div3A_77 : vector<1000x1xf32> to vector<1000x128xf32>
    %sub3A_90 = arith.subf %add3A_71, %sub3A_89 : vector<1000x128xf32>
    %add3A_91 = arith.constant 9.99999974E-6 : f32
    %add3A_92 = vector.broadcast %add3A_91 : f32 to vector<1000x1xf32>
    %add3A_93 = arith.addf %div3A_88, %add3A_92 : vector<1000x1xf32>
    %rsqrt3A_94 = math.rsqrt %add3A_93 : vector<1000x1xf32>
    %mul3A_95 = vector.broadcast %rsqrt3A_94 : vector<1000x1xf32> to vector<1000x128xf32>
    %mul3A_96 = arith.mulf %sub3A_90, %mul3A_95 : vector<1000x128xf32>
    %get3A_97 = arith.constant 0 : index
    %get3A_98 = vector.load %arg11[%get3A_97] : memref<128xf32, #tpu.memory_space<vmem>>, vector<128xf32>
    %broadcast_in_dim3A_99 = vector.shape_cast %get3A_98 : vector<128xf32> to vector<1x128xf32>
    %mul3A_100 = vector.broadcast %broadcast_in_dim3A_99 : vector<1x128xf32> to vector<1000x128xf32>
    %mul3A_101 = arith.mulf %mul3A_96, %mul3A_100 : vector<1000x128xf32>
    %get3A_102 = arith.constant 0 : index
    %get3A_103 = vector.load %arg12[%get3A_102] : memref<128xf32, #tpu.memory_space<vmem>>, vector<128xf32>
    %broadcast_in_dim3A_104 = vector.shape_cast %get3A_103 : vector<128xf32> to vector<1x128xf32>
    %add3A_105 = vector.broadcast %broadcast_in_dim3A_104 : vector<1x128xf32> to vector<1000x128xf32>
    %add3A_106 = arith.addf %mul3A_101, %add3A_105 : vector<1000x128xf32>
    %swap3A = arith.constant 0 : index
    %swap3A_107 = arith.constant 0 : index
    %swap3A_108 = vector.load %arg13[%swap3A, %swap3A_107] : memref<1000x128xf32, #tpu.memory_space<vmem>>, vector<1000x128xf32>
    tpu.vector_store %arg13[%swap3A, %swap3A_107], %add3A_106 {strides = array<i32>} : memref<1000x128xf32, #tpu.memory_space<vmem>>, vector<1000x128xf32>,
    return
  }
  func.func @transform_0(%arg0: i32) -> (i32, i32) {
    %c0_i32 = arith.constant 0 : i32
    %c0_i32_0 = arith.constant 0 : i32
    return %arg0, %c0_i32 : i32, i32
  }
  func.func @transform_1(%arg0: i32) -> (i32, i32) {
    %c0_i32 = arith.constant 0 : i32
    %c0_i32_0 = arith.constant 0 : i32
    return %arg0, %c0_i32 : i32, i32
  }
  func.func @transform_2(%arg0: i32) -> (i32, i32) {
    %c0_i32 = arith.constant 0 : i32
    %c0_i32_0 = arith.constant 0 : i32
    return %arg0, %c0_i32 : i32, i32
  }
  func.func @transform_3(%arg0: i32) -> (i32, i32) {
    %c0_i32 = arith.constant 0 : i32
    %c0_i32_0 = arith.constant 0 : i32
    %c0_i32_1 = arith.constant 0 : i32
    return %c0_i32, %c0_i32_0 : i32, i32
  }
  func.func @transform_4(%arg0: i32) -> (i32, i32) {
    %c0_i32 = arith.constant 0 : i32
    %c0_i32_0 = arith.constant 0 : i32
    %c0_i32_1 = arith.constant 0 : i32
    return %c0_i32, %c0_i32_0 : i32, i32
  }
  func.func @transform_5(%arg0: i32) -> i32 {
    %c0_i32 = arith.constant 0 : i32
    %c0_i32_0 = arith.constant 0 : i32
    return %c0_i32 : i32
  }
  func.func @transform_6(%arg0: i32) -> i32 {
    %c0_i32 = arith.constant 0 : i32
    %c0_i32_0 = arith.constant 0 : i32
    return %c0_i32 : i32
  }
  func.func @transform_7(%arg0: i32) -> i32 {
    %c0_i32 = arith.constant 0 : i32
    %c0_i32_0 = arith.constant 0 : i32
    return %c0_i32 : i32
  }
  func.func @transform_8(%arg0: i32) -> (i32, i32) {
    %c0_i32 = arith.constant 0 : i32
    %c0_i32_0 = arith.constant 0 : i32
    %c0_i32_1 = arith.constant 0 : i32
    return %c0_i32, %c0_i32_0 : i32, i32
  }
  func.func @transform_9(%arg0: i32) -> i32 {
    %c0_i32 = arith.constant 0 : i32
    %c0_i32_0 = arith.constant 0 : i32
    return %c0_i32 : i32
  }
  func.func @transform_10(%arg0: i32) -> i32 {
    %c0_i32 = arith.constant 0 : i32
    %c0_i32_0 = arith.constant 0 : i32
    return %c0_i32 : i32
  }
  func.func @transform_11(%arg0: i32) -> i32 {
    %c0_i32 = arith.constant 0 : i32
    %c0_i32_0 = arith.constant 0 : i32
    return %c0_i32 : i32
  }
  func.func @transform_12(%arg0: i32) -> (i32, i32) {
    %c0_i32 = arith.constant 0 : i32
    %c0_i32_0 = arith.constant 0 : i32
    return %arg0, %c0_i32 : i32, i32
  }
}

</mosaic_0001>

<sc_bundles>
// kernel: kernel.5.cloned.1.call-start
scs
__scs_entry_jumppad:
0x0: {  	(pc) =	sbr.rel $0x88, $3  }
0x1: {  	(tag) =	ssettag $0x0;
	lr =	simm.s32 $0x1  }
0x2: {  	[smem:$0x3F8E] =	sst lr;
	_ =	strace $0xD0000000  }
0x3: {  	_ = 	snop  }
0x4: {  	_ = 	snop  }
0x5: {  	_ = 	snop  }
0x6: {  	_ = 	snop  }
0x7: {  	_ = 	snop  }
__scs_overlays_trampoline_lowered:
0x8: {  	[smem:$0x3F9D] =	sst s0  }
0x9: {  	[smem:$0x3F9E] =	sst s1  }
0xa: {  	[smem:$0x3F9F] =	sst s2  }
0xb: {  	[smem:$0x3FA0] =	sst s3  }
0xc: {  	[smem:$0x3FA1] =	sst s4  }
0xd: {  	[smem:$0x3FA2] =	sst s5  }
0xe: {  	[smem:$0x3FA3] =	sst s6  }
0xf: {  	[smem:$0x3FA4] =	sst s7  }
0x10: {  	[smem:$0x3FA5] =	sst s8  }
0x11: {  	[smem:$0x3FA6] =	sst s9;
	s0 =	simm.s32 @!p0 $0x0  }
0x12: {  	s1 =	sld [smem:$0x3F8C];
	s0 =	simm.s32 @p0 $0x1  }
0x13: {  	[smem:$0x3FA7] =	sst s0;
	s0 =	simm.s32 @!p1 $0x0  }
0x14: {  	s2 =	sld [smem:$0x3F8B];
	s0 =	simm.s32 @p1 $0x1  }
0x15: {  	[smem:$0x3FA8] =	sst s0;
	s0 =	simm.s32 @!p2 $0x0  }
0x16: {  	s3 =	sld [smem:$0x3FDB];
	s0 =	simm.s32 @p2 $0x1  }
0x17: {  	s4 =	simm.s32 $0x1BF5;
	[smem:$0x3FAA] =	sst s0  }
0x18: {  	s0 =	sld [smem:$0x3F8D];
	_ =	swait.ge [sflag:s4], $0x0  }
0x19: {  	s7 =	sld [smem:$0x3F8E]  }
0x1a: {  	s8 =	sadd.s32 $0xFFFFE003, lr  }
0x1b: {  	s9 =	sadd.s32 $0xFFFFFEF7, lr;
	s5 =	simm.s32 $0xFFFFFFFF;
	p2 =	slt.u32 s8, $0xFFFFF086  }
0x1c: {  	p1 =	slt.u32 s9, $0xF7A;
	s5 =	simm.s32 @!p2 $0x0  }
0x1d: {  	s5 =	simm.s32 @p1 $0x1;
	p0 =	seq.s32 s7, s2  }
0x1e: {  	s7 =	smul.u32 @!p0 $0xF7A, s2;
	p2 =	seq.s32 @!p0 s5, $0x0  }
0x1f: {  	s9 =	smul.u32 $0xF7A, s1;
	s8 =	simm.s32 @!p0 $0x1BF5;
	p2 =	por !p2, p0  }
0x20: {  	[sflag:s8] =	ssyncset.s32 @!p0 $0xFFFFF086;
	s6 =	sadd.s32 @!p0 s3, s7;
	s7 =	simm.s32 @!p0 $0x108  }
0x21: {  	s3 =	sadd.s32 s3, s9;
	s6 =	sadd.s32 @!p0 $0x88, s6;
	s7 =	simm.s32 @p2 $0x1082  }
0x22: {  	[simem:s7], [sflag:s8] =	dma.local @!p0 [hbm:s6], $0xF7A  }
0x23: {  	s9 =	sor.u32 $0xD0000000, s2;
	s6 =	simm.s32 $0x108;
	_ =	swait.ge @!p0 [sflag:s8], $0x0  }
0x24: {  	s3 =	sadd.s32 $0x88, s3;
	s6 =	simm.s32 @!p1 $0x1082;
	[sflag:s4] =	ssyncset.s32 $0xFFFFF086  }
0x25: {  	[simem:s6], [sflag:s4] =	dma.local [hbm:s3], $0xF7A  }
0x26: {  	[smem:$0x3F8E] =	sst s1;
	(tag) =	ssettag s2;
	_ =	strace s9  }
0x27: {  	s1 =	sld [smem:$0x3F9E]  }
0x28: {  	s2 =	sld [smem:$0x3F9F]  }
0x29: {  	s4 =	sld [smem:$0x3FA1]  }
0x2a: {  	p0 =	seq.s32 s5, $0x0;
	s5 =	sld [smem:$0x3FA2]  }
0x2b: {  	s6 =	sld [smem:$0x3FA3]  }
0x2c: {  	s7 =	sld [smem:$0x3FA4]  }
0x2d: {  	s3 =	simm.s32 $0x108;
	s8 =	sld [smem:$0x3FA5]  }
0x2e: {  	s3 =	simm.s32 @!p0 $0x1082;
	s9 =	sld [smem:$0x3FA6]  }
0x2f: {  	lr =	sadd.s32 s0, s3;
	s0 =	sld [smem:$0x3F9D]  }
0x30: {  	s3 =	sld [smem:$0x3FA0]  }
0x31: {  	[smem:$0x3FA9] =	sst s10  }
0x32: {  	s10 =	sld [smem:$0x3FA7];
	_ =	sdelay $0x3  }
0x33: {  	p0 =	seq.s32 s10, $0x1;
	s10 =	sld [smem:$0x3FA9];
	_ =	sdelay $0x3  }
0x34: {  	[smem:$0x3FA9] =	sst s10  }
0x35: {  	s10 =	sld [smem:$0x3FA8];
	_ =	sdelay $0x3  }
0x36: {  	p1 =	seq.s32 s10, $0x1;
	s10 =	sld [smem:$0x3FA9];
	_ =	sdelay $0x3  }
0x37: {  	[smem:$0x3FA9] =	sst s10  }
0x38: {  	s10 =	sld [smem:$0x3FAA]  }
0x39: {  	_ = 	snop;
	(pc) =	sbr.ind lr, $3  }
0x3a: {  	_ = 	snop  }
0x3b: {  	_ = 	snop  }
0x3c: {  	p2 =	seq.s32 s10, $0x1;
	s10 =	sld [smem:$0x3FA9]  }
0x3d: {  	_ =	shalt  }
0x3e: {  	_ =	shalt  }
0x3f: {  	_ =	shalt  }
0x40: {  	_ =	shalt  }
0x41: {  	_ =	shalt  }
0x42: {  	_ =	shalt  }
0x43: {  	_ =	shalt  }
0x44: {  	_ =	shalt  }
0x45: {  	_ =	shalt  }
0x46: {  	_ =	shalt  }
0x47: {  	_ =	shalt  }
0x48: {  	_ =	shalt  }
0x49: {  	_ =	shalt  }
0x4a: {  	_ =	shalt  }
0x4b: {  	_ =	shalt  }
0x4c: {  	_ =	shalt  }
0x4d: {  	_ =	shalt  }
0x4e: {  	_ =	shalt  }
0x4f: {  	_ =	shalt  }
0x50: {  	_ =	shalt  }
0x51: {  	_ =	shalt  }
0x52: {  	_ =	shalt  }
0x53: {  	_ =	shalt  }
0x54: {  	_ =	shalt  }
0x55: {  	_ =	shalt  }
0x56: {  	_ =	shalt  }
0x57: {  	_ =	shalt  }
0x58: {  	_ =	shalt  }
0x59: {  	_ =	shalt  }
0x5a: {  	_ =	shalt  }
0x5b: {  	_ =	shalt  }
0x5c: {  	_ =	shalt  }
0x5d: {  	_ =	shalt  }
0x5e: {  	_ =	shalt  }
0x5f: {  	_ =	shalt  }
0x60: {  	_ =	shalt  }
0x61: {  	_ =	shalt  }
0x62: {  	_ =	shalt  }
0x63: {  	_ =	shalt  }
0x64: {  	_ =	shalt  }
0x65: {  	_ =	shalt  }
0x66: {  	_ =	shalt  }
0x67: {  	_ =	shalt  }
0x68: {  	_ =	shalt  }
0x69: {  	_ =	shalt  }
0x6a: {  	_ =	shalt  }
0x6b: {  	_ =	shalt  }
0x6c: {  	_ =	shalt  }
0x6d: {  	_ =	shalt  }
0x6e: {  	_ =	shalt  }
0x6f: {  	_ =	shalt  }
0x70: {  	_ =	shalt  }
0x71: {  	_ =	shalt  }
0x72: {  	_ =	shalt  }
0x73: {  	_ =	shalt  }
0x74: {  	_ =	shalt  }
0x75: {  	_ =	shalt  }
0x76: {  	_ =	shalt  }
0x77: {  	_ =	shalt  }
0x78: {  	_ =	shalt  }
0x79: {  	_ =	shalt  }
0x7a: {  	_ =	shalt  }
0x7b: {  	_ =	shalt  }
0x7c: {  	_ =	shalt  }
0x7d: {  	_ =	shalt  }
0x7e: {  	_ =	shalt  }
0x7f: {  	_ =	shalt  }
0x80: {  	_ =	shalt  }
0x81: {  	_ =	shalt  }
0x82: {  	_ =	shalt  }
0x83: {  	_ =	shalt  }
0x84: {  	_ =	shalt  }
0x85: {  	_ =	shalt  }
0x86: {  	_ =	shalt  }
0x87: {  	_ =	shalt  }
.Lfunc_end0:
.L_simem_size_0:
called_computation.1_lowered:
.L_overlay_start_0:
0x88: {  	s2 =	sld [smem:$0x3FD9]  }
0x89: {  	s3 =	sld [smem:$0x3FFE];
	_ =	sdelay $0x1  }
0x8a: {  	s1 =	srdreg.scid  }
0x8b: {  	s0 =	sand.u32 $0x1, s1  }
0x8c: {  	s17 =	sshll.u32 s0, $0xA;
	s2 =	sadd.s32 s3, s2  }
0x8d: {  	s2 =	sadd.s32 s2, s17  }
0x8e: {  	[smem:$0x3FB5] =	sst s2  }
0x8f: {  	_ = 	snop  }
0x90: {  	s2 =	sld [smem:$0x3FC9]  }
0x91: {  	s18 =	sld [smem:$0x3FD0];
	(tm) =	ssettm $0x1  }
0x92: {  	s4 =	sld [smem:$0x3FFB];
	_ =	sdelay $0x3  }
0x93: {  	_ =	strace s4  }
0x94: {  	s4 =	sld [smem:$0x3FFC];
	_ =	sdelay $0x3  }
0x95: {  	_ =	strace s4  }
0x96: {  	s4 =	sld [smem:$0x3FFD];
	_ =	sdelay $0x3  }
0x97: {  	_ =	strace s4  }
0x98: {  	_ =	strace $0x8FFFFFFF  }
0x99: {  	s19 =	sld [smem:$0x3FDB];
	_ =	sdelay $0x1  }
0x9a: {  	s5 =	simm.s32 $_scs_section_size  }
0x9b: {  	s6 =	simm.s32 $_size__tile_overlayer_lowered;
	s7 =	simm.s32 $_tile_overlayer_lowered  }
0x9c: {  	s22 =	simm.s32 $0x1BFF;
	s21 =	sshll.u32 s7, $0x1;
	s4 =	sadd.s32 s5, s19  }
0x9d: {  	s8 =	simm.s32 $0x0;
	s20 =	sshll.u32 s6, $0x1;
	s6 =	sadd.s32 s21, s4  }
0x9e: {  	[timem:s8], [sflag:s22] =	dma.local [hbm:s6], s20  }
0x9f: {  	_ =	swait.ge [sflag:s22], s20  }
0xa0: {  	s5 =	ssub.s32 $0x0, s20;
	[sflag:s22] =	ssyncset.done $0x0  }
0xa1: {  	[sflag:s22] =	ssyncadd.s32 s5;
	_ =	sdelay $0x1  }
0xa2: {  	s23 =	simm.s32 $0x1B8B  }
0xa3: {  	_ =	swait.ge [sflag:s23], $0x1  }
0xa4: {  	[sflag:s23] =	ssyncset.done $0x0  }
0xa5: {  	s25 =	simm.s32 $0x1B8E;
	s24 =	sld [smem:$0x3FFE];
	[sflag:s23] =	ssyncadd.s32 $0xFFFFFFFF  }
0xa6: {  	s26 =	simm.s32 $execute0_lowered;
	[smem:$0x3FD2] =	sst s25  }
0xa7: {  	s6 =	sshll.u32 s26, $0x1;
	_ =	strace $0x80000046;
	[dreg:$0x1] =	wrdreg $0xFFFFFFFF  }
0xa8: {  	s28 =	simm.s32 $_size_execute0_lowered;
	s4 =	sadd.s32 s4, s6;
	[dreg:$0x0] =	wrdreg $0x0  }
0xa9: {  	s6 =	sshll.u32 s28, $0x1;
	[dreg:$0x2] =	wrdreg s4  }
0xaa: {  	[dreg:$0x3] =	wrdreg s6  }
0xab: {  	[dreg:$0x4] =	wrdreg $0xC0  }
0xac: {  	_ =	task [dreg:s8], $0x5FFFF  }
0xad: {  	[dreg:$0x1] =	wrdreg $0xFFFFFFFF  }
0xae: {  	[dreg:$0x0] =	wrdreg $0x60  }
0xaf: {  	[dreg:$0x2] =	wrdreg s2  }
0xb0: {  	[dreg:$0x3] =	wrdreg s24  }
0xb1: {  	[dreg:$0x4] =	wrdreg s18  }
0xb2: {  	[dreg:$0x5] =	wrdreg $0x9  }
0xb3: {  	_ =	task.clear_ibuf [dreg:s8], $0x6FFFF;
	_ =	strace $0x90000046  }
0xb4: {  	s29 =	simm.s32 $0x9;
	_ =	strace $0x80000048  }
0xb5: {  	_ =	swait.ge [sflag:s29], $0x1  }
0xb6: {  	[sflag:s29] =	ssyncadd.s32 $0xFFFFFFFF  }
0xb7: {  	_ =	strace $0x90000048  }
0xb8: {  	_ =	sfence  }
0xb9: {  	s30 =	sld [smem:$0x0];
	_ =	sdelay $0x2  }
0xba: {  	s31 =	sshll.u32 s1, $0xD;
	s1 =	sshrl.u32 s1, $0x2  }
0xbb: {  	s3 =	sand.u32 $0x4000, s31;
	s1 =	sadd.s32 s1, s30  }
0xbc: {  	s0 =	sor.u32 s3, s0;
	s1 =	sshll.u32 s1, $0x11  }
0xbd: {  	s0 =	sor.u32 s1, s0  }
0xbe: {  	s0 =	sadd.s32 $0x8F2B, s0  }
0xbf: {  	[sflag:s0] =	ssyncadd.remote.s32 $0x1  }
0xc0: {  	_ =	sfence.sel $0xFFFF  }
0xc1: {  	[dreg:$0x0] =	wrdreg $0xFFFFFFFF;
	(pc) =	sbr.abs _section_cstart, $3  }
0xc2: {  	[dreg:$0x1] =	wrdreg $0xFFFFFFFF  }
0xc3: {  	_ =	task.clear_ibuf [dreg:s8], $0x2FFFF;
	_ =	strace $0x9FFFFFFF  }
0xc4: {  	(tm) =	ssettm $0x7FFFFFFF  }
0xc5: {  	_ =	shalt  }
tec
execute0_lowered:
.L_overlay_start_1:
0x0: {  	(tag) =	ssettag $0x1  }
0x1: {  	s1 =	rddreg [dreg:$0x0]  }
0x2: {  	s5 =	rddreg [dreg:$0x1]  }
0x3: {  	s9 =	rddreg [dreg:$0x2];
	s4 =	srdreg.scid  }
0x4: {  	s0 =	stileid.u32;
	s3 =	simm.s32 $0x0;
	s13 =	simm.s32 $0x190  }
0x5: {  	s14 =	simm.s32 $0x1800;
	s15 =	simm.s32 $0xE000;
	s16 =	simm.s32 $0x400  }
0x6: {  	s17 =	simm.s32 $0xC00;
	s18 =	simm.s32 $0x600;
	s19 =	simm.s32 $0xE00  }
0x7: {  	s20 =	simm.s32 $0x800;
	s21 =	simm.s32 $0x1000;
	s22 =	simm.s32 $0xA00  }
0x8: {  	s23 =	simm.s32 $0x1200;
	s28 =	simm.s32 $0x0;
	s7 =	smul.u32 $0x4E20, s0  }
0x9: {  	s6 =	sand.u32 $0x1, s4;
	[smem:$0x7FF] =	sst s3;
	s10 =	smul.u32 $0x4E200, s0  }
0xa: {  	s4 =	sadd.s32 $0xD400, s5;
	s8 =	smul.u32 $0x2710, s6;
	_ =	strace $0x80000047  }
0xb: {  	s24 =	ssub.s32 $0x2, s6;
	s6 =	smul.u32 $0x27100, s6;
	s25 =	sadd.s32 s10, s5  }
0xc: {  	s26 =	sshrl.u32 s24, $0x1;
	s10 =	simm.s32 $0x200;
	s7 =	sadd.s32 s8, s7  }
0xd: {  	s29 =	ssub.s32 s24, s26;
	s24 =	simm.s32 $0x3;
	s26 =	simm.s32 $0x1600  }
0xe: {  	s11 =	sshrl.u32 s7, $0x3;
	s7 =	sadd.s32 s6, s25;
	s25 =	simm.s32 $0x1400  }
0xf: {  	s12 =	sadd.s32 s11, s5;
	s5 =	smax.u32 s29, $0x1;
	s6 =	sadd.s32 $0x21A00, s7  }
0x10: {  	s7 =	sadd.s32 $0x503A00, s7;
	s9 =	sadd.s32 s11, s9;
	s30 =	sadd.s32 $0x17C00, s12  }
0x11: {  	s11 =	simm.s32 $0x1;
	s31 =	sadd.s32 $0xDE00, s12;
	[dreg:$0x4] =	wrdreg s30  }
0x12: {  	s8 =	sadd.s32 $0x3600, s12;
	s12 =	simm.s32 $0x2;
	[dreg:$0x5] =	wrdreg s31  }
.LBB2_1:
0x13: {  	s29 =	smov.u32 s7;
	s30 =	smov.u32 s6;
	s31 =	simm.s32 $0x0  }
.LBB2_2:
0x14: {  	s0 =	sadd.s32 s31, s9  }
0x15: {  	[tilespmem:s3], [sflag:$0x1] =	stream.linear.gather [hbm4b:s0+s3], $0x190, $0x38;
	[tilespmem:$0x1A800] =	vst v63  }
0x16: {  	s2 =	sadd.s32 s31, s8  }
0x17: {  	[tilespmem:s10], [sflag:$0x2] =	stream.linear.gather [hbm4b:s2+s3], $0x190, $0x38;
	[tilespmem:$0x1A800] =	vst v63  }
0x18: {  	_ =	swait.ge [sflag:s11], $0x190  }
0x19: {  	[sflag:s11] =	ssyncset.done $0x0  }
0x1a: {  	[sflag:s11] =	ssyncadd.s32 $0xFFFFFE70  }
0x1b: {  	_ =	swait.ge [sflag:s12], $0x190  }
0x1c: {  	[sflag:s12] =	ssyncset.done $0x0  }
0x1d: {  	[sflag:s12] =	ssyncadd.s32 $0xFFFFFE70  }
0x1e: {  	[tilespmem:s14], [sflag:$0x1] =	stream.indirect.gather [hbm4b:s1+s13], $0x80, s3, s13, $0xb8;
	[tilespmem:$0x1A800] =	vst v63  }
0x1f: {  	_ = 	snop  }
0x20: {  	[tilespmem:s15], [sflag:$0x2] =	stream.indirect.gather [hbm4b:s1+s13], $0x80, s10, s13, $0xb8;
	[tilespmem:$0x1A800] =	vst v63  }
0x21: {  	v0 =	vld [tilespmem:$0x0]  }
0x22: {  	v1 =	vld [tilespmem:$0x200]  }
0x23: {  	v2 =	vld [tilespmem:$0x10]  }
0x24: {  	v3 =	vld [tilespmem:$0x210]  }
0x25: {  	v27 =	vld [tilespmem:$0x20]  }
0x26: {  	v29 =	vld [tilespmem:$0x220];
	v0 =	vshll.u32 v0, $0x1  }
0x27: {  	v31 =	vld [tilespmem:$0x30];
	v1 =	vshll.u32 v1, $0x1;
	[tilespmem:$0x400] =	vst v0  }
0x28: {  	v35 =	vld [tilespmem:$0x40];
	v28 =	vshll.u32 v2, $0x1;
	[tilespmem:$0x800] =	vst v1  }
0x29: {  	v39 =	vld [tilespmem:$0x50];
	v3 =	vshll.u32 v3, $0x1;
	[tilespmem:$0x410] =	vst v28  }
0x2a: {  	v43 =	vld [tilespmem:$0x60];
	v32 =	vshll.u32 v27, $0x1;
	[tilespmem:$0x810] =	vst v3  }
0x2b: {  	v47 =	vld [tilespmem:$0x70];
	v2 =	vshll.u32 v29, $0x1;
	[tilespmem:$0x420] =	vst v32  }
0x2c: {  	v51 =	vld [tilespmem:$0x80];
	v36 =	vshll.u32 v31, $0x1;
	[tilespmem:$0x820] =	vst v2  }
0x2d: {  	v55 =	vld [tilespmem:$0x90];
	v40 =	vshll.u32 v35, $0x1;
	[tilespmem:$0x430] =	vst v36  }
0x2e: {  	v59 =	vld [tilespmem:$0xA0];
	v44 =	vshll.u32 v39, $0x1;
	[tilespmem:$0x440] =	vst v40  }
0x2f: {  	v63 =	vld [tilespmem:$0xB0];
	v48 =	vshll.u32 v43, $0x1;
	[tilespmem:$0x450] =	vst v44  }
0x30: {  	v8 =	vld [tilespmem:$0xC0];
	v52 =	vshll.u32 v47, $0x1;
	[tilespmem:$0x460] =	vst v48  }
0x31: {  	v12 =	vld [tilespmem:$0xD0];
	v56 =	vshll.u32 v51, $0x1;
	[tilespmem:$0x470] =	vst v52  }
0x32: {  	v16 =	vld [tilespmem:$0xE0];
	v60 =	vshll.u32 v55, $0x1;
	[tilespmem:$0x480] =	vst v56  }
0x33: {  	v20 =	vld [tilespmem:$0xF0];
	v5 =	vshll.u32 v59, $0x1;
	[tilespmem:$0x490] =	vst v60  }
0x34: {  	v24 =	vld [tilespmem:$0x100];
	v9 =	vshll.u32 v63, $0x1;
	[tilespmem:$0x4A0] =	vst v5  }
0x35: {  	v13 =	vshll.u32 v8, $0x1;
	[tilespmem:$0x4B0] =	vst v9  }
0x36: {  	v17 =	vshll.u32 v12, $0x1;
	[tilespmem:$0x4C0] =	vst v13  }
0x37: {  	v21 =	vshll.u32 v16, $0x1;
	[tilespmem:$0x4D0] =	vst v17  }
0x38: {  	v25 =	vshll.u32 v20, $0x1;
	[tilespmem:$0x4E0] =	vst v21  }
0x39: {  	v33 =	vld [tilespmem:$0x230];
	v29 =	vshll.u32 v24, $0x1;
	[tilespmem:$0x4F0] =	vst v25  }
0x3a: {  	v37 =	vld [tilespmem:$0x240];
	v0 =	vor.u32 $0x1, v0;
	[tilespmem:$0x500] =	vst v29  }
0x3b: {  	v41 =	vld [tilespmem:$0x250];
	v26 =	vor.u32 $0x1, v1;
	[tilespmem:$0x600] =	vst v0  }
0x3c: {  	v30 =	vor.u32 $0x1, v3;
	[tilespmem:$0xA00] =	vst v26  }
0x3d: {  	v34 =	vor.u32 $0x1, v2;
	[tilespmem:$0xA10] =	vst v30  }
0x3e: {  	v1 =	vshll.u32 v33, $0x1;
	[tilespmem:$0xA20] =	vst v34  }
0x3f: {  	v3 =	vshll.u32 v37, $0x1;
	[tilespmem:$0x830] =	vst v1  }
0x40: {  	v45 =	vld [tilespmem:$0x260];
	v2 =	vshll.u32 v41, $0x1;
	[tilespmem:$0x840] =	vst v3  }
0x41: {  	v49 =	vld [tilespmem:$0x270];
	v0 =	vor.u32 $0x1, v28;
	[tilespmem:$0x850] =	vst v2  }
0x42: {  	v53 =	vld [tilespmem:$0x280];
	v38 =	vor.u32 $0x1, v1;
	[tilespmem:$0x610] =	vst v0  }
0x43: {  	v42 =	vor.u32 $0x1, v3;
	[tilespmem:$0xA30] =	vst v38  }
0x44: {  	v46 =	vor.u32 $0x1, v2;
	[tilespmem:$0xA40] =	vst v42  }
0x45: {  	v1 =	vshll.u32 v45, $0x1;
	[tilespmem:$0xA50] =	vst v46  }
0x46: {  	v3 =	vshll.u32 v49, $0x1;
	[tilespmem:$0x860] =	vst v1  }
0x47: {  	v57 =	vld [tilespmem:$0x290];
	v2 =	vshll.u32 v53, $0x1;
	[tilespmem:$0x870] =	vst v3  }
0x48: {  	v61 =	vld [tilespmem:$0x2A0];
	v0 =	vor.u32 $0x1, v32;
	[tilespmem:$0x880] =	vst v2  }
0x49: {  	v6 =	vld [tilespmem:$0x2B0];
	v50 =	vor.u32 $0x1, v1;
	[tilespmem:$0x620] =	vst v0  }
0x4a: {  	v54 =	vor.u32 $0x1, v3;
	[tilespmem:$0xA60] =	vst v50  }
0x4b: {  	v58 =	vor.u32 $0x1, v2;
	[tilespmem:$0xA70] =	vst v54  }
0x4c: {  	v1 =	vshll.u32 v57, $0x1;
	[tilespmem:$0xA80] =	vst v58  }
0x4d: {  	v3 =	vshll.u32 v61, $0x1;
	[tilespmem:$0x890] =	vst v1  }
0x4e: {  	v10 =	vld [tilespmem:$0x2C0];
	v2 =	vshll.u32 v6, $0x1;
	[tilespmem:$0x8A0] =	vst v3  }
0x4f: {  	v14 =	vld [tilespmem:$0x2D0];
	v0 =	vor.u32 $0x1, v36;
	[tilespmem:$0x8B0] =	vst v2  }
0x50: {  	v18 =	vld [tilespmem:$0x2E0];
	v62 =	vor.u32 $0x1, v1;
	[tilespmem:$0x630] =	vst v0  }
0x51: {  	v7 =	vor.u32 $0x1, v3;
	[tilespmem:$0xA90] =	vst v62  }
0x52: {  	v11 =	vor.u32 $0x1, v2;
	[tilespmem:$0xAA0] =	vst v7  }
0x53: {  	v1 =	vshll.u32 v10, $0x1;
	[tilespmem:$0xAB0] =	vst v11  }
0x54: {  	v3 =	vshll.u32 v14, $0x1;
	[tilespmem:$0x8C0] =	vst v1  }
0x55: {  	v22 =	vld [tilespmem:$0x2F0];
	v2 =	vshll.u32 v18, $0x1;
	[tilespmem:$0x8D0] =	vst v3  }
0x56: {  	v0 =	vor.u32 $0x1, v40;
	[tilespmem:$0x8E0] =	vst v2  }
0x57: {  	v15 =	vor.u32 $0x1, v1;
	[tilespmem:$0x640] =	vst v0  }
0x58: {  	v19 =	vor.u32 $0x1, v3;
	[tilespmem:$0xAC0] =	vst v15  }
0x59: {  	v26 =	vld [tilespmem:$0x300];
	v23 =	vor.u32 $0x1, v2;
	[tilespmem:$0xAD0] =	vst v19  }
0x5a: {  	v28 =	vld [tilespmem:$0x110];
	v1 =	vshll.u32 v22, $0x1;
	[tilespmem:$0xAE0] =	vst v23  }
0x5b: {  	v30 =	vld [tilespmem:$0x310];
	v0 =	vor.u32 $0x1, v44;
	[tilespmem:$0x8F0] =	vst v1  }
0x5c: {  	v34 =	vld [tilespmem:$0x320];
	v27 =	vor.u32 $0x1, v1;
	[tilespmem:$0x650] =	vst v0  }
0x5d: {  	v0 =	vor.u32 $0x1, v48;
	[tilespmem:$0xAF0] =	vst v27  }
0x5e: {  	v3 =	vshll.u32 v26, $0x1;
	[tilespmem:$0x660] =	vst v0  }
0x5f: {  	v33 =	vshll.u32 v28, $0x1;
	[tilespmem:$0x900] =	vst v3  }
0x60: {  	v32 =	vld [tilespmem:$0x120];
	v2 =	vshll.u32 v30, $0x1;
	[tilespmem:$0x510] =	vst v33  }
0x61: {  	v1 =	vshll.u32 v34, $0x1;
	[tilespmem:$0x910] =	vst v2  }
0x62: {  	v38 =	vld [tilespmem:$0x330];
	v0 =	vor.u32 $0x1, v52;
	[tilespmem:$0x920] =	vst v1  }
0x63: {  	v42 =	vld [tilespmem:$0x340];
	v31 =	vor.u32 $0x1, v3;
	[tilespmem:$0x670] =	vst v0  }
0x64: {  	v46 =	vld [tilespmem:$0x350];
	v35 =	vor.u32 $0x1, v2;
	[tilespmem:$0xB00] =	vst v31  }
0x65: {  	v37 =	vshll.u32 v32, $0x1;
	[tilespmem:$0xB10] =	vst v35  }
0x66: {  	v36 =	vld [tilespmem:$0x130];
	v39 =	vor.u32 $0x1, v1;
	[tilespmem:$0x520] =	vst v37  }
0x67: {  	v3 =	vshll.u32 v38, $0x1;
	[tilespmem:$0xB20] =	vst v39  }
0x68: {  	v2 =	vshll.u32 v42, $0x1;
	[tilespmem:$0x930] =	vst v3  }
0x69: {  	v1 =	vshll.u32 v46, $0x1;
	[tilespmem:$0x940] =	vst v2  }
0x6a: {  	v50 =	vld [tilespmem:$0x360];
	v0 =	vor.u32 $0x1, v56;
	[tilespmem:$0x950] =	vst v1  }
0x6b: {  	v54 =	vld [tilespmem:$0x370];
	v41 =	vshll.u32 v36, $0x1;
	[tilespmem:$0x680] =	vst v0  }
0x6c: {  	v58 =	vld [tilespmem:$0x380];
	v43 =	vor.u32 $0x1, v3;
	[tilespmem:$0x530] =	vst v41  }
0x6d: {  	v47 =	vor.u32 $0x1, v2;
	[tilespmem:$0xB30] =	vst v43  }
0x6e: {  	v40 =	vld [tilespmem:$0x140];
	v51 =	vor.u32 $0x1, v1;
	[tilespmem:$0xB40] =	vst v47  }
0x6f: {  	v3 =	vshll.u32 v50, $0x1;
	[tilespmem:$0xB50] =	vst v51  }
0x70: {  	v2 =	vshll.u32 v54, $0x1;
	[tilespmem:$0x960] =	vst v3  }
0x71: {  	v1 =	vshll.u32 v58, $0x1;
	[tilespmem:$0x970] =	vst v2  }
0x72: {  	v0 =	vor.u32 $0x1, v60;
	[tilespmem:$0x980] =	vst v1  }
0x73: {  	v44 =	vld [tilespmem:$0x150];
	v45 =	vshll.u32 v40, $0x1;
	[tilespmem:$0x690] =	vst v0  }
0x74: {  	v55 =	vor.u32 $0x1, v3;
	[tilespmem:$0x540] =	vst v45  }
0x75: {  	v48 =	vld [tilespmem:$0x160];
	v59 =	vor.u32 $0x1, v2;
	[tilespmem:$0xB60] =	vst v55  }
0x76: {  	v61 =	vor.u32 $0x1, v1;
	[tilespmem:$0xB70] =	vst v59  }
0x77: {  	v52 =	vld [tilespmem:$0x170];
	v0 =	vor.u32 $0x1, v5;
	[tilespmem:$0xB80] =	vst v61  }
0x78: {  	v49 =	vshll.u32 v44, $0x1;
	[tilespmem:$0x6A0] =	vst v0  }
0x79: {  	v56 =	vld [tilespmem:$0x180];
	v0 =	vor.u32 $0x1, v9;
	[tilespmem:$0x550] =	vst v49  }
0x7a: {  	v53 =	vshll.u32 v48, $0x1;
	[tilespmem:$0x6B0] =	vst v0  }
0x7b: {  	v0 =	vor.u32 $0x1, v13;
	[tilespmem:$0x560] =	vst v53  }
0x7c: {  	v57 =	vshll.u32 v52, $0x1;
	[tilespmem:$0x6C0] =	vst v0  }
0x7d: {  	v0 =	vor.u32 $0x1, v17;
	[tilespmem:$0x570] =	vst v57  }
0x7e: {  	v60 =	vshll.u32 v56, $0x1;
	[tilespmem:$0x6D0] =	vst v0  }
0x7f: {  	v0 =	vor.u32 $0x1, v21;
	[tilespmem:$0x580] =	vst v60  }
0x80: {  	[tilespmem:$0x6E0] =	vst v0;
	v0 =	vor.u32 $0x1, v25  }
0x81: {  	[tilespmem:$0x6F0] =	vst v0;
	v0 =	vor.u32 $0x1, v29  }
0x82: {  	[tilespmem:$0x700] =	vst v0;
	v0 =	vor.u32 $0x1, v33  }
0x83: {  	[tilespmem:$0x710] =	vst v0;
	v0 =	vor.u32 $0x1, v37  }
0x84: {  	[tilespmem:$0x720] =	vst v0;
	v0 =	vor.u32 $0x1, v41  }
0x85: {  	[tilespmem:$0x730] =	vst v0;
	v0 =	vor.u32 $0x1, v45  }
0x86: {  	[tilespmem:$0x740] =	vst v0;
	v0 =	vor.u32 $0x1, v49  }
0x87: {  	[tilespmem:$0x750] =	vst v0;
	v0 =	vor.u32 $0x1, v53  }
0x88: {  	[tilespmem:$0x760] =	vst v0;
	v0 =	vor.u32 $0x1, v57  }
0x89: {  	[tilespmem:$0x770] =	vst v0;
	v0 =	vor.u32 $0x1, v60  }
0x8a: {  	[tilespmem:$0x780] =	vst v0  }
0x8b: {  	[tilespmem:s17], [sflag:$0x3] =	stream.indirect.gather [hbm4b:s4+s13], $0x1, s16, s13, $0xb8;
	[tilespmem:$0x1A800] =	vst v63  }
0x8c: {  	_ = 	snop  }
0x8d: {  	[tilespmem:s19], [sflag:$0x3] =	stream.indirect.gather [hbm4b:s4+s13], $0x1, s18, s13, $0xb8;
	[tilespmem:$0x1A800] =	vst v63  }
0x8e: {  	_ = 	snop  }
0x8f: {  	[tilespmem:s21], [sflag:$0x3] =	stream.indirect.gather [hbm4b:s4+s13], $0x1, s20, s13, $0xb8;
	[tilespmem:$0x1A800] =	vst v63  }
0x90: {  	_ = 	snop  }
0x91: {  	[tilespmem:s23], [sflag:$0x3] =	stream.indirect.gather [hbm4b:s4+s13], $0x1, s22, s13, $0xb8;
	[tilespmem:$0x1A800] =	vst v63  }
0x92: {  	_ =	swait.ge [sflag:s24], $0x190  }
0x93: {  	[sflag:s24] =	ssyncset.done $0x0  }
0x94: {  	[sflag:s24] =	ssyncadd.s32 $0xFFFFFE70  }
0x95: {  	_ =	swait.ge [sflag:s24], $0x190  }
0x96: {  	[sflag:s24] =	ssyncset.done $0x0  }
0x97: {  	[sflag:s24] =	ssyncadd.s32 $0xFFFFFE70  }
0x98: {  	_ =	swait.ge [sflag:s24], $0x190  }
0x99: {  	[sflag:s24] =	ssyncset.done $0x0  }
0x9a: {  	[sflag:s24] =	ssyncadd.s32 $0xFFFFFE70  }
0x9b: {  	_ =	swait.ge [sflag:s24], $0x190  }
0x9c: {  	[sflag:s24] =	ssyncset.done $0x0  }
0x9d: {  	[sflag:s24] =	ssyncadd.s32 $0xFFFFFE70  }
0x9e: {  	v62 =	vld [tilespmem:$0xC00]  }
0x9f: {  	v63 =	vld [tilespmem:$0x1000]  }
0xa0: {  	v57 =	vld [tilespmem:$0xE00]  }
0xa1: {  	v58 =	vld [tilespmem:$0x1200]  }
0xa2: {  	v4 =	vld [tilespmem:$0xC10]  }
0xa3: {  	v5 =	vld [tilespmem:$0x1010]  }
0xa4: {  	v6 =	vld [tilespmem:$0xE10]  }
0xa5: {  	v7 =	vld [tilespmem:$0x1210]  }
0xa6: {  	v8 =	vld [tilespmem:$0xC20]  }
0xa7: {  	v9 =	vld [tilespmem:$0x1020]  }
0xa8: {  	v10 =	vld [tilespmem:$0xE20]  }
0xa9: {  	v11 =	vld [tilespmem:$0x1220]  }
0xaa: {  	v12 =	vld [tilespmem:$0xC30]  }
0xab: {  	v13 =	vld [tilespmem:$0x1030]  }
0xac: {  	v14 =	vld [tilespmem:$0xE30]  }
0xad: {  	v15 =	vld [tilespmem:$0x1230]  }
0xae: {  	v16 =	vld [tilespmem:$0xC40]  }
0xaf: {  	v17 =	vld [tilespmem:$0x1040]  }
0xb0: {  	v18 =	vld [tilespmem:$0xE40]  }
0xb1: {  	v19 =	vld [tilespmem:$0x1240]  }
0xb2: {  	v20 =	vld [tilespmem:$0xC50]  }
0xb3: {  	v21 =	vld [tilespmem:$0x1050]  }
0xb4: {  	v22 =	vld [tilespmem:$0xE50]  }
0xb5: {  	v23 =	vld [tilespmem:$0x1250]  }
0xb6: {  	v24 =	vld [tilespmem:$0xC60]  }
0xb7: {  	v25 =	vld [tilespmem:$0x1060]  }
0xb8: {  	v26 =	vld [tilespmem:$0xE60]  }
0xb9: {  	v27 =	vld [tilespmem:$0x1260]  }
0xba: {  	v28 =	vld [tilespmem:$0xC70]  }
0xbb: {  	v29 =	vld [tilespmem:$0x1070]  }
0xbc: {  	v30 =	vld [tilespmem:$0xE70]  }
0xbd: {  	v31 =	vld [tilespmem:$0x1270]  }
0xbe: {  	v32 =	vld [tilespmem:$0xC80]  }
0xbf: {  	v33 =	vld [tilespmem:$0x1080]  }
0xc0: {  	v34 =	vld [tilespmem:$0xE80]  }
0xc1: {  	v35 =	vld [tilespmem:$0x1280]  }
0xc2: {  	v36 =	vld [tilespmem:$0xC90]  }
0xc3: {  	v37 =	vld [tilespmem:$0x1090]  }
0xc4: {  	v38 =	vld [tilespmem:$0xE90]  }
0xc5: {  	v39 =	vld [tilespmem:$0x1290]  }
0xc6: {  	v40 =	vld [tilespmem:$0xCA0]  }
0xc7: {  	v41 =	vld [tilespmem:$0x10A0]  }
0xc8: {  	v42 =	vld [tilespmem:$0xEA0]  }
0xc9: {  	v43 =	vld [tilespmem:$0x12A0]  }
0xca: {  	v44 =	vld [tilespmem:$0xCB0]  }
0xcb: {  	v45 =	vld [tilespmem:$0x10B0]  }
0xcc: {  	v46 =	vld [tilespmem:$0xEB0]  }
0xcd: {  	v47 =	vld [tilespmem:$0x12B0]  }
0xce: {  	v48 =	vld [tilespmem:$0xCC0]  }
0xcf: {  	v49 =	vld [tilespmem:$0x10C0]  }
0xd0: {  	v50 =	vld [tilespmem:$0xEC0]  }
0xd1: {  	v51 =	vld [tilespmem:$0x12C0]  }
0xd2: {  	v52 =	vld [tilespmem:$0xCD0]  }
0xd3: {  	v53 =	vld [tilespmem:$0x10D0]  }
0xd4: {  	v54 =	vld [tilespmem:$0xED0]  }
0xd5: {  	v1 =	vld [tilespmem:$0x12D0];
	v0 =	vsub.f32 v62, v63  }
0xd6: {  	v3 =	vld [tilespmem:$0xCE0];
	v2 =	vsub.f32 v57, v58  }
0xd7: {  	v56 =	vld [tilespmem:$0xD40];
	v59 =	vsub.f32 v4, v5;
	[tilespmem:$0x1400] =	vst v0  }
0xd8: {  	v4 =	vld [tilespmem:$0x10E0];
	v60 =	vsub.f32 v6, v7;
	[tilespmem:$0x1600] =	vst v2  }
0xd9: {  	v5 =	vld [tilespmem:$0xEE0];
	v61 =	vsub.f32 v8, v9;
	[tilespmem:$0x1410] =	vst v59  }
0xda: {  	v62 =	vld [tilespmem:$0x12E0];
	v63 =	vsub.f32 v10, v11;
	[tilespmem:$0x1610] =	vst v60  }
0xdb: {  	v7 =	vld [tilespmem:$0xCF0];
	v13 =	vsub.f32 v12, v13;
	[tilespmem:$0x1420] =	vst v61  }
0xdc: {  	v8 =	vld [tilespmem:$0x10F0];
	v15 =	vsub.f32 v14, v15;
	[tilespmem:$0x1620] =	vst v63  }
0xdd: {  	v9 =	vld [tilespmem:$0xEF0];
	v17 =	vsub.f32 v16, v17;
	[tilespmem:$0x1430] =	vst v13  }
0xde: {  	v10 =	vld [tilespmem:$0x12F0];
	v19 =	vsub.f32 v18, v19;
	[tilespmem:$0x1630] =	vst v15  }
0xdf: {  	v11 =	vld [tilespmem:$0xD00];
	v21 =	vsub.f32 v20, v21;
	[tilespmem:$0x1440] =	vst v17  }
0xe0: {  	v12 =	vld [tilespmem:$0x1100];
	v23 =	vsub.f32 v22, v23;
	[tilespmem:$0x1640] =	vst v19  }
0xe1: {  	v25 =	vsub.f32 v24, v25;
	v14 =	vld [tilespmem:$0x1300];
	[tilespmem:$0x1450] =	vst v21  }
0xe2: {  	v27 =	vsub.f32 v26, v27;
	v16 =	vld [tilespmem:$0x1110];
	[tilespmem:$0x1650] =	vst v23  }
0xe3: {  	v29 =	vsub.f32 v28, v29;
	v18 =	vld [tilespmem:$0x1310];
	[tilespmem:$0x1460] =	vst v25  }
0xe4: {  	v31 =	vsub.f32 v30, v31;
	v20 =	vld [tilespmem:$0x1120];
	[tilespmem:$0x1660] =	vst v27  }
0xe5: {  	v33 =	vsub.f32 v32, v33;
	v22 =	vld [tilespmem:$0x1320];
	[tilespmem:$0x1470] =	vst v29  }
0xe6: {  	v35 =	vsub.f32 v34, v35;
	v44 =	vsub.f32 v44, v45;
	v45 =	vld [tilespmem:$0x1130];
	[tilespmem:$0x1670] =	vst v31  }
0xe7: {  	v37 =	vsub.f32 v36, v37;
	v46 =	vsub.f32 v46, v47;
	v47 =	vld [tilespmem:$0xF30];
	[tilespmem:$0x1480] =	vst v33  }
0xe8: {  	v39 =	vsub.f32 v38, v39;
	v48 =	vsub.f32 v48, v49;
	v49 =	vld [tilespmem:$0x1330];
	[tilespmem:$0x1680] =	vst v35  }
0xe9: {  	v41 =	vsub.f32 v40, v41;
	v58 =	vld [tilespmem:$0x1140];
	[tilespmem:$0x1490] =	vst v37  }
0xea: {  	v43 =	vsub.f32 v42, v43;
	v30 =	vld [tilespmem:$0x1150];
	[tilespmem:$0x1690] =	vst v39  }
0xeb: {  	v32 =	vld [tilespmem:$0xF50];
	[tilespmem:$0x14A0] =	vst v41  }
0xec: {  	v34 =	vld [tilespmem:$0x1350];
	[tilespmem:$0x16A0] =	vst v43  }
0xed: {  	v36 =	vld [tilespmem:$0xD60];
	[tilespmem:$0x14B0] =	vst v44  }
0xee: {  	v55 =	vsub.f32 v50, v51;
	v38 =	vld [tilespmem:$0x1160];
	[tilespmem:$0x16B0] =	vst v46  }
0xef: {  	v57 =	vsub.f32 v52, v53;
	v40 =	vld [tilespmem:$0xF60];
	[tilespmem:$0x14C0] =	vst v48  }
0xf0: {  	v1 =	vsub.f32 v54, v1;
	v42 =	vld [tilespmem:$0x1360];
	[tilespmem:$0x16C0] =	vst v55  }
0xf1: {  	v50 =	vld [tilespmem:$0x1370];
	[tilespmem:$0x14D0] =	vst v57;
	v60 =	vsub.f32 v3, v4  }
0xf2: {  	v52 =	vld [tilespmem:$0xD80];
	[tilespmem:$0x16D0] =	vst v1;
	v62 =	vsub.f32 v5, v62  }
0xf3: {  	v54 =	vld [tilespmem:$0x1180];
	v29 =	vsub.f32 v7, v8;
	[tilespmem:$0x14E0] =	vst v60  }
0xf4: {  	v13 =	vld [tilespmem:$0xF00];
	v31 =	vsub.f32 v9, v10;
	[tilespmem:$0x16E0] =	vst v62  }
0xf5: {  	v15 =	vld [tilespmem:$0xD10];
	v33 =	vsub.f32 v11, v12;
	[tilespmem:$0x14F0] =	vst v29  }
0xf6: {  	v17 =	vld [tilespmem:$0xF10];
	v47 =	vsub.f32 v47, v49;
	[tilespmem:$0x16F0] =	vst v31  }
0xf7: {  	v19 =	vld [tilespmem:$0xD20];
	v49 =	vsub.f32 v56, v58;
	[tilespmem:$0x1500] =	vst v33  }
0xf8: {  	v21 =	vld [tilespmem:$0xF20];
	v55 =	vsub.f32 v32, v34;
	[tilespmem:$0x1730] =	vst v47  }
0xf9: {  	v23 =	vld [tilespmem:$0xD30];
	v57 =	vsub.f32 v36, v38;
	[tilespmem:$0x1540] =	vst v49  }
0xfa: {  	v59 =	vld [tilespmem:$0xF40];
	v35 =	vsub.f32 v13, v14;
	[tilespmem:$0x1750] =	vst v55  }
0xfb: {  	v61 =	vld [tilespmem:$0x1340];
	v37 =	vsub.f32 v15, v16;
	[tilespmem:$0x1560] =	vst v57  }
0xfc: {  	v63 =	vld [tilespmem:$0xD50];
	v39 =	vsub.f32 v17, v18;
	[tilespmem:$0x1700] =	vst v35  }
0xfd: {  	v44 =	vld [tilespmem:$0xD70];
	v41 =	vsub.f32 v19, v20;
	[tilespmem:$0x1510] =	vst v37  }
0xfe: {  	v46 =	vld [tilespmem:$0x1170];
	v43 =	vsub.f32 v21, v22;
	[tilespmem:$0x1710] =	vst v39  }
0xff: {  	v48 =	vld [tilespmem:$0xF70];
	v45 =	vsub.f32 v23, v45;
	[tilespmem:$0x1520] =	vst v41  }
0x100: {  	v56 =	vld [tilespmem:$0xF80];
	v51 =	vsub.f32 v59, v61;
	[tilespmem:$0x1720] =	vst v43  }
0x101: {  	v58 =	vld [tilespmem:$0x1380];
	v53 =	vsub.f32 v63, v30;
	[tilespmem:$0x1530] =	vst v45  }
0x102: {  	v59 =	vsub.f32 v40, v42;
	[tilespmem:$0x1740] =	vst v51  }
0x103: {  	v60 =	vsub.f32 v44, v46;
	[tilespmem:$0x1550] =	vst v53  }
0x104: {  	v61 =	vsub.f32 v48, v50;
	[tilespmem:$0x1760] =	vst v59  }
0x105: {  	v62 =	vsub.f32 v52, v54;
	[tilespmem:$0x1570] =	vst v60  }
0x106: {  	[tilespmem:$0x1770] =	vst v61;
	v63 =	vsub.f32 v56, v58  }
0x107: {  	s0 =	rddreg [dreg:$0x5];
	[tilespmem:$0x1580] =	vst v62  }
0x108: {  	s2 =	rddreg [dreg:$0x4];
	s0 =	sadd.s32 s31, s0;
	[tilespmem:$0x1780] =	vst v63  }
0x109: {  	[hbm4b:s0+s3] =	stream.linear.scatter [tilespmem:s25], [sflag:$0x3], $0x190, $0x38;
	[tilespmem:$0x1A800] =	vst v63  }
0x10a: {  	s2 =	sadd.s32 s31, s2  }
0x10b: {  	[hbm4b:s2+s3] =	stream.linear.scatter [tilespmem:s26], [sflag:$0x3], $0x190, $0x38;
	[tilespmem:$0x1A800] =	vst v63  }
0x10c: {  	_ =	swait.ge [sflag:s11], $0xC800  }
0x10d: {  	[sflag:s11] =	ssyncset.done $0x0  }
0x10e: {  	[sflag:s11] =	ssyncadd.s32 $0xFFFF3800  }
0x10f: {  	_ =	swait.ge [sflag:s12], $0xC800  }
0x110: {  	[sflag:s12] =	ssyncset.done $0x0  }
0x111: {  	[sflag:s12] =	ssyncadd.s32 $0xFFFF3800  }
0x112: {  	[hbm4b:s30+s3] =	stream.linear.scatter [tilespmem:s14], [sflag:$0x1], $0xC800, $0x38;
	[tilespmem:$0x1A800] =	vst v63  }
0x113: {  	_ = 	snop  }
0x114: {  	[hbm4b:s29+s3] =	stream.linear.scatter [tilespmem:s15], [sflag:$0x2], $0xC800, $0x38;
	[tilespmem:$0x1A800] =	vst v63  }
0x115: {  	_ =	swait.ge [sflag:s24], $0x190  }
0x116: {  	[sflag:s24] =	ssyncset.done $0x0  }
0x117: {  	[sflag:s24] =	ssyncadd.s32 $0xFFFFFE70  }
0x118: {  	_ =	swait.ge [sflag:s24], $0x190  }
0x119: {  	[sflag:s24] =	ssyncset.done $0x0  }
0x11a: {  	[sflag:s24] =	ssyncadd.s32 $0xFFFFFE70  }
0x11b: {  	p0 =	sne.s32 s31, $0x4B0;
	_ =	swait.ge [sflag:s11], $0xC800  }
.Ltmp0:
0x11c: {  	[sflag:s11] =	ssyncset.done $0x0;
	(pc) =	sbr.rel @p0 .LBB2_2-.Ltmp0, $4  }
0x11d: {  	[sflag:s11] =	ssyncadd.s32 $0xFFFF3800  }
0x11e: {  	_ =	swait.ge [sflag:s12], $0xC800  }
0x11f: {  	s31 =	sadd.s32 $0x32, s31;
	[sflag:s12] =	ssyncset.done $0x0  }
0x120: {  	s30 =	sadd.s32 $0x1900, s30;
	s29 =	sadd.s32 $0x1900, s29;
	[sflag:s12] =	ssyncadd.s32 $0xFFFF3800  }
0x121: {  	s28 =	sadd.s32 $0x1, s28  }
0x122: {  	p0 =	sne.s32 s28, s5  }
.Ltmp1:
0x123: {  	_ = 	snop;
	(pc) =	sbr.rel @p0 .LBB2_1-.Ltmp1, $1  }
0x124: {  	_ =	sdelay $0x3  }
0x125: {  	_ =	sfence.sel $0x180000  }
0x126: {  	[bflag:$0x0] =	sbarrier.arrive $0xFFFF  }
0x127: {  	_ =	strace $0x90000047  }
0x128: {  	s0 =	stileid.u32;
	[bflag:$0x2] =	sbarrier.arrive $0xFFFF  }
0x129: {  	p0 =	sne.s32 s0, $0x0;
	s0 =	rddreg [dreg:$0x3]  }
0x12a: {  	s0 =	sadd.s32 @!p0 $0x100000, s0  }
0x12b: {  	[sflag:s0] =	ssyncadd.tile.s32 @!p0 $0x1;
	_ =	shalt  }
.Lfunc_end2:
_tile_overlayer_lowered:
.L_overlay_start_2:
0x12c: {  	(tag) =	ssettag $0x2  }
0x12d: {  	s0 =	rddreg [dreg:$0x0];
	s2 =	stileid.u32  }
0x12e: {  	s1 =	rddreg [dreg:$0x1];
	p0 =	sne.s32 s2, $0x0  }
0x12f: {  	s3 =	rddreg [dreg:$0x2];
	[bflag:$0x3] =	sbarrier.arrive $0xFFFF;
	s2 =	simm.s32 @!p0 $0x1C04  }
0x130: {  	[timem:s3], [sflag:s2] =	dma.local @!p0 [hbm:s0], s1  }
0x131: {  	s0 =	simm.s32 @!p0 $0x4  }
0x132: {  	_ =	swait.ge @!p0 [sflag:s0], s1  }
0x133: {  	s1 =	ssub.s32 @!p0 $0x0, s1;
	[sflag:s0] =	ssyncset.done @!p0 $0x0  }
0x134: {  	[sflag:s0] =	ssyncadd.s32 @!p0 s1  }
0x135: {  	[bflag:$0x3] =	sbarrier.arrive $0xFFFF  }
0x136: {  	_ =	shalt  }

// kernel: scatter_offload_async_start
scs
__scs_entry_jumppad:
0x0: {  	(pc) =	sbr.rel $0x88, $3  }
0x1: {  	(tag) =	ssettag $0x0;
	lr =	simm.s32 $0x1  }
0x2: {  	[smem:$0x3F8E] =	sst lr;
	_ =	strace $0xD0000000  }
0x3: {  	_ = 	snop  }
0x4: {  	_ = 	snop  }
0x5: {  	_ = 	snop  }
0x6: {  	_ = 	snop  }
0x7: {  	_ = 	snop  }
__scs_overlays_trampoline_lowered:
0x8: {  	[smem:$0x3F9D] =	sst s0  }
0x9: {  	[smem:$0x3F9E] =	sst s1  }
0xa: {  	[smem:$0x3F9F] =	sst s2  }
0xb: {  	[smem:$0x3FA0] =	sst s3  }
0xc: {  	[smem:$0x3FA1] =	sst s4  }
0xd: {  	[smem:$0x3FA2] =	sst s5  }
0xe: {  	[smem:$0x3FA3] =	sst s6  }
0xf: {  	[smem:$0x3FA4] =	sst s7  }
0x10: {  	[smem:$0x3FA5] =	sst s8  }
0x11: {  	[smem:$0x3FA6] =	sst s9;
	s0 =	simm.s32 @!p0 $0x0  }
0x12: {  	s1 =	sld [smem:$0x3F8C];
	s0 =	simm.s32 @p0 $0x1  }
0x13: {  	[smem:$0x3FA7] =	sst s0;
	s0 =	simm.s32 @!p1 $0x0  }
0x14: {  	s2 =	sld [smem:$0x3F8B];
	s0 =	simm.s32 @p1 $0x1  }
0x15: {  	[smem:$0x3FA8] =	sst s0;
	s0 =	simm.s32 @!p2 $0x0  }
0x16: {  	s3 =	sld [smem:$0x3FDB];
	s0 =	simm.s32 @p2 $0x1  }
0x17: {  	s4 =	simm.s32 $0x1BF5;
	[smem:$0x3FAA] =	sst s0  }
0x18: {  	s0 =	sld [smem:$0x3F8D];
	_ =	swait.ge [sflag:s4], $0x0  }
0x19: {  	s7 =	sld [smem:$0x3F8E]  }
0x1a: {  	s8 =	sadd.s32 $0xFFFFE003, lr  }
0x1b: {  	s9 =	sadd.s32 $0xFFFFFEF7, lr;
	s5 =	simm.s32 $0xFFFFFFFF;
	p2 =	slt.u32 s8, $0xFFFFF086  }
0x1c: {  	p1 =	slt.u32 s9, $0xF7A;
	s5 =	simm.s32 @!p2 $0x0  }
0x1d: {  	s5 =	simm.s32 @p1 $0x1;
	p0 =	seq.s32 s7, s2  }
0x1e: {  	s7 =	smul.u32 @!p0 $0xF7A, s2;
	p2 =	seq.s32 @!p0 s5, $0x0  }
0x1f: {  	s9 =	smul.u32 $0xF7A, s1;
	s8 =	simm.s32 @!p0 $0x1BF5;
	p2 =	por !p2, p0  }
0x20: {  	[sflag:s8] =	ssyncset.s32 @!p0 $0xFFFFF086;
	s6 =	sadd.s32 @!p0 s3, s7;
	s7 =	simm.s32 @!p0 $0x108  }
0x21: {  	s3 =	sadd.s32 s3, s9;
	s6 =	sadd.s32 @!p0 $0x88, s6;
	s7 =	simm.s32 @p2 $0x1082  }
0x22: {  	[simem:s7], [sflag:s8] =	dma.local @!p0 [hbm:s6], $0xF7A  }
0x23: {  	s9 =	sor.u32 $0xD0000000, s2;
	s6 =	simm.s32 $0x108;
	_ =	swait.ge @!p0 [sflag:s8], $0x0  }
0x24: {  	s3 =	sadd.s32 $0x88, s3;
	s6 =	simm.s32 @!p1 $0x1082;
	[sflag:s4] =	ssyncset.s32 $0xFFFFF086  }
0x25: {  	[simem:s6], [sflag:s4] =	dma.local [hbm:s3], $0xF7A  }
0x26: {  	[smem:$0x3F8E] =	sst s1;
	(tag) =	ssettag s2;
	_ =	strace s9  }
0x27: {  	s1 =	sld [smem:$0x3F9E]  }
0x28: {  	s2 =	sld [smem:$0x3F9F]  }
0x29: {  	s4 =	sld [smem:$0x3FA1]  }
0x2a: {  	p0 =	seq.s32 s5, $0x0;
	s5 =	sld [smem:$0x3FA2]  }
0x2b: {  	s6 =	sld [smem:$0x3FA3]  }
0x2c: {  	s7 =	sld [smem:$0x3FA4]  }
0x2d: {  	s3 =	simm.s32 $0x108;
	s8 =	sld [smem:$0x3FA5]  }
0x2e: {  	s3 =	simm.s32 @!p0 $0x1082;
	s9 =	sld [smem:$0x3FA6]  }
0x2f: {  	lr =	sadd.s32 s0, s3;
	s0 =	sld [smem:$0x3F9D]  }
0x30: {  	s3 =	sld [smem:$0x3FA0]  }
0x31: {  	[smem:$0x3FA9] =	sst s10  }
0x32: {  	s10 =	sld [smem:$0x3FA7];
	_ =	sdelay $0x3  }
0x33: {  	p0 =	seq.s32 s10, $0x1;
	s10 =	sld [smem:$0x3FA9];
	_ =	sdelay $0x3  }
0x34: {  	[smem:$0x3FA9] =	sst s10  }
0x35: {  	s10 =	sld [smem:$0x3FA8];
	_ =	sdelay $0x3  }
0x36: {  	p1 =	seq.s32 s10, $0x1;
	s10 =	sld [smem:$0x3FA9];
	_ =	sdelay $0x3  }
0x37: {  	[smem:$0x3FA9] =	sst s10  }
0x38: {  	s10 =	sld [smem:$0x3FAA]  }
0x39: {  	_ = 	snop;
	(pc) =	sbr.ind lr, $3  }
0x3a: {  	_ = 	snop  }
0x3b: {  	_ = 	snop  }
0x3c: {  	p2 =	seq.s32 s10, $0x1;
	s10 =	sld [smem:$0x3FA9]  }
0x3d: {  	_ =	shalt  }
0x3e: {  	_ =	shalt  }
0x3f: {  	_ =	shalt  }
0x40: {  	_ =	shalt  }
0x41: {  	_ =	shalt  }
0x42: {  	_ =	shalt  }
0x43: {  	_ =	shalt  }
0x44: {  	_ =	shalt  }
0x45: {  	_ =	shalt  }
0x46: {  	_ =	shalt  }
0x47: {  	_ =	shalt  }
0x48: {  	_ =	shalt  }
0x49: {  	_ =	shalt  }
0x4a: {  	_ =	shalt  }
0x4b: {  	_ =	shalt  }
0x4c: {  	_ =	shalt  }
0x4d: {  	_ =	shalt  }
0x4e: {  	_ =	shalt  }
0x4f: {  	_ =	shalt  }
0x50: {  	_ =	shalt  }
0x51: {  	_ =	shalt  }
0x52: {  	_ =	shalt  }
0x53: {  	_ =	shalt  }
0x54: {  	_ =	shalt  }
0x55: {  	_ =	shalt  }
0x56: {  	_ =	shalt  }
0x57: {  	_ =	shalt  }
0x58: {  	_ =	shalt  }
0x59: {  	_ =	shalt  }
0x5a: {  	_ =	shalt  }
0x5b: {  	_ =	shalt  }
0x5c: {  	_ =	shalt  }
0x5d: {  	_ =	shalt  }
0x5e: {  	_ =	shalt  }
0x5f: {  	_ =	shalt  }
0x60: {  	_ =	shalt  }
0x61: {  	_ =	shalt  }
0x62: {  	_ =	shalt  }
0x63: {  	_ =	shalt  }
0x64: {  	_ =	shalt  }
0x65: {  	_ =	shalt  }
0x66: {  	_ =	shalt  }
0x67: {  	_ =	shalt  }
0x68: {  	_ =	shalt  }
0x69: {  	_ =	shalt  }
0x6a: {  	_ =	shalt  }
0x6b: {  	_ =	shalt  }
0x6c: {  	_ =	shalt  }
0x6d: {  	_ =	shalt  }
0x6e: {  	_ =	shalt  }
0x6f: {  	_ =	shalt  }
0x70: {  	_ =	shalt  }
0x71: {  	_ =	shalt  }
0x72: {  	_ =	shalt  }
0x73: {  	_ =	shalt  }
0x74: {  	_ =	shalt  }
0x75: {  	_ =	shalt  }
0x76: {  	_ =	shalt  }
0x77: {  	_ =	shalt  }
0x78: {  	_ =	shalt  }
0x79: {  	_ =	shalt  }
0x7a: {  	_ =	shalt  }
0x7b: {  	_ =	shalt  }
0x7c: {  	_ =	shalt  }
0x7d: {  	_ =	shalt  }
0x7e: {  	_ =	shalt  }
0x7f: {  	_ =	shalt  }
0x80: {  	_ =	shalt  }
0x81: {  	_ =	shalt  }
0x82: {  	_ =	shalt  }
0x83: {  	_ =	shalt  }
0x84: {  	_ =	shalt  }
0x85: {  	_ =	shalt  }
0x86: {  	_ =	shalt  }
0x87: {  	_ =	shalt  }
.Lfunc_end0:
.L_simem_size_0:
called_computation_lowered:
.L_overlay_start_0:
0x88: {  	s2 =	sld [smem:$0x3FD9]  }
0x89: {  	s3 =	sld [smem:$0x3FFE];
	_ =	sdelay $0x1  }
0x8a: {  	s1 =	srdreg.scid  }
0x8b: {  	s0 =	sand.u32 $0x1, s1  }
0x8c: {  	s15 =	sshll.u32 s0, $0xA;
	s2 =	sadd.s32 s3, s2  }
0x8d: {  	s2 =	sadd.s32 s2, s15  }
0x8e: {  	[smem:$0x3FB5] =	sst s2  }
0x8f: {  	_ = 	snop  }
0x90: {  	(tm) =	ssettm $0x1  }
0x91: {  	s16 =	sld [smem:$0x3FFB];
	_ =	sdelay $0x3  }
0x92: {  	_ =	strace s16  }
0x93: {  	s2 =	sld [smem:$0x3FFC];
	_ =	sdelay $0x3  }
0x94: {  	_ =	strace s2  }
0x95: {  	s2 =	sld [smem:$0x3FFD];
	_ =	sdelay $0x3  }
0x96: {  	_ =	strace s2  }
0x97: {  	_ =	strace $0x8FFFFFFF  }
0x98: {  	s17 =	sld [smem:$0x3FDB];
	_ =	sdelay $0x1  }
0x99: {  	s18 =	simm.s32 $_scs_section_size  }
0x9a: {  	s4 =	simm.s32 $_size__tile_overlayer_lowered;
	s5 =	simm.s32 $_tile_overlayer_lowered  }
0x9b: {  	s21 =	simm.s32 $0x1BFF;
	s20 =	sshll.u32 s5, $0x1;
	s2 =	sadd.s32 s18, s17  }
0x9c: {  	s6 =	simm.s32 $0x0;
	s19 =	sshll.u32 s4, $0x1;
	s4 =	sadd.s32 s20, s2  }
0x9d: {  	[timem:s6], [sflag:s21] =	dma.local [hbm:s4], s19  }
0x9e: {  	_ =	swait.ge [sflag:s21], s19  }
0x9f: {  	s3 =	ssub.s32 $0x0, s19;
	[sflag:s21] =	ssyncset.done $0x0  }
0xa0: {  	[sflag:s21] =	ssyncadd.s32 s3;
	_ =	sdelay $0x1  }
0xa1: {  	s22 =	simm.s32 $0x1B8B  }
0xa2: {  	_ =	swait.ge [sflag:s22], $0x1  }
0xa3: {  	[sflag:s22] =	ssyncset.done $0x0  }
0xa4: {  	s23 =	sld [smem:$0x3FFE];
	[sflag:s22] =	ssyncadd.s32 $0xFFFFFFFF  }
0xa5: {  	s25 =	simm.s32 $0x1B8E;
	s24 =	sld [smem:$0x0]  }
0xa6: {  	s26 =	simm.s32 $execute0_lowered;
	[smem:$0x3FD2] =	sst s25  }
0xa7: {  	s5 =	sshll.u32 s26, $0x1;
	_ =	strace $0x80000049;
	[dreg:$0x1] =	wrdreg $0xFFFFFFFF  }
0xa8: {  	s28 =	simm.s32 $_size_execute0_lowered;
	s2 =	sadd.s32 s2, s5;
	[dreg:$0x0] =	wrdreg $0x0  }
0xa9: {  	s5 =	sshll.u32 s28, $0x1;
	[dreg:$0x2] =	wrdreg s2  }
0xaa: {  	[dreg:$0x3] =	wrdreg s5  }
0xab: {  	[dreg:$0x4] =	wrdreg $0xC0  }
0xac: {  	_ =	task [dreg:s6], $0x5FFFF  }
0xad: {  	[dreg:$0x1] =	wrdreg $0xFFFFFFFF  }
0xae: {  	[dreg:$0x0] =	wrdreg $0x60  }
0xaf: {  	[dreg:$0x2] =	wrdreg s23  }
0xb0: {  	[dreg:$0x3] =	wrdreg s1  }
0xb1: {  	[dreg:$0x4] =	wrdreg s24  }
0xb2: {  	[dreg:$0x5] =	wrdreg $0x9  }
0xb3: {  	_ =	task.clear_ibuf [dreg:s6], $0x6FFFF;
	_ =	strace $0x90000049  }
0xb4: {  	s29 =	simm.s32 $0x9;
	_ =	strace $0x8000004B  }
0xb5: {  	_ =	swait.ge [sflag:s29], $0x1  }
0xb6: {  	[sflag:s29] =	ssyncadd.s32 $0xFFFFFFFF  }
0xb7: {  	_ =	strace $0x9000004B  }
0xb8: {  	_ =	sfence  }
0xb9: {  	s30 =	sld [smem:$0x0];
	_ =	sdelay $0x2  }
0xba: {  	s31 =	sshll.u32 s1, $0xD;
	s1 =	sshrl.u32 s1, $0x2  }
0xbb: {  	s3 =	sand.u32 $0x4000, s31;
	s1 =	sadd.s32 s1, s30  }
0xbc: {  	s0 =	sor.u32 s3, s0;
	s1 =	sshll.u32 s1, $0x11  }
0xbd: {  	s0 =	sor.u32 s1, s0  }
0xbe: {  	s0 =	sadd.s32 $0x8F2B, s0  }
0xbf: {  	[sflag:s0] =	ssyncadd.remote.s32 $0x1  }
0xc0: {  	_ =	sfence.sel $0xFFFF  }
0xc1: {  	[dreg:$0x0] =	wrdreg $0xFFFFFFFF;
	(pc) =	sbr.abs _section_cstart, $3  }
0xc2: {  	[dreg:$0x1] =	wrdreg $0xFFFFFFFF  }
0xc3: {  	_ =	task.clear_ibuf [dreg:s6], $0x2FFFF;
	_ =	strace $0x9FFFFFFF  }
0xc4: {  	(tm) =	ssettm $0x7FFFFFFF  }
0xc5: {  	_ =	shalt  }
tec
execute0_lowered:
.L_overlay_start_1:
0x0: {  	(tag) =	ssettag $0x1  }
0x1: {  	s4 =	rddreg [dreg:$0x0]  }
0x2: {  	s2 =	rddreg [dreg:$0x1];
	_ =	strace $0x8000004A;
	s0 =	simm.s32 $0x1  }
0x3: {  	v0 =	vimm.s32 $0x0;
	[sflag:s0] =	ssyncpa.u1 $0x0  }
0x4: {  	[tilespmem:$0x128] =	vst v0  }
0x5: {  	[tilespmem:$0x138] =	vst v0  }
0x6: {  	[tilespmem:$0x148] =	vst v0  }
0x7: {  	[tilespmem:$0x158] =	vst v0  }
0x8: {  	[tilespmem:$0x168] =	vst v0  }
0x9: {  	[tilespmem:$0x178] =	vst v0  }
0xa: {  	[tilespmem:$0x188] =	vst v0  }
0xb: {  	[tilespmem:$0x198] =	vst v0  }
0xc: {  	[tilespmem:$0x1A8] =	vst v0  }
0xd: {  	[tilespmem:$0x1B8] =	vst v0  }
0xe: {  	[tilespmem:$0x1C8] =	vst v0  }
0xf: {  	[tilespmem:$0x1D8] =	vst v0  }
0x10: {  	[tilespmem:$0x1E8] =	vst v0  }
0x11: {  	[tilespmem:$0x1F8] =	vst v0  }
0x12: {  	[tilespmem:$0x208] =	vst v0  }
0x13: {  	[tilespmem:$0x218] =	vst v0  }
0x14: {  	[tilespmem:$0x228] =	vst v0  }
0x15: {  	[tilespmem:$0x238] =	vst v0  }
0x16: {  	[tilespmem:$0x248] =	vst v0  }
0x17: {  	[tilespmem:$0x258] =	vst v0  }
0x18: {  	[tilespmem:$0x268] =	vst v0  }
0x19: {  	[tilespmem:$0x278] =	vst v0  }
0x1a: {  	[tilespmem:$0x288] =	vst v0  }
0x1b: {  	[tilespmem:$0x298] =	vst v0  }
0x1c: {  	[tilespmem:$0x2A8] =	vst v0  }
0x1d: {  	[tilespmem:$0x2B8] =	vst v0  }
0x1e: {  	[tilespmem:$0x2C8] =	vst v0  }
0x1f: {  	[tilespmem:$0x2D8] =	vst v0  }
0x20: {  	[tilespmem:$0x2E8] =	vst v0  }
0x21: {  	[tilespmem:$0x2F8] =	vst v0  }
0x22: {  	[tilespmem:$0x308] =	vst v0  }
0x23: {  	[tilespmem:$0x318] =	vst v0  }
0x24: {  	[tilespmem:$0x328] =	vst v0  }
0x25: {  	[tilespmem:$0x338] =	vst v0  }
0x26: {  	[tilespmem:$0x348] =	vst v0  }
0x27: {  	[tilespmem:$0x358] =	vst v0  }
0x28: {  	[tilespmem:$0x368] =	vst v0  }
0x29: {  	[tilespmem:$0x378] =	vst v0  }
0x2a: {  	[tilespmem:$0x388] =	vst v0  }
0x2b: {  	[tilespmem:$0x398] =	vst v0  }
0x2c: {  	[tilespmem:$0x3A8] =	vst v0  }
0x2d: {  	[tilespmem:$0x3B8] =	vst v0  }
0x2e: {  	[tilespmem:$0x3C8] =	vst v0  }
0x2f: {  	[tilespmem:$0x3D8] =	vst v0  }
0x30: {  	[tilespmem:$0x3E8] =	vst v0  }
0x31: {  	[tilespmem:$0x3F8] =	vst v0  }
0x32: {  	[tilespmem:$0x408] =	vst v0  }
0x33: {  	[tilespmem:$0x418] =	vst v0  }
0x34: {  	[tilespmem:$0x428] =	vst v0  }
0x35: {  	[tilespmem:$0x438] =	vst v0  }
0x36: {  	[tilespmem:$0x448] =	vst v0  }
0x37: {  	[tilespmem:$0x458] =	vst v0  }
0x38: {  	[tilespmem:$0x468] =	vst v0  }
0x39: {  	[tilespmem:$0x478] =	vst v0  }
0x3a: {  	[tilespmem:$0x488] =	vst v0  }
0x3b: {  	[tilespmem:$0x498] =	vst v0  }
0x3c: {  	[tilespmem:$0x4A8] =	vst v0  }
0x3d: {  	[tilespmem:$0x4B8] =	vst v0  }
0x3e: {  	[tilespmem:$0x4C8] =	vst v0  }
0x3f: {  	[tilespmem:$0x4D8] =	vst v0  }
0x40: {  	[tilespmem:$0x4E8] =	vst v0  }
0x41: {  	[tilespmem:$0x4F8] =	vst v0  }
0x42: {  	[tilespmem:$0x508] =	vst v0  }
0x43: {  	[tilespmem:$0x518] =	vst v0  }
0x44: {  	[tilespmem:$0x528] =	vst v0  }
0x45: {  	[tilespmem:$0x538] =	vst v0  }
0x46: {  	[tilespmem:$0x548] =	vst v0  }
0x47: {  	[tilespmem:$0x558] =	vst v0  }
0x48: {  	[tilespmem:$0x568] =	vst v0  }
0x49: {  	[tilespmem:$0x578] =	vst v0  }
0x4a: {  	[tilespmem:$0x588] =	vst v0  }
0x4b: {  	[tilespmem:$0x598] =	vst v0  }
0x4c: {  	[tilespmem:$0x5A8] =	vst v0  }
0x4d: {  	[tilespmem:$0x5B8] =	vst v0  }
0x4e: {  	[tilespmem:$0x5C8] =	vst v0  }
0x4f: {  	[tilespmem:$0x5D8] =	vst v0  }
0x50: {  	[tilespmem:$0x5E8] =	vst v0  }
0x51: {  	[tilespmem:$0x5F8] =	vst v0  }
0x52: {  	[tilespmem:$0x608] =	vst v0  }
0x53: {  	[tilespmem:$0x618] =	vst v0  }
0x54: {  	[tilespmem:$0x628] =	vst v0  }
0x55: {  	[tilespmem:$0x638] =	vst v0  }
0x56: {  	[tilespmem:$0x648] =	vst v0  }
0x57: {  	[tilespmem:$0x658] =	vst v0  }
0x58: {  	[tilespmem:$0x668] =	vst v0  }
0x59: {  	[tilespmem:$0x678] =	vst v0  }
0x5a: {  	[tilespmem:$0x688] =	vst v0  }
0x5b: {  	[tilespmem:$0x698] =	vst v0  }
0x5c: {  	[tilespmem:$0x6A8] =	vst v0  }
0x5d: {  	[tilespmem:$0x6B8] =	vst v0  }
0x5e: {  	[tilespmem:$0x6C8] =	vst v0  }
0x5f: {  	[tilespmem:$0x6D8] =	vst v0  }
0x60: {  	[tilespmem:$0x6E8] =	vst v0  }
0x61: {  	[tilespmem:$0x6F8] =	vst v0  }
0x62: {  	[tilespmem:$0x708] =	vst v0  }
0x63: {  	[tilespmem:$0x718] =	vst v0  }
0x64: {  	[tilespmem:$0x728] =	vst v0  }
0x65: {  	[tilespmem:$0x738] =	vst v0  }
0x66: {  	[tilespmem:$0x748] =	vst v0  }
0x67: {  	[tilespmem:$0x758] =	vst v0  }
0x68: {  	[tilespmem:$0x768] =	vst v0  }
0x69: {  	[tilespmem:$0x778] =	vst v0  }
0x6a: {  	[tilespmem:$0x788] =	vst v0  }
0x6b: {  	[tilespmem:$0x798] =	vst v0  }
0x6c: {  	[tilespmem:$0x7A8] =	vst v0  }
0x6d: {  	[tilespmem:$0x7B8] =	vst v0  }
0x6e: {  	[tilespmem:$0x7C8] =	vst v0  }
0x6f: {  	[tilespmem:$0x7D8] =	vst v0  }
0x70: {  	[tilespmem:$0x7E8] =	vst v0  }
0x71: {  	[tilespmem:$0x7F8] =	vst v0  }
0x72: {  	[tilespmem:$0x808] =	vst v0  }
0x73: {  	[tilespmem:$0x818] =	vst v0  }
0x74: {  	[tilespmem:$0x828] =	vst v0  }
0x75: {  	[tilespmem:$0x838] =	vst v0  }
0x76: {  	[tilespmem:$0x848] =	vst v0  }
0x77: {  	[tilespmem:$0x858] =	vst v0  }
0x78: {  	[tilespmem:$0x868] =	vst v0  }
0x79: {  	[tilespmem:$0x878] =	vst v0  }
0x7a: {  	[tilespmem:$0x888] =	vst v0  }
0x7b: {  	[tilespmem:$0x898] =	vst v0  }
0x7c: {  	[tilespmem:$0x8A8] =	vst v0  }
0x7d: {  	[tilespmem:$0x8B8] =	vst v0  }
0x7e: {  	[tilespmem:$0x8C8] =	vst v0  }
0x7f: {  	[tilespmem:$0x8D8] =	vst v0  }
0x80: {  	[tilespmem:$0x8E8] =	vst v0  }
0x81: {  	[tilespmem:$0x8F8] =	vst v0  }
0x82: {  	[tilespmem:$0x908] =	vst v0  }
0x83: {  	[tilespmem:$0x918] =	vst v0  }
0x84: {  	[tilespmem:$0x928] =	vst v0  }
0x85: {  	[tilespmem:$0x938] =	vst v0  }
0x86: {  	[tilespmem:$0x948] =	vst v0  }
0x87: {  	[tilespmem:$0x958] =	vst v0  }
0x88: {  	[tilespmem:$0x968] =	vst v0  }
0x89: {  	[tilespmem:$0x978] =	vst v0  }
0x8a: {  	[tilespmem:$0x988] =	vst v0  }
0x8b: {  	[tilespmem:$0x998] =	vst v0  }
0x8c: {  	[tilespmem:$0x9A8] =	vst v0  }
0x8d: {  	[tilespmem:$0x9B8] =	vst v0  }
0x8e: {  	[tilespmem:$0x9C8] =	vst v0  }
0x8f: {  	[tilespmem:$0x9D8] =	vst v0  }
0x90: {  	[tilespmem:$0x9E8] =	vst v0  }
0x91: {  	[tilespmem:$0x9F8] =	vst v0  }
0x92: {  	[tilespmem:$0xA08] =	vst v0  }
0x93: {  	[tilespmem:$0xA18] =	vst v0  }
0x94: {  	[tilespmem:$0xA28] =	vst v0  }
0x95: {  	[tilespmem:$0xA38] =	vst v0  }
0x96: {  	[tilespmem:$0xA48] =	vst v0  }
0x97: {  	[tilespmem:$0xA58] =	vst v0  }
0x98: {  	[tilespmem:$0xA68] =	vst v0  }
0x99: {  	[tilespmem:$0xA78] =	vst v0  }
0x9a: {  	[tilespmem:$0xA88] =	vst v0  }
0x9b: {  	[tilespmem:$0xA98] =	vst v0  }
0x9c: {  	[tilespmem:$0xAA8] =	vst v0  }
0x9d: {  	[tilespmem:$0xAB8] =	vst v0  }
0x9e: {  	[tilespmem:$0xAC8] =	vst v0  }
0x9f: {  	[tilespmem:$0xAD8] =	vst v0  }
0xa0: {  	[tilespmem:$0xAE8] =	vst v0  }
0xa1: {  	[tilespmem:$0xAF8] =	vst v0  }
0xa2: {  	[tilespmem:$0xB08] =	vst v0  }
0xa3: {  	[tilespmem:$0xB18] =	vst v0  }
0xa4: {  	[tilespmem:$0xB28] =	vst v0  }
0xa5: {  	[tilespmem:$0xB38] =	vst v0  }
0xa6: {  	[tilespmem:$0xB48] =	vst v0  }
0xa7: {  	[tilespmem:$0xB58] =	vst v0  }
0xa8: {  	[tilespmem:$0xB68] =	vst v0  }
0xa9: {  	[tilespmem:$0xB78] =	vst v0  }
0xaa: {  	[tilespmem:$0xB88] =	vst v0  }
0xab: {  	[tilespmem:$0xB98] =	vst v0  }
0xac: {  	[tilespmem:$0xBA8] =	vst v0  }
0xad: {  	[tilespmem:$0xBB8] =	vst v0  }
0xae: {  	[tilespmem:$0xBC8] =	vst v0  }
0xaf: {  	[tilespmem:$0xBD8] =	vst v0  }
0xb0: {  	[tilespmem:$0xBE8] =	vst v0  }
0xb1: {  	[tilespmem:$0xBF8] =	vst v0  }
0xb2: {  	[tilespmem:$0xC08] =	vst v0  }
0xb3: {  	[tilespmem:$0xC18] =	vst v0  }
0xb4: {  	[tilespmem:$0xC28] =	vst v0  }
0xb5: {  	[tilespmem:$0xC38] =	vst v0  }
0xb6: {  	[tilespmem:$0xC48] =	vst v0  }
0xb7: {  	[tilespmem:$0xC58] =	vst v0  }
0xb8: {  	[tilespmem:$0xC68] =	vst v0  }
0xb9: {  	[tilespmem:$0xC78] =	vst v0  }
0xba: {  	[tilespmem:$0xC88] =	vst v0  }
0xbb: {  	[tilespmem:$0xC98] =	vst v0  }
0xbc: {  	[tilespmem:$0xCA8] =	vst v0  }
0xbd: {  	[tilespmem:$0xCB8] =	vst v0  }
0xbe: {  	[tilespmem:$0xCC8] =	vst v0  }
0xbf: {  	[tilespmem:$0xCD8] =	vst v0  }
0xc0: {  	[tilespmem:$0xCE8] =	vst v0  }
0xc1: {  	[tilespmem:$0xCF8] =	vst v0  }
0xc2: {  	[tilespmem:$0xD08] =	vst v0  }
0xc3: {  	[tilespmem:$0xD18] =	vst v0  }
0xc4: {  	[tilespmem:$0xD28] =	vst v0  }
0xc5: {  	[tilespmem:$0xD38] =	vst v0  }
0xc6: {  	[tilespmem:$0xD48] =	vst v0  }
0xc7: {  	[tilespmem:$0xD58] =	vst v0  }
0xc8: {  	[tilespmem:$0xD68] =	vst v0  }
0xc9: {  	[tilespmem:$0xD78] =	vst v0  }
0xca: {  	[tilespmem:$0xD88] =	vst v0  }
0xcb: {  	[tilespmem:$0xD98] =	vst v0  }
0xcc: {  	[tilespmem:$0xDA8] =	vst v0  }
0xcd: {  	[tilespmem:$0xDB8] =	vst v0  }
0xce: {  	[tilespmem:$0xDC8] =	vst v0  }
0xcf: {  	[tilespmem:$0xDD8] =	vst v0  }
0xd0: {  	[tilespmem:$0xDE8] =	vst v0  }
0xd1: {  	[tilespmem:$0xDF8] =	vst v0  }
0xd2: {  	[tilespmem:$0xE08] =	vst v0  }
0xd3: {  	[tilespmem:$0xE18] =	vst v0  }
0xd4: {  	[tilespmem:$0xE28] =	vst v0  }
0xd5: {  	[tilespmem:$0xE38] =	vst v0  }
0xd6: {  	[tilespmem:$0xE48] =	vst v0  }
0xd7: {  	[tilespmem:$0xE58] =	vst v0  }
0xd8: {  	[tilespmem:$0xE68] =	vst v0  }
0xd9: {  	[tilespmem:$0xE78] =	vst v0  }
0xda: {  	[tilespmem:$0xE88] =	vst v0  }
0xdb: {  	[tilespmem:$0xE98] =	vst v0  }
0xdc: {  	[tilespmem:$0xEA8] =	vst v0  }
0xdd: {  	[tilespmem:$0xEB8] =	vst v0  }
0xde: {  	[tilespmem:$0xEC8] =	vst v0  }
0xdf: {  	[tilespmem:$0xED8] =	vst v0  }
0xe0: {  	[tilespmem:$0xEE8] =	vst v0  }
0xe1: {  	[tilespmem:$0xEF8] =	vst v0  }
0xe2: {  	[tilespmem:$0xF08] =	vst v0  }
0xe3: {  	[tilespmem:$0xF18] =	vst v0  }
0xe4: {  	[tilespmem:$0xF28] =	vst v0  }
0xe5: {  	[tilespmem:$0xF38] =	vst v0  }
0xe6: {  	[tilespmem:$0xF48] =	vst v0  }
0xe7: {  	[tilespmem:$0xF58] =	vst v0  }
0xe8: {  	[tilespmem:$0xF68] =	vst v0  }
0xe9: {  	[tilespmem:$0xF78] =	vst v0  }
0xea: {  	[tilespmem:$0xF88] =	vst v0  }
0xeb: {  	[tilespmem:$0xF98] =	vst v0  }
0xec: {  	[tilespmem:$0xFA8] =	vst v0  }
0xed: {  	[tilespmem:$0xFB8] =	vst v0  }
0xee: {  	[tilespmem:$0xFC8] =	vst v0  }
0xef: {  	[tilespmem:$0xFD8] =	vst v0  }
0xf0: {  	[tilespmem:$0xFE8] =	vst v0  }
0xf1: {  	[tilespmem:$0xFF8] =	vst v0  }
0xf2: {  	[tilespmem:$0x1008] =	vst v0  }
0xf3: {  	[tilespmem:$0x1018] =	vst v0  }
0xf4: {  	[tilespmem:$0x1028] =	vst v0  }
0xf5: {  	[tilespmem:$0x1038] =	vst v0  }
0xf6: {  	[tilespmem:$0x1048] =	vst v0  }
0xf7: {  	[tilespmem:$0x1058] =	vst v0  }
0xf8: {  	[tilespmem:$0x1068] =	vst v0  }
0xf9: {  	[tilespmem:$0x1078] =	vst v0  }
0xfa: {  	[tilespmem:$0x1088] =	vst v0  }
0xfb: {  	[tilespmem:$0x1098] =	vst v0  }
0xfc: {  	[tilespmem:$0x10A8] =	vst v0  }
0xfd: {  	[tilespmem:$0x10B8] =	vst v0  }
0xfe: {  	[tilespmem:$0x10C8] =	vst v0  }
0xff: {  	[tilespmem:$0x10D8] =	vst v0  }
0x100: {  	[tilespmem:$0x10E8] =	vst v0  }
0x101: {  	[tilespmem:$0x10F8] =	vst v0  }
0x102: {  	[tilespmem:$0x1108] =	vst v0  }
0x103: {  	[tilespmem:$0x1478] =	vst v0  }
0x104: {  	[tilespmem:$0x1118] =	vst v0  }
0x105: {  	[tilespmem:$0x1128] =	vst v0  }
0x106: {  	[tilespmem:$0x1138] =	vst v0  }
0x107: {  	[tilespmem:$0x1148] =	vst v0  }
0x108: {  	[tilespmem:$0x1158] =	vst v0  }
0x109: {  	[tilespmem:$0x1168] =	vst v0  }
0x10a: {  	[tilespmem:$0x1178] =	vst v0  }
0x10b: {  	[tilespmem:$0x1188] =	vst v0  }
0x10c: {  	[tilespmem:$0x1198] =	vst v0  }
0x10d: {  	[tilespmem:$0x11A8] =	vst v0  }
0x10e: {  	[tilespmem:$0x11B8] =	vst v0  }
0x10f: {  	[tilespmem:$0x11C8] =	vst v0  }
0x110: {  	[tilespmem:$0x11D8] =	vst v0  }
0x111: {  	[tilespmem:$0x11E8] =	vst v0  }
0x112: {  	[tilespmem:$0x11F8] =	vst v0  }
0x113: {  	[tilespmem:$0x1208] =	vst v0  }
0x114: {  	[tilespmem:$0x1218] =	vst v0  }
0x115: {  	[tilespmem:$0x1228] =	vst v0  }
0x116: {  	[tilespmem:$0x1238] =	vst v0  }
0x117: {  	[tilespmem:$0x1248] =	vst v0  }
0x118: {  	[tilespmem:$0x1258] =	vst v0  }
0x119: {  	[tilespmem:$0x1268] =	vst v0  }
0x11a: {  	[tilespmem:$0x1278] =	vst v0  }
0x11b: {  	[tilespmem:$0x1288] =	vst v0  }
0x11c: {  	[tilespmem:$0x1298] =	vst v0  }
0x11d: {  	[tilespmem:$0x12A8] =	vst v0  }
0x11e: {  	[tilespmem:$0x12B8] =	vst v0  }
0x11f: {  	[tilespmem:$0x12C8] =	vst v0  }
0x120: {  	[tilespmem:$0x12D8] =	vst v0  }
0x121: {  	[tilespmem:$0x12E8] =	vst v0  }
0x122: {  	[tilespmem:$0x12F8] =	vst v0  }
0x123: {  	[tilespmem:$0x1308] =	vst v0  }
0x124: {  	[tilespmem:$0x1318] =	vst v0  }
0x125: {  	[tilespmem:$0x1328] =	vst v0  }
0x126: {  	[tilespmem:$0x1338] =	vst v0  }
0x127: {  	[tilespmem:$0x1348] =	vst v0  }
0x128: {  	[tilespmem:$0x1358] =	vst v0  }
0x129: {  	[tilespmem:$0x1368] =	vst v0  }
0x12a: {  	[tilespmem:$0x1378] =	vst v0  }
0x12b: {  	[tilespmem:$0x1388] =	vst v0  }
0x12c: {  	[tilespmem:$0x1398] =	vst v0  }
0x12d: {  	[tilespmem:$0x13A8] =	vst v0  }
0x12e: {  	[tilespmem:$0x13B8] =	vst v0  }
0x12f: {  	[tilespmem:$0x13C8] =	vst v0  }
0x130: {  	[tilespmem:$0x13D8] =	vst v0  }
0x131: {  	[tilespmem:$0x13E8] =	vst v0  }
0x132: {  	[tilespmem:$0x13F8] =	vst v0  }
0x133: {  	[tilespmem:$0x1408] =	vst v0  }
0x134: {  	[tilespmem:$0x1418] =	vst v0  }
0x135: {  	[tilespmem:$0x1428] =	vst v0  }
0x136: {  	[tilespmem:$0x1438] =	vst v0  }
0x137: {  	[tilespmem:$0x1448] =	vst v0  }
0x138: {  	[tilespmem:$0x1458] =	vst v0  }
0x139: {  	[tilespmem:$0x1468] =	vst v0  }
0x13a: {  	[tilespmem:$0x1488] =	vst v0  }
0x13b: {  	[tilespmem:$0x1498] =	vst v0  }
0x13c: {  	[tilespmem:$0x14A8] =	vst v0  }
0x13d: {  	[tilespmem:$0x14B8] =	vst v0  }
0x13e: {  	[tilespmem:$0x14C8] =	vst v0  }
0x13f: {  	[tilespmem:$0x14D8] =	vst v0  }
0x140: {  	[tilespmem:$0x14E8] =	vst v0  }
0x141: {  	[tilespmem:$0x14F8] =	vst v0  }
0x142: {  	[tilespmem:$0x1508] =	vst v0  }
0x143: {  	[tilespmem:$0x1518] =	vst v0  }
0x144: {  	[tilespmem:$0x1528] =	vst v0  }
0x145: {  	[tilespmem:$0x1538] =	vst v0  }
0x146: {  	[tilespmem:$0x1548] =	vst v0  }
0x147: {  	[tilespmem:$0x1558] =	vst v0  }
0x148: {  	[tilespmem:$0x1568] =	vst v0  }
0x149: {  	[tilespmem:$0x1578] =	vst v0  }
0x14a: {  	[tilespmem:$0x1588] =	vst v0  }
0x14b: {  	[tilespmem:$0x1598] =	vst v0  }
0x14c: {  	[tilespmem:$0x15A8] =	vst v0  }
0x14d: {  	[tilespmem:$0x15B8] =	vst v0  }
0x14e: {  	[tilespmem:$0x15C8] =	vst v0  }
0x14f: {  	[tilespmem:$0x15D8] =	vst v0  }
0x150: {  	[tilespmem:$0x15E8] =	vst v0  }
0x151: {  	[tilespmem:$0x15F8] =	vst v0  }
0x152: {  	[tilespmem:$0x1608] =	vst v0  }
0x153: {  	[tilespmem:$0x1618] =	vst v0  }
0x154: {  	[tilespmem:$0x1628] =	vst v0  }
0x155: {  	[tilespmem:$0x1638] =	vst v0  }
0x156: {  	[tilespmem:$0x1648] =	vst v0  }
0x157: {  	[tilespmem:$0x1658] =	vst v0  }
0x158: {  	[tilespmem:$0x1668] =	vst v0  }
0x159: {  	[tilespmem:$0x1678] =	vst v0  }
0x15a: {  	[tilespmem:$0x1688] =	vst v0  }
0x15b: {  	[tilespmem:$0x1698] =	vst v0  }
0x15c: {  	[tilespmem:$0x16A8] =	vst v0  }
0x15d: {  	[tilespmem:$0x16B8] =	vst v0  }
0x15e: {  	[tilespmem:$0x16C8] =	vst v0  }
0x15f: {  	[tilespmem:$0x16D8] =	vst v0  }
0x160: {  	[tilespmem:$0x16E8] =	vst v0  }
0x161: {  	[tilespmem:$0x16F8] =	vst v0  }
0x162: {  	[tilespmem:$0x1708] =	vst v0  }
0x163: {  	[tilespmem:$0x1718] =	vst v0  }
0x164: {  	[tilespmem:$0x1728] =	vst v0  }
0x165: {  	[tilespmem:$0x1738] =	vst v0  }
0x166: {  	[tilespmem:$0x1748] =	vst v0  }
0x167: {  	[tilespmem:$0x1758] =	vst v0  }
0x168: {  	[tilespmem:$0x1768] =	vst v0  }
0x169: {  	[tilespmem:$0x1778] =	vst v0  }
0x16a: {  	[tilespmem:$0x1788] =	vst v0  }
0x16b: {  	[tilespmem:$0x1798] =	vst v0  }
0x16c: {  	[tilespmem:$0x17A8] =	vst v0  }
0x16d: {  	[tilespmem:$0x17B8] =	vst v0  }
0x16e: {  	[tilespmem:$0x17C8] =	vst v0  }
0x16f: {  	[tilespmem:$0x17D8] =	vst v0  }
0x170: {  	[tilespmem:$0x17E8] =	vst v0  }
0x171: {  	[tilespmem:$0x17F8] =	vst v0  }
0x172: {  	[tilespmem:$0x1808] =	vst v0  }
0x173: {  	[tilespmem:$0x1818] =	vst v0  }
0x174: {  	[tilespmem:$0x1828] =	vst v0  }
0x175: {  	[tilespmem:$0x1838] =	vst v0  }
0x176: {  	[tilespmem:$0x1848] =	vst v0  }
0x177: {  	[tilespmem:$0x1858] =	vst v0  }
0x178: {  	[tilespmem:$0x1868] =	vst v0  }
0x179: {  	[tilespmem:$0x1878] =	vst v0  }
0x17a: {  	[tilespmem:$0x1888] =	vst v0  }
0x17b: {  	[tilespmem:$0x1898] =	vst v0  }
0x17c: {  	[tilespmem:$0x18A8] =	vst v0  }
0x17d: {  	[tilespmem:$0x18B8] =	vst v0  }
0x17e: {  	[tilespmem:$0x18C8] =	vst v0  }
0x17f: {  	[tilespmem:$0x18D8] =	vst v0  }
0x180: {  	[tilespmem:$0x18E8] =	vst v0  }
0x181: {  	[tilespmem:$0x18F8] =	vst v0  }
0x182: {  	[tilespmem:$0x1908] =	vst v0  }
0x183: {  	[tilespmem:$0x1918] =	vst v0  }
0x184: {  	[tilespmem:$0x1928] =	vst v0  }
0x185: {  	[tilespmem:$0x1938] =	vst v0  }
0x186: {  	[tilespmem:$0x1948] =	vst v0  }
0x187: {  	[tilespmem:$0x1958] =	vst v0  }
0x188: {  	[tilespmem:$0x1968] =	vst v0  }
0x189: {  	[tilespmem:$0x1978] =	vst v0  }
0x18a: {  	[tilespmem:$0x1988] =	vst v0  }
0x18b: {  	[tilespmem:$0x1998] =	vst v0  }
0x18c: {  	[tilespmem:$0x19A8] =	vst v0  }
0x18d: {  	[tilespmem:$0x19B8] =	vst v0  }
0x18e: {  	[tilespmem:$0x19C8] =	vst v0  }
0x18f: {  	[tilespmem:$0x19D8] =	vst v0  }
0x190: {  	[tilespmem:$0x19E8] =	vst v0  }
0x191: {  	[tilespmem:$0x19F8] =	vst v0  }
0x192: {  	[tilespmem:$0x1A08] =	vst v0  }
0x193: {  	[tilespmem:$0x1A18] =	vst v0  }
0x194: {  	[tilespmem:$0x1A28] =	vst v0  }
0x195: {  	[tilespmem:$0x1A38] =	vst v0  }
0x196: {  	[tilespmem:$0x1A48] =	vst v0  }
0x197: {  	[tilespmem:$0x1A58] =	vst v0  }
0x198: {  	[tilespmem:$0x1A68] =	vst v0  }
0x199: {  	[tilespmem:$0x1A78] =	vst v0  }
0x19a: {  	[tilespmem:$0x1A88] =	vst v0  }
0x19b: {  	[tilespmem:$0x1A98] =	vst v0  }
0x19c: {  	[tilespmem:$0x1AA8] =	vst v0  }
0x19d: {  	[tilespmem:$0x1AB8] =	vst v0  }
0x19e: {  	[tilespmem:$0x1AC8] =	vst v0  }
0x19f: {  	[tilespmem:$0x1AD8] =	vst v0  }
0x1a0: {  	[tilespmem:$0x1AE8] =	vst v0  }
0x1a1: {  	[tilespmem:$0x1AF8] =	vst v0  }
0x1a2: {  	[tilespmem:$0x1B08] =	vst v0  }
0x1a3: {  	[tilespmem:$0x1B18] =	vst v0  }
0x1a4: {  	[tilespmem:$0x1B28] =	vst v0  }
0x1a5: {  	[tilespmem:$0x1B38] =	vst v0  }
0x1a6: {  	[tilespmem:$0x1B48] =	vst v0  }
0x1a7: {  	[tilespmem:$0x1B58] =	vst v0  }
0x1a8: {  	[tilespmem:$0x1B68] =	vst v0  }
0x1a9: {  	[tilespmem:$0x1B78] =	vst v0  }
0x1aa: {  	[tilespmem:$0x1B88] =	vst v0  }
0x1ab: {  	[tilespmem:$0x1B98] =	vst v0  }
0x1ac: {  	[tilespmem:$0x1BA8] =	vst v0  }
0x1ad: {  	[tilespmem:$0x1BB8] =	vst v0  }
0x1ae: {  	[tilespmem:$0x1BC8] =	vst v0  }
0x1af: {  	[tilespmem:$0x1BD8] =	vst v0  }
0x1b0: {  	[tilespmem:$0x1BE8] =	vst v0  }
0x1b1: {  	[tilespmem:$0x1BF8] =	vst v0  }
0x1b2: {  	[tilespmem:$0x1C08] =	vst v0  }
0x1b3: {  	[tilespmem:$0x1C18] =	vst v0  }
0x1b4: {  	[tilespmem:$0x1C28] =	vst v0  }
0x1b5: {  	[tilespmem:$0x1C38] =	vst v0  }
0x1b6: {  	[tilespmem:$0x1C48] =	vst v0  }
0x1b7: {  	[tilespmem:$0x1C58] =	vst v0  }
0x1b8: {  	[tilespmem:$0x1C68] =	vst v0  }
0x1b9: {  	[tilespmem:$0x1C78] =	vst v0  }
0x1ba: {  	[tilespmem:$0x1C88] =	vst v0  }
0x1bb: {  	[tilespmem:$0x1C98] =	vst v0  }
0x1bc: {  	[tilespmem:$0x1CA8] =	vst v0  }
0x1bd: {  	[tilespmem:$0x1CB8] =	vst v0  }
0x1be: {  	[tilespmem:$0x1CC8] =	vst v0  }
0x1bf: {  	[tilespmem:$0x1CD8] =	vst v0  }
0x1c0: {  	[tilespmem:$0x1CE8] =	vst v0  }
0x1c1: {  	[tilespmem:$0x1CF8] =	vst v0  }
0x1c2: {  	[tilespmem:$0x1D08] =	vst v0  }
0x1c3: {  	[tilespmem:$0x1D18] =	vst v0  }
0x1c4: {  	[tilespmem:$0x1D28] =	vst v0  }
0x1c5: {  	[tilespmem:$0x1D38] =	vst v0  }
0x1c6: {  	[tilespmem:$0x1D48] =	vst v0  }
0x1c7: {  	[tilespmem:$0x1D58] =	vst v0  }
0x1c8: {  	[tilespmem:$0x1D68] =	vst v0  }
0x1c9: {  	[tilespmem:$0x1D78] =	vst v0  }
0x1ca: {  	[tilespmem:$0x1D88] =	vst v0  }
0x1cb: {  	[tilespmem:$0x1D98] =	vst v0  }
0x1cc: {  	[tilespmem:$0x1DA8] =	vst v0  }
0x1cd: {  	[tilespmem:$0x1DB8] =	vst v0  }
0x1ce: {  	[tilespmem:$0x1DC8] =	vst v0  }
0x1cf: {  	[tilespmem:$0x1DD8] =	vst v0  }
0x1d0: {  	[tilespmem:$0x1DE8] =	vst v0  }
0x1d1: {  	[tilespmem:$0x1DF8] =	vst v0  }
0x1d2: {  	[tilespmem:$0x1E08] =	vst v0  }
0x1d3: {  	[tilespmem:$0x1E18] =	vst v0  }
0x1d4: {  	[tilespmem:$0x1E28] =	vst v0  }
0x1d5: {  	[tilespmem:$0x1E38] =	vst v0  }
0x1d6: {  	[tilespmem:$0x1E48] =	vst v0  }
0x1d7: {  	[tilespmem:$0x1E58] =	vst v0  }
0x1d8: {  	[tilespmem:$0x1E68] =	vst v0  }
0x1d9: {  	[tilespmem:$0x1E78] =	vst v0  }
0x1da: {  	[tilespmem:$0x1E88] =	vst v0  }
0x1db: {  	[tilespmem:$0x1E98] =	vst v0  }
0x1dc: {  	[tilespmem:$0x1EA8] =	vst v0  }
0x1dd: {  	[tilespmem:$0x1EB8] =	vst v0  }
0x1de: {  	[tilespmem:$0x1EC8] =	vst v0  }
0x1df: {  	[tilespmem:$0x1ED8] =	vst v0  }
0x1e0: {  	[tilespmem:$0x1EE8] =	vst v0  }
0x1e1: {  	[tilespmem:$0x1EF8] =	vst v0  }
0x1e2: {  	[tilespmem:$0x1F08] =	vst v0  }
0x1e3: {  	[tilespmem:$0x1F18] =	vst v0  }
0x1e4: {  	[tilespmem:$0x1F28] =	vst v0  }
0x1e5: {  	[tilespmem:$0x1F38] =	vst v0  }
0x1e6: {  	[tilespmem:$0x1F48] =	vst v0  }
0x1e7: {  	[tilespmem:$0x1F58] =	vst v0  }
0x1e8: {  	[tilespmem:$0x1F68] =	vst v0  }
0x1e9: {  	[tilespmem:$0x1F78] =	vst v0  }
0x1ea: {  	[tilespmem:$0x1F88] =	vst v0  }
0x1eb: {  	[tilespmem:$0x1F98] =	vst v0  }
0x1ec: {  	[tilespmem:$0x1FA8] =	vst v0  }
0x1ed: {  	[tilespmem:$0x1FB8] =	vst v0  }
0x1ee: {  	[tilespmem:$0x1FC8] =	vst v0  }
0x1ef: {  	[tilespmem:$0x1FD8] =	vst v0  }
0x1f0: {  	[tilespmem:$0x1FE8] =	vst v0  }
0x1f1: {  	[tilespmem:$0x1FF8] =	vst v0  }
0x1f2: {  	[tilespmem:$0x2008] =	vst v0  }
0x1f3: {  	[tilespmem:$0x2018] =	vst v0  }
0x1f4: {  	[tilespmem:$0x2028] =	vst v0  }
0x1f5: {  	[tilespmem:$0x2038] =	vst v0  }
0x1f6: {  	[tilespmem:$0x2048] =	vst v0  }
0x1f7: {  	[tilespmem:$0x2058] =	vst v0  }
0x1f8: {  	[tilespmem:$0x2068] =	vst v0  }
0x1f9: {  	[tilespmem:$0x2078] =	vst v0  }
0x1fa: {  	[tilespmem:$0x2088] =	vst v0  }
0x1fb: {  	[tilespmem:$0x2098] =	vst v0  }
0x1fc: {  	[tilespmem:$0x20A8] =	vst v0  }
0x1fd: {  	[tilespmem:$0x20B8] =	vst v0  }
0x1fe: {  	[tilespmem:$0x20C8] =	vst v0  }
0x1ff: {  	[tilespmem:$0x20D8] =	vst v0  }
0x200: {  	[tilespmem:$0x20E8] =	vst v0  }
0x201: {  	[tilespmem:$0x20F8] =	vst v0  }
0x202: {  	[tilespmem:$0x2108] =	vst v0  }
0x203: {  	[tilespmem:$0x2118] =	vst v0  }
0x204: {  	[tilespmem:$0x2128] =	vst v0  }
0x205: {  	[tilespmem:$0x2138] =	vst v0  }
0x206: {  	[tilespmem:$0x2148] =	vst v0  }
0x207: {  	[tilespmem:$0x2158] =	vst v0  }
0x208: {  	[tilespmem:$0x2168] =	vst v0  }
0x209: {  	[tilespmem:$0x2178] =	vst v0  }
0x20a: {  	[tilespmem:$0x2188] =	vst v0  }
0x20b: {  	[tilespmem:$0x2198] =	vst v0  }
0x20c: {  	[tilespmem:$0x21A8] =	vst v0  }
0x20d: {  	[tilespmem:$0x21B8] =	vst v0  }
0x20e: {  	[tilespmem:$0x21C8] =	vst v0  }
0x20f: {  	[tilespmem:$0x21D8] =	vst v0  }
0x210: {  	[tilespmem:$0x21E8] =	vst v0  }
0x211: {  	[tilespmem:$0x21F8] =	vst v0  }
0x212: {  	[tilespmem:$0x2208] =	vst v0  }
0x213: {  	[tilespmem:$0x2218] =	vst v0  }
0x214: {  	[tilespmem:$0x2228] =	vst v0  }
0x215: {  	[tilespmem:$0x2238] =	vst v0  }
0x216: {  	[tilespmem:$0x2248] =	vst v0  }
0x217: {  	[tilespmem:$0x2258] =	vst v0  }
0x218: {  	[tilespmem:$0x2268] =	vst v0  }
0x219: {  	[tilespmem:$0x2278] =	vst v0  }
0x21a: {  	[tilespmem:$0x2288] =	vst v0  }
0x21b: {  	[tilespmem:$0x2298] =	vst v0  }
0x21c: {  	[tilespmem:$0x22A8] =	vst v0  }
0x21d: {  	[tilespmem:$0x22B8] =	vst v0  }
0x21e: {  	[tilespmem:$0x22C8] =	vst v0  }
0x21f: {  	[tilespmem:$0x22D8] =	vst v0  }
0x220: {  	[tilespmem:$0x22E8] =	vst v0  }
0x221: {  	[tilespmem:$0x22F8] =	vst v0  }
0x222: {  	[tilespmem:$0x2308] =	vst v0  }
0x223: {  	[tilespmem:$0x2318] =	vst v0  }
0x224: {  	[tilespmem:$0x2328] =	vst v0  }
0x225: {  	[tilespmem:$0x2338] =	vst v0  }
0x226: {  	[tilespmem:$0x2348] =	vst v0  }
0x227: {  	[tilespmem:$0x2358] =	vst v0  }
0x228: {  	[tilespmem:$0x2368] =	vst v0  }
0x229: {  	[tilespmem:$0x2378] =	vst v0  }
0x22a: {  	[tilespmem:$0x2388] =	vst v0  }
0x22b: {  	[tilespmem:$0x2398] =	vst v0  }
0x22c: {  	[tilespmem:$0x23A8] =	vst v0  }
0x22d: {  	[tilespmem:$0x23B8] =	vst v0  }
0x22e: {  	[tilespmem:$0x23C8] =	vst v0  }
0x22f: {  	[tilespmem:$0x23D8] =	vst v0  }
0x230: {  	[tilespmem:$0x23E8] =	vst v0  }
0x231: {  	[tilespmem:$0x23F8] =	vst v0  }
0x232: {  	[tilespmem:$0x2408] =	vst v0  }
0x233: {  	[tilespmem:$0x2418] =	vst v0  }
0x234: {  	[tilespmem:$0x2428] =	vst v0  }
0x235: {  	[tilespmem:$0x2438] =	vst v0  }
0x236: {  	[tilespmem:$0x2448] =	vst v0  }
0x237: {  	[tilespmem:$0x2458] =	vst v0  }
0x238: {  	[tilespmem:$0x2468] =	vst v0  }
0x239: {  	[tilespmem:$0x2478] =	vst v0  }
0x23a: {  	[tilespmem:$0x33A8] =	vst v0  }
0x23b: {  	[tilespmem:$0x33B8] =	vst v0  }
0x23c: {  	[tilespmem:$0x2488] =	vst v0  }
0x23d: {  	[tilespmem:$0x2498] =	vst v0  }
0x23e: {  	[tilespmem:$0x24A8] =	vst v0  }
0x23f: {  	[tilespmem:$0x24B8] =	vst v0  }
0x240: {  	[tilespmem:$0x24C8] =	vst v0  }
0x241: {  	[tilespmem:$0x24D8] =	vst v0  }
0x242: {  	[tilespmem:$0x24E8] =	vst v0  }
0x243: {  	[tilespmem:$0x24F8] =	vst v0  }
0x244: {  	[tilespmem:$0x2508] =	vst v0  }
0x245: {  	[tilespmem:$0x2518] =	vst v0  }
0x246: {  	[tilespmem:$0x2528] =	vst v0  }
0x247: {  	[tilespmem:$0x2538] =	vst v0  }
0x248: {  	[tilespmem:$0x2548] =	vst v0  }
0x249: {  	[tilespmem:$0x2558] =	vst v0  }
0x24a: {  	[tilespmem:$0x2568] =	vst v0  }
0x24b: {  	[tilespmem:$0x2578] =	vst v0  }
0x24c: {  	[tilespmem:$0x2588] =	vst v0  }
0x24d: {  	[tilespmem:$0x2598] =	vst v0  }
0x24e: {  	[tilespmem:$0x25A8] =	vst v0  }
0x24f: {  	[tilespmem:$0x25B8] =	vst v0  }
0x250: {  	[tilespmem:$0x25C8] =	vst v0  }
0x251: {  	[tilespmem:$0x25D8] =	vst v0  }
0x252: {  	[tilespmem:$0x25E8] =	vst v0  }
0x253: {  	[tilespmem:$0x25F8] =	vst v0  }
0x254: {  	[tilespmem:$0x2608] =	vst v0  }
0x255: {  	[tilespmem:$0x2618] =	vst v0  }
0x256: {  	[tilespmem:$0x2628] =	vst v0  }
0x257: {  	[tilespmem:$0x2638] =	vst v0  }
0x258: {  	[tilespmem:$0x2648] =	vst v0  }
0x259: {  	[tilespmem:$0x2658] =	vst v0  }
0x25a: {  	[tilespmem:$0x2668] =	vst v0  }
0x25b: {  	[tilespmem:$0x2678] =	vst v0  }
0x25c: {  	[tilespmem:$0x2688] =	vst v0  }
0x25d: {  	[tilespmem:$0x2698] =	vst v0  }
0x25e: {  	[tilespmem:$0x26A8] =	vst v0  }
0x25f: {  	[tilespmem:$0x26B8] =	vst v0  }
0x260: {  	[tilespmem:$0x26C8] =	vst v0  }
0x261: {  	[tilespmem:$0x26D8] =	vst v0  }
0x262: {  	[tilespmem:$0x26E8] =	vst v0  }
0x263: {  	[tilespmem:$0x26F8] =	vst v0  }
0x264: {  	[tilespmem:$0x2708] =	vst v0  }
0x265: {  	[tilespmem:$0x2718] =	vst v0  }
0x266: {  	[tilespmem:$0x2728] =	vst v0  }
0x267: {  	[tilespmem:$0x2738] =	vst v0  }
0x268: {  	[tilespmem:$0x2748] =	vst v0  }
0x269: {  	[tilespmem:$0x2758] =	vst v0  }
0x26a: {  	[tilespmem:$0x2768] =	vst v0  }
0x26b: {  	[tilespmem:$0x2778] =	vst v0  }
0x26c: {  	[tilespmem:$0x2788] =	vst v0  }
0x26d: {  	[tilespmem:$0x2798] =	vst v0  }
0x26e: {  	[tilespmem:$0x27A8] =	vst v0  }
0x26f: {  	[tilespmem:$0x27B8] =	vst v0  }
0x270: {  	[tilespmem:$0x27C8] =	vst v0  }
0x271: {  	[tilespmem:$0x27D8] =	vst v0  }
0x272: {  	[tilespmem:$0x27E8] =	vst v0  }
0x273: {  	[tilespmem:$0x27F8] =	vst v0  }
0x274: {  	[tilespmem:$0x2808] =	vst v0  }
0x275: {  	[tilespmem:$0x2818] =	vst v0  }
0x276: {  	[tilespmem:$0x2828] =	vst v0  }
0x277: {  	[tilespmem:$0x2838] =	vst v0  }
0x278: {  	[tilespmem:$0x2848] =	vst v0  }
0x279: {  	[tilespmem:$0x2858] =	vst v0  }
0x27a: {  	[tilespmem:$0x2868] =	vst v0  }
0x27b: {  	[tilespmem:$0x2878] =	vst v0  }
0x27c: {  	[tilespmem:$0x2888] =	vst v0  }
0x27d: {  	[tilespmem:$0x2898] =	vst v0  }
0x27e: {  	[tilespmem:$0x28A8] =	vst v0  }
0x27f: {  	[tilespmem:$0x28B8] =	vst v0  }
0x280: {  	[tilespmem:$0x28C8] =	vst v0  }
0x281: {  	[tilespmem:$0x28D8] =	vst v0  }
0x282: {  	[tilespmem:$0x28E8] =	vst v0  }
0x283: {  	[tilespmem:$0x28F8] =	vst v0  }
0x284: {  	[tilespmem:$0x2908] =	vst v0  }
0x285: {  	[tilespmem:$0x2918] =	vst v0  }
0x286: {  	[tilespmem:$0x2928] =	vst v0  }
0x287: {  	[tilespmem:$0x2938] =	vst v0  }
0x288: {  	[tilespmem:$0x2948] =	vst v0  }
0x289: {  	[tilespmem:$0x2958] =	vst v0  }
0x28a: {  	[tilespmem:$0x2968] =	vst v0  }
0x28b: {  	[tilespmem:$0x2978] =	vst v0  }
0x28c: {  	[tilespmem:$0x2988] =	vst v0  }
0x28d: {  	[tilespmem:$0x2998] =	vst v0  }
0x28e: {  	[tilespmem:$0x29A8] =	vst v0  }
0x28f: {  	[tilespmem:$0x29B8] =	vst v0  }
0x290: {  	[tilespmem:$0x29C8] =	vst v0  }
0x291: {  	[tilespmem:$0x29D8] =	vst v0  }
0x292: {  	[tilespmem:$0x29E8] =	vst v0  }
0x293: {  	[tilespmem:$0x29F8] =	vst v0  }
0x294: {  	[tilespmem:$0x2A08] =	vst v0  }
0x295: {  	[tilespmem:$0x2A18] =	vst v0  }
0x296: {  	[tilespmem:$0x2A28] =	vst v0  }
0x297: {  	[tilespmem:$0x2A38] =	vst v0  }
0x298: {  	[tilespmem:$0x2A48] =	vst v0  }
0x299: {  	[tilespmem:$0x2A58] =	vst v0  }
0x29a: {  	[tilespmem:$0x2A68] =	vst v0  }
0x29b: {  	[tilespmem:$0x2A78] =	vst v0  }
0x29c: {  	[tilespmem:$0x2A88] =	vst v0  }
0x29d: {  	[tilespmem:$0x2A98] =	vst v0  }
0x29e: {  	[tilespmem:$0x2AA8] =	vst v0  }
0x29f: {  	[tilespmem:$0x2AB8] =	vst v0  }
0x2a0: {  	[tilespmem:$0x2AC8] =	vst v0  }
0x2a1: {  	[tilespmem:$0x2AD8] =	vst v0  }
0x2a2: {  	[tilespmem:$0x2AE8] =	vst v0  }
0x2a3: {  	[tilespmem:$0x2AF8] =	vst v0  }
0x2a4: {  	[tilespmem:$0x2B08] =	vst v0  }
0x2a5: {  	[tilespmem:$0x2B18] =	vst v0  }
0x2a6: {  	[tilespmem:$0x2B28] =	vst v0  }
0x2a7: {  	[tilespmem:$0x2B38] =	vst v0  }
0x2a8: {  	[tilespmem:$0x2B48] =	vst v0  }
0x2a9: {  	[tilespmem:$0x2B58] =	vst v0  }
0x2aa: {  	[tilespmem:$0x2B68] =	vst v0  }
0x2ab: {  	[tilespmem:$0x2B78] =	vst v0  }
0x2ac: {  	[tilespmem:$0x2B88] =	vst v0  }
0x2ad: {  	[tilespmem:$0x2B98] =	vst v0  }
0x2ae: {  	[tilespmem:$0x2BA8] =	vst v0  }
0x2af: {  	[tilespmem:$0x2BB8] =	vst v0  }
0x2b0: {  	[tilespmem:$0x2BC8] =	vst v0  }
0x2b1: {  	[tilespmem:$0x2BD8] =	vst v0  }
0x2b2: {  	[tilespmem:$0x2BE8] =	vst v0  }
0x2b3: {  	[tilespmem:$0x2BF8] =	vst v0  }
0x2b4: {  	[tilespmem:$0x2C08] =	vst v0  }
0x2b5: {  	[tilespmem:$0x2C18] =	vst v0  }
0x2b6: {  	[tilespmem:$0x2C28] =	vst v0  }
0x2b7: {  	[tilespmem:$0x2C38] =	vst v0  }
0x2b8: {  	[tilespmem:$0x2C48] =	vst v0  }
0x2b9: {  	[tilespmem:$0x2C58] =	vst v0  }
0x2ba: {  	[tilespmem:$0x2C68] =	vst v0  }
0x2bb: {  	[tilespmem:$0x2C78] =	vst v0  }
0x2bc: {  	[tilespmem:$0x2C88] =	vst v0  }
0x2bd: {  	[tilespmem:$0x2C98] =	vst v0  }
0x2be: {  	[tilespmem:$0x2CA8] =	vst v0  }
0x2bf: {  	[tilespmem:$0x2CB8] =	vst v0  }
0x2c0: {  	[tilespmem:$0x2CC8] =	vst v0  }
0x2c1: {  	[tilespmem:$0x2CD8] =	vst v0  }
0x2c2: {  	[tilespmem:$0x2CE8] =	vst v0  }
0x2c3: {  	[tilespmem:$0x2CF8] =	vst v0  }
0x2c4: {  	[tilespmem:$0x2D08] =	vst v0  }
0x2c5: {  	[tilespmem:$0x2D18] =	vst v0  }
0x2c6: {  	[tilespmem:$0x2D28] =	vst v0  }
0x2c7: {  	[tilespmem:$0x2D38] =	vst v0  }
0x2c8: {  	[tilespmem:$0x2D48] =	vst v0  }
0x2c9: {  	[tilespmem:$0x2D58] =	vst v0  }
0x2ca: {  	[tilespmem:$0x2D68] =	vst v0  }
0x2cb: {  	[tilespmem:$0x2D78] =	vst v0  }
0x2cc: {  	[tilespmem:$0x2D88] =	vst v0  }
0x2cd: {  	[tilespmem:$0x2D98] =	vst v0  }
0x2ce: {  	[tilespmem:$0x2DA8] =	vst v0  }
0x2cf: {  	[tilespmem:$0x2DB8] =	vst v0  }
0x2d0: {  	[tilespmem:$0x2DC8] =	vst v0  }
0x2d1: {  	[tilespmem:$0x2DD8] =	vst v0  }
0x2d2: {  	[tilespmem:$0x2DE8] =	vst v0  }
0x2d3: {  	[tilespmem:$0x2DF8] =	vst v0  }
0x2d4: {  	[tilespmem:$0x2E08] =	vst v0  }
0x2d5: {  	[tilespmem:$0x2E18] =	vst v0  }
0x2d6: {  	[tilespmem:$0x2E28] =	vst v0  }
0x2d7: {  	[tilespmem:$0x2E38] =	vst v0  }
0x2d8: {  	[tilespmem:$0x2E48] =	vst v0  }
0x2d9: {  	[tilespmem:$0x2E58] =	vst v0  }
0x2da: {  	[tilespmem:$0x2E68] =	vst v0  }
0x2db: {  	[tilespmem:$0x2E78] =	vst v0  }
0x2dc: {  	[tilespmem:$0x2E88] =	vst v0  }
0x2dd: {  	[tilespmem:$0x2E98] =	vst v0  }
0x2de: {  	[tilespmem:$0x2EA8] =	vst v0  }
0x2df: {  	[tilespmem:$0x2EB8] =	vst v0  }
0x2e0: {  	[tilespmem:$0x2EC8] =	vst v0  }
0x2e1: {  	[tilespmem:$0x2ED8] =	vst v0  }
0x2e2: {  	[tilespmem:$0x2EE8] =	vst v0  }
0x2e3: {  	[tilespmem:$0x2EF8] =	vst v0  }
0x2e4: {  	[tilespmem:$0x2F08] =	vst v0  }
0x2e5: {  	[tilespmem:$0x2F18] =	vst v0  }
0x2e6: {  	[tilespmem:$0x2F28] =	vst v0  }
0x2e7: {  	[tilespmem:$0x2F38] =	vst v0  }
0x2e8: {  	[tilespmem:$0x2F48] =	vst v0  }
0x2e9: {  	[tilespmem:$0x2F58] =	vst v0  }
0x2ea: {  	[tilespmem:$0x2F68] =	vst v0  }
0x2eb: {  	[tilespmem:$0x2F78] =	vst v0  }
0x2ec: {  	[tilespmem:$0x2F88] =	vst v0  }
0x2ed: {  	[tilespmem:$0x2F98] =	vst v0  }
0x2ee: {  	[tilespmem:$0x2FA8] =	vst v0  }
0x2ef: {  	[tilespmem:$0x2FB8] =	vst v0  }
0x2f0: {  	[tilespmem:$0x2FC8] =	vst v0  }
0x2f1: {  	[tilespmem:$0x2FD8] =	vst v0  }
0x2f2: {  	[tilespmem:$0x2FE8] =	vst v0  }
0x2f3: {  	[tilespmem:$0x2FF8] =	vst v0  }
0x2f4: {  	[tilespmem:$0x3008] =	vst v0  }
0x2f5: {  	[tilespmem:$0x3018] =	vst v0  }
0x2f6: {  	[tilespmem:$0x3028] =	vst v0  }
0x2f7: {  	[tilespmem:$0x3038] =	vst v0  }
0x2f8: {  	[tilespmem:$0x3048] =	vst v0  }
0x2f9: {  	[tilespmem:$0x3058] =	vst v0  }
0x2fa: {  	[tilespmem:$0x3068] =	vst v0  }
0x2fb: {  	[tilespmem:$0x3078] =	vst v0  }
0x2fc: {  	[tilespmem:$0x3088] =	vst v0  }
0x2fd: {  	[tilespmem:$0x3098] =	vst v0  }
0x2fe: {  	[tilespmem:$0x30A8] =	vst v0  }
0x2ff: {  	[tilespmem:$0x30B8] =	vst v0  }
0x300: {  	[tilespmem:$0x30C8] =	vst v0  }
0x301: {  	[tilespmem:$0x30D8] =	vst v0  }
0x302: {  	[tilespmem:$0x30E8] =	vst v0  }
0x303: {  	[tilespmem:$0x30F8] =	vst v0  }
0x304: {  	[tilespmem:$0x3108] =	vst v0  }
0x305: {  	[tilespmem:$0x3118] =	vst v0  }
0x306: {  	[tilespmem:$0x3128] =	vst v0  }
0x307: {  	[tilespmem:$0x3138] =	vst v0  }
0x308: {  	[tilespmem:$0x3148] =	vst v0  }
0x309: {  	[tilespmem:$0x3158] =	vst v0  }
0x30a: {  	[tilespmem:$0x3168] =	vst v0  }
0x30b: {  	[tilespmem:$0x3178] =	vst v0  }
0x30c: {  	[tilespmem:$0x3188] =	vst v0  }
0x30d: {  	[tilespmem:$0x3198] =	vst v0  }
0x30e: {  	[tilespmem:$0x31A8] =	vst v0  }
0x30f: {  	[tilespmem:$0x31B8] =	vst v0  }
0x310: {  	[tilespmem:$0x31C8] =	vst v0  }
0x311: {  	[tilespmem:$0x31D8] =	vst v0  }
0x312: {  	[tilespmem:$0x31E8] =	vst v0  }
0x313: {  	[tilespmem:$0x31F8] =	vst v0  }
0x314: {  	[tilespmem:$0x3208] =	vst v0  }
0x315: {  	[tilespmem:$0x3218] =	vst v0  }
0x316: {  	[tilespmem:$0x3228] =	vst v0  }
0x317: {  	[tilespmem:$0x3238] =	vst v0  }
0x318: {  	[tilespmem:$0x3248] =	vst v0  }
0x319: {  	[tilespmem:$0x3258] =	vst v0  }
0x31a: {  	[tilespmem:$0x3268] =	vst v0  }
0x31b: {  	[tilespmem:$0x3278] =	vst v0  }
0x31c: {  	[tilespmem:$0x3288] =	vst v0  }
0x31d: {  	[tilespmem:$0x3298] =	vst v0  }
0x31e: {  	[tilespmem:$0x32A8] =	vst v0  }
0x31f: {  	[tilespmem:$0x32B8] =	vst v0  }
0x320: {  	[tilespmem:$0x32C8] =	vst v0  }
0x321: {  	[tilespmem:$0x32D8] =	vst v0  }
0x322: {  	[tilespmem:$0x32E8] =	vst v0  }
0x323: {  	[tilespmem:$0x32F8] =	vst v0  }
0x324: {  	[tilespmem:$0x3308] =	vst v0  }
0x325: {  	[tilespmem:$0x3318] =	vst v0  }
0x326: {  	[tilespmem:$0x3328] =	vst v0  }
0x327: {  	[tilespmem:$0x3338] =	vst v0  }
0x328: {  	[tilespmem:$0x3348] =	vst v0  }
0x329: {  	[tilespmem:$0x3358] =	vst v0  }
0x32a: {  	[tilespmem:$0x3368] =	vst v0  }
0x32b: {  	[tilespmem:$0x3378] =	vst v0  }
0x32c: {  	[tilespmem:$0x3388] =	vst v0  }
0x32d: {  	[tilespmem:$0x3398] =	vst v0  }
0x32e: {  	[tilespmem:$0x33C8] =	vst v0  }
0x32f: {  	[tilespmem:$0x33D8] =	vst v0  }
0x330: {  	[tilespmem:$0x33E8] =	vst v0  }
0x331: {  	[tilespmem:$0x33F8] =	vst v0  }
0x332: {  	[tilespmem:$0x3408] =	vst v0  }
0x333: {  	[tilespmem:$0x3418] =	vst v0  }
0x334: {  	[tilespmem:$0x3428] =	vst v0  }
0x335: {  	[tilespmem:$0x3438] =	vst v0  }
0x336: {  	[tilespmem:$0x3448] =	vst v0  }
0x337: {  	[tilespmem:$0x3458] =	vst v0  }
0x338: {  	[tilespmem:$0x3468] =	vst v0  }
0x339: {  	[tilespmem:$0x3478] =	vst v0  }
0x33a: {  	[tilespmem:$0x3488] =	vst v0  }
0x33b: {  	[tilespmem:$0x3498] =	vst v0  }
0x33c: {  	[tilespmem:$0x34A8] =	vst v0  }
0x33d: {  	[tilespmem:$0x34B8] =	vst v0  }
0x33e: {  	[tilespmem:$0x34C8] =	vst v0  }
0x33f: {  	[tilespmem:$0x34D8] =	vst v0  }
0x340: {  	[tilespmem:$0x34E8] =	vst v0  }
0x341: {  	[tilespmem:$0x34F8] =	vst v0  }
0x342: {  	[tilespmem:$0x3508] =	vst v0  }
0x343: {  	[tilespmem:$0x3518] =	vst v0  }
0x344: {  	[tilespmem:$0x3528] =	vst v0  }
0x345: {  	[tilespmem:$0x3538] =	vst v0  }
0x346: {  	[tilespmem:$0x3548] =	vst v0  }
0x347: {  	[tilespmem:$0x3558] =	vst v0  }
0x348: {  	[tilespmem:$0x3568] =	vst v0  }
0x349: {  	[tilespmem:$0x3578] =	vst v0  }
0x34a: {  	[tilespmem:$0x3588] =	vst v0  }
0x34b: {  	[tilespmem:$0x3598] =	vst v0  }
0x34c: {  	[tilespmem:$0x35A8] =	vst v0  }
0x34d: {  	[tilespmem:$0x35B8] =	vst v0  }
0x34e: {  	[tilespmem:$0x35C8] =	vst v0  }
0x34f: {  	[tilespmem:$0x35D8] =	vst v0  }
0x350: {  	[tilespmem:$0x35E8] =	vst v0  }
0x351: {  	[tilespmem:$0x35F8] =	vst v0  }
0x352: {  	[tilespmem:$0x3608] =	vst v0  }
0x353: {  	[tilespmem:$0x3618] =	vst v0  }
0x354: {  	[tilespmem:$0x3628] =	vst v0  }
0x355: {  	[tilespmem:$0x3638] =	vst v0  }
0x356: {  	[tilespmem:$0x3648] =	vst v0  }
0x357: {  	[tilespmem:$0x3658] =	vst v0  }
0x358: {  	[tilespmem:$0x3668] =	vst v0  }
0x359: {  	[tilespmem:$0x3678] =	vst v0  }
0x35a: {  	[tilespmem:$0x3688] =	vst v0  }
0x35b: {  	[tilespmem:$0x3698] =	vst v0  }
0x35c: {  	[tilespmem:$0x36A8] =	vst v0  }
0x35d: {  	[tilespmem:$0x36B8] =	vst v0  }
0x35e: {  	[tilespmem:$0x36C8] =	vst v0  }
0x35f: {  	[tilespmem:$0x36D8] =	vst v0  }
0x360: {  	[tilespmem:$0x36E8] =	vst v0  }
0x361: {  	[tilespmem:$0x36F8] =	vst v0  }
0x362: {  	[tilespmem:$0x3708] =	vst v0  }
0x363: {  	[tilespmem:$0x3718] =	vst v0  }
0x364: {  	[tilespmem:$0x3728] =	vst v0  }
0x365: {  	[tilespmem:$0x3738] =	vst v0  }
0x366: {  	[tilespmem:$0x3748] =	vst v0  }
0x367: {  	[tilespmem:$0x3758] =	vst v0  }
0x368: {  	[tilespmem:$0x3768] =	vst v0  }
0x369: {  	[tilespmem:$0x3778] =	vst v0  }
0x36a: {  	[tilespmem:$0x3788] =	vst v0  }
0x36b: {  	[tilespmem:$0x3798] =	vst v0  }
0x36c: {  	[tilespmem:$0x37A8] =	vst v0  }
0x36d: {  	[tilespmem:$0x37B8] =	vst v0  }
0x36e: {  	[tilespmem:$0x37C8] =	vst v0  }
0x36f: {  	[tilespmem:$0x37D8] =	vst v0  }
0x370: {  	[tilespmem:$0x37E8] =	vst v0  }
0x371: {  	[tilespmem:$0x37F8] =	vst v0  }
0x372: {  	[tilespmem:$0x3808] =	vst v0  }
0x373: {  	[tilespmem:$0x3818] =	vst v0  }
0x374: {  	[tilespmem:$0x3828] =	vst v0  }
0x375: {  	[tilespmem:$0x3838] =	vst v0  }
0x376: {  	[tilespmem:$0x3848] =	vst v0  }
0x377: {  	[tilespmem:$0x3858] =	vst v0  }
0x378: {  	[tilespmem:$0x3868] =	vst v0  }
0x379: {  	[tilespmem:$0x3878] =	vst v0  }
0x37a: {  	[tilespmem:$0x3888] =	vst v0  }
0x37b: {  	[tilespmem:$0x3898] =	vst v0  }
0x37c: {  	[tilespmem:$0x38A8] =	vst v0  }
0x37d: {  	[tilespmem:$0x38B8] =	vst v0  }
0x37e: {  	[tilespmem:$0x38C8] =	vst v0  }
0x37f: {  	[tilespmem:$0x38D8] =	vst v0  }
0x380: {  	[tilespmem:$0x38E8] =	vst v0  }
0x381: {  	[tilespmem:$0x38F8] =	vst v0  }
0x382: {  	[tilespmem:$0x3908] =	vst v0  }
0x383: {  	[tilespmem:$0x3918] =	vst v0  }
0x384: {  	[tilespmem:$0x3928] =	vst v0  }
0x385: {  	[tilespmem:$0x3938] =	vst v0  }
0x386: {  	[tilespmem:$0x3948] =	vst v0  }
0x387: {  	[tilespmem:$0x3958] =	vst v0  }
0x388: {  	[tilespmem:$0x3968] =	vst v0  }
0x389: {  	[tilespmem:$0x3978] =	vst v0  }
0x38a: {  	[tilespmem:$0x3988] =	vst v0  }
0x38b: {  	[tilespmem:$0x3998] =	vst v0  }
0x38c: {  	[tilespmem:$0x39A8] =	vst v0  }
0x38d: {  	[tilespmem:$0x39B8] =	vst v0  }
0x38e: {  	[tilespmem:$0x39C8] =	vst v0  }
0x38f: {  	[tilespmem:$0x39D8] =	vst v0  }
0x390: {  	[tilespmem:$0x39E8] =	vst v0  }
0x391: {  	[tilespmem:$0x39F8] =	vst v0  }
0x392: {  	[tilespmem:$0x3A08] =	vst v0  }
0x393: {  	[tilespmem:$0x3A18] =	vst v0  }
0x394: {  	[tilespmem:$0x3A28] =	vst v0  }
0x395: {  	[tilespmem:$0x3A38] =	vst v0  }
0x396: {  	[tilespmem:$0x3A48] =	vst v0  }
0x397: {  	[tilespmem:$0x3A58] =	vst v0  }
0x398: {  	[tilespmem:$0x3A68] =	vst v0  }
0x399: {  	[tilespmem:$0x3A78] =	vst v0  }
0x39a: {  	[tilespmem:$0x3A88] =	vst v0  }
0x39b: {  	[tilespmem:$0x3A98] =	vst v0  }
0x39c: {  	[tilespmem:$0x3AA8] =	vst v0  }
0x39d: {  	[tilespmem:$0x3AB8] =	vst v0  }
0x39e: {  	[tilespmem:$0x3AC8] =	vst v0  }
0x39f: {  	[tilespmem:$0x3AD8] =	vst v0  }
0x3a0: {  	[tilespmem:$0x3AE8] =	vst v0  }
0x3a1: {  	[tilespmem:$0x3AF8] =	vst v0  }
0x3a2: {  	[tilespmem:$0x3B08] =	vst v0  }
0x3a3: {  	[tilespmem:$0x3B18] =	vst v0  }
0x3a4: {  	[tilespmem:$0x3B28] =	vst v0  }
0x3a5: {  	[tilespmem:$0x3B38] =	vst v0  }
0x3a6: {  	[tilespmem:$0x3B48] =	vst v0  }
0x3a7: {  	[tilespmem:$0x3B58] =	vst v0  }
0x3a8: {  	[tilespmem:$0x3B68] =	vst v0  }
0x3a9: {  	[tilespmem:$0x3B78] =	vst v0  }
0x3aa: {  	[tilespmem:$0x3B88] =	vst v0  }
0x3ab: {  	[tilespmem:$0x3B98] =	vst v0  }
0x3ac: {  	[tilespmem:$0x3BA8] =	vst v0  }
0x3ad: {  	[tilespmem:$0x3BB8] =	vst v0  }
0x3ae: {  	[tilespmem:$0x3BC8] =	vst v0  }
0x3af: {  	[tilespmem:$0x3BD8] =	vst v0  }
0x3b0: {  	[tilespmem:$0x3BE8] =	vst v0  }
0x3b1: {  	[tilespmem:$0x3BF8] =	vst v0  }
0x3b2: {  	[tilespmem:$0x3C08] =	vst v0  }
0x3b3: {  	[tilespmem:$0x3C18] =	vst v0  }
0x3b4: {  	[tilespmem:$0x3C28] =	vst v0  }
0x3b5: {  	[tilespmem:$0x3C38] =	vst v0  }
0x3b6: {  	[tilespmem:$0x3C48] =	vst v0  }
0x3b7: {  	[tilespmem:$0x3C58] =	vst v0  }
0x3b8: {  	[tilespmem:$0x3C68] =	vst v0  }
0x3b9: {  	[tilespmem:$0x3C78] =	vst v0  }
0x3ba: {  	[tilespmem:$0x3C88] =	vst v0  }
0x3bb: {  	[tilespmem:$0x3C98] =	vst v0  }
0x3bc: {  	[tilespmem:$0x3CA8] =	vst v0  }
0x3bd: {  	[tilespmem:$0x3CB8] =	vst v0  }
0x3be: {  	[tilespmem:$0x3CC8] =	vst v0  }
0x3bf: {  	[tilespmem:$0x3CD8] =	vst v0  }
0x3c0: {  	[tilespmem:$0x3CE8] =	vst v0  }
0x3c1: {  	[tilespmem:$0x3CF8] =	vst v0  }
0x3c2: {  	[tilespmem:$0x3D08] =	vst v0  }
0x3c3: {  	[tilespmem:$0x3D18] =	vst v0  }
0x3c4: {  	[tilespmem:$0x3D28] =	vst v0  }
0x3c5: {  	[tilespmem:$0x3D38] =	vst v0  }
0x3c6: {  	[tilespmem:$0x3D48] =	vst v0  }
0x3c7: {  	[tilespmem:$0x3D58] =	vst v0  }
0x3c8: {  	[tilespmem:$0x3D68] =	vst v0  }
0x3c9: {  	[tilespmem:$0x3D78] =	vst v0  }
0x3ca: {  	[tilespmem:$0x3D88] =	vst v0  }
0x3cb: {  	[tilespmem:$0x3D98] =	vst v0  }
0x3cc: {  	[tilespmem:$0x3DA8] =	vst v0  }
0x3cd: {  	[tilespmem:$0x3DB8] =	vst v0  }
0x3ce: {  	[tilespmem:$0x3DC8] =	vst v0  }
0x3cf: {  	[tilespmem:$0x3DD8] =	vst v0  }
0x3d0: {  	[tilespmem:$0x3DE8] =	vst v0  }
0x3d1: {  	[tilespmem:$0x3DF8] =	vst v0  }
0x3d2: {  	[tilespmem:$0x3E08] =	vst v0  }
0x3d3: {  	[tilespmem:$0x3E18] =	vst v0  }
0x3d4: {  	[tilespmem:$0x3E28] =	vst v0  }
0x3d5: {  	[tilespmem:$0x3E38] =	vst v0  }
0x3d6: {  	[tilespmem:$0x3E48] =	vst v0  }
0x3d7: {  	[tilespmem:$0x3E58] =	vst v0  }
0x3d8: {  	[tilespmem:$0x3E68] =	vst v0  }
0x3d9: {  	[tilespmem:$0x3E78] =	vst v0  }
0x3da: {  	[tilespmem:$0x3E88] =	vst v0  }
0x3db: {  	[tilespmem:$0x3E98] =	vst v0  }
0x3dc: {  	[tilespmem:$0x3EA8] =	vst v0  }
0x3dd: {  	[tilespmem:$0x3EB8] =	vst v0  }
0x3de: {  	[tilespmem:$0x3EC8] =	vst v0  }
0x3df: {  	[tilespmem:$0x3ED8] =	vst v0  }
0x3e0: {  	[tilespmem:$0x3EE8] =	vst v0  }
0x3e1: {  	[tilespmem:$0x3EF8] =	vst v0  }
0x3e2: {  	[tilespmem:$0x3F08] =	vst v0  }
0x3e3: {  	[tilespmem:$0x3F18] =	vst v0  }
0x3e4: {  	[tilespmem:$0x3F28] =	vst v0  }
0x3e5: {  	[tilespmem:$0x3F38] =	vst v0  }
0x3e6: {  	[tilespmem:$0x3F48] =	vst v0  }
0x3e7: {  	[tilespmem:$0x3F58] =	vst v0  }
0x3e8: {  	[tilespmem:$0x3F68] =	vst v0  }
0x3e9: {  	[tilespmem:$0x3F78] =	vst v0  }
0x3ea: {  	[tilespmem:$0x3F88] =	vst v0  }
0x3eb: {  	[tilespmem:$0x3F98] =	vst v0  }
0x3ec: {  	[tilespmem:$0x3FA8] =	vst v0  }
0x3ed: {  	[tilespmem:$0x3FB8] =	vst v0  }
0x3ee: {  	[tilespmem:$0x3FC8] =	vst v0  }
0x3ef: {  	[tilespmem:$0x3FD8] =	vst v0  }
0x3f0: {  	[tilespmem:$0x3FE8] =	vst v0  }
0x3f1: {  	[tilespmem:$0x3FF8] =	vst v0  }
0x3f2: {  	[tilespmem:$0x4008] =	vst v0  }
0x3f3: {  	[tilespmem:$0x4018] =	vst v0  }
0x3f4: {  	[tilespmem:$0x4028] =	vst v0  }
0x3f5: {  	[tilespmem:$0x4038] =	vst v0  }
0x3f6: {  	[tilespmem:$0x4048] =	vst v0  }
0x3f7: {  	[tilespmem:$0x4058] =	vst v0  }
0x3f8: {  	[tilespmem:$0x4068] =	vst v0  }
0x3f9: {  	[tilespmem:$0x4078] =	vst v0  }
0x3fa: {  	[tilespmem:$0x4088] =	vst v0  }
0x3fb: {  	[tilespmem:$0x4098] =	vst v0  }
0x3fc: {  	[tilespmem:$0x40A8] =	vst v0  }
0x3fd: {  	[tilespmem:$0x40B8] =	vst v0  }
0x3fe: {  	[tilespmem:$0x40C8] =	vst v0  }
0x3ff: {  	[tilespmem:$0x40D8] =	vst v0  }
0x400: {  	[tilespmem:$0x40E8] =	vst v0  }
0x401: {  	[tilespmem:$0x40F8] =	vst v0  }
0x402: {  	[tilespmem:$0x4108] =	vst v0  }
0x403: {  	[tilespmem:$0x4118] =	vst v0  }
0x404: {  	[tilespmem:$0x4128] =	vst v0  }
0x405: {  	[tilespmem:$0x4138] =	vst v0  }
0x406: {  	[tilespmem:$0x4148] =	vst v0  }
0x407: {  	[tilespmem:$0x4158] =	vst v0  }
0x408: {  	[tilespmem:$0x4168] =	vst v0  }
0x409: {  	[tilespmem:$0x4178] =	vst v0  }
0x40a: {  	[tilespmem:$0x4188] =	vst v0  }
0x40b: {  	[tilespmem:$0x4198] =	vst v0  }
0x40c: {  	[tilespmem:$0x41A8] =	vst v0  }
0x40d: {  	[tilespmem:$0x41B8] =	vst v0  }
0x40e: {  	[tilespmem:$0x41C8] =	vst v0  }
0x40f: {  	[tilespmem:$0x41D8] =	vst v0  }
0x410: {  	[tilespmem:$0x41E8] =	vst v0  }
0x411: {  	[tilespmem:$0x41F8] =	vst v0  }
0x412: {  	[tilespmem:$0x4208] =	vst v0  }
0x413: {  	[tilespmem:$0x4218] =	vst v0  }
0x414: {  	[tilespmem:$0x4228] =	vst v0  }
0x415: {  	[tilespmem:$0x4238] =	vst v0  }
0x416: {  	[tilespmem:$0x4248] =	vst v0  }
0x417: {  	[tilespmem:$0x4258] =	vst v0  }
0x418: {  	[tilespmem:$0x4268] =	vst v0  }
0x419: {  	[tilespmem:$0x4278] =	vst v0  }
0x41a: {  	[tilespmem:$0x4288] =	vst v0  }
0x41b: {  	[tilespmem:$0x4298] =	vst v0  }
0x41c: {  	[tilespmem:$0x42A8] =	vst v0  }
0x41d: {  	[tilespmem:$0x42B8] =	vst v0  }
0x41e: {  	[tilespmem:$0x42C8] =	vst v0  }
0x41f: {  	[tilespmem:$0x42D8] =	vst v0  }
0x420: {  	[tilespmem:$0x42E8] =	vst v0  }
0x421: {  	[tilespmem:$0x42F8] =	vst v0  }
0x422: {  	[tilespmem:$0x4308] =	vst v0  }
0x423: {  	[tilespmem:$0x4318] =	vst v0  }
0x424: {  	[tilespmem:$0x4328] =	vst v0  }
0x425: {  	[tilespmem:$0x4338] =	vst v0  }
0x426: {  	[tilespmem:$0x4348] =	vst v0  }
0x427: {  	[tilespmem:$0x4358] =	vst v0  }
0x428: {  	[tilespmem:$0x4368] =	vst v0  }
0x429: {  	[tilespmem:$0x4378] =	vst v0  }
0x42a: {  	[tilespmem:$0x4388] =	vst v0  }
0x42b: {  	[tilespmem:$0x4398] =	vst v0  }
0x42c: {  	[tilespmem:$0x43A8] =	vst v0  }
0x42d: {  	[tilespmem:$0x43C8] =	vst v0  }
0x42e: {  	[tilespmem:$0x4478] =	vst v0  }
0x42f: {  	[tilespmem:$0x52A8] =	vst v0  }
0x430: {  	[tilespmem:$0x5298] =	vst v0  }
0x431: {  	[tilespmem:$0x5288] =	vst v0  }
0x432: {  	[tilespmem:$0x5278] =	vst v0  }
0x433: {  	[tilespmem:$0x5268] =	vst v0  }
0x434: {  	[tilespmem:$0x5258] =	vst v0  }
0x435: {  	[tilespmem:$0x5248] =	vst v0  }
0x436: {  	[tilespmem:$0x5238] =	vst v0  }
0x437: {  	[tilespmem:$0x5228] =	vst v0  }
0x438: {  	[tilespmem:$0x5218] =	vst v0  }
0x439: {  	[tilespmem:$0x5208] =	vst v0  }
0x43a: {  	[tilespmem:$0x51F8] =	vst v0  }
0x43b: {  	[tilespmem:$0x51E8] =	vst v0  }
0x43c: {  	[tilespmem:$0x51D8] =	vst v0  }
0x43d: {  	[tilespmem:$0x51C8] =	vst v0  }
0x43e: {  	[tilespmem:$0x51B8] =	vst v0  }
0x43f: {  	[tilespmem:$0x51A8] =	vst v0  }
0x440: {  	[tilespmem:$0x5198] =	vst v0  }
0x441: {  	[tilespmem:$0x5188] =	vst v0  }
0x442: {  	[tilespmem:$0x5178] =	vst v0  }
0x443: {  	[tilespmem:$0x5168] =	vst v0  }
0x444: {  	[tilespmem:$0x5158] =	vst v0  }
0x445: {  	[tilespmem:$0x5148] =	vst v0  }
0x446: {  	[tilespmem:$0x5138] =	vst v0  }
0x447: {  	[tilespmem:$0x5128] =	vst v0  }
0x448: {  	[tilespmem:$0x5118] =	vst v0  }
0x449: {  	[tilespmem:$0x5108] =	vst v0  }
0x44a: {  	[tilespmem:$0x50F8] =	vst v0  }
0x44b: {  	[tilespmem:$0x50E8] =	vst v0  }
0x44c: {  	[tilespmem:$0x50D8] =	vst v0  }
0x44d: {  	[tilespmem:$0x50C8] =	vst v0  }
0x44e: {  	[tilespmem:$0x50B8] =	vst v0  }
0x44f: {  	[tilespmem:$0x50A8] =	vst v0  }
0x450: {  	[tilespmem:$0x5098] =	vst v0  }
0x451: {  	[tilespmem:$0x5088] =	vst v0  }
0x452: {  	[tilespmem:$0x5078] =	vst v0  }
0x453: {  	[tilespmem:$0x5068] =	vst v0  }
0x454: {  	[tilespmem:$0x5058] =	vst v0  }
0x455: {  	[tilespmem:$0x5048] =	vst v0  }
0x456: {  	[tilespmem:$0x5038] =	vst v0  }
0x457: {  	[tilespmem:$0x5028] =	vst v0  }
0x458: {  	[tilespmem:$0x5018] =	vst v0  }
0x459: {  	[tilespmem:$0x5008] =	vst v0  }
0x45a: {  	[tilespmem:$0x4FF8] =	vst v0  }
0x45b: {  	[tilespmem:$0x4FE8] =	vst v0  }
0x45c: {  	[tilespmem:$0x4FD8] =	vst v0  }
0x45d: {  	[tilespmem:$0x4FC8] =	vst v0  }
0x45e: {  	[tilespmem:$0x4FB8] =	vst v0  }
0x45f: {  	[tilespmem:$0x4FA8] =	vst v0  }
0x460: {  	[tilespmem:$0x4F98] =	vst v0  }
0x461: {  	[tilespmem:$0x4F88] =	vst v0  }
0x462: {  	[tilespmem:$0x4F78] =	vst v0  }
0x463: {  	[tilespmem:$0x4F68] =	vst v0  }
0x464: {  	[tilespmem:$0x4F58] =	vst v0  }
0x465: {  	[tilespmem:$0x4F48] =	vst v0  }
0x466: {  	[tilespmem:$0x4F38] =	vst v0  }
0x467: {  	[tilespmem:$0x4F28] =	vst v0  }
0x468: {  	[tilespmem:$0x4F18] =	vst v0  }
0x469: {  	[tilespmem:$0x4F08] =	vst v0  }
0x46a: {  	[tilespmem:$0x4EF8] =	vst v0  }
0x46b: {  	[tilespmem:$0x4EE8] =	vst v0  }
0x46c: {  	[tilespmem:$0x4ED8] =	vst v0  }
0x46d: {  	[tilespmem:$0x4EC8] =	vst v0  }
0x46e: {  	[tilespmem:$0x4EB8] =	vst v0  }
0x46f: {  	[tilespmem:$0x4EA8] =	vst v0  }
0x470: {  	[tilespmem:$0x4E98] =	vst v0  }
0x471: {  	[tilespmem:$0x4E88] =	vst v0  }
0x472: {  	[tilespmem:$0x4E78] =	vst v0  }
0x473: {  	[tilespmem:$0x4E68] =	vst v0  }
0x474: {  	[tilespmem:$0x4E58] =	vst v0  }
0x475: {  	[tilespmem:$0x4E48] =	vst v0  }
0x476: {  	[tilespmem:$0x4E38] =	vst v0  }
0x477: {  	[tilespmem:$0x4E28] =	vst v0  }
0x478: {  	[tilespmem:$0x4E18] =	vst v0  }
0x479: {  	[tilespmem:$0x4E08] =	vst v0  }
0x47a: {  	[tilespmem:$0x4DF8] =	vst v0  }
0x47b: {  	[tilespmem:$0x4DE8] =	vst v0  }
0x47c: {  	[tilespmem:$0x4DD8] =	vst v0  }
0x47d: {  	[tilespmem:$0x4DC8] =	vst v0  }
0x47e: {  	[tilespmem:$0x4DB8] =	vst v0  }
0x47f: {  	[tilespmem:$0x4DA8] =	vst v0  }
0x480: {  	[tilespmem:$0x4D98] =	vst v0  }
0x481: {  	[tilespmem:$0x4D88] =	vst v0  }
0x482: {  	[tilespmem:$0x4D78] =	vst v0  }
0x483: {  	[tilespmem:$0x4D68] =	vst v0  }
0x484: {  	[tilespmem:$0x4D58] =	vst v0  }
0x485: {  	[tilespmem:$0x4D48] =	vst v0  }
0x486: {  	[tilespmem:$0x4D38] =	vst v0  }
0x487: {  	[tilespmem:$0x4D28] =	vst v0  }
0x488: {  	[tilespmem:$0x4D18] =	vst v0  }
0x489: {  	[tilespmem:$0x4D08] =	vst v0  }
0x48a: {  	[tilespmem:$0x4CF8] =	vst v0  }
0x48b: {  	[tilespmem:$0x4CE8] =	vst v0  }
0x48c: {  	[tilespmem:$0x4CD8] =	vst v0  }
0x48d: {  	[tilespmem:$0x4CC8] =	vst v0  }
0x48e: {  	[tilespmem:$0x4CB8] =	vst v0  }
0x48f: {  	[tilespmem:$0x4CA8] =	vst v0  }
0x490: {  	[tilespmem:$0x4C98] =	vst v0  }
0x491: {  	[tilespmem:$0x4C88] =	vst v0  }
0x492: {  	[tilespmem:$0x4C78] =	vst v0  }
0x493: {  	[tilespmem:$0x4C68] =	vst v0  }
0x494: {  	[tilespmem:$0x4C58] =	vst v0  }
0x495: {  	[tilespmem:$0x4C48] =	vst v0  }
0x496: {  	[tilespmem:$0x4C38] =	vst v0  }
0x497: {  	[tilespmem:$0x4C28] =	vst v0  }
0x498: {  	[tilespmem:$0x4C18] =	vst v0  }
0x499: {  	[tilespmem:$0x4C08] =	vst v0  }
0x49a: {  	[tilespmem:$0x4BF8] =	vst v0  }
0x49b: {  	[tilespmem:$0x4BE8] =	vst v0  }
0x49c: {  	[tilespmem:$0x4BD8] =	vst v0  }
0x49d: {  	[tilespmem:$0x4BC8] =	vst v0  }
0x49e: {  	[tilespmem:$0x4BB8] =	vst v0  }
0x49f: {  	[tilespmem:$0x4BA8] =	vst v0  }
0x4a0: {  	[tilespmem:$0x4B98] =	vst v0  }
0x4a1: {  	[tilespmem:$0x4B88] =	vst v0  }
0x4a2: {  	[tilespmem:$0x4B78] =	vst v0  }
0x4a3: {  	[tilespmem:$0x4B68] =	vst v0  }
0x4a4: {  	[tilespmem:$0x4B58] =	vst v0  }
0x4a5: {  	[tilespmem:$0x4B48] =	vst v0  }
0x4a6: {  	[tilespmem:$0x4B38] =	vst v0  }
0x4a7: {  	[tilespmem:$0x4B28] =	vst v0  }
0x4a8: {  	[tilespmem:$0x4B18] =	vst v0  }
0x4a9: {  	[tilespmem:$0x4B08] =	vst v0  }
0x4aa: {  	[tilespmem:$0x4AF8] =	vst v0  }
0x4ab: {  	[tilespmem:$0x4AE8] =	vst v0  }
0x4ac: {  	[tilespmem:$0x4AD8] =	vst v0  }
0x4ad: {  	[tilespmem:$0x4AC8] =	vst v0  }
0x4ae: {  	[tilespmem:$0x4AB8] =	vst v0  }
0x4af: {  	[tilespmem:$0x4AA8] =	vst v0  }
0x4b0: {  	[tilespmem:$0x4A98] =	vst v0  }
0x4b1: {  	[tilespmem:$0x4A88] =	vst v0  }
0x4b2: {  	[tilespmem:$0x4A78] =	vst v0  }
0x4b3: {  	[tilespmem:$0x4A68] =	vst v0  }
0x4b4: {  	[tilespmem:$0x4A58] =	vst v0  }
0x4b5: {  	[tilespmem:$0x4A48] =	vst v0  }
0x4b6: {  	[tilespmem:$0x4A38] =	vst v0  }
0x4b7: {  	[tilespmem:$0x4A28] =	vst v0  }
0x4b8: {  	[tilespmem:$0x4A18] =	vst v0  }
0x4b9: {  	[tilespmem:$0x4A08] =	vst v0  }
0x4ba: {  	[tilespmem:$0x49F8] =	vst v0  }
0x4bb: {  	[tilespmem:$0x49E8] =	vst v0  }
0x4bc: {  	[tilespmem:$0x49D8] =	vst v0  }
0x4bd: {  	[tilespmem:$0x49C8] =	vst v0  }
0x4be: {  	[tilespmem:$0x49B8] =	vst v0  }
0x4bf: {  	[tilespmem:$0x49A8] =	vst v0  }
0x4c0: {  	[tilespmem:$0x4998] =	vst v0  }
0x4c1: {  	[tilespmem:$0x4988] =	vst v0  }
0x4c2: {  	[tilespmem:$0x4978] =	vst v0  }
0x4c3: {  	[tilespmem:$0x4968] =	vst v0  }
0x4c4: {  	[tilespmem:$0x4958] =	vst v0  }
0x4c5: {  	[tilespmem:$0x4948] =	vst v0  }
0x4c6: {  	[tilespmem:$0x4938] =	vst v0  }
0x4c7: {  	[tilespmem:$0x4928] =	vst v0  }
0x4c8: {  	[tilespmem:$0x4918] =	vst v0  }
0x4c9: {  	[tilespmem:$0x4908] =	vst v0  }
0x4ca: {  	[tilespmem:$0x48F8] =	vst v0  }
0x4cb: {  	[tilespmem:$0x48E8] =	vst v0  }
0x4cc: {  	[tilespmem:$0x48D8] =	vst v0  }
0x4cd: {  	[tilespmem:$0x48C8] =	vst v0  }
0x4ce: {  	[tilespmem:$0x48B8] =	vst v0  }
0x4cf: {  	[tilespmem:$0x48A8] =	vst v0  }
0x4d0: {  	[tilespmem:$0x4898] =	vst v0  }
0x4d1: {  	[tilespmem:$0x4888] =	vst v0  }
0x4d2: {  	[tilespmem:$0x4878] =	vst v0  }
0x4d3: {  	[tilespmem:$0x4868] =	vst v0  }
0x4d4: {  	[tilespmem:$0x4858] =	vst v0  }
0x4d5: {  	[tilespmem:$0x4848] =	vst v0  }
0x4d6: {  	[tilespmem:$0x4838] =	vst v0  }
0x4d7: {  	[tilespmem:$0x4828] =	vst v0  }
0x4d8: {  	[tilespmem:$0x4818] =	vst v0  }
0x4d9: {  	[tilespmem:$0x4808] =	vst v0  }
0x4da: {  	[tilespmem:$0x47F8] =	vst v0  }
0x4db: {  	[tilespmem:$0x47E8] =	vst v0  }
0x4dc: {  	[tilespmem:$0x47D8] =	vst v0  }
0x4dd: {  	[tilespmem:$0x47C8] =	vst v0  }
0x4de: {  	[tilespmem:$0x47B8] =	vst v0  }
0x4df: {  	[tilespmem:$0x47A8] =	vst v0  }
0x4e0: {  	[tilespmem:$0x4798] =	vst v0  }
0x4e1: {  	[tilespmem:$0x4788] =	vst v0  }
0x4e2: {  	[tilespmem:$0x4778] =	vst v0  }
0x4e3: {  	[tilespmem:$0x4768] =	vst v0  }
0x4e4: {  	[tilespmem:$0x4758] =	vst v0  }
0x4e5: {  	[tilespmem:$0x4748] =	vst v0  }
0x4e6: {  	[tilespmem:$0x4738] =	vst v0  }
0x4e7: {  	[tilespmem:$0x4728] =	vst v0  }
0x4e8: {  	[tilespmem:$0x4718] =	vst v0  }
0x4e9: {  	[tilespmem:$0x4708] =	vst v0  }
0x4ea: {  	[tilespmem:$0x46F8] =	vst v0  }
0x4eb: {  	[tilespmem:$0x46E8] =	vst v0  }
0x4ec: {  	[tilespmem:$0x46D8] =	vst v0  }
0x4ed: {  	[tilespmem:$0x46C8] =	vst v0  }
0x4ee: {  	[tilespmem:$0x46B8] =	vst v0  }
0x4ef: {  	[tilespmem:$0x46A8] =	vst v0  }
0x4f0: {  	[tilespmem:$0x4698] =	vst v0  }
0x4f1: {  	[tilespmem:$0x4688] =	vst v0  }
0x4f2: {  	[tilespmem:$0x4678] =	vst v0  }
0x4f3: {  	[tilespmem:$0x4668] =	vst v0  }
0x4f4: {  	[tilespmem:$0x4658] =	vst v0  }
0x4f5: {  	[tilespmem:$0x4648] =	vst v0  }
0x4f6: {  	[tilespmem:$0x4638] =	vst v0  }
0x4f7: {  	[tilespmem:$0x4628] =	vst v0  }
0x4f8: {  	[tilespmem:$0x4618] =	vst v0  }
0x4f9: {  	[tilespmem:$0x4608] =	vst v0  }
0x4fa: {  	[tilespmem:$0x45F8] =	vst v0  }
0x4fb: {  	[tilespmem:$0x45E8] =	vst v0  }
0x4fc: {  	[tilespmem:$0x45D8] =	vst v0  }
0x4fd: {  	[tilespmem:$0x45C8] =	vst v0  }
0x4fe: {  	[tilespmem:$0x45B8] =	vst v0  }
0x4ff: {  	[tilespmem:$0x45A8] =	vst v0  }
0x500: {  	[tilespmem:$0x4598] =	vst v0  }
0x501: {  	[tilespmem:$0x4588] =	vst v0  }
0x502: {  	[tilespmem:$0x4578] =	vst v0  }
0x503: {  	[tilespmem:$0x4568] =	vst v0  }
0x504: {  	[tilespmem:$0x4558] =	vst v0  }
0x505: {  	[tilespmem:$0x4548] =	vst v0  }
0x506: {  	[tilespmem:$0x4538] =	vst v0  }
0x507: {  	[tilespmem:$0x4528] =	vst v0  }
0x508: {  	[tilespmem:$0x4518] =	vst v0  }
0x509: {  	[tilespmem:$0x4508] =	vst v0  }
0x50a: {  	[tilespmem:$0x44F8] =	vst v0  }
0x50b: {  	[tilespmem:$0x44E8] =	vst v0  }
0x50c: {  	[tilespmem:$0x44D8] =	vst v0  }
0x50d: {  	[tilespmem:$0x44C8] =	vst v0  }
0x50e: {  	[tilespmem:$0x44B8] =	vst v0  }
0x50f: {  	s10 =	stileid.u32;
	[tilespmem:$0x44A8] =	vst v0  }
0x510: {  	s26 =	smul.u32 $0x45, s10;
	[tilespmem:$0x4498] =	vst v0  }
0x511: {  	s1 =	smin.u32 s10, $0x8;
	[tilespmem:$0x4488] =	vst v0  }
0x512: {  	[tilespmem:$0x4458] =	vst v0;
	s0 =	sadd.s32 s1, s26  }
0x513: {  	p0 =	slt.u32 s10, $0x8;
	[tilespmem:$0x4468] =	vst v0;
	s1 =	simm.s32 $0x2760;
	s8 =	smul.u32 $0x90, s0  }
0x514: {  	[tilespmem:$0x4448] =	vst v0;
	s1 =	simm.s32 @!p0 $0x26D0  }
0x515: {  	s5 =	simm.s32 $0x2;
	[tilespmem:$0x43D8] =	vst v0;
	s0 =	sadd.s32 s1, s8  }
0x516: {  	s7 =	simm.s32 $0x9;
	s29 =	simm.s32 $0xA;
	[tilespmem:$0x4438] =	vst v0;
	s9 =	smin.u32 s0, $0x27100  }
0x517: {  	s30 =	simm.s32 $0xB;
	s24 =	simm.s32 $0x0;
	[tilespmem:$0x4428] =	vst v0;
	s0 =	ssub.s32 s9, s8  }
0x518: {  	p1 =	por $0x0, $0x0;
	s18 =	simm.s32 $0x80;
	[tilespmem:$0x4418] =	vst v0;
	p0 =	sgt.s32 s0, $0x0  }
0x519: {  	s19 =	simm.s32 $0x400;
	s20 =	simm.s32 $0xC;
	[tilespmem:$0x4408] =	vst v0;
	s0 =	simm.s32 @!p0 $0x0  }
0x51a: {  	s21 =	simm.s32 $0x0;
	s2 =	sand.u32 $0x1, s2;
	[tilespmem:$0x43F8] =	vst v0;
	s28 =	smulhi.u32 $0x38E38E39, s0  }
0x51b: {  	s23 =	simm.s32 $0x0;
	s31 =	smul.u32 $0x480, s10;
	[dreg:$0x4] =	wrdreg s2;
	[tilespmem:$0x43E8] =	vst v0  }
0x51c: {  	[tilespmem:$0x43B8] =	vst v0;
	s2 =	smul.u32 $0x4E20, s2;
	[sflag:s5] =	ssyncpa.u1 $0x0;
	v0 =	vimm.s32 $0xFFFFFFFF;
	s1 =	sshrl.u32 s28, $0x5  }
0x51d: {  	s5 =	sadd.s32 $0x9F9800, s4;
	[tilespmem:$0xA448] =	vst v0;
	[sflag:s7] =	ssyncpa.u1 $0x0;
	s6 =	smul.u32 $0x90, s1  }
.Ltmp0:
0x51e: {  	s16 =	sshrl.u32 s31, $0x2;
	s2 =	sadd.s32 s2, s4;
	(pc) =	sbr.rel .LBB2_1-.Ltmp0, $4  }
0x51f: {  	[sflag:s29] =	ssyncpa.u1 $0x0;
	p0 =	sne.s32 s0, s6;
	s0 =	simm.s32 $0x1  }
0x520: {  	s4 =	sadd.s32 $0xEDB800, s4;
	[sflag:s30] =	ssyncpa.u1 $0x0;
	s0 =	simm.s32 @!p0 $0x0  }
0x521: {  	s12 =	sadd.s32 $0x9EFA00, s2;
	s17 =	sadd.s32 $0x9E5C00, s2;
	s13 =	sadd.s32 s0, s1  }
0x522: {  	v0 =	vlaneseq.u32;
	s22 =	smov.u32 s8;
	p0 =	por $0x1, $0x1;
	s15 =	sadd.s32 $0x1, s13  }
.LBB2_22:
0x523: {  	s1 =	sshrl.u32 s1, $0x2  }
.LBB2_24:
0x524: {  	_ =	swait.ge [sflag:s20], s1  }
0x525: {  	s31 =	ssub.s32 $0x0, s1;
	v1 =	vmov s26;
	vm0 =	veq.s32 v0, $0x0;
	[sflag:s20] =	ssyncset.done $0x0  }
0x526: {  	vm15 =	veq.s32 v0, $0x2;
	v1 =	vsel vm0, s0, v1;
	[sflag:s20] =	ssyncadd.s32 s31  }
0x527: {  	v1 =	vsel vm15, s24, v1;
	[sflag:s20] =	ssyncpa.u1 $0x1  }
0x528: {  	[tilespmem:$0xA448] =	vst v1  }
.LBB2_25:
0x529: {  	s0 =	sadd.s32 $0x90, s22  }
0x52a: {  	s1 =	smov.u32 s8;
	p2 =	slt.s32 s0, s9  }
0x52b: {  	s1 =	smov.u32 @p2 s0;
	p2 =	sne.s32 s23, s15  }
.Ltmp1:
0x52c: {  	_ = 	snop;
	(pc) =	sbr.rel @!p2 .LBB2_26-.Ltmp1, $4  }
0x52d: {  	_ = 	snop  }
0x52e: {  	s24 =	smov.u32 s21  }
0x52f: {  	s31 =	sadd.s32 $0x1, s23;
	s21 =	smov.u32 s22;
	p0 =	por !p0, !p0  }
0x530: {  	p1 =	por !p1, !p1;
	s23 =	smov.u32 s31;
	s22 =	smov.u32 s1  }
.LBB2_1:
0x531: {  	p2 =	sge.u32 s23, s13  }
0x532: {  	s0 =	smulhi.u32 @!p2 $0xAAAAAAAB, s23  }
0x533: {  	s1 =	smov.u32 s22;
	p3 =	sgt.s32 @!p2 s22, $0x27070  }
0x534: {  	s2 =	sshra.s32 @!p2 s22, $0x1F;
	p3 =	por !p3, p2;
	s0 =	sshrl.u32 @!p2 s0, $0x1  }
0x535: {  	s2 =	sand.u32 @!p2 s2, s22;
	s1 =	simm.s32 @p3 $0x27070;
	s0 =	smul.u32 @!p2 $0x3, s0  }
0x536: {  	s1 =	ssub.s32 @!p2 s1, s2  }
0x537: {  	s1 =	sadd.s32 @!p2 $0xFFFD8F90, s1;
	s0 =	ssub.s32 @!p2 s23, s0  }
0x538: {  	s2 =	sshll.u32 @!p2 s1, $0x2;
	p3 =	sgt.s32 @!p2 s1, $0x8F;
	s0 =	smul.u32 @!p2 $0x240, s0  }
0x539: {  	s6 =	sand.u32 @!p2 $0x7, s22;
	s1 =	ssub.s32 @!p2 $0x240, s2;
	p3 =	por !p3, p2  }
0x53a: {  	s2 =	sshrl.u32 @!p2 s22, $0x3;
	s1 =	sshrl.u32 @!p2 s1, $0x2;
	s0 =	sshrl.u32 @!p2 s0, $0x2  }
0x53b: {  	s2 =	sadd.s32 @!p2 s2, s12;
	s1 =	simm.s32 @!p3 $0x0;
	s0 =	sadd.s32 @!p2 $0xB688, s0  }
0x53c: {  	[tilespmem:s0], [sflag:$0xA] =	stream.linear.gather @!p2 [hbm4b:s2+s6], s1, $0x38;
	[tilespmem:$0x1D958] =	vst v63  }
0x53d: {  	s1 =	sadd.s32 $0xFFFFFFFF, s23  }
0x53e: {  	p2 =	sge.u32 s1, s13  }
0x53f: {  	p3 =	sgt.s32 @!p2 s21, $0x27070  }
0x540: {  	s0 =	smov.u32 s21;
	s2 =	sshra.s32 @!p2 s21, $0x1F;
	p3 =	por !p3, p2  }
0x541: {  	s2 =	sand.u32 @!p2 s2, s21;
	s0 =	simm.s32 @p3 $0x27070  }
0x542: {  	s0 =	ssub.s32 @!p2 s0, s2  }
0x543: {  	s0 =	sadd.s32 @!p2 $0xFFFD8F90, s0  }
0x544: {  	s2 =	sshll.u32 @!p2 s0, $0x2  }
0x545: {  	p3 =	sgt.s32 @!p2 s0, $0x8F;
	s0 =	ssub.s32 @!p2 $0x240, s2  }
0x546: {  	p3 =	por !p3, p2;
	s0 =	sshrl.u32 @!p2 s0, $0x2  }
0x547: {  	s6 =	simm.s32 @!p2 $0xA;
	s2 =	sand.u32 @!p2 $0x1, s1;
	s0 =	simm.s32 @!p3 $0x0  }
0x548: {  	s2 =	smul.u32 @!p2 $0x240, s2;
	_ =	swait.ge @!p2 [sflag:s6], s0  }
0x549: {  	s7 =	ssub.s32 @!p2 $0x0, s0;
	[sflag:s6] =	ssyncset.done @!p2 $0x0  }
0x54a: {  	s2 =	sshrl.u32 @!p2 s2, $0x2;
	[sflag:s6] =	ssyncadd.s32 @!p2 s7;
	s6 =	sshrl.u32 @!p2 s21, $0x3  }
0x54b: {  	s2 =	sadd.s32 @!p2 $0xB838, s2;
	s7 =	sand.u32 @!p2 $0x7, s21;
	s6 =	sadd.s32 @!p2 s6, s17  }
0x54c: {  	[tilespmem:s2], [sflag:$0xB] =	stream.linear.gather @!p2 [hbm4b:s6+s7], s0, $0x38;
	[tilespmem:$0x1D958] =	vst v63  }
0x54d: {  	s0 =	ssub.s32 @!p2 $0x27100, s21  }
0x54e: {  	p3 =	slt.s32 @!p2 s0, $0x1  }
0x54f: {  	p3 =	por p2, p3  }
.Ltmp2:
0x550: {  	_ = 	snop;
	(pc) =	sbr.rel @p3 .LBB2_7-.Ltmp2, $1  }
0x551: {  	_ =	sdelay $0x3  }
0x552: {  	s2 =	smulhi.u32 $0xAAAAAAAB, s1;
	_ =	sdelay $0x1  }
0x553: {  	s2 =	sshrl.u32 s2, $0x1  }
0x554: {  	s2 =	smul.u32 $0x3, s2;
	_ =	sdelay $0x1  }
0x555: {  	s29 =	ssub.s32 s1, s2  }
0x556: {  	s6 =	simm.s32 $0x1;
	s1 =	smul.u32 $0x240, s29  }
.Ltmp3:
0x557: {  	s6 =	simm.s32 @!p0 $0x0;
	(pc) =	sbr.rel .LBB2_4-.Ltmp3, $4  }
0x558: {  	s30 =	smul.u32 $0x24000, s6  }
0x559: {  	p3 =	slt.s32 @!p2 s0, $0x90;
	s1 =	sshrl.u32 s1, $0x2  }
0x55a: {  	p2 =	por !p3, p2;
	s2 =	sshrl.u32 s30, $0x2;
	s31 =	sadd.s32 $0xB688, s1  }
0x55b: {  	s0 =	simm.s32 @p2 $0x90;
	s1 =	sadd.s32 $0xB958, s2;
	s2 =	simm.s32 $0x0;
	v1 =	vmov s31  }
.LBB2_3:
0x55c: {  	p2 =	sge.s32 s2, s0  }
.Ltmp4:
0x55d: {  	_ = 	snop;
	(pc) =	sbr.rel @p2 .LBB2_7-.Ltmp4, $2  }
0x55e: {  	_ =	sdelay $0x2  }
0x55f: {  	s1 =	sadd.s32 $0x1000, s1  }
.LBB2_4:
0x560: {  	p2 =	sle.s32 s0, s2  }
.Ltmp5:
0x561: {  	_ = 	snop;
	(pc) =	sbr.rel @p2 .LBB2_3-.Ltmp5, $2  }
0x562: {  	_ =	sdelay $0x2  }
0x563: {  	s7 =	smov.u32 s2;
	s2 =	sadd.s32 $0x10, s2  }
0x564: {  	s6 =	ssub.s32 s0, s7  }
0x565: {  	p2 =	slt.s32 s6, $0x10  }
0x566: {  	s6 =	simm.s32 @!p2 $0x10  }
0x567: {  	v2 =	vmov s6  }
0x568: {  	vm0 =	vgt.s32 v2, v0;
	_ =	sdelay $0x5  }
0x569: {  	v2 =	vld.idx.msk [tilespmem:v1+s7+$0x0 ss:$0x1], vm0;
	_ =	sdelay $0x2  }
0x56a: {  	p2 =	slt.s32 s2, s0;
	s6 =	smov.u32 s0  }
0x56b: {  	s10 =	smov.u32 s1;
	s25 =	simm.s32 $0x0;
	s6 =	smov.u32 @p2 s2  }
.LBB2_6:
0x56c: {  	(v2sf) =	vpush v2, s25;
	_ =	sdelay $0xe  }
0x56d: {  	s25 =	sadd.s32 $0x1, s25;
	s11 =	spop (v2sf)  }
0x56e: {  	s31 =	sadd.s32 s25, s7;
	s26 =	sshll.u32 s11, $0x8;
	s11 =	sshll.u32 s11, $0x7  }
0x56f: {  	p2 =	slt.s32 s31, s6;
	s26 =	sand.u32 $0xFFFFF800, s26;
	s11 =	sand.u32 $0x380, s11  }
.Ltmp6:
0x570: {  	s11 =	sor.u32 s11, s26;
	(pc) =	sbr.rel @p2 .LBB2_6-.Ltmp6, $4  }
0x571: {  	s11 =	sshrl.u32 s11, $0x3  }
0x572: {  	s11 =	sadd.s32 s4, s11  }
0x573: {  	[tilespmem:s10], [sflag:$0x9] =	stream.strided.gather [hbm4b:s11+s18], $0x100, s19, s18, $0x38;
	[tilespmem:$0x1D958] =	vst v63  }
0x574: {  	s10 =	sadd.s32 $0x100, s10  }
.Ltmp7:
0x575: {  	_ = 	snop;
	(pc) =	sbr.rel .LBB2_3-.Ltmp7, $1  }
0x576: {  	_ =	sdelay $0x3  }
.LBB2_7:
0x577: {  	p2 =	slt.u32 s23, $0x2  }
.Ltmp8:
0x578: {  	_ = 	snop;
	(pc) =	sbr.rel @p2 .LBB2_25-.Ltmp8, $1  }
0x579: {  	_ =	sdelay $0x3  }
0x57a: {  	p2 =	sgt.s32 s24, $0x27070  }
0x57b: {  	s0 =	smov.u32 s24;
	s1 =	sshra.s32 s24, $0x1F;
	s2 =	ssub.s32 $0x27100, s24  }
0x57c: {  	s0 =	simm.s32 @!p2 $0x27070;
	s1 =	sand.u32 s1, s24;
	p2 =	slt.s32 s2, $0x90  }
0x57d: {  	s0 =	ssub.s32 s0, s1;
	s2 =	simm.s32 @!p2 $0x90  }
0x57e: {  	s0 =	sadd.s32 $0xFFFD8F90, s0;
	s14 =	sshll.u32 s2, $0x8  }
0x57f: {  	s29 =	simm.s32 $0x9;
	s25 =	sshll.u32 s0, $0x2;
	s1 =	sand.u32 $0x3FFFFF00, s14  }
0x580: {  	p2 =	sgt.s32 s0, $0x8F;
	s26 =	ssub.s32 $0x240, s25;
	_ =	swait.ge [sflag:s29], s1  }
0x581: {  	s1 =	ssub.s32 $0x0, s1;
	[sflag:s29] =	ssyncset.done $0x0;
	s0 =	sshrl.u32 s26, $0x2  }
0x582: {  	s30 =	simm.s32 $0xB;
	[sflag:s29] =	ssyncadd.s32 s1;
	s0 =	simm.s32 @p2 $0x0  }
0x583: {  	_ =	swait.ge [sflag:s30], s0  }
0x584: {  	s0 =	ssub.s32 $0x0, s0;
	[sflag:s30] =	ssyncset.done $0x0  }
0x585: {  	[sflag:s30] =	ssyncadd.s32 s0  }
0x586: {  	v1 =	vld [tilespmem:$0xA448];
	_ =	sdelay $0x4  }
0x587: {  	(v2sf) =	vpush v1, $0x0  }
0x588: {  	(v2sf) =	vpush v1, $0x1  }
0x589: {  	(v2sf) =	vpush v1, $0x2;
	_ =	sdelay $0x3  }
0x58a: {  	s0 =	sadd.s32 $0x90, s24  }
0x58b: {  	s6 =	ssub.s32 $0x4E200, s24;
	p2 =	slt.s32 s9, s0  }
0x58c: {  	s0 =	smov.u32 @p2 s9;
	p2 =	sgt.s32 s6, $0x0  }
0x58d: {  	s0 =	ssub.s32 s0, s24;
	s6 =	simm.s32 @!p2 $0x0  }
0x58e: {  	p2 =	slt.s32 s6, s0  }
0x58f: {  	s0 =	smov.u32 @p2 s6  }
0x590: {  	s1 =	simm.s32 $0x1;
	p2 =	slt.s32 s0, $0x1  }
.Ltmp9:
0x591: {  	s1 =	simm.s32 @!p1 $0x0;
	(pc) =	sbr.rel @p2 .LBB2_12-.Ltmp9, $4  }
0x592: {  	s7 =	smul.u32 $0x240, s1  }
0x593: {  	s2 =	spop (v2sf)  }
0x594: {  	s31 =	sshrl.u32 s7, $0x2;
	s28 =	spop (v2sf)  }
0x595: {  	s25 =	sadd.s32 $0xB838, s31;
	s24 =	spop (v2sf)  }
0x596: {  	s6 =	smin.u32 s0, $0x10  }
0x597: {  	v1 =	vmov s6  }
0x598: {  	vm1 =	vgt.u32 v1, v0  }
0x599: {  	p3 =	sgt.s32 s0, $0x10  }
.Ltmp10:
0x59a: {  	_ = 	snop;
	(pc) =	sbr.rel @!p3 .LBB2_11-.Ltmp10, $2  }
0x59b: {  	_ =	sdelay $0x2  }
0x59c: {  	s26 =	simm.s32 $0x10;
	s29 =	sadd.s32 $0xFFFFFFF0, s0;
	s7 =	smov.u32 s25;
	vm0 =	vmmov vm1;
	v1 =	vld.msk [tilespmem:s25+$0x0 ss:$0x1], vm1  }
.LBB2_10:
0x59d: {  	s6 =	smin.u32 s29, $0x10;
	s26 =	sadd.s32 $0x10, s26  }
0x59e: {  	v2 =	vmov s6;
	p3 =	slt.s32 s26, s0  }
0x59f: {  	vm1 =	vgt.u32 v2, v0;
	_ =	sdelay $0x1  }
0x5a0: {  	v2 =	vshll.u32 v1, $0x5;
	v1 =	vshll.u32 v1, $0x4  }
.Ltmp11:
0x5a1: {  	v2 =	vand.u32 $0xFFFFFF00, v2;
	v1 =	vand.u32 $0x70, v1;
	(pc) =	sbr.rel @p3 .LBB2_10-.Ltmp11, $4  }
0x5a2: {  	v1 =	vor.u32 v1, v2  }
0x5a3: {  	[tilespmem:s7+$0x0] =	vst.msk vm0, v1;
	s7 =	sadd.s32 $0x10, s7;
	vm0 =	vmmov vm1  }
0x5a4: {  	v1 =	vld.msk [tilespmem:s7+$0x0 ss:$0x1], vm1  }
0x5a5: {  	s29 =	sadd.s32 $0xFFFFFFF0, s29  }
.LBB2_11:
0x5a6: {  	_ =	sdelay $0x3  }
0x5a7: {  	v2 =	vshll.u32 v1, $0x5;
	v1 =	vshll.u32 v1, $0x4  }
0x5a8: {  	v2 =	vand.u32 $0xFFFFFF00, v2;
	v1 =	vand.u32 $0x70, v1  }
0x5a9: {  	v1 =	vor.u32 v1, v2  }
0x5aa: {  	[tilespmem:s7+$0x0] =	vst.msk vm0, v1  }
.LBB2_12:
0x5ab: {  	s6 =	sand.u32 $0x1, s23  }
0x5ac: {  	s6 =	smul.u32 $0x90, s6  }
0x5ad: {  	p3 =	sne.s32 s28, $0xFFFFFFFF  }
0x5ae: {  	v1 =	vld.msk @!p3 [tilespmem:s6+$0xB838], $0x1;
	_ =	sdelay $0x4  }
0x5af: {  	(v2sf) =	vpush @!p3 v1, $0x0;
	_ =	sdelay $0xc  }
.Ltmp12:
0x5b0: {  	_ = 	snop;
	(pc) =	sbr.rel @p2 .LBB2_23-.Ltmp12, $4  }
0x5b1: {  	_ = 	snop  }
0x5b2: {  	s31 =	spop @!p3 (v2sf)  }
0x5b3: {  	s24 =	simm.s32 @!p3 $0x0;
	s26 =	smov.u32 s31  }
0x5b4: {  	[sflag:s20] =	ssyncpa.u1 $0x0;
	s31 =	smov.u32 @p3 s2;
	s26 =	smov.u32 @p3 s28  }
0x5b5: {  	v1 =	vld.msk [tilespmem:s25+$0x0], $0x1;
	_ =	sdelay $0x4  }
0x5b6: {  	(v2sf) =	vpush v1, $0x0;
	_ =	sdelay $0xd  }
0x5b7: {  	s3 =	smov.u32 s8;
	s8 =	smov.u32 s15  }
0x5b8: {  	s15 =	smov.u32 s12;
	s1 =	smul.u32 $0x24000, s1;
	s2 =	spop (v2sf)  }
0x5b9: {  	s28 =	simm.s32 $0x0;
	s7 =	smov.u32 s31;
	p2 =	seq.s32 s31, s2  }
0x5ba: {  	s30 =	ssub.s32 $0x0, s0;
	p3 =	sgt.s32 @!p2 s31, $0x0;
	s6 =	smul.u32 @!p2 $0x240, s28  }
0x5bb: {  	s0 =	sadd.s32 $0x1, s30;
	s1 =	sshrl.u32 s1, $0x2;
	p3 =	por !p3, p2  }
0x5bc: {  	s29 =	sadd.s32 $0xB998, s1;
	s7 =	simm.s32 @p3 $0x0;
	s1 =	sshra.s32 @!p2 s6, $0x2  }
0x5bd: {  	p3 =	seq.s32 s0, $0x0;
	s6 =	smin.u32 @!p2 s7, $0x4E17E;
	s7 =	simm.s32 @!p2 $0x1  }
.Ltmp13:
0x5be: {  	s10 =	sadd.s32 @!p2 $0x52B8, s1;
	s11 =	sand.u32 @!p2 $0x7FFF8, s6;
	(pc) =	sbr.rel @p3 .LBB2_15-.Ltmp13, $4  }
0x5bf: {  	s12 =	sadd.s32 @!p2 $0x80, s6;
	s6 =	sand.u32 @!p2 $0x7, s6;
	s11 =	sadd.s32 @!p2 s5, s11  }
0x5c0: {  	[tilespmem:s10], [sflag:$0x2] =	stream.linear.gather @!p2 [hbm4b:s11+s6], $0x80, $0x38;
	[tilespmem:$0x1D958] =	vst v63  }
0x5c1: {  	s7 =	smov.u32 @p2 s28;
	s11 =	sand.u32 @!p2 $0xFFFF8, s12  }
0x5c2: {  	s10 =	sadd.s32 @!p2 $0x5338, s1;
	s1 =	sadd.s32 $0x1, s25;
	s11 =	sadd.s32 @!p2 s5, s11  }
.LBB2_14:
0x5c3: {  	s12 =	smov.u32 s7  }
0x5c4: {  	[tilespmem:s10], [sflag:$0x2] =	stream.linear.gather @!p2 [hbm4b:s11+s6], $0x10, $0x38;
	[tilespmem:$0x1D958] =	vst v63  }
0x5c5: {  	s0 =	sadd.s32 $0x1, s0;
	s6 =	smov.u32 s2;
	v1 =	vld.msk [tilespmem:s1+$0x0], $0x1  }
0x5c6: {  	p3 =	seq.s32 s0, $0x0;
	_ =	sdelay $0x3  }
0x5c7: {  	(v2sf) =	vpush v1, $0x0;
	_ =	sdelay $0xe  }
0x5c8: {  	s2 =	spop (v2sf)  }
0x5c9: {  	p2 =	seq.s32 s6, s2  }
0x5ca: {  	p4 =	sgt.s32 @!p2 s6, $0x0;
	s10 =	smul.u32 @!p2 $0x240, s7;
	s7 =	sadd.s32 @!p2 $0x1, s7  }
0x5cb: {  	p4 =	por !p4, p2;
	s7 =	smov.u32 @p2 s12  }
0x5cc: {  	s6 =	simm.s32 @p4 $0x0;
	s10 =	sshra.s32 @!p2 s10, $0x2  }
.Ltmp14:
0x5cd: {  	s6 =	smin.u32 @!p2 s6, $0x4E17E;
	s11 =	sadd.s32 @!p2 $0x52B8, s10;
	(pc) =	sbr.rel @!p3 .LBB2_14-.Ltmp14, $4  }
0x5ce: {  	s10 =	sadd.s32 @!p2 $0x5338, s10;
	s12 =	sand.u32 @!p2 $0x7FFF8, s6;
	s14 =	sadd.s32 @!p2 $0x80, s6  }
0x5cf: {  	s6 =	sand.u32 @!p2 $0x7, s6;
	s12 =	sadd.s32 @!p2 s5, s12;
	s14 =	sand.u32 @!p2 $0xFFFF8, s14  }
0x5d0: {  	[tilespmem:s11], [sflag:$0x2] =	stream.linear.gather @!p2 [hbm4b:s12+s6], $0x80, $0x38;
	[tilespmem:$0x1D958] =	vst v63  }
0x5d1: {  	s1 =	sadd.s32 $0x1, s1;
	s11 =	sadd.s32 @!p2 s5, s14  }
.LBB2_15:
0x5d2: {  	s0 =	smul.u32 $0x240, s7  }
0x5d3: {  	[tilespmem:s10], [sflag:$0x2] =	stream.linear.gather @!p2 [hbm4b:s11+s6], $0x10, $0x38;
	[tilespmem:$0x1D958] =	vst v63  }
.Ltmp15:
0x5d4: {  	_ = 	snop;
	(pc) =	sbr.rel .LBB2_16-.Ltmp15, $4  }
0x5d5: {  	s1 =	simm.s32 $0x2;
	s0 =	sshrl.u32 s0, $0x2  }
0x5d6: {  	s12 =	smov.u32 s15;
	s15 =	smov.u32 s8;
	_ =	swait.ge [sflag:s1], s0  }
0x5d7: {  	s8 =	smov.u32 s3;
	s0 =	ssub.s32 $0x0, s0;
	[sflag:s1] =	ssyncset.done $0x0  }
0x5d8: {  	s3 =	simm.s32 $0x1;
	[sflag:s1] =	ssyncadd.s32 s0;
	s1 =	simm.s32 $0x0  }
.LBB2_17:
0x5d9: {  	v1 =	vld [tilespmem:s29+$0xFFFFFFC0];
	_ =	sdelay $0x4  }
0x5da: {  	[tilespmem:s2+$0x128] =	vst.add.f32.msk $0xffff, v1  }
0x5db: {  	v1 =	vld [tilespmem:s29+$0xFFFFFFD0];
	_ =	sdelay $0x4  }
0x5dc: {  	[tilespmem:s2+$0x138] =	vst.add.f32.msk $0xffff, v1  }
0x5dd: {  	v1 =	vld [tilespmem:s29+$0xFFFFFFE0];
	_ =	sdelay $0x4  }
0x5de: {  	[tilespmem:s2+$0x148] =	vst.add.f32.msk $0xffff, v1  }
0x5df: {  	v1 =	vld [tilespmem:s29+$0xFFFFFFF0];
	_ =	sdelay $0x4  }
0x5e0: {  	[tilespmem:s2+$0x158] =	vst.add.f32.msk $0xffff, v1  }
0x5e1: {  	v1 =	vld [tilespmem:s29+$0x0];
	_ =	sdelay $0x4  }
0x5e2: {  	[tilespmem:s2+$0x168] =	vst.add.f32.msk $0xffff, v1  }
0x5e3: {  	v1 =	vld [tilespmem:s29+$0x10];
	_ =	sdelay $0x4  }
0x5e4: {  	[tilespmem:s2+$0x178] =	vst.add.f32.msk $0xffff, v1  }
0x5e5: {  	v1 =	vld [tilespmem:s29+$0x20];
	_ =	sdelay $0x4  }
0x5e6: {  	[tilespmem:s2+$0x188] =	vst.add.f32.msk $0xffff, v1  }
0x5e7: {  	v1 =	vld [tilespmem:s29+$0x30];
	_ =	sdelay $0x4  }
0x5e8: {  	[tilespmem:s2+$0x198] =	vst.add.f32.msk $0xffff, v1  }
0x5e9: {  	v1 =	vld [tilespmem:s29+$0x40];
	_ =	sdelay $0x4  }
0x5ea: {  	[tilespmem:s2+$0x1A8] =	vst.add.f32.msk $0xffff, v1  }
.LBB2_21:
0x5eb: {  	s30 =	sadd.s32 $0x1, s30  }
0x5ec: {  	p2 =	seq.s32 s30, $0x0  }
.Ltmp16:
0x5ed: {  	_ = 	snop;
	(pc) =	sbr.rel @p2 .LBB2_22-.Ltmp16, $2  }
0x5ee: {  	_ =	sdelay $0x2  }
0x5ef: {  	s25 =	sadd.s32 $0x1, s25;
	s29 =	sadd.s32 $0x100, s29;
	s31 =	smov.u32 s0  }
.LBB2_16:
0x5f0: {  	v1 =	vld.msk [tilespmem:s25+$0x0], $0x1;
	_ =	sdelay $0x4  }
0x5f1: {  	(v2sf) =	vpush v1, $0x0;
	_ =	sdelay $0xe  }
0x5f2: {  	s0 =	spop (v2sf)  }
0x5f3: {  	p2 =	sne.s32 s31, s0  }
.Ltmp17:
0x5f4: {  	_ = 	snop;
	(pc) =	sbr.rel @!p2 .LBB2_17-.Ltmp17, $3  }
0x5f5: {  	_ = 	snop  }
0x5f6: {  	s2 =	smul.u32 $0x240, s24;
	_ =	sdelay $0x1  }
0x5f7: {  	s2 =	sshra.s32 s2, $0x2  }
0x5f8: {  	p2 =	seq.s32 s31, s26  }
.Ltmp18:
0x5f9: {  	_ = 	snop;
	(pc) =	sbr.rel @!p2 .LBB2_19-.Ltmp18, $1  }
0x5fa: {  	_ =	sdelay $0x3  }
.Ltmp19:
0x5fb: {  	s2 =	sadd.s32 $0x128, s2;
	(pc) =	sbr.rel .LBB2_20-.Ltmp19, $4  }
0x5fc: {  	[spmem:s16] =	stream.linear.scatter [tilespmem:s2], [sflag:$0x1], $0x90, $0x38;
	[tilespmem:$0x1D958] =	vst v63  }
0x5fd: {  	_ =	swait.ge [sflag:s3], $0x90  }
0x5fe: {  	[sflag:s3] =	ssyncset.done $0x0  }
0x5ff: {  	[sflag:s3] =	ssyncadd.s32 $0xFFFFFF70  }
.LBB2_19:
0x600: {  	s6 =	smul.u32 $0x240, s28;
	_ =	sdelay $0x1  }
0x601: {  	s6 =	sshra.s32 s6, $0x2  }
0x602: {  	v1 =	vld [tilespmem:s6+$0x52B8];
	_ =	sdelay $0x4  }
0x603: {  	[tilespmem:s2+$0x128] =	vst.add.f32.msk $0xffff, v1  }
0x604: {  	v1 =	vld [tilespmem:s6+$0x52C8];
	_ =	sdelay $0x4  }
0x605: {  	[tilespmem:s2+$0x138] =	vst.add.f32.msk $0xffff, v1  }
0x606: {  	v1 =	vld [tilespmem:s6+$0x52D8];
	_ =	sdelay $0x4  }
0x607: {  	[tilespmem:s2+$0x148] =	vst.add.f32.msk $0xffff, v1  }
0x608: {  	v1 =	vld [tilespmem:s6+$0x52E8];
	_ =	sdelay $0x4  }
0x609: {  	[tilespmem:s2+$0x158] =	vst.add.f32.msk $0xffff, v1  }
0x60a: {  	v1 =	vld [tilespmem:s6+$0x52F8];
	_ =	sdelay $0x4  }
0x60b: {  	[tilespmem:s2+$0x168] =	vst.add.f32.msk $0xffff, v1  }
0x60c: {  	v1 =	vld [tilespmem:s6+$0x5308];
	_ =	sdelay $0x4  }
0x60d: {  	[tilespmem:s2+$0x178] =	vst.add.f32.msk $0xffff, v1  }
0x60e: {  	v1 =	vld [tilespmem:s6+$0x5318];
	_ =	sdelay $0x4  }
0x60f: {  	[tilespmem:s2+$0x188] =	vst.add.f32.msk $0xffff, v1  }
0x610: {  	v1 =	vld [tilespmem:s6+$0x5328];
	_ =	sdelay $0x4  }
0x611: {  	[tilespmem:s2+$0x198] =	vst.add.f32.msk $0xffff, v1  }
0x612: {  	v1 =	vld [tilespmem:s6+$0x5338];
	_ =	sdelay $0x2  }
0x613: {  	p2 =	sgt.u32 s31, $0x4E17E  }
0x614: {  	s6 =	sand.u32 @!p2 $0x7FFF8, s31  }
0x615: {  	s7 =	sadd.s32 $0x128, s2;
	s10 =	sand.u32 @!p2 $0x7, s31;
	s6 =	sadd.s32 @!p2 s5, s6;
	[tilespmem:s2+$0x1A8] =	vst.add.f32.msk $0xffff, v1  }
0x616: {  	[hbm4b:s6+s10] =	stream.linear.scatter @!p2 [tilespmem:s7], [sflag:$0xC], $0x80, $0x38;
	[tilespmem:$0x1D958] =	vst v63  }
0x617: {  	s6 =	sadd.s32 @!p2 $0x80, s31  }
0x618: {  	s6 =	sand.u32 @!p2 $0xFFFF8, s6  }
0x619: {  	s2 =	sadd.s32 $0x1A8, s2;
	s6 =	sadd.s32 @!p2 s5, s6  }
0x61a: {  	[hbm4b:s6+s10] =	stream.linear.scatter @!p2 [tilespmem:s2], [sflag:$0xC], $0x10, $0x38;
	[tilespmem:$0x1D958] =	vst v63  }
0x61b: {  	s2 =	simm.s32 $0x0  }
0x61c: {  	s2 =	simm.s32 @!p2 $0x240  }
0x61d: {  	s1 =	sadd.s32 s2, s1  }
.LBB2_20:
0x61e: {  	s2 =	sadd.s32 $0x1, s24  }
0x61f: {  	s6 =	smulhi.u32 $0x38E38E39, s2;
	_ =	sdelay $0x1  }
0x620: {  	s6 =	sshrl.u32 s6, $0x5  }
0x621: {  	s6 =	smul.u32 $0x90, s6  }
0x622: {  	v1 =	vld [tilespmem:s29+$0xFFFFFFC0]  }
0x623: {  	s24 =	ssub.s32 s2, s6  }
0x624: {  	s2 =	smul.u32 $0x240, s24;
	_ =	sdelay $0x1  }
0x625: {  	s2 =	sshrl.u32 s2, $0x2  }
0x626: {  	[tilespmem:s2+$0x128] =	vst v1  }
0x627: {  	v1 =	vld [tilespmem:s29+$0xFFFFFFD0];
	_ =	sdelay $0x4  }
0x628: {  	[tilespmem:s2+$0x138] =	vst v1  }
0x629: {  	v1 =	vld [tilespmem:s29+$0xFFFFFFE0];
	_ =	sdelay $0x4  }
0x62a: {  	[tilespmem:s2+$0x148] =	vst v1  }
0x62b: {  	v1 =	vld [tilespmem:s29+$0xFFFFFFF0];
	_ =	sdelay $0x4  }
0x62c: {  	[tilespmem:s2+$0x158] =	vst v1  }
0x62d: {  	v1 =	vld [tilespmem:s29+$0x0];
	_ =	sdelay $0x4  }
0x62e: {  	[tilespmem:s2+$0x168] =	vst v1  }
0x62f: {  	v1 =	vld [tilespmem:s29+$0x10];
	_ =	sdelay $0x4  }
0x630: {  	[tilespmem:s2+$0x178] =	vst v1  }
0x631: {  	v1 =	vld [tilespmem:s29+$0x20];
	_ =	sdelay $0x4  }
0x632: {  	[tilespmem:s2+$0x188] =	vst v1  }
0x633: {  	v1 =	vld [tilespmem:s29+$0x30];
	_ =	sdelay $0x4  }
0x634: {  	[tilespmem:s2+$0x198] =	vst v1  }
0x635: {  	v1 =	vld [tilespmem:s29+$0x40]  }
.Ltmp20:
0x636: {  	_ = 	snop;
	(pc) =	sbr.rel .LBB2_21-.Ltmp20, $2  }
0x637: {  	_ =	sdelay $0x2  }
0x638: {  	s28 =	sadd.s32 $0x1, s28;
	[tilespmem:s2+$0x1A8] =	vst v1  }
.LBB2_23:
.Ltmp21:
0x639: {  	(pc) =	sbr.rel .LBB2_24-.Ltmp21, $4  }
0x63a: {  	_ = 	snop  }
0x63b: {  	s0 =	simm.s32 $0x2  }
0x63c: {  	_ =	swait.ge [sflag:s0], $0x0  }
0x63d: {  	s1 =	simm.s32 $0x0;
	[sflag:s0] =	ssyncset.done $0x0;
	s0 =	smov.u32 s31  }
.LBB2_26:
0x63e: {  	_ =	sfence.sel $0x180000  }
0x63f: {  	s0 =	simm.s32 $0x9;
	[bflag:$0x0] =	sbarrier.arrive $0xFFFF  }
0x640: {  	s24 =	simm.s32 $0xA;
	[sflag:s0] =	ssyncpa.u1 $0x1  }
0x641: {  	s25 =	simm.s32 $0xB;
	[sflag:s24] =	ssyncpa.u1 $0x1  }
0x642: {  	s26 =	simm.s32 $0x2;
	[sflag:s25] =	ssyncpa.u1 $0x1  }
0x643: {  	[sflag:s26] =	ssyncpa.u1 $0x1  }
0x644: {  	v0 =	vld [tilespmem:$0xA448];
	_ =	sdelay $0x4  }
0x645: {  	(v2sf) =	vpush v0, $0x0  }
0x646: {  	(v2sf) =	vpush v0, $0x1  }
0x647: {  	(v2sf) =	vpush v0, $0x2;
	_ =	sdelay $0xc  }
0x648: {  	s0 =	spop (v2sf)  }
0x649: {  	s1 =	spop (v2sf)  }
0x64a: {  	s2 =	smov.u32 s0;
	p0 =	sne.s32 s0, s1;
	s3 =	spop (v2sf)  }
0x64b: {  	s2 =	simm.s32 @!p0 $0xFFFFFFFF;
	p0 =	seq.s32 s3, $0xFFFFFFFF  }
0x64c: {  	v2 =	vimm.s32 $0x1;
	v3 =	vlaneseq.u32;
	v1 =	vmov s2;
	p1 =	sne.s32 @!p0 s0, s1  }
0x64d: {  	s14 =	stileid.u32;
	v0 =	vperm.xlane v0, v2;
	s0 =	simm.s32 @!p0 $0x1;
	v1 =	vperm.xlane v1, v3;
	p1 =	por !p1, p0  }
0x64e: {  	vm0 =	vcmask $0x3F04;
	s2 =	sshll.u32 s14, $0x1;
	s1 =	smul.u32 @!p0 $0x240, s3;
	s0 =	simm.s32 @p1 $0x0  }
0x64f: {  	s6 =	simm.s32 $0xA448;
	v0 =	vsel vm0, v1, v0;
	s0 =	sor.u32 @!p0 s0, s2  }
0x650: {  	s4 =	sor.u32 $0x1200, s2;
	s1 =	sshra.s32 @!p0 s1, $0x2;
	[tilespmem:$0xA448] =	vst v0;
	s0 =	smul.u32 @!p0 $0x240, s0  }
0x651: {  	[spmem:s4] =	stream.linear.scatter [tilespmem:s6], [sflag:$0x1], $0x2, $0x38;
	[tilespmem:$0x1D958] =	vst v63  }
0x652: {  	s1 =	sadd.s32 @!p0 $0x128, s1;
	s0 =	sshrl.u32 @!p0 s0, $0x2  }
0x653: {  	[spmem:s0] =	stream.linear.scatter @!p0 [tilespmem:s1], [sflag:$0x1], $0x90, $0x38;
	[tilespmem:$0x1D958] =	vst v63  }
0x654: {  	s0 =	simm.s32 @!p0 $0x92  }
0x655: {  	s28 =	simm.s32 $0x1;
	s0 =	simm.s32 @p0 $0x2  }
0x656: {  	_ =	swait.ge [sflag:s28], s0  }
0x657: {  	s0 =	ssub.s32 $0x0, s0;
	[sflag:s28] =	ssyncset.done $0x0  }
0x658: {  	p0 =	sne.s32 s14, $0x0;
	[sflag:s28] =	ssyncadd.s32 s0  }
.Ltmp22:
0x659: {  	_ =	sfence.stream.spmem;
	(pc) =	sbr.rel @p0 .LBB2_43-.Ltmp22, $4  }
0x65a: {  	s29 =	simm.s32 $0x3;
	[bflag:$0x0] =	sbarrier.arrive $0xFFFF  }
0x65b: {  	s30 =	simm.s32 $0x4;
	[sflag:s29] =	ssyncpa.u1 $0x1  }
0x65c: {  	s31 =	simm.s32 $0x3C;
	[sflag:s30] =	ssyncpa.u1 $0x1  }
0x65d: {  	s15 =	rddreg [dreg:$0x4];
	[sflag:s31] =	ssyncpa.u1 $0x1  }
0x65e: {  	_ =	sfence.stream.spmem;
	s0 =	simm.s32 $0x5  }
0x65f: {  	s1 =	simm.s32 $0x1200;
	s2 =	simm.s32 $0xA458;
	[sflag:s0] =	ssyncpa.u1 $0x0  }
0x660: {  	[tilespmem:s2], [sflag:$0x5] =	stream.linear.gather [spmem:s1], $0x20, $0x38;
	[tilespmem:$0x1D958] =	vst v63  }
0x661: {  	s26 =	simm.s32 $0x0;
	s28 =	simm.s32 $0xA478  }
0x662: {  	[tilespmem:s28], [sflag:$0x5] =	stream.linear.gather [spmem:s26], $0x1200, $0x38;
	[tilespmem:$0x1D958] =	vst v63  }
0x663: {  	_ =	swait.ge [sflag:s0], $0x1220  }
0x664: {  	[sflag:s0] =	ssyncset.done $0x0  }
0x665: {  	s29 =	simm.s32 $0x0;
	[sflag:s0] =	ssyncadd.s32 $0xFFFFEDE0  }
0x666: {  	v0 =	vld.msk [tilespmem:s29+$0xA458], $0x1;
	_ =	sdelay $0x1  }
0x667: {  	s30 =	simm.s32 $0x1  }
0x668: {  	v1 =	vld.msk [tilespmem:s30+$0xA458], $0x1;
	_ =	sdelay $0x1  }
0x669: {  	(v2sf) =	vpush v0, $0x0;
	_ =	sdelay $0x2  }
0x66a: {  	(v2sf) =	vpush v1, $0x0;
	_ =	sdelay $0x2  }
0x66b: {  	s31 =	simm.s32 $0x2  }
0x66c: {  	v0 =	vld.msk [tilespmem:s31+$0xA458], $0x1;
	_ =	sdelay $0x2  }
0x66d: {  	s1 =	simm.s32 $0xFFFFFFFF;
	s2 =	simm.s32 $0xFFFFFFFF;
	s0 =	simm.s32 $0xC  }
.LBB2_28:
0x66e: {  	s3 =	smov.u32 s2;
	s4 =	smov.u32 s1  }
0x66f: {  	s1 =	sshra.s32 s0, $0x2;
	p1 =	sne.s32 s0, $0x7C;
	s0 =	sadd.s32 $0x4, s0;
	(v2sf) =	vpush v0, $0x0  }
0x670: {  	v0 =	vld.msk [tilespmem:s1+$0xA458], $0x1  }
.Ltmp23:
0x671: {  	(pc) =	sbr.rel @p1 .LBB2_28-.Ltmp23, $4  }
0x672: {  	s2 =	spop (v2sf)  }
0x673: {  	p2 =	sne.s32 s4, $0xFFFFFFFF;
	s1 =	smov.u32 s2  }
0x674: {  	p3 =	seq.s32 s2, $0xFFFFFFFF;
	s1 =	smov.u32 @p2 s4  }
0x675: {  	s2 =	smov.u32 @p3 s3;
	s1 =	smov.u32 @p3 s4  }
0x676: {  	(v2sf) =	vpush v0, $0x0;
	_ =	sdelay $0x8  }
0x677: {  	s0 =	spop (v2sf)  }
0x678: {  	p1 =	sne.s32 s1, $0xFFFFFFFF;
	s9 =	simm.s32 $0x6;
	s3 =	smov.u32 s0  }
0x679: {  	s10 =	simm.s32 $0xA3B8;
	p2 =	seq.s32 s0, $0xFFFFFFFF;
	s3 =	smov.u32 @p1 s1  }
0x67a: {  	s11 =	simm.s32 $0xA438;
	s3 =	smov.u32 @p2 s1;
	s1 =	spop (v2sf)  }
0x67b: {  	s0 =	smov.u32 @p2 s2;
	p1 =	sne.s32 s3, $0xFFFFFFFF;
	s6 =	smov.u32 s1  }
.Ltmp24:
0x67c: {  	p2 =	seq.s32 s1, $0xFFFFFFFF;
	s6 =	smov.u32 @p1 s3;
	(pc) =	sbr.rel .LBB2_30-.Ltmp24, $4  }
0x67d: {  	s12 =	simm.s32 $0x0;
	s6 =	smov.u32 @p2 s3;
	s4 =	spop (v2sf)  }
0x67e: {  	[sflag:s9] =	ssyncpa.u1 $0x0;
	p1 =	sne.s32 s6, $0xFFFFFFFF;
	s8 =	smov.u32 s4  }
0x67f: {  	s1 =	smov.u32 @p2 s0;
	p2 =	seq.s32 s4, $0xFFFFFFFF;
	s8 =	smov.u32 @p1 s6  }
0x680: {  	s3 =	simm.s32 $0x0;
	s4 =	smov.u32 @p2 s1;
	s8 =	smov.u32 @p2 s6  }
.LBB2_36:
0x681: {  	p1 =	sgt.u32 s0, $0x4E17E  }
0x682: {  	p2 =	seq.s32 @!p1 s0, s8  }
0x683: {  	p1 =	por p1, p2  }
0x684: {  	p2 =	sne.s32 @!p1 s0, s4  }
0x685: {  	p1 =	por p1, !p2  }
0x686: {  	s0 =	smul.u32 @p1 $0x240, s12;
	_ =	sdelay $0x1  }
0x687: {  	s1 =	sand.u32 @!p1 $0x7FFF8, s0;
	s2 =	sand.u32 @!p1 $0x7, s0;
	s0 =	sadd.s32 @!p1 $0x80, s0  }
0x688: {  	s1 =	sadd.s32 @!p1 s5, s1;
	s0 =	sand.u32 @!p1 $0xFFFF8, s0  }
0x689: {  	[tilespmem:s10], [sflag:$0x6] =	stream.linear.gather @!p1 [hbm4b:s1+s2], $0x80, $0x38;
	[tilespmem:$0x1D958] =	vst v63  }
0x68a: {  	s0 =	sadd.s32 @!p1 s5, s0  }
0x68b: {  	[tilespmem:s11], [sflag:$0x6] =	stream.linear.gather @!p1 [hbm4b:s0+s2], $0x10, $0x38;
	[tilespmem:$0x1D958] =	vst v63  }
0x68c: {  	_ =	swait.ge @!p1 [sflag:s9], $0x90  }
0x68d: {  	[sflag:s9] =	ssyncset.done @!p1 $0x0  }
0x68e: {  	[sflag:s9] =	ssyncadd.s32 @!p1 $0xFFFFFF70  }
0x68f: {  	v1 =	vld @!p1 [tilespmem:$0xA3B8];
	_ =	sdelay $0x1  }
0x690: {  	s0 =	smul.u32 @!p1 $0x240, s12;
	_ =	sdelay $0x1  }
0x691: {  	s1 =	sshra.s32 @!p1 s0, $0x2  }
0x692: {  	[tilespmem:s1+$0xA478] =	vst.add.f32.msk @!p1 $0xffff, v1  }
0x693: {  	v1 =	vld @!p1 [tilespmem:$0xA3C8];
	_ =	sdelay $0x4  }
0x694: {  	[tilespmem:s1+$0xA488] =	vst.add.f32.msk @!p1 $0xffff, v1  }
0x695: {  	v1 =	vld @!p1 [tilespmem:$0xA3D8];
	_ =	sdelay $0x4  }
0x696: {  	[tilespmem:s1+$0xA498] =	vst.add.f32.msk @!p1 $0xffff, v1  }
0x697: {  	v1 =	vld @!p1 [tilespmem:$0xA3E8];
	_ =	sdelay $0x4  }
0x698: {  	[tilespmem:s1+$0xA4A8] =	vst.add.f32.msk @!p1 $0xffff, v1  }
0x699: {  	v1 =	vld @!p1 [tilespmem:$0xA3F8];
	_ =	sdelay $0x4  }
0x69a: {  	[tilespmem:s1+$0xA4B8] =	vst.add.f32.msk @!p1 $0xffff, v1  }
0x69b: {  	v1 =	vld @!p1 [tilespmem:$0xA408];
	_ =	sdelay $0x4  }
0x69c: {  	[tilespmem:s1+$0xA4C8] =	vst.add.f32.msk @!p1 $0xffff, v1  }
0x69d: {  	v1 =	vld @!p1 [tilespmem:$0xA418];
	_ =	sdelay $0x4  }
0x69e: {  	[tilespmem:s1+$0xA4D8] =	vst.add.f32.msk @!p1 $0xffff, v1  }
0x69f: {  	v1 =	vld @!p1 [tilespmem:$0xA428];
	_ =	sdelay $0x4  }
0x6a0: {  	[tilespmem:s1+$0xA4E8] =	vst.add.f32.msk @!p1 $0xffff, v1  }
0x6a1: {  	v1 =	vld @!p1 [tilespmem:$0xA438];
	_ =	sdelay $0x4  }
0x6a2: {  	[tilespmem:s1+$0xA4F8] =	vst.add.f32.msk @!p1 $0xffff, v1  }
0x6a3: {  	s0 =	sshra.s32 s0, $0x2;
	[tilespmem:s3+$0xA458] =	vst.msk $0x1, v0  }
0x6a4: {  	v0 =	vld [tilespmem:s0+$0xA478];
	_ =	sdelay $0x1  }
0x6a5: {  	s31 =	smul.u32 $0x240, s3;
	_ =	sdelay $0x1  }
0x6a6: {  	s1 =	sshra.s32 s31, $0x2  }
0x6a7: {  	[tilespmem:s1+$0xA478] =	vst v0  }
0x6a8: {  	v0 =	vld [tilespmem:s0+$0xA488];
	_ =	sdelay $0x4  }
0x6a9: {  	[tilespmem:s1+$0xA488] =	vst v0  }
0x6aa: {  	v0 =	vld [tilespmem:s0+$0xA498];
	_ =	sdelay $0x4  }
0x6ab: {  	[tilespmem:s1+$0xA498] =	vst v0  }
0x6ac: {  	v0 =	vld [tilespmem:s0+$0xA4A8];
	_ =	sdelay $0x4  }
0x6ad: {  	[tilespmem:s1+$0xA4A8] =	vst v0  }
0x6ae: {  	v0 =	vld [tilespmem:s0+$0xA4B8];
	_ =	sdelay $0x4  }
0x6af: {  	[tilespmem:s1+$0xA4B8] =	vst v0  }
0x6b0: {  	v0 =	vld [tilespmem:s0+$0xA4C8];
	_ =	sdelay $0x4  }
0x6b1: {  	[tilespmem:s1+$0xA4C8] =	vst v0  }
0x6b2: {  	v0 =	vld [tilespmem:s0+$0xA4D8];
	_ =	sdelay $0x4  }
0x6b3: {  	[tilespmem:s1+$0xA4D8] =	vst v0  }
0x6b4: {  	v0 =	vld [tilespmem:s0+$0xA4E8];
	_ =	sdelay $0x4  }
0x6b5: {  	[tilespmem:s1+$0xA4E8] =	vst v0  }
0x6b6: {  	v0 =	vld [tilespmem:s0+$0xA4F8];
	_ =	sdelay $0x4  }
0x6b7: {  	s3 =	sadd.s32 $0x1, s3;
	[tilespmem:s1+$0xA4F8] =	vst v0  }
.LBB2_37:
0x6b8: {  	s12 =	sadd.s32 $0x1, s12  }
0x6b9: {  	p1 =	sne.s32 s12, $0x20  }
.Ltmp25:
0x6ba: {  	_ = 	snop;
	(pc) =	sbr.rel @!p1 .LBB2_38-.Ltmp25, $1  }
0x6bb: {  	_ =	sdelay $0x3  }
.LBB2_30:
0x6bc: {  	v0 =	vld.msk [tilespmem:s12+$0xA458], $0x1;
	_ =	sdelay $0x4  }
0x6bd: {  	(v2sf) =	vpush v0, $0x0;
	_ =	sdelay $0xe  }
0x6be: {  	s0 =	spop (v2sf)  }
0x6bf: {  	p1 =	seq.s32 s0, $0xFFFFFFFF  }
.Ltmp26:
0x6c0: {  	_ = 	snop;
	(pc) =	sbr.rel @p1 .LBB2_37-.Ltmp26, $1  }
0x6c1: {  	_ =	sdelay $0x3  }
0x6c2: {  	p1 =	slt.s32 s3, $0x1  }
.Ltmp27:
0x6c3: {  	_ = 	snop;
	(pc) =	sbr.rel @p1 .LBB2_36-.Ltmp27, $1  }
0x6c4: {  	_ =	sdelay $0x3  }
0x6c5: {  	s1 =	simm.s32 $0xA458;
	p1 =	por $0x0, $0x0  }
0x6c6: {  	v1 =	vld.msk @!p1 [tilespmem:s1+$0x0], $0x1;
	_ =	sdelay $0x4  }
0x6c7: {  	(v2sf) =	vpush @!p1 v1, $0x0;
	_ =	sdelay $0xd  }
0x6c8: {  	p3 =	sne.s32 s3, $0x1  }
.Ltmp28:
0x6c9: {  	s2 =	spop @!p1 (v2sf);
	(pc) =	sbr.rel @!p3 .LBB2_34-.Ltmp28, $4  }
0x6ca: {  	p2 =	seq.s32 @!p1 s0, s2  }
0x6cb: {  	s2 =	simm.s32 $0x0;
	p2 =	por !p2, p1  }
0x6cc: {  	s6 =	simm.s32 $0xFFFFFFFF;
	s2 =	simm.s32 @p2 $0xFFFFFFFF  }
0x6cd: {  	s13 =	simm.s32 $0x1;
	s2 =	smov.u32 @p1 s6  }
.LBB2_33:
0x6ce: {  	s6 =	smov.u32 s2;
	p1 =	sne.s32 s2, $0xFFFFFFFF  }
0x6cf: {  	s1 =	sadd.s32 $0x1, s1;
	s2 =	smov.u32 s13;
	s13 =	sadd.s32 $0x1, s13  }
0x6d0: {  	p2 =	sne.s32 s3, s13;
	v1 =	vld.msk @!p1 [tilespmem:s1+$0x0], $0x1;
	_ =	sdelay $0x4  }
0x6d1: {  	(v2sf) =	vpush @!p1 v1, $0x0;
	_ =	sdelay $0xe  }
.Ltmp29:
0x6d2: {  	s7 =	spop @!p1 (v2sf);
	(pc) =	sbr.rel @p2 .LBB2_33-.Ltmp29, $4  }
0x6d3: {  	p3 =	seq.s32 @!p1 s0, s7  }
0x6d4: {  	p3 =	por !p3, p1  }
0x6d5: {  	s2 =	simm.s32 @p3 $0xFFFFFFFF  }
0x6d6: {  	s2 =	smov.u32 @p1 s6  }
.LBB2_34:
0x6d7: {  	p1 =	seq.s32 s2, $0xFFFFFFFF  }
.Ltmp30:
0x6d8: {  	_ = 	snop;
	(pc) =	sbr.rel @p1 .LBB2_36-.Ltmp30, $1  }
0x6d9: {  	_ =	sdelay $0x3  }
0x6da: {  	s0 =	smul.u32 $0x240, s12;
	_ =	sdelay $0x1  }
0x6db: {  	s0 =	sshra.s32 s0, $0x2  }
0x6dc: {  	v0 =	vld [tilespmem:s0+$0xA478];
	_ =	sdelay $0x1  }
0x6dd: {  	s1 =	smul.u32 $0x240, s2;
	_ =	sdelay $0x1  }
0x6de: {  	s1 =	sshra.s32 s1, $0x2  }
0x6df: {  	[tilespmem:s1+$0xA478] =	vst.add.f32.msk $0xffff, v0  }
0x6e0: {  	v0 =	vld [tilespmem:s0+$0xA488];
	_ =	sdelay $0x4  }
0x6e1: {  	[tilespmem:s1+$0xA488] =	vst.add.f32.msk $0xffff, v0  }
0x6e2: {  	v0 =	vld [tilespmem:s0+$0xA498];
	_ =	sdelay $0x4  }
0x6e3: {  	[tilespmem:s1+$0xA498] =	vst.add.f32.msk $0xffff, v0  }
0x6e4: {  	v0 =	vld [tilespmem:s0+$0xA4A8];
	_ =	sdelay $0x4  }
0x6e5: {  	[tilespmem:s1+$0xA4A8] =	vst.add.f32.msk $0xffff, v0  }
0x6e6: {  	v0 =	vld [tilespmem:s0+$0xA4B8];
	_ =	sdelay $0x4  }
0x6e7: {  	[tilespmem:s1+$0xA4B8] =	vst.add.f32.msk $0xffff, v0  }
0x6e8: {  	v0 =	vld [tilespmem:s0+$0xA4C8];
	_ =	sdelay $0x4  }
0x6e9: {  	[tilespmem:s1+$0xA4C8] =	vst.add.f32.msk $0xffff, v0  }
0x6ea: {  	v0 =	vld [tilespmem:s0+$0xA4D8];
	_ =	sdelay $0x4  }
0x6eb: {  	[tilespmem:s1+$0xA4D8] =	vst.add.f32.msk $0xffff, v0  }
0x6ec: {  	v0 =	vld [tilespmem:s0+$0xA4E8];
	_ =	sdelay $0x4  }
0x6ed: {  	[tilespmem:s1+$0xA4E8] =	vst.add.f32.msk $0xffff, v0  }
0x6ee: {  	v0 =	vld [tilespmem:s0+$0xA4F8]  }
.Ltmp31:
0x6ef: {  	_ = 	snop;
	(pc) =	sbr.rel .LBB2_37-.Ltmp31, $2  }
0x6f0: {  	_ =	sdelay $0x2  }
0x6f1: {  	[tilespmem:s1+$0xA4F8] =	vst.add.f32.msk $0xffff, v0  }
.LBB2_38:
0x6f2: {  	s0 =	simm.s32 $0x6;
	p1 =	seq.s32 s3, $0x0  }
0x6f3: {  	[sflag:s0] =	ssyncpa.u1 $0x1;
	v0 =	vimm.s32 @p1 $0xFFFFFFFF  }
0x6f4: {  	s0 =	sadd.s32 $0xFFFFFFFF, s3;
	[tilespmem:$0xB678] =	vst @p1 v0  }
0x6f5: {  	v0 =	vld.msk @!p1 [tilespmem:s0+$0xA458], $0x1;
	_ =	sdelay $0x1  }
0x6f6: {  	v1 =	vld.msk @!p1 [tilespmem:$0xA458], $0x1;
	_ =	sdelay $0x2  }
0x6f7: {  	p2 =	seq.s32 @!p1 s0, $0x0;
	v0 =	vbroadcast @!p1 v0, $0x0  }
0x6f8: {  	vm0 =	vmmov @!p1 $0x1;
	p3 =	por !p2, p1  }
0x6f9: {  	p2 =	sne.s32 @!p1 s8, s4;
	v1 =	vnsel @!p1 vm0, $0xFFFFFFFF, v1;
	vm0 =	vcmask @!p1 $0x308;
	v0 =	vpsel !p3, $0xFFFFFFFF, v0  }
0x6fa: {  	p3 =	por !p2, p1;
	v0 =	vsel @!p1 vm0, v1, v0  }
0x6fb: {  	s1 =	simm.s32 @!p1 $0xA478;
	s2 =	simm.s32 @!p1 $0x0;
	s4 =	smul.u32 @!p3 $0x240, s0;
	[tilespmem:$0xB678] =	vst @!p1 v0  }
0x6fc: {  	[spmem:s2] =	stream.linear.scatter @!p1 [tilespmem:s1], [sflag:$0x1], $0x90, $0x38;
	[tilespmem:$0x1D958] =	vst v63  }
0x6fd: {  	s1 =	sshra.s32 @!p3 s4, $0x2  }
0x6fe: {  	s2 =	simm.s32 @!p3 $0x90;
	s1 =	sadd.s32 @!p3 $0xA478, s1  }
0x6ff: {  	[spmem:s2] =	stream.linear.scatter @!p3 [tilespmem:s1], [sflag:$0x1], $0x90, $0x38;
	[tilespmem:$0x1D958] =	vst v63  }
0x700: {  	s1 =	simm.s32 @!p3 $0x1  }
0x701: {  	_ =	swait.ge @!p3 [sflag:s1], $0x120  }
0x702: {  	p1 =	por p2, p1;
	[sflag:s1] =	ssyncset.done @!p3 $0x0  }
0x703: {  	[sflag:s1] =	ssyncadd.s32 @!p3 $0xFFFFFEE0;
	s1 =	simm.s32 @!p1 $0x1  }
0x704: {  	_ =	swait.ge @!p1 [sflag:s1], $0x90  }
0x705: {  	s29 =	simm.s32 $0xB678;
	[sflag:s1] =	ssyncset.done @!p1 $0x0  }
0x706: {  	s30 =	simm.s32 $0x1200;
	s31 =	simm.s32 $0x1;
	[sflag:s1] =	ssyncadd.s32 @!p1 $0xFFFFFF70  }
0x707: {  	[spmem:s30] =	stream.linear.scatter [tilespmem:s29], [sflag:$0x1], $0x10, $0x38;
	[tilespmem:$0x1D958] =	vst v63  }
0x708: {  	_ =	swait.ge [sflag:s31], $0x10  }
0x709: {  	[sflag:s31] =	ssyncset.done $0x0  }
0x70a: {  	p1 =	seq.s32 s15, $0x0;
	s9 =	rddreg [dreg:$0x1];
	[sflag:s31] =	ssyncadd.s32 $0xFFFFFFF0  }
0x70b: {  	s2 =	sshll.u32 @p1 s9, $0xE;
	s8 =	rddreg [dreg:$0x2]  }
0x70c: {  	s1 =	sadd.s32 @p1 $0x15C3C, s2;
	s2 =	sshll.u32 @p1 s8, $0x11  }
0x70d: {  	_ =	sfence.stream.spmem;
	s1 =	sor.u32 @p1 s2, s1  }
0x70e: {  	[sflag:s1] =	ssyncadd.remote.s32 @p1 $0x1;
	s1 =	simm.s32 @p1 $0x4  }
0x70f: {  	s4 =	simm.s32 @!p1 $0x3C;
	s2 =	sand.u32 $0xFFFFFFFE, s9;
	_ =	swait.ge @p1 [sflag:s1], $0x26  }
0x710: {  	s6 =	simm.s32 @!p1 $0x0;
	s2 =	sadd.s32 @!p1 $0x4, s2;
	[sflag:s1] =	ssyncset.done @p1 $0x0  }
0x711: {  	s7 =	simm.s32 @!p1 $0x120;
	[sflag:s1] =	ssyncadd.s32 @p1 $0xFFFFFFDA;
	s1 =	sshll.u32 @!p1 s2, $0x1A  }
0x712: {  	s2 =	sshll.u32 @!p1 s2, $0xD;
	s1 =	sor.u32 @!p1 s1, s8;
	_ =	swait.eq @!p1 [sflag:s4], $0x1  }
0x713: {  	s2 =	sor.u32 @!p1 $0x1C04, s2;
	s4 =	simm.s32 @!p1 $0x1C03;
	s1 =	sor.u32 @!p1 $0x80004000, s1  }
0x714: {  	[spmem:s7], [sflag:s2] =	dma.general @!p1 [spmem:s6], [sflag:s4], length:$0x24, [dreg:$0x0], stride_count:$0x0, ici_dest:s1, dma_misc:DstOpCode:WRITE  }
0x715: {  	p2 =	slt.s32 s0, $0x2;
	s6 =	simm.s32 @!p1 $0x240;
	s7 =	simm.s32 @!p1 $0x242  }
0x716: {  	[spmem:s7], [sflag:s2] =	dma.general @!p1 [spmem:s6], [sflag:s4], length:$0x2, [dreg:$0x0], stride_count:$0x0, ici_dest:s1, dma_misc:DstOpCode:WRITE  }
.Ltmp32:
0x717: {  	s1 =	simm.s32 @!p1 $0x3;
	(pc) =	sbr.rel @p2 .LBB2_42-.Ltmp32, $4  }
0x718: {  	s2 =	sshll.u32 @!p1 s9, $0xE;
	_ =	swait.ge @!p1 [sflag:s1], $0x26  }
0x719: {  	s4 =	sshll.u32 @!p1 s8, $0x11;
	s2 =	sadd.s32 @!p1 $0x11C3C, s2;
	[sflag:s1] =	ssyncset.done @!p1 $0x0  }
0x71a: {  	[sflag:s1] =	ssyncadd.s32 @!p1 $0xFFFFFFDA;
	s1 =	sor.u32 @!p1 s4, s2  }
0x71b: {  	s0 =	simm.s32 $0x0;
	[sflag:s1] =	ssyncadd.remote.s32 @!p1 $0xFFFFFFFF  }
0x71c: {  	s0 =	simm.s32 $0xA459  }
0x71d: {  	v0 =	vld.msk [tilespmem:s0+$0x0], $0x1;
	_ =	sdelay $0x4  }
0x71e: {  	(v2sf) =	vpush v0, $0x0;
	_ =	sdelay $0xd  }
0x71f: {  	s31 =	sadd.s32 $0xFFFFFFFE, s3  }
0x720: {  	s3 =	simm.s32 $0x0;
	s0 =	sadd.s32 $0xFFFFFFFF, s31;
	s2 =	spop (v2sf)  }
0x721: {  	s6 =	simm.s32 $0xA508;
	p1 =	sne.s32 s0, $0x0;
	p2 =	sgt.u32 s2, $0x4E17E  }
.Ltmp33:
0x722: {  	s1 =	simm.s32 $0xA598;
	s4 =	sand.u32 @!p2 $0x7FFF8, s2;
	(pc) =	sbr.rel @!p1 .LBB2_41-.Ltmp33, $4  }
0x723: {  	s7 =	sadd.s32 @!p2 $0x80, s2;
	s3 =	simm.s32 @!p2 $0x240;
	s8 =	sadd.s32 @!p2 s5, s4  }
0x724: {  	s4 =	sand.u32 @!p2 $0x7, s2;
	s2 =	simm.s32 $0xA45A;
	s7 =	sand.u32 @!p2 $0xFFFF8, s7  }
0x725: {  	[hbm4b:s8+s4] =	stream.linear.scatter @!p2 [tilespmem:s6], [sflag:$0x5], $0x80, $0x38;
	[tilespmem:$0x1D958] =	vst v63  }
0x726: {  	s3 =	sadd.s32 $0x0, s3;
	s6 =	simm.s32 @!p2 $0xA588;
	s7 =	sadd.s32 @!p2 s5, s7  }
.LBB2_40:
0x727: {  	[hbm4b:s7+s4] =	stream.linear.scatter @!p2 [tilespmem:s6], [sflag:$0x5], $0x10, $0x38;
	[tilespmem:$0x1D958] =	vst v63  }
0x728: {  	s0 =	sadd.s32 $0xFFFFFFFF, s0;
	s6 =	smov.u32 s1;
	v0 =	vld.msk [tilespmem:s2+$0x0], $0x1  }
0x729: {  	p1 =	sne.s32 s0, $0x0;
	_ =	sdelay $0x3  }
0x72a: {  	(v2sf) =	vpush v0, $0x0;
	_ =	sdelay $0xe  }
0x72b: {  	s1 =	sadd.s32 $0x90, s1;
	s8 =	simm.s32 $0x0;
	s4 =	spop (v2sf)  }
.Ltmp34:
0x72c: {  	s2 =	sadd.s32 $0x1, s2;
	p2 =	sgt.u32 s4, $0x4E17E;
	(pc) =	sbr.rel @p1 .LBB2_40-.Ltmp34, $4  }
0x72d: {  	s8 =	simm.s32 @!p2 $0x240;
	s7 =	sand.u32 @!p2 $0x7FFF8, s4;
	s9 =	sadd.s32 @!p2 $0x80, s4  }
0x72e: {  	s4 =	sand.u32 @!p2 $0x7, s4;
	s7 =	sadd.s32 @!p2 s5, s7;
	s9 =	sand.u32 @!p2 $0xFFFF8, s9  }
0x72f: {  	[hbm4b:s7+s4] =	stream.linear.scatter @!p2 [tilespmem:s6], [sflag:$0x5], $0x80, $0x38;
	[tilespmem:$0x1D958] =	vst v63  }
0x730: {  	s3 =	sadd.s32 s3, s8;
	s6 =	sadd.s32 @!p2 $0x80, s6;
	s7 =	sadd.s32 @!p2 s5, s9  }
.LBB2_41:
0x731: {  	[hbm4b:s7+s4] =	stream.linear.scatter @!p2 [tilespmem:s6], [sflag:$0x5], $0x10, $0x38;
	[tilespmem:$0x1D958] =	vst v63  }
0x732: {  	s0 =	sshrl.u32 s3, $0x2  }
.LBB2_42:
0x733: {  	s1 =	simm.s32 $0x5  }
0x734: {  	_ =	swait.ge [sflag:s1], s0  }
0x735: {  	s31 =	ssub.s32 $0x0, s0;
	[sflag:s1] =	ssyncset.done $0x0  }
0x736: {  	[sflag:s1] =	ssyncadd.s32 s31  }
0x737: {  	[sflag:s1] =	ssyncpa.u1 $0x1  }
.LBB2_43:
0x738: {  	s0 =	sor.u32 s15, s14  }
0x739: {  	p1 =	sne.s32 s0, $0x0  }
.Ltmp35:
0x73a: {  	_ = 	snop;
	(pc) =	sbr.rel @p1 .LBB2_58-.Ltmp35, $3  }
0x73b: {  	_ =	sdelay $0x1  }
0x73c: {  	[bflag:$0x0] =	sbarrier.arrive $0xFFFF  }
0x73d: {  	_ =	sfence  }
0x73e: {  	s0 =	simm.s32 $0x7  }
0x73f: {  	s1 =	simm.s32 $0x1200;
	s2 =	simm.s32 $0xA458;
	[sflag:s0] =	ssyncpa.u1 $0x0  }
0x740: {  	[tilespmem:s2], [sflag:$0x7] =	stream.linear.gather [spmem:s1], $0x20, $0x38;
	[tilespmem:$0x1D958] =	vst v63  }
0x741: {  	s30 =	simm.s32 $0xA478;
	s1 =	simm.s32 $0x0  }
0x742: {  	[tilespmem:s30], [sflag:$0x7] =	stream.linear.gather [spmem:s1], $0x1200, $0x38;
	[tilespmem:$0x1D958] =	vst v63  }
.Ltmp36:
0x743: {  	_ = 	snop;
	(pc) =	sbr.rel .LBB2_45-.Ltmp36, $4  }
0x744: {  	_ =	swait.ge [sflag:s0], $0x1220  }
0x745: {  	[sflag:s0] =	ssyncset.done $0x0  }
0x746: {  	s31 =	simm.s32 $0x8;
	[sflag:s0] =	ssyncadd.s32 $0xFFFFEDE0  }
0x747: {  	s2 =	simm.s32 $0x0;
	[sflag:s31] =	ssyncpa.u1 $0x0  }
.LBB2_51:
0x748: {  	p1 =	slt.u32 s0, $0x4E17F  }
0x749: {  	s3 =	sand.u32 @p1 $0x7FFF8, s0;
	s4 =	sand.u32 @p1 $0x7, s0;
	s0 =	sadd.s32 @p1 $0x80, s0  }
0x74a: {  	s6 =	simm.s32 @p1 $0xA3B8;
	s3 =	sadd.s32 @p1 s5, s3;
	s0 =	sand.u32 @p1 $0xFFFF8, s0  }
0x74b: {  	[tilespmem:s6], [sflag:$0x8] =	stream.linear.gather @p1 [hbm4b:s3+s4], $0x80, $0x38;
	[tilespmem:$0x1D958] =	vst v63  }
0x74c: {  	s0 =	sadd.s32 @p1 s5, s0;
	s3 =	simm.s32 @p1 $0xA438  }
0x74d: {  	[tilespmem:s3], [sflag:$0x8] =	stream.linear.gather @p1 [hbm4b:s0+s4], $0x10, $0x38;
	[tilespmem:$0x1D958] =	vst v63  }
0x74e: {  	s0 =	simm.s32 @p1 $0x8  }
0x74f: {  	_ =	swait.ge @p1 [sflag:s0], $0x90  }
0x750: {  	[sflag:s0] =	ssyncset.done @p1 $0x0  }
0x751: {  	[sflag:s0] =	ssyncadd.s32 @p1 $0xFFFFFF70  }
0x752: {  	v1 =	vld @p1 [tilespmem:$0xA3B8];
	_ =	sdelay $0x1  }
0x753: {  	s0 =	smul.u32 @p1 $0x240, s2;
	_ =	sdelay $0x1  }
0x754: {  	s3 =	sshra.s32 @p1 s0, $0x2  }
0x755: {  	[tilespmem:s3+$0xA478] =	vst.add.f32.msk @p1 $0xffff, v1  }
0x756: {  	v1 =	vld @p1 [tilespmem:$0xA3C8];
	_ =	sdelay $0x4  }
0x757: {  	[tilespmem:s3+$0xA488] =	vst.add.f32.msk @p1 $0xffff, v1  }
0x758: {  	v1 =	vld @p1 [tilespmem:$0xA3D8];
	_ =	sdelay $0x4  }
0x759: {  	[tilespmem:s3+$0xA498] =	vst.add.f32.msk @p1 $0xffff, v1  }
0x75a: {  	v1 =	vld @p1 [tilespmem:$0xA3E8];
	_ =	sdelay $0x4  }
0x75b: {  	[tilespmem:s3+$0xA4A8] =	vst.add.f32.msk @p1 $0xffff, v1  }
0x75c: {  	v1 =	vld @p1 [tilespmem:$0xA3F8];
	_ =	sdelay $0x4  }
0x75d: {  	[tilespmem:s3+$0xA4B8] =	vst.add.f32.msk @p1 $0xffff, v1  }
0x75e: {  	v1 =	vld @p1 [tilespmem:$0xA408];
	_ =	sdelay $0x4  }
0x75f: {  	[tilespmem:s3+$0xA4C8] =	vst.add.f32.msk @p1 $0xffff, v1  }
0x760: {  	v1 =	vld @p1 [tilespmem:$0xA418];
	_ =	sdelay $0x4  }
0x761: {  	[tilespmem:s3+$0xA4D8] =	vst.add.f32.msk @p1 $0xffff, v1  }
0x762: {  	v1 =	vld @p1 [tilespmem:$0xA428];
	_ =	sdelay $0x4  }
0x763: {  	[tilespmem:s3+$0xA4E8] =	vst.add.f32.msk @p1 $0xffff, v1  }
0x764: {  	v1 =	vld @p1 [tilespmem:$0xA438];
	_ =	sdelay $0x2  }
0x765: {  	s4 =	smul.u32 @!p1 $0x240, s2;
	_ =	sdelay $0x1  }
0x766: {  	s4 =	smov.u32 @p1 s0;
	[tilespmem:s3+$0xA4F8] =	vst.add.f32.msk @p1 $0xffff, v1  }
0x767: {  	s0 =	sshra.s32 s4, $0x2;
	[tilespmem:s1+$0xA458] =	vst.msk $0x1, v0  }
0x768: {  	v0 =	vld [tilespmem:s0+$0xA478];
	_ =	sdelay $0x1  }
0x769: {  	s31 =	smul.u32 $0x240, s1;
	_ =	sdelay $0x1  }
0x76a: {  	s3 =	sshra.s32 s31, $0x2  }
0x76b: {  	[tilespmem:s3+$0xA478] =	vst v0  }
0x76c: {  	v0 =	vld [tilespmem:s0+$0xA488];
	_ =	sdelay $0x4  }
0x76d: {  	[tilespmem:s3+$0xA488] =	vst v0  }
0x76e: {  	v0 =	vld [tilespmem:s0+$0xA498];
	_ =	sdelay $0x4  }
0x76f: {  	[tilespmem:s3+$0xA498] =	vst v0  }
0x770: {  	v0 =	vld [tilespmem:s0+$0xA4A8];
	_ =	sdelay $0x4  }
0x771: {  	[tilespmem:s3+$0xA4A8] =	vst v0  }
0x772: {  	v0 =	vld [tilespmem:s0+$0xA4B8];
	_ =	sdelay $0x4  }
0x773: {  	[tilespmem:s3+$0xA4B8] =	vst v0  }
0x774: {  	v0 =	vld [tilespmem:s0+$0xA4C8];
	_ =	sdelay $0x4  }
0x775: {  	[tilespmem:s3+$0xA4C8] =	vst v0  }
0x776: {  	v0 =	vld [tilespmem:s0+$0xA4D8];
	_ =	sdelay $0x4  }
0x777: {  	[tilespmem:s3+$0xA4D8] =	vst v0  }
0x778: {  	v0 =	vld [tilespmem:s0+$0xA4E8];
	_ =	sdelay $0x4  }
0x779: {  	[tilespmem:s3+$0xA4E8] =	vst v0  }
0x77a: {  	v0 =	vld [tilespmem:s0+$0xA4F8];
	_ =	sdelay $0x4  }
0x77b: {  	s1 =	sadd.s32 $0x1, s1;
	[tilespmem:s3+$0xA4F8] =	vst v0  }
.LBB2_52:
0x77c: {  	s2 =	sadd.s32 $0x1, s2  }
0x77d: {  	p1 =	sne.s32 s2, $0x20  }
.Ltmp37:
0x77e: {  	_ = 	snop;
	(pc) =	sbr.rel @!p1 .LBB2_53-.Ltmp37, $1  }
0x77f: {  	_ =	sdelay $0x3  }
.LBB2_45:
0x780: {  	v0 =	vld.msk [tilespmem:s2+$0xA458], $0x1;
	_ =	sdelay $0x4  }
0x781: {  	(v2sf) =	vpush v0, $0x0;
	_ =	sdelay $0xe  }
0x782: {  	s0 =	spop (v2sf)  }
0x783: {  	p1 =	seq.s32 s0, $0xFFFFFFFF  }
.Ltmp38:
0x784: {  	_ = 	snop;
	(pc) =	sbr.rel @p1 .LBB2_52-.Ltmp38, $1  }
0x785: {  	_ =	sdelay $0x3  }
0x786: {  	p1 =	slt.s32 s1, $0x1  }
.Ltmp39:
0x787: {  	_ = 	snop;
	(pc) =	sbr.rel @p1 .LBB2_51-.Ltmp39, $1  }
0x788: {  	_ =	sdelay $0x3  }
0x789: {  	s3 =	simm.s32 $0xA458;
	p1 =	por $0x0, $0x0  }
0x78a: {  	v1 =	vld.msk @!p1 [tilespmem:s3+$0x0], $0x1;
	_ =	sdelay $0x4  }
0x78b: {  	(v2sf) =	vpush @!p1 v1, $0x0;
	_ =	sdelay $0xd  }
0x78c: {  	p3 =	sne.s32 s1, $0x1  }
.Ltmp40:
0x78d: {  	s4 =	spop @!p1 (v2sf);
	(pc) =	sbr.rel @!p3 .LBB2_49-.Ltmp40, $4  }
0x78e: {  	p2 =	seq.s32 @!p1 s0, s4  }
0x78f: {  	s4 =	simm.s32 $0x0;
	p2 =	por !p2, p1  }
0x790: {  	s7 =	simm.s32 $0xFFFFFFFF;
	s4 =	simm.s32 @p2 $0xFFFFFFFF  }
0x791: {  	s6 =	simm.s32 $0x1;
	s4 =	smov.u32 @p1 s7  }
.LBB2_48:
0x792: {  	s7 =	smov.u32 s4;
	p1 =	sne.s32 s4, $0xFFFFFFFF  }
0x793: {  	s3 =	sadd.s32 $0x1, s3;
	s4 =	smov.u32 s6;
	s6 =	sadd.s32 $0x1, s6  }
0x794: {  	p2 =	sne.s32 s1, s6;
	v1 =	vld.msk @!p1 [tilespmem:s3+$0x0], $0x1;
	_ =	sdelay $0x4  }
0x795: {  	(v2sf) =	vpush @!p1 v1, $0x0;
	_ =	sdelay $0xe  }
.Ltmp41:
0x796: {  	s8 =	spop @!p1 (v2sf);
	(pc) =	sbr.rel @p2 .LBB2_48-.Ltmp41, $4  }
0x797: {  	p3 =	seq.s32 @!p1 s0, s8  }
0x798: {  	p3 =	por !p3, p1  }
0x799: {  	s4 =	simm.s32 @p3 $0xFFFFFFFF  }
0x79a: {  	s4 =	smov.u32 @p1 s7  }
.LBB2_49:
0x79b: {  	p1 =	seq.s32 s4, $0xFFFFFFFF  }
.Ltmp42:
0x79c: {  	_ = 	snop;
	(pc) =	sbr.rel @p1 .LBB2_51-.Ltmp42, $1  }
0x79d: {  	_ =	sdelay $0x3  }
0x79e: {  	s0 =	smul.u32 $0x240, s2;
	_ =	sdelay $0x1  }
0x79f: {  	s0 =	sshra.s32 s0, $0x2  }
0x7a0: {  	v0 =	vld [tilespmem:s0+$0xA478];
	_ =	sdelay $0x1  }
0x7a1: {  	s3 =	smul.u32 $0x240, s4;
	_ =	sdelay $0x1  }
0x7a2: {  	s3 =	sshra.s32 s3, $0x2  }
0x7a3: {  	[tilespmem:s3+$0xA478] =	vst.add.f32.msk $0xffff, v0  }
0x7a4: {  	v0 =	vld [tilespmem:s0+$0xA488];
	_ =	sdelay $0x4  }
0x7a5: {  	[tilespmem:s3+$0xA488] =	vst.add.f32.msk $0xffff, v0  }
0x7a6: {  	v0 =	vld [tilespmem:s0+$0xA498];
	_ =	sdelay $0x4  }
0x7a7: {  	[tilespmem:s3+$0xA498] =	vst.add.f32.msk $0xffff, v0  }
0x7a8: {  	v0 =	vld [tilespmem:s0+$0xA4A8];
	_ =	sdelay $0x4  }
0x7a9: {  	[tilespmem:s3+$0xA4A8] =	vst.add.f32.msk $0xffff, v0  }
0x7aa: {  	v0 =	vld [tilespmem:s0+$0xA4B8];
	_ =	sdelay $0x4  }
0x7ab: {  	[tilespmem:s3+$0xA4B8] =	vst.add.f32.msk $0xffff, v0  }
0x7ac: {  	v0 =	vld [tilespmem:s0+$0xA4C8];
	_ =	sdelay $0x4  }
0x7ad: {  	[tilespmem:s3+$0xA4C8] =	vst.add.f32.msk $0xffff, v0  }
0x7ae: {  	v0 =	vld [tilespmem:s0+$0xA4D8];
	_ =	sdelay $0x4  }
0x7af: {  	[tilespmem:s3+$0xA4D8] =	vst.add.f32.msk $0xffff, v0  }
0x7b0: {  	v0 =	vld [tilespmem:s0+$0xA4E8];
	_ =	sdelay $0x4  }
0x7b1: {  	[tilespmem:s3+$0xA4E8] =	vst.add.f32.msk $0xffff, v0  }
0x7b2: {  	v0 =	vld [tilespmem:s0+$0xA4F8]  }
.Ltmp43:
0x7b3: {  	_ = 	snop;
	(pc) =	sbr.rel .LBB2_52-.Ltmp43, $2  }
0x7b4: {  	_ =	sdelay $0x2  }
0x7b5: {  	[tilespmem:s3+$0xA4F8] =	vst.add.f32.msk $0xffff, v0  }
.LBB2_53:
0x7b6: {  	p1 =	slt.s32 s1, $0x1  }
.Ltmp44:
0x7b7: {  	_ = 	snop;
	(pc) =	sbr.rel @p1 .LBB2_57-.Ltmp44, $3  }
0x7b8: {  	_ =	sdelay $0x1  }
0x7b9: {  	s0 =	simm.s32 $0x8  }
0x7ba: {  	s3 =	simm.s32 $0x0;
	[sflag:s0] =	ssyncpa.u1 $0x1  }
0x7bb: {  	s0 =	simm.s32 $0xA458  }
0x7bc: {  	v0 =	vld.msk [tilespmem:s0+$0x0], $0x1;
	_ =	sdelay $0x4  }
0x7bd: {  	(v2sf) =	vpush v0, $0x0;
	_ =	sdelay $0xe  }
0x7be: {  	s0 =	sadd.s32 $0xFFFFFFFF, s1;
	s2 =	spop (v2sf)  }
0x7bf: {  	s6 =	simm.s32 $0xA478;
	p1 =	sne.s32 s0, $0x0;
	p2 =	sgt.u32 s2, $0x4E17E  }
.Ltmp45:
0x7c0: {  	s1 =	simm.s32 $0xA508;
	s4 =	sand.u32 @!p2 $0x7FFF8, s2;
	(pc) =	sbr.rel @!p1 .LBB2_56-.Ltmp45, $4  }
0x7c1: {  	s7 =	sadd.s32 @!p2 $0x80, s2;
	s3 =	simm.s32 @!p2 $0x240;
	s8 =	sadd.s32 @!p2 s5, s4  }
0x7c2: {  	s4 =	sand.u32 @!p2 $0x7, s2;
	s2 =	simm.s32 $0xA459;
	s7 =	sand.u32 @!p2 $0xFFFF8, s7  }
0x7c3: {  	[hbm4b:s8+s4] =	stream.linear.scatter @!p2 [tilespmem:s6], [sflag:$0x7], $0x80, $0x38;
	[tilespmem:$0x1D958] =	vst v63  }
0x7c4: {  	s3 =	sadd.s32 $0x0, s3;
	s6 =	simm.s32 @!p2 $0xA4F8;
	s7 =	sadd.s32 @!p2 s5, s7  }
.LBB2_55:
0x7c5: {  	[hbm4b:s7+s4] =	stream.linear.scatter @!p2 [tilespmem:s6], [sflag:$0x7], $0x10, $0x38;
	[tilespmem:$0x1D958] =	vst v63  }
0x7c6: {  	s0 =	sadd.s32 $0xFFFFFFFF, s0;
	s6 =	smov.u32 s1;
	v0 =	vld.msk [tilespmem:s2+$0x0], $0x1  }
0x7c7: {  	p1 =	sne.s32 s0, $0x0;
	_ =	sdelay $0x3  }
0x7c8: {  	(v2sf) =	vpush v0, $0x0;
	_ =	sdelay $0xe  }
0x7c9: {  	s1 =	sadd.s32 $0x90, s1;
	s8 =	simm.s32 $0x0;
	s4 =	spop (v2sf)  }
.Ltmp46:
0x7ca: {  	s2 =	sadd.s32 $0x1, s2;
	p2 =	sgt.u32 s4, $0x4E17E;
	(pc) =	sbr.rel @p1 .LBB2_55-.Ltmp46, $4  }
0x7cb: {  	s8 =	simm.s32 @!p2 $0x240;
	s7 =	sand.u32 @!p2 $0x7FFF8, s4;
	s9 =	sadd.s32 @!p2 $0x80, s4  }
0x7cc: {  	s4 =	sand.u32 @!p2 $0x7, s4;
	s7 =	sadd.s32 @!p2 s5, s7;
	s9 =	sand.u32 @!p2 $0xFFFF8, s9  }
0x7cd: {  	[hbm4b:s7+s4] =	stream.linear.scatter @!p2 [tilespmem:s6], [sflag:$0x7], $0x80, $0x38;
	[tilespmem:$0x1D958] =	vst v63  }
0x7ce: {  	s3 =	sadd.s32 s3, s8;
	s6 =	sadd.s32 @!p2 $0x80, s6;
	s7 =	sadd.s32 @!p2 s5, s9  }
.LBB2_56:
0x7cf: {  	[hbm4b:s7+s4] =	stream.linear.scatter @!p2 [tilespmem:s6], [sflag:$0x7], $0x10, $0x38;
	[tilespmem:$0x1D958] =	vst v63  }
0x7d0: {  	s3 =	sshrl.u32 s3, $0x2  }
.LBB2_57:
0x7d1: {  	s0 =	simm.s32 $0x7  }
0x7d2: {  	_ =	swait.ge [sflag:s0], s3  }
0x7d3: {  	s1 =	ssub.s32 $0x0, s3;
	[sflag:s0] =	ssyncset.done $0x0  }
0x7d4: {  	[sflag:s0] =	ssyncadd.s32 s1  }
0x7d5: {  	[sflag:s0] =	ssyncpa.u1 $0x1  }
.LBB2_58:
0x7d6: {  	_ =	sfence;
	s0 =	simm.s32 $0x1  }
0x7d7: {  	[sflag:s0] =	ssyncpa.u1 $0x1  }
0x7d8: {  	_ =	strace $0x9000004A  }
0x7d9: {  	[bflag:$0x2] =	sbarrier.arrive $0xFFFF  }
0x7da: {  	s0 =	rddreg [dreg:$0x3]  }
0x7db: {  	s0 =	sadd.s32 @!p0 $0x100000, s0  }
0x7dc: {  	[sflag:s0] =	ssyncadd.tile.s32 @!p0 $0x1;
	_ =	shalt  }
.Lfunc_end2:
_tile_overlayer_lowered:
.L_overlay_start_2:
0x7dd: {  	(tag) =	ssettag $0x2  }
0x7de: {  	s0 =	rddreg [dreg:$0x0];
	s2 =	stileid.u32  }
0x7df: {  	s1 =	rddreg [dreg:$0x1];
	p0 =	sne.s32 s2, $0x0  }
0x7e0: {  	s3 =	rddreg [dreg:$0x2];
	[bflag:$0x3] =	sbarrier.arrive $0xFFFF;
	s2 =	simm.s32 @!p0 $0x1C01  }
0x7e1: {  	[timem:s3], [sflag:s2] =	dma.local @!p0 [hbm:s0], s1  }
0x7e2: {  	s0 =	simm.s32 @!p0 $0x1  }
0x7e3: {  	_ =	swait.ge @!p0 [sflag:s0], s1  }
0x7e4: {  	s1 =	ssub.s32 @!p0 $0x0, s1;
	[sflag:s0] =	ssyncset.done @!p0 $0x0  }
0x7e5: {  	[sflag:s0] =	ssyncadd.s32 @!p0 s1  }
0x7e6: {  	[bflag:$0x3] =	sbarrier.arrive $0xFFFF  }
0x7e7: {  	_ =	shalt  }

</sc_bundles>
